<compile_context>
chip_gen: v7x
topology: tpu7x:2x2x1
jax: 0.10.2.dev20260603
libtpu: 0.0.44.dev20260713+nightly
codegen_flags: <defaults>
</compile_context>

<pallas_src>
import functools

import jax
import jax.numpy as jnp
from jax import lax
from jax.experimental import pallas as pl
from jax.experimental.pallas import tpu as pltpu
from jax.experimental.pallas import tpu_sc as plsc

_BATCH = 16384
_HIST = 50
_DIM = 32
_NCLASS = 1000

_NC = 2
_NS = 16
_NW = _NC * _NS
_LANES = 16
_BAGS_PER_W = _BATCH // _NW
_CHUNK_BAGS = 2
_IDX_PER_CHUNK = _CHUNK_BAGS * _HIST
_NCHUNK = _BAGS_PER_W // _CHUNK_BAGS

_sc_mesh = plsc.VectorSubcoreMesh(core_axis_name="c", subcore_axis_name="s")


def _tree_add(vals):
    while len(vals) > 1:
        nxt = [a + b for a, b in zip(vals[0::2], vals[1::2])]
        if len(vals) % 2:
            nxt.append(vals[-1])
        vals = nxt
    return vals[0]


@functools.partial(
    pl.kernel,
    out_type=jax.ShapeDtypeStruct((_BATCH, _DIM), jnp.float32),
    mesh=_sc_mesh,
    scratch_types=[
        pltpu.VMEM((_NCHUNK, _IDX_PER_CHUNK), jnp.int32),
        pltpu.VMEM((_IDX_PER_CHUNK, _DIM), jnp.float32),
        pltpu.VMEM((_IDX_PER_CHUNK, _DIM), jnp.float32),
        pltpu.VMEM((_IDX_PER_CHUNK, _DIM), jnp.float32),
        pltpu.VMEM((_IDX_PER_CHUNK, _DIM), jnp.float32),
        pltpu.VMEM((_BAGS_PER_W, _DIM), jnp.float32),
        pltpu.SemaphoreType.DMA,
        pltpu.SemaphoreType.DMA,
        pltpu.SemaphoreType.DMA,
        pltpu.SemaphoreType.DMA,
    ],
    compiler_params=pltpu.CompilerParams(use_tc_tiling_on_sc=False),
)
def _bag_sum_sc(
    x_hbm, table_hbm, out_hbm, idx_v, g0, g1, g2, g3, acc_v, s0, s1, s2, s3
):
    wid = lax.axis_index("c") * _NS + lax.axis_index("s")
    bufs = ((g0, s0), (g1, s1), (g2, s2), (g3, s3))
    nbuf = len(bufs)
    pltpu.sync_copy(x_hbm.at[wid], idx_v)
    for b, (g, s) in enumerate(bufs):
        pltpu.async_copy(table_hbm.at[idx_v.at[b]], g, s)

    def reduce_chunk(g, chunk):
        for k in range(_CHUNK_BAGS):
            row = chunk * _CHUNK_BAGS + k
            for h in range(_DIM // _LANES):
                vals = [
                    g[k * _HIST + r, pl.ds(h * _LANES, _LANES)]
                    for r in range(_HIST)
                ]
                acc_v[row, pl.ds(h * _LANES, _LANES)] = _tree_add(vals)

    @pl.loop(0, _NCHUNK, step=nbuf)
    def _(j):
        for b, (g, s) in enumerate(bufs):
            pltpu.make_async_copy(table_hbm.at[idx_v.at[j + b]], g, s).wait()
            reduce_chunk(g, j + b)

            @pl.when(j + b + nbuf < _NCHUNK)
            def _():
                pltpu.async_copy(table_hbm.at[idx_v.at[j + b + nbuf]], g, s)

    pltpu.sync_copy(acc_v, out_hbm.at[pl.ds(wid * _BAGS_PER_W, _BAGS_PER_W)])


_TCW = 1024


_TPW = 4096
_TPB = 4 * _TPW
_TPMAIN = 61
_TPTAIL = 512
_TPROWS = (_TPMAIN + 1) * _TPW


def _tp_body(m0, m1, m2, m3, t0, t1, o_ref):
    pid = pl.program_id(0)

    @pl.when(pid < _TPMAIN)
    def _():
        o_ref[...] = jnp.concatenate(
            [jnp.transpose(r[...]) for r in (m0, m1, m2, m3)], axis=1
        )

    @pl.when(pid == _TPMAIN)
    def _():
        tail = jnp.concatenate(
            [
                jnp.transpose(t0[...]),
                jnp.transpose(t1[...]),
                jnp.zeros((_TPTAIL, 2 * _DIM), jnp.float32),
            ],
            axis=1,
        )
        o_ref[...] = jnp.concatenate(
            [tail, jnp.zeros((_TPW - _TPTAIL, 128), jnp.float32)], axis=0
        )


def _table_rowgroups_tc(tT):
    max_blk = (tT.shape[1] - _TPW) // _TPW
    in_specs = [
        pl.BlockSpec(
            (_DIM, _TPW), lambda i, k=k: (0, jnp.minimum(4 * i + k, max_blk))
        )
        for k in range(4)
    ]
    in_specs += [
        pl.BlockSpec((_DIM, _TPTAIL), lambda i, k=k: (0, 1952 + k))
        for k in range(2)
    ]
    return pl.pallas_call(
        _tp_body,
        grid=(_TPMAIN + 1,),
        in_specs=in_specs,
        out_specs=pl.BlockSpec((_TPW, 128), lambda i: (i, 0)),
        out_shape=jax.ShapeDtypeStruct((_TPROWS, 128), jnp.float32),
    )(tT, tT, tT, tT, tT, tT)


_BT = 512


def _mm_body(w_ref, e_ref, b_ref, o_ref):
    o_ref[...] = (
        lax.dot_general(
            w_ref[...],
            e_ref[...],
            (((1,), (1,)), ((), ())),
            preferred_element_type=jnp.float32,
        )
        + b_ref[...]
    )


def _linear_tc(embed_sum, wt, bcol):
    return pl.pallas_call(
        _mm_body,
        grid=(_BATCH // _BT,),
        in_specs=[
            pl.BlockSpec((_NCLASS, _DIM), lambda i: (0, 0)),
            pl.BlockSpec((_BT, _DIM), lambda i: (i, 0)),
            pl.BlockSpec((_NCLASS, 1), lambda i: (0, 0)),
        ],
        out_specs=pl.BlockSpec((_NCLASS, _BT), lambda i: (0, i)),
        out_shape=jax.ShapeDtypeStruct((_NCLASS, _BATCH), jnp.float32),
    )(wt, embed_sum, bcol)


def kernel(x, table, W, b):
    xi = x.astype(jnp.int32)
    b8 = xi % _TPB
    j_main = (xi - b8) + 4 * (b8 % _TPW) + b8 // _TPW
    t = xi - _TPMAIN * _TPB
    j_tail = _TPMAIN * _TPB + 4 * (t % _TPTAIL) + t // _TPTAIL
    xw = jnp.where(xi < _TPMAIN * _TPB, j_main, j_tail).reshape(
        _NW, _NCHUNK, _IDX_PER_CHUNK
    )
    tpack = _table_rowgroups_tc(jnp.transpose(table))
    tbl = jnp.reshape(tpack, (4 * _TPROWS, _DIM))
    embed_sum = _bag_sum_sc(xw, tbl)
    wt = W.astype(jnp.float32) * (1.0 / _HIST)
    bcol = b.reshape(_NCLASS, 1).astype(jnp.float32)
    out_t = _linear_tc(embed_sum, wt, bcol)
    return jnp.transpose(out_t)

# --- scband reference (transcript-rebuilt; emitter-appended) ---
"""Pipeline reference for scband-model-15796889715396 (READ-ONLY COPY).

The authoritative reference and input builder live on the scoring server;
editing this copy changes nothing except your own understanding.
"""

import jax, jax.numpy as jnp
import numpy as np

DICT_SIZE = 1000000
EMBED_SIZE = 32
NUM_CLASS = 1000
BATCH = 16384
HIST = 50

def setup_inputs(seed: int = 0) -> dict:
    key = jax.random.key(seed)
    k1, k2, k3 = jax.random.split(key, 3)
    x = jax.random.randint(k1, (BATCH, HIST), 0, DICT_SIZE, dtype=jnp.int64 if jax.config.jax_enable_x64 else jnp.int32)
    # embedding table initialized uniform(-0.5, 0.5) like init_weight
    table = jax.random.uniform(k2, (DICT_SIZE, EMBED_SIZE), dtype=jnp.float32, minval=-0.5, maxval=0.5)
    # Linear layer: kaiming-uniform-ish weight, zero bias (per init_weight)
    bound = 1.0 / np.sqrt(EMBED_SIZE)
    W = jax.random.uniform(k3, (NUM_CLASS, EMBED_SIZE), dtype=jnp.float32, minval=-bound, maxval=bound)
    b = jnp.zeros((NUM_CLASS,), dtype=jnp.float32)
    return {"x": x, "table": table, "W": W, "b": b}

def reference(x, table, W, b):
    # nn.EmbeddingBag default mode='mean': gather then mean over bag dim
    embed = jnp.take(table, x, axis=0)          # [B, L, D]
    embed = jnp.mean(embed, axis=1)             # [B, D]
    out = embed @ W.T + b                       # [B, C]
    return out

if __name__ == "__main__":
    import jax
    _d = setup_inputs()
    print(jax.jit(kernel)(*tuple(_d.values())))

</pallas_src>

<mosaic_0001>
#map = affine_map<(d0, d1) -> (0, 0, 0)>
#map1 = affine_map<(d0, d1) -> (0, 0)>
module attributes {stable_mosaic.version = 14 : i64} {
  func.func @_bag_sum_sc(%arg0: i32, %arg1: i32, %arg2: memref<32x256x100xi32, #tpu.memory_space<hbm>>, %arg3: memref<1015808x32xf32, #tpu.memory_space<hbm>>, %arg4: memref<16384x32xf32, #tpu.memory_space<hbm>>, %arg5: memref<256x100xi32, #tpu.memory_space<vmem>>, %arg6: memref<100x32xf32, #tpu.memory_space<vmem>>, %arg7: memref<100x32xf32, #tpu.memory_space<vmem>>, %arg8: memref<100x32xf32, #tpu.memory_space<vmem>>, %arg9: memref<100x32xf32, #tpu.memory_space<vmem>>, %arg10: memref<512x32xf32, #tpu.memory_space<vmem>>, %arg11: memref<!tpu.dma_semaphore, #tpu.memory_space<semaphore_mem>>, %arg12: memref<!tpu.dma_semaphore, #tpu.memory_space<semaphore_mem>>, %arg13: memref<!tpu.dma_semaphore, #tpu.memory_space<semaphore_mem>>, %arg14: memref<!tpu.dma_semaphore, #tpu.memory_space<semaphore_mem>>) attributes {dimension_semantics = [#tpu.dimension_semantics<core_parallel>, #tpu.dimension_semantics<subcore_parallel>], iteration_bounds = array<i64: 2, 16>, scalar_prefetch = 0 : i64, scratch_operands = 10 : i64, tpu.core_type = #tpu.core_type<sc_vector_subcore>, window_params = [{transform_indices = #map}, {transform_indices = #map1}, {transform_indices = #map1}]} {
    %mul3A = arith.constant 16 : i32
    %mul3A_0 = arith.muli %arg0, %mul3A : i32
    %add3A = arith.addi %mul3A_0, %arg1 : i32
    "tpu.region"() ({
      %run_scoped3A = tpu.sem_alloc : memref<!tpu.dma_semaphore, #tpu.memory_space<semaphore_mem>>
      %dma_start3A_34 = arith.constant 0 : i32
      %dma_start3A_35 = arith.constant 0 : i32
      %dma_start3A_36 = tpu.memref_slice %arg2[%add3A, %dma_start3A_34, %dma_start3A_35] : memref<32x256x100xi32, #tpu.memory_space<hbm>> -> memref<1x256x100xi32, #tpu.memory_space<hbm>>
      %dma_start3A_37 = tpu.memref_squeeze %dma_start3A_36 : memref<1x256x100xi32, #tpu.memory_space<hbm>> -> memref<256x100xi32, #tpu.memory_space<hbm>>
      %dma_start3A_38 = arith.constant 0 : i32
      %dma_start3A_39 = arith.constant 0 : i32
      %dma_start3A_40 = tpu.memref_slice %arg2[%add3A, %dma_start3A_38, %dma_start3A_39] : memref<32x256x100xi32, #tpu.memory_space<hbm>> -> memref<1x256x100xi32, #tpu.memory_space<hbm>>
      %dma_start3A_41 = tpu.memref_squeeze %dma_start3A_40 : memref<1x256x100xi32, #tpu.memory_space<hbm>> -> memref<256x100xi32, #tpu.memory_space<hbm>>
      tpu.enqueue_dma source(%dma_start3A_41 : memref<256x100xi32, #tpu.memory_space<hbm>>) target(%arg5 : memref<256x100xi32, #tpu.memory_space<vmem>>) target_semaphore(%run_scoped3A : memref<!tpu.dma_semaphore, #tpu.memory_space<semaphore_mem>>)
      %dma_wait3A = arith.constant 0 : i32
      %dma_wait3A_42 = arith.constant 0 : i32
      %dma_wait3A_43 = tpu.memref_slice %arg2[%add3A, %dma_wait3A, %dma_wait3A_42] : memref<32x256x100xi32, #tpu.memory_space<hbm>> -> memref<1x256x100xi32, #tpu.memory_space<hbm>>
      %dma_wait3A_44 = tpu.memref_squeeze %dma_wait3A_43 : memref<1x256x100xi32, #tpu.memory_space<hbm>> -> memref<256x100xi32, #tpu.memory_space<hbm>>
      %dma_wait3A_45 = arith.constant 0 : i32
      %dma_wait3A_46 = arith.constant 0 : i32
      %dma_wait3A_47 = tpu.memref_slice %arg2[%add3A, %dma_wait3A_45, %dma_wait3A_46] : memref<32x256x100xi32, #tpu.memory_space<hbm>> -> memref<1x256x100xi32, #tpu.memory_space<hbm>>
      %dma_wait3A_48 = tpu.memref_squeeze %dma_wait3A_47 : memref<1x256x100xi32, #tpu.memory_space<hbm>> -> memref<256x100xi32, #tpu.memory_space<hbm>>
      tpu.wait_dma2 semaphore(%run_scoped3A : memref<!tpu.dma_semaphore, #tpu.memory_space<semaphore_mem>>) src(%dma_wait3A_48 : memref<256x100xi32, #tpu.memory_space<hbm>>) dst(%arg5 : memref<256x100xi32, #tpu.memory_space<vmem>>)
      tpu.yield
    }) : () -> ()
    %dma_start3A = arith.constant 0 : i32
    %dma_start3A_1 = arith.constant 0 : i32
    %dma_start3A_2 = tpu.memref_slice %arg5[%dma_start3A, %dma_start3A_1] : memref<256x100xi32, #tpu.memory_space<vmem>> -> memref<1x100xi32, #tpu.memory_space<vmem>>
    %dma_start3A_3 = tpu.memref_squeeze %dma_start3A_2 : memref<1x100xi32, #tpu.memory_space<vmem>> -> memref<100xi32, #tpu.memory_space<vmem>>
    %dma_start3A_4 = arith.constant 0 : i32
    %dma_start3A_5 = arith.constant 0 : i32
    %dma_start3A_6 = tpu.memref_slice %arg3[%dma_start3A_4, %dma_start3A_5] : memref<1015808x32xf32, #tpu.memory_space<hbm>> -> memref<1015808x32xf32, #tpu.memory_space<hbm>>
    tpu.enqueue_indirect_dma source(%dma_start3A_6 : memref<1015808x32xf32, #tpu.memory_space<hbm>>) target(%arg6 : memref<100x32xf32, #tpu.memory_space<vmem>>) offsets(%dma_start3A_3 : memref<100xi32, #tpu.memory_space<vmem>>) semaphore(%arg11 : memref<!tpu.dma_semaphore, #tpu.memory_space<semaphore_mem>>)
    %dma_start3A_7 = arith.constant 1 : i32
    %dma_start3A_8 = arith.constant 0 : i32
    %dma_start3A_9 = tpu.memref_slice %arg5[%dma_start3A_7, %dma_start3A_8] : memref<256x100xi32, #tpu.memory_space<vmem>> -> memref<1x100xi32, #tpu.memory_space<vmem>>
    %dma_start3A_10 = tpu.memref_squeeze %dma_start3A_9 : memref<1x100xi32, #tpu.memory_space<vmem>> -> memref<100xi32, #tpu.memory_space<vmem>>
    %dma_start3A_11 = arith.constant 0 : i32
    %dma_start3A_12 = arith.constant 0 : i32
    %dma_start3A_13 = tpu.memref_slice %arg3[%dma_start3A_11, %dma_start3A_12] : memref<1015808x32xf32, #tpu.memory_space<hbm>> -> memref<1015808x32xf32, #tpu.memory_space<hbm>>
    tpu.enqueue_indirect_dma source(%dma_start3A_13 : memref<1015808x32xf32, #tpu.memory_space<hbm>>) target(%arg7 : memref<100x32xf32, #tpu.memory_space<vmem>>) offsets(%dma_start3A_10 : memref<100xi32, #tpu.memory_space<vmem>>) semaphore(%arg12 : memref<!tpu.dma_semaphore, #tpu.memory_space<semaphore_mem>>)
    %dma_start3A_14 = arith.constant 2 : i32
    %dma_start3A_15 = arith.constant 0 : i32
    %dma_start3A_16 = tpu.memref_slice %arg5[%dma_start3A_14, %dma_start3A_15] : memref<256x100xi32, #tpu.memory_space<vmem>> -> memref<1x100xi32, #tpu.memory_space<vmem>>
    %dma_start3A_17 = tpu.memref_squeeze %dma_start3A_16 : memref<1x100xi32, #tpu.memory_space<vmem>> -> memref<100xi32, #tpu.memory_space<vmem>>
    %dma_start3A_18 = arith.constant 0 : i32
    %dma_start3A_19 = arith.constant 0 : i32
    %dma_start3A_20 = tpu.memref_slice %arg3[%dma_start3A_18, %dma_start3A_19] : memref<1015808x32xf32, #tpu.memory_space<hbm>> -> memref<1015808x32xf32, #tpu.memory_space<hbm>>
    tpu.enqueue_indirect_dma source(%dma_start3A_20 : memref<1015808x32xf32, #tpu.memory_space<hbm>>) target(%arg8 : memref<100x32xf32, #tpu.memory_space<vmem>>) offsets(%dma_start3A_17 : memref<100xi32, #tpu.memory_space<vmem>>) semaphore(%arg13 : memref<!tpu.dma_semaphore, #tpu.memory_space<semaphore_mem>>)
    %dma_start3A_21 = arith.constant 3 : i32
    %dma_start3A_22 = arith.constant 0 : i32
    %dma_start3A_23 = tpu.memref_slice %arg5[%dma_start3A_21, %dma_start3A_22] : memref<256x100xi32, #tpu.memory_space<vmem>> -> memref<1x100xi32, #tpu.memory_space<vmem>>
    %dma_start3A_24 = tpu.memref_squeeze %dma_start3A_23 : memref<1x100xi32, #tpu.memory_space<vmem>> -> memref<100xi32, #tpu.memory_space<vmem>>
    %dma_start3A_25 = arith.constant 0 : i32
    %dma_start3A_26 = arith.constant 0 : i32
    %dma_start3A_27 = tpu.memref_slice %arg3[%dma_start3A_25, %dma_start3A_26] : memref<1015808x32xf32, #tpu.memory_space<hbm>> -> memref<1015808x32xf32, #tpu.memory_space<hbm>>
    tpu.enqueue_indirect_dma source(%dma_start3A_27 : memref<1015808x32xf32, #tpu.memory_space<hbm>>) target(%arg9 : memref<100x32xf32, #tpu.memory_space<vmem>>) offsets(%dma_start3A_24 : memref<100xi32, #tpu.memory_space<vmem>>) semaphore(%arg14 : memref<!tpu.dma_semaphore, #tpu.memory_space<semaphore_mem>>)
    %scan3A = arith.constant 0 : i32
    %scan3A_28 = arith.constant 64 : i32
    %scan3A_29 = arith.addi %scan3A, %scan3A_28 : i32
    %scan3A_30 = arith.constant 1 : i32
    scf.for %scan3A_34 = %scan3A to %scan3A_29 step %scan3A_30  : i32 {
      %mul3A_35 = arith.constant 4 : i32
      %mul3A_36 = arith.muli %scan3A_34, %mul3A_35 : i32
      %add3A_37 = arith.constant 0 : i32
      %add3A_38 = arith.addi %add3A_37, %mul3A_36 : i32
      %add3A_39 = arith.constant 0 : i32
      %add3A_40 = arith.addi %add3A_38, %add3A_39 : i32
      %dma_wait3A = arith.constant 0 : i32
      %dma_wait3A_41 = tpu.memref_slice %arg5[%add3A_40, %dma_wait3A] : memref<256x100xi32, #tpu.memory_space<vmem>> -> memref<1x100xi32, #tpu.memory_space<vmem>>
      %dma_wait3A_42 = tpu.memref_squeeze %dma_wait3A_41 : memref<1x100xi32, #tpu.memory_space<vmem>> -> memref<100xi32, #tpu.memory_space<vmem>>
      %dma_wait3A_43 = arith.constant 0 : i32
      %dma_wait3A_44 = arith.constant 0 : i32
      %dma_wait3A_45 = tpu.memref_slice %arg3[%dma_wait3A_43, %dma_wait3A_44] : memref<1015808x32xf32, #tpu.memory_space<hbm>> -> memref<1015808x32xf32, #tpu.memory_space<hbm>>
      tpu.wait_indirect_dma semaphore(%arg11 : memref<!tpu.dma_semaphore, #tpu.memory_space<semaphore_mem>>) src(%dma_wait3A_45 : memref<1015808x32xf32, #tpu.memory_space<hbm>>) dst(%arg6 : memref<100x32xf32, #tpu.memory_space<vmem>>)
      %add3A_46 = arith.constant 0 : i32
      %add3A_47 = arith.addi %add3A_38, %add3A_46 : i32
      %mul3A_48 = arith.constant 2 : i32
      %mul3A_49 = arith.muli %add3A_47, %mul3A_48 : i32
      %add3A_50 = arith.constant 0 : i32
      %add3A_51 = arith.addi %mul3A_49, %add3A_50 : i32
      %get3A = arith.constant 0 : i32
      %get3A_52 = arith.index_cast %get3A : i32 to index
      %get3A_53 = arith.constant 0 : index
      %get3A_54 = tpu.vector_load %arg6[%get3A_52, %get3A_53] {strides = array<i32>} : memref<100x32xf32, #tpu.memory_space<vmem>>, vector<1x16xf32>,
      %get3A_55 = vector.shape_cast %get3A_54 : vector<1x16xf32> to vector<16xf32>
      %get3A_56 = arith.constant 1 : i32
      %get3A_57 = arith.index_cast %get3A_56 : i32 to index
      %get3A_58 = arith.constant 0 : index
      %get3A_59 = tpu.vector_load %arg6[%get3A_57, %get3A_58] {strides = array<i32>} : memref<100x32xf32, #tpu.memory_space<vmem>>, vector<1x16xf32>,
      %get3A_60 = vector.shape_cast %get3A_59 : vector<1x16xf32> to vector<16xf32>
      %get3A_61 = arith.constant 2 : i32
      %get3A_62 = arith.index_cast %get3A_61 : i32 to index
      %get3A_63 = arith.constant 0 : index
      %get3A_64 = tpu.vector_load %arg6[%get3A_62, %get3A_63] {strides = array<i32>} : memref<100x32xf32, #tpu.memory_space<vmem>>, vector<1x16xf32>,
      %get3A_65 = vector.shape_cast %get3A_64 : vector<1x16xf32> to vector<16xf32>
      %get3A_66 = arith.constant 3 : i32
      %get3A_67 = arith.index_cast %get3A_66 : i32 to index
      %get3A_68 = arith.constant 0 : index
      %get3A_69 = tpu.vector_load %arg6[%get3A_67, %get3A_68] {strides = array<i32>} : memref<100x32xf32, #tpu.memory_space<vmem>>, vector<1x16xf32>,
      %get3A_70 = vector.shape_cast %get3A_69 : vector<1x16xf32> to vector<16xf32>
      %get3A_71 = arith.constant 4 : i32
      %get3A_72 = arith.index_cast %get3A_71 : i32 to index
      %get3A_73 = arith.constant 0 : index
      %get3A_74 = tpu.vector_load %arg6[%get3A_72, %get3A_73] {strides = array<i32>} : memref<100x32xf32, #tpu.memory_space<vmem>>, vector<1x16xf32>,
      %get3A_75 = vector.shape_cast %get3A_74 : vector<1x16xf32> to vector<16xf32>
      %get3A_76 = arith.constant 5 : i32
      %get3A_77 = arith.index_cast %get3A_76 : i32 to index
      %get3A_78 = arith.constant 0 : index
      %get3A_79 = tpu.vector_load %arg6[%get3A_77, %get3A_78] {strides = array<i32>} : memref<100x32xf32, #tpu.memory_space<vmem>>, vector<1x16xf32>,
      %get3A_80 = vector.shape_cast %get3A_79 : vector<1x16xf32> to vector<16xf32>
      %get3A_81 = arith.constant 6 : i32
      %get3A_82 = arith.index_cast %get3A_81 : i32 to index
      %get3A_83 = arith.constant 0 : index
      %get3A_84 = tpu.vector_load %arg6[%get3A_82, %get3A_83] {strides = array<i32>} : memref<100x32xf32, #tpu.memory_space<vmem>>, vector<1x16xf32>,
      %get3A_85 = vector.shape_cast %get3A_84 : vector<1x16xf32> to vector<16xf32>
      %get3A_86 = arith.constant 7 : i32
      %get3A_87 = arith.index_cast %get3A_86 : i32 to index
      %get3A_88 = arith.constant 0 : index
      %get3A_89 = tpu.vector_load %arg6[%get3A_87, %get3A_88] {strides = array<i32>} : memref<100x32xf32, #tpu.memory_space<vmem>>, vector<1x16xf32>,
      %get3A_90 = vector.shape_cast %get3A_89 : vector<1x16xf32> to vector<16xf32>
      %get3A_91 = arith.constant 8 : i32
      %get3A_92 = arith.index_cast %get3A_91 : i32 to index
      %get3A_93 = arith.constant 0 : index
      %get3A_94 = tpu.vector_load %arg6[%get3A_92, %get3A_93] {strides = array<i32>} : memref<100x32xf32, #tpu.memory_space<vmem>>, vector<1x16xf32>,
      %get3A_95 = vector.shape_cast %get3A_94 : vector<1x16xf32> to vector<16xf32>
      %get3A_96 = arith.constant 9 : i32
      %get3A_97 = arith.index_cast %get3A_96 : i32 to index
      %get3A_98 = arith.constant 0 : index
      %get3A_99 = tpu.vector_load %arg6[%get3A_97, %get3A_98] {strides = array<i32>} : memref<100x32xf32, #tpu.memory_space<vmem>>, vector<1x16xf32>,
      %get3A_100 = vector.shape_cast %get3A_99 : vector<1x16xf32> to vector<16xf32>
      %get3A_101 = arith.constant 10 : i32
      %get3A_102 = arith.index_cast %get3A_101 : i32 to index
      %get3A_103 = arith.constant 0 : index
      %get3A_104 = tpu.vector_load %arg6[%get3A_102, %get3A_103] {strides = array<i32>} : memref<100x32xf32, #tpu.memory_space<vmem>>, vector<1x16xf32>,
      %get3A_105 = vector.shape_cast %get3A_104 : vector<1x16xf32> to vector<16xf32>
      %get3A_106 = arith.constant 11 : i32
      %get3A_107 = arith.index_cast %get3A_106 : i32 to index
      %get3A_108 = arith.constant 0 : index
      %get3A_109 = tpu.vector_load %arg6[%get3A_107, %get3A_108] {strides = array<i32>} : memref<100x32xf32, #tpu.memory_space<vmem>>, vector<1x16xf32>,
      %get3A_110 = vector.shape_cast %get3A_109 : vector<1x16xf32> to vector<16xf32>
      %get3A_111 = arith.constant 12 : i32
      %get3A_112 = arith.index_cast %get3A_111 : i32 to index
      %get3A_113 = arith.constant 0 : index
      %get3A_114 = tpu.vector_load %arg6[%get3A_112, %get3A_113] {strides = array<i32>} : memref<100x32xf32, #tpu.memory_space<vmem>>, vector<1x16xf32>,
      %get3A_115 = vector.shape_cast %get3A_114 : vector<1x16xf32> to vector<16xf32>
      %get3A_116 = arith.constant 13 : i32
      %get3A_117 = arith.index_cast %get3A_116 : i32 to index
      %get3A_118 = arith.constant 0 : index
      %get3A_119 = tpu.vector_load %arg6[%get3A_117, %get3A_118] {strides = array<i32>} : memref<100x32xf32, #tpu.memory_space<vmem>>, vector<1x16xf32>,
      %get3A_120 = vector.shape_cast %get3A_119 : vector<1x16xf32> to vector<16xf32>
      %get3A_121 = arith.constant 14 : i32
      %get3A_122 = arith.index_cast %get3A_121 : i32 to index
      %get3A_123 = arith.constant 0 : index
      %get3A_124 = tpu.vector_load %arg6[%get3A_122, %get3A_123] {strides = array<i32>} : memref<100x32xf32, #tpu.memory_space<vmem>>, vector<1x16xf32>,
      %get3A_125 = vector.shape_cast %get3A_124 : vector<1x16xf32> to vector<16xf32>
      %get3A_126 = arith.constant 15 : i32
      %get3A_127 = arith.index_cast %get3A_126 : i32 to index
      %get3A_128 = arith.constant 0 : index
      %get3A_129 = tpu.vector_load %arg6[%get3A_127, %get3A_128] {strides = array<i32>} : memref<100x32xf32, #tpu.memory_space<vmem>>, vector<1x16xf32>,
      %get3A_130 = vector.shape_cast %get3A_129 : vector<1x16xf32> to vector<16xf32>
      %get3A_131 = arith.constant 16 : i32
      %get3A_132 = arith.index_cast %get3A_131 : i32 to index
      %get3A_133 = arith.constant 0 : index
      %get3A_134 = tpu.vector_load %arg6[%get3A_132, %get3A_133] {strides = array<i32>} : memref<100x32xf32, #tpu.memory_space<vmem>>, vector<1x16xf32>,
      %get3A_135 = vector.shape_cast %get3A_134 : vector<1x16xf32> to vector<16xf32>
      %get3A_136 = arith.constant 17 : i32
      %get3A_137 = arith.index_cast %get3A_136 : i32 to index
      %get3A_138 = arith.constant 0 : index
      %get3A_139 = tpu.vector_load %arg6[%get3A_137, %get3A_138] {strides = array<i32>} : memref<100x32xf32, #tpu.memory_space<vmem>>, vector<1x16xf32>,
      %get3A_140 = vector.shape_cast %get3A_139 : vector<1x16xf32> to vector<16xf32>
      %get3A_141 = arith.constant 18 : i32
      %get3A_142 = arith.index_cast %get3A_141 : i32 to index
      %get3A_143 = arith.constant 0 : index
      %get3A_144 = tpu.vector_load %arg6[%get3A_142, %get3A_143] {strides = array<i32>} : memref<100x32xf32, #tpu.memory_space<vmem>>, vector<1x16xf32>,
      %get3A_145 = vector.shape_cast %get3A_144 : vector<1x16xf32> to vector<16xf32>
      %get3A_146 = arith.constant 19 : i32
      %get3A_147 = arith.index_cast %get3A_146 : i32 to index
      %get3A_148 = arith.constant 0 : index
      %get3A_149 = tpu.vector_load %arg6[%get3A_147, %get3A_148] {strides = array<i32>} : memref<100x32xf32, #tpu.memory_space<vmem>>, vector<1x16xf32>,
      %get3A_150 = vector.shape_cast %get3A_149 : vector<1x16xf32> to vector<16xf32>
      %get3A_151 = arith.constant 20 : i32
      %get3A_152 = arith.index_cast %get3A_151 : i32 to index
      %get3A_153 = arith.constant 0 : index
      %get3A_154 = tpu.vector_load %arg6[%get3A_152, %get3A_153] {strides = array<i32>} : memref<100x32xf32, #tpu.memory_space<vmem>>, vector<1x16xf32>,
      %get3A_155 = vector.shape_cast %get3A_154 : vector<1x16xf32> to vector<16xf32>
      %get3A_156 = arith.constant 21 : i32
      %get3A_157 = arith.index_cast %get3A_156 : i32 to index
      %get3A_158 = arith.constant 0 : index
      %get3A_159 = tpu.vector_load %arg6[%get3A_157, %get3A_158] {strides = array<i32>} : memref<100x32xf32, #tpu.memory_space<vmem>>, vector<1x16xf32>,
      %get3A_160 = vector.shape_cast %get3A_159 : vector<1x16xf32> to vector<16xf32>
      %get3A_161 = arith.constant 22 : i32
      %get3A_162 = arith.index_cast %get3A_161 : i32 to index
      %get3A_163 = arith.constant 0 : index
      %get3A_164 = tpu.vector_load %arg6[%get3A_162, %get3A_163] {strides = array<i32>} : memref<100x32xf32, #tpu.memory_space<vmem>>, vector<1x16xf32>,
      %get3A_165 = vector.shape_cast %get3A_164 : vector<1x16xf32> to vector<16xf32>
      %get3A_166 = arith.constant 23 : i32
      %get3A_167 = arith.index_cast %get3A_166 : i32 to index
      %get3A_168 = arith.constant 0 : index
      %get3A_169 = tpu.vector_load %arg6[%get3A_167, %get3A_168] {strides = array<i32>} : memref<100x32xf32, #tpu.memory_space<vmem>>, vector<1x16xf32>,
      %get3A_170 = vector.shape_cast %get3A_169 : vector<1x16xf32> to vector<16xf32>
      %get3A_171 = arith.constant 24 : i32
      %get3A_172 = arith.index_cast %get3A_171 : i32 to index
      %get3A_173 = arith.constant 0 : index
      %get3A_174 = tpu.vector_load %arg6[%get3A_172, %get3A_173] {strides = array<i32>} : memref<100x32xf32, #tpu.memory_space<vmem>>, vector<1x16xf32>,
      %get3A_175 = vector.shape_cast %get3A_174 : vector<1x16xf32> to vector<16xf32>
      %get3A_176 = arith.constant 25 : i32
      %get3A_177 = arith.index_cast %get3A_176 : i32 to index
      %get3A_178 = arith.constant 0 : index
      %get3A_179 = tpu.vector_load %arg6[%get3A_177, %get3A_178] {strides = array<i32>} : memref<100x32xf32, #tpu.memory_space<vmem>>, vector<1x16xf32>,
      %get3A_180 = vector.shape_cast %get3A_179 : vector<1x16xf32> to vector<16xf32>
      %get3A_181 = arith.constant 26 : i32
      %get3A_182 = arith.index_cast %get3A_181 : i32 to index
      %get3A_183 = arith.constant 0 : index
      %get3A_184 = tpu.vector_load %arg6[%get3A_182, %get3A_183] {strides = array<i32>} : memref<100x32xf32, #tpu.memory_space<vmem>>, vector<1x16xf32>,
      %get3A_185 = vector.shape_cast %get3A_184 : vector<1x16xf32> to vector<16xf32>
      %get3A_186 = arith.constant 27 : i32
      %get3A_187 = arith.index_cast %get3A_186 : i32 to index
      %get3A_188 = arith.constant 0 : index
      %get3A_189 = tpu.vector_load %arg6[%get3A_187, %get3A_188] {strides = array<i32>} : memref<100x32xf32, #tpu.memory_space<vmem>>, vector<1x16xf32>,
      %get3A_190 = vector.shape_cast %get3A_189 : vector<1x16xf32> to vector<16xf32>
      %get3A_191 = arith.constant 28 : i32
      %get3A_192 = arith.index_cast %get3A_191 : i32 to index
      %get3A_193 = arith.constant 0 : index
      %get3A_194 = tpu.vector_load %arg6[%get3A_192, %get3A_193] {strides = array<i32>} : memref<100x32xf32, #tpu.memory_space<vmem>>, vector<1x16xf32>,
      %get3A_195 = vector.shape_cast %get3A_194 : vector<1x16xf32> to vector<16xf32>
      %get3A_196 = arith.constant 29 : i32
      %get3A_197 = arith.index_cast %get3A_196 : i32 to index
      %get3A_198 = arith.constant 0 : index
      %get3A_199 = tpu.vector_load %arg6[%get3A_197, %get3A_198] {strides = array<i32>} : memref<100x32xf32, #tpu.memory_space<vmem>>, vector<1x16xf32>,
      %get3A_200 = vector.shape_cast %get3A_199 : vector<1x16xf32> to vector<16xf32>
      %get3A_201 = arith.constant 30 : i32
      %get3A_202 = arith.index_cast %get3A_201 : i32 to index
      %get3A_203 = arith.constant 0 : index
      %get3A_204 = tpu.vector_load %arg6[%get3A_202, %get3A_203] {strides = array<i32>} : memref<100x32xf32, #tpu.memory_space<vmem>>, vector<1x16xf32>,
      %get3A_205 = vector.shape_cast %get3A_204 : vector<1x16xf32> to vector<16xf32>
      %get3A_206 = arith.constant 31 : i32
      %get3A_207 = arith.index_cast %get3A_206 : i32 to index
      %get3A_208 = arith.constant 0 : index
      %get3A_209 = tpu.vector_load %arg6[%get3A_207, %get3A_208] {strides = array<i32>} : memref<100x32xf32, #tpu.memory_space<vmem>>, vector<1x16xf32>,
      %get3A_210 = vector.shape_cast %get3A_209 : vector<1x16xf32> to vector<16xf32>
      %get3A_211 = arith.constant 32 : i32
      %get3A_212 = arith.index_cast %get3A_211 : i32 to index
      %get3A_213 = arith.constant 0 : index
      %get3A_214 = tpu.vector_load %arg6[%get3A_212, %get3A_213] {strides = array<i32>} : memref<100x32xf32, #tpu.memory_space<vmem>>, vector<1x16xf32>,
      %get3A_215 = vector.shape_cast %get3A_214 : vector<1x16xf32> to vector<16xf32>
      %get3A_216 = arith.constant 33 : i32
      %get3A_217 = arith.index_cast %get3A_216 : i32 to index
      %get3A_218 = arith.constant 0 : index
      %get3A_219 = tpu.vector_load %arg6[%get3A_217, %get3A_218] {strides = array<i32>} : memref<100x32xf32, #tpu.memory_space<vmem>>, vector<1x16xf32>,
      %get3A_220 = vector.shape_cast %get3A_219 : vector<1x16xf32> to vector<16xf32>
      %get3A_221 = arith.constant 34 : i32
      %get3A_222 = arith.index_cast %get3A_221 : i32 to index
      %get3A_223 = arith.constant 0 : index
      %get3A_224 = tpu.vector_load %arg6[%get3A_222, %get3A_223] {strides = array<i32>} : memref<100x32xf32, #tpu.memory_space<vmem>>, vector<1x16xf32>,
      %get3A_225 = vector.shape_cast %get3A_224 : vector<1x16xf32> to vector<16xf32>
      %get3A_226 = arith.constant 35 : i32
      %get3A_227 = arith.index_cast %get3A_226 : i32 to index
      %get3A_228 = arith.constant 0 : index
      %get3A_229 = tpu.vector_load %arg6[%get3A_227, %get3A_228] {strides = array<i32>} : memref<100x32xf32, #tpu.memory_space<vmem>>, vector<1x16xf32>,
      %get3A_230 = vector.shape_cast %get3A_229 : vector<1x16xf32> to vector<16xf32>
      %get3A_231 = arith.constant 36 : i32
      %get3A_232 = arith.index_cast %get3A_231 : i32 to index
      %get3A_233 = arith.constant 0 : index
      %get3A_234 = tpu.vector_load %arg6[%get3A_232, %get3A_233] {strides = array<i32>} : memref<100x32xf32, #tpu.memory_space<vmem>>, vector<1x16xf32>,
      %get3A_235 = vector.shape_cast %get3A_234 : vector<1x16xf32> to vector<16xf32>
      %get3A_236 = arith.constant 37 : i32
      %get3A_237 = arith.index_cast %get3A_236 : i32 to index
      %get3A_238 = arith.constant 0 : index
      %get3A_239 = tpu.vector_load %arg6[%get3A_237, %get3A_238] {strides = array<i32>} : memref<100x32xf32, #tpu.memory_space<vmem>>, vector<1x16xf32>,
      %get3A_240 = vector.shape_cast %get3A_239 : vector<1x16xf32> to vector<16xf32>
      %get3A_241 = arith.constant 38 : i32
      %get3A_242 = arith.index_cast %get3A_241 : i32 to index
      %get3A_243 = arith.constant 0 : index
      %get3A_244 = tpu.vector_load %arg6[%get3A_242, %get3A_243] {strides = array<i32>} : memref<100x32xf32, #tpu.memory_space<vmem>>, vector<1x16xf32>,
      %get3A_245 = vector.shape_cast %get3A_244 : vector<1x16xf32> to vector<16xf32>
      %get3A_246 = arith.constant 39 : i32
      %get3A_247 = arith.index_cast %get3A_246 : i32 to index
      %get3A_248 = arith.constant 0 : index
      %get3A_249 = tpu.vector_load %arg6[%get3A_247, %get3A_248] {strides = array<i32>} : memref<100x32xf32, #tpu.memory_space<vmem>>, vector<1x16xf32>,
      %get3A_250 = vector.shape_cast %get3A_249 : vector<1x16xf32> to vector<16xf32>
      %get3A_251 = arith.constant 40 : i32
      %get3A_252 = arith.index_cast %get3A_251 : i32 to index
      %get3A_253 = arith.constant 0 : index
      %get3A_254 = tpu.vector_load %arg6[%get3A_252, %get3A_253] {strides = array<i32>} : memref<100x32xf32, #tpu.memory_space<vmem>>, vector<1x16xf32>,
      %get3A_255 = vector.shape_cast %get3A_254 : vector<1x16xf32> to vector<16xf32>
      %get3A_256 = arith.constant 41 : i32
      %get3A_257 = arith.index_cast %get3A_256 : i32 to index
      %get3A_258 = arith.constant 0 : index
      %get3A_259 = tpu.vector_load %arg6[%get3A_257, %get3A_258] {strides = array<i32>} : memref<100x32xf32, #tpu.memory_space<vmem>>, vector<1x16xf32>,
      %get3A_260 = vector.shape_cast %get3A_259 : vector<1x16xf32> to vector<16xf32>
      %get3A_261 = arith.constant 42 : i32
      %get3A_262 = arith.index_cast %get3A_261 : i32 to index
      %get3A_263 = arith.constant 0 : index
      %get3A_264 = tpu.vector_load %arg6[%get3A_262, %get3A_263] {strides = array<i32>} : memref<100x32xf32, #tpu.memory_space<vmem>>, vector<1x16xf32>,
      %get3A_265 = vector.shape_cast %get3A_264 : vector<1x16xf32> to vector<16xf32>
      %get3A_266 = arith.constant 43 : i32
      %get3A_267 = arith.index_cast %get3A_266 : i32 to index
      %get3A_268 = arith.constant 0 : index
      %get3A_269 = tpu.vector_load %arg6[%get3A_267, %get3A_268] {strides = array<i32>} : memref<100x32xf32, #tpu.memory_space<vmem>>, vector<1x16xf32>,
      %get3A_270 = vector.shape_cast %get3A_269 : vector<1x16xf32> to vector<16xf32>
      %get3A_271 = arith.constant 44 : i32
      %get3A_272 = arith.index_cast %get3A_271 : i32 to index
      %get3A_273 = arith.constant 0 : index
      %get3A_274 = tpu.vector_load %arg6[%get3A_272, %get3A_273] {strides = array<i32>} : memref<100x32xf32, #tpu.memory_space<vmem>>, vector<1x16xf32>,
      %get3A_275 = vector.shape_cast %get3A_274 : vector<1x16xf32> to vector<16xf32>
      %get3A_276 = arith.constant 45 : i32
      %get3A_277 = arith.index_cast %get3A_276 : i32 to index
      %get3A_278 = arith.constant 0 : index
      %get3A_279 = tpu.vector_load %arg6[%get3A_277, %get3A_278] {strides = array<i32>} : memref<100x32xf32, #tpu.memory_space<vmem>>, vector<1x16xf32>,
      %get3A_280 = vector.shape_cast %get3A_279 : vector<1x16xf32> to vector<16xf32>
      %get3A_281 = arith.constant 46 : i32
      %get3A_282 = arith.index_cast %get3A_281 : i32 to index
      %get3A_283 = arith.constant 0 : index
      %get3A_284 = tpu.vector_load %arg6[%get3A_282, %get3A_283] {strides = array<i32>} : memref<100x32xf32, #tpu.memory_space<vmem>>, vector<1x16xf32>,
      %get3A_285 = vector.shape_cast %get3A_284 : vector<1x16xf32> to vector<16xf32>
      %get3A_286 = arith.constant 47 : i32
      %get3A_287 = arith.index_cast %get3A_286 : i32 to index
      %get3A_288 = arith.constant 0 : index
      %get3A_289 = tpu.vector_load %arg6[%get3A_287, %get3A_288] {strides = array<i32>} : memref<100x32xf32, #tpu.memory_space<vmem>>, vector<1x16xf32>,
      %get3A_290 = vector.shape_cast %get3A_289 : vector<1x16xf32> to vector<16xf32>
      %get3A_291 = arith.constant 48 : i32
      %get3A_292 = arith.index_cast %get3A_291 : i32 to index
      %get3A_293 = arith.constant 0 : index
      %get3A_294 = tpu.vector_load %arg6[%get3A_292, %get3A_293] {strides = array<i32>} : memref<100x32xf32, #tpu.memory_space<vmem>>, vector<1x16xf32>,
      %get3A_295 = vector.shape_cast %get3A_294 : vector<1x16xf32> to vector<16xf32>
      %get3A_296 = arith.constant 49 : i32
      %get3A_297 = arith.index_cast %get3A_296 : i32 to index
      %get3A_298 = arith.constant 0 : index
      %get3A_299 = tpu.vector_load %arg6[%get3A_297, %get3A_298] {strides = array<i32>} : memref<100x32xf32, #tpu.memory_space<vmem>>, vector<1x16xf32>,
      %get3A_300 = vector.shape_cast %get3A_299 : vector<1x16xf32> to vector<16xf32>
      %add3A_301 = arith.addf %get3A_55, %get3A_60 : vector<16xf32>
      %add3A_302 = arith.addf %get3A_65, %get3A_70 : vector<16xf32>
      %add3A_303 = arith.addf %get3A_75, %get3A_80 : vector<16xf32>
      %add3A_304 = arith.addf %get3A_85, %get3A_90 : vector<16xf32>
      %add3A_305 = arith.addf %get3A_95, %get3A_100 : vector<16xf32>
      %add3A_306 = arith.addf %get3A_105, %get3A_110 : vector<16xf32>
      %add3A_307 = arith.addf %get3A_115, %get3A_120 : vector<16xf32>
      %add3A_308 = arith.addf %get3A_125, %get3A_130 : vector<16xf32>
      %add3A_309 = arith.addf %get3A_135, %get3A_140 : vector<16xf32>
      %add3A_310 = arith.addf %get3A_145, %get3A_150 : vector<16xf32>
      %add3A_311 = arith.addf %get3A_155, %get3A_160 : vector<16xf32>
      %add3A_312 = arith.addf %get3A_165, %get3A_170 : vector<16xf32>
      %add3A_313 = arith.addf %get3A_175, %get3A_180 : vector<16xf32>
      %add3A_314 = arith.addf %get3A_185, %get3A_190 : vector<16xf32>
      %add3A_315 = arith.addf %get3A_195, %get3A_200 : vector<16xf32>
      %add3A_316 = arith.addf %get3A_205, %get3A_210 : vector<16xf32>
      %add3A_317 = arith.addf %get3A_215, %get3A_220 : vector<16xf32>
      %add3A_318 = arith.addf %get3A_225, %get3A_230 : vector<16xf32>
      %add3A_319 = arith.addf %get3A_235, %get3A_240 : vector<16xf32>
      %add3A_320 = arith.addf %get3A_245, %get3A_250 : vector<16xf32>
      %add3A_321 = arith.addf %get3A_255, %get3A_260 : vector<16xf32>
      %add3A_322 = arith.addf %get3A_265, %get3A_270 : vector<16xf32>
      %add3A_323 = arith.addf %get3A_275, %get3A_280 : vector<16xf32>
      %add3A_324 = arith.addf %get3A_285, %get3A_290 : vector<16xf32>
      %add3A_325 = arith.addf %get3A_295, %get3A_300 : vector<16xf32>
      %add3A_326 = arith.addf %add3A_301, %add3A_302 : vector<16xf32>
      %add3A_327 = arith.addf %add3A_303, %add3A_304 : vector<16xf32>
      %add3A_328 = arith.addf %add3A_305, %add3A_306 : vector<16xf32>
      %add3A_329 = arith.addf %add3A_307, %add3A_308 : vector<16xf32>
      %add3A_330 = arith.addf %add3A_309, %add3A_310 : vector<16xf32>
      %add3A_331 = arith.addf %add3A_311, %add3A_312 : vector<16xf32>
      %add3A_332 = arith.addf %add3A_313, %add3A_314 : vector<16xf32>
      %add3A_333 = arith.addf %add3A_315, %add3A_316 : vector<16xf32>
      %add3A_334 = arith.addf %add3A_317, %add3A_318 : vector<16xf32>
      %add3A_335 = arith.addf %add3A_319, %add3A_320 : vector<16xf32>
      %add3A_336 = arith.addf %add3A_321, %add3A_322 : vector<16xf32>
      %add3A_337 = arith.addf %add3A_323, %add3A_324 : vector<16xf32>
      %add3A_338 = arith.addf %add3A_326, %add3A_327 : vector<16xf32>
      %add3A_339 = arith.addf %add3A_328, %add3A_329 : vector<16xf32>
      %add3A_340 = arith.addf %add3A_330, %add3A_331 : vector<16xf32>
      %add3A_341 = arith.addf %add3A_332, %add3A_333 : vector<16xf32>
      %add3A_342 = arith.addf %add3A_334, %add3A_335 : vector<16xf32>
      %add3A_343 = arith.addf %add3A_336, %add3A_337 : vector<16xf32>
      %add3A_344 = arith.addf %add3A_338, %add3A_339 : vector<16xf32>
      %add3A_345 = arith.addf %add3A_340, %add3A_341 : vector<16xf32>
      %add3A_346 = arith.addf %add3A_342, %add3A_343 : vector<16xf32>
      %add3A_347 = arith.addf %add3A_344, %add3A_345 : vector<16xf32>
      %add3A_348 = arith.addf %add3A_346, %add3A_325 : vector<16xf32>
      %add3A_349 = arith.addf %add3A_347, %add3A_348 : vector<16xf32>
      %swap3A = arith.index_cast %add3A_51 : i32 to index
      %swap3A_350 = arith.constant 0 : index
      %swap3A_351 = tpu.vector_load %arg10[%swap3A, %swap3A_350] {strides = array<i32>} : memref<512x32xf32, #tpu.memory_space<vmem>>, vector<1x16xf32>,
      %swap3A_352 = vector.shape_cast %swap3A_351 : vector<1x16xf32> to vector<16xf32>
      %swap3A_353 = vector.shape_cast %add3A_349 : vector<16xf32> to vector<1x16xf32>
      tpu.vector_store %arg10[%swap3A, %swap3A_350], %swap3A_353 {strides = array<i32>} : memref<512x32xf32, #tpu.memory_space<vmem>>, vector<1x16xf32>,
      %get3A_354 = arith.constant 0 : i32
      %get3A_355 = arith.index_cast %get3A_354 : i32 to index
      %get3A_356 = arith.constant 16 : index
      %get3A_357 = tpu.vector_load %arg6[%get3A_355, %get3A_356] {strides = array<i32>} : memref<100x32xf32, #tpu.memory_space<vmem>>, vector<1x16xf32>,
      %get3A_358 = vector.shape_cast %get3A_357 : vector<1x16xf32> to vector<16xf32>
      %get3A_359 = arith.constant 1 : i32
      %get3A_360 = arith.index_cast %get3A_359 : i32 to index
      %get3A_361 = arith.constant 16 : index
      %get3A_362 = tpu.vector_load %arg6[%get3A_360, %get3A_361] {strides = array<i32>} : memref<100x32xf32, #tpu.memory_space<vmem>>, vector<1x16xf32>,
      %get3A_363 = vector.shape_cast %get3A_362 : vector<1x16xf32> to vector<16xf32>
      %get3A_364 = arith.constant 2 : i32
      %get3A_365 = arith.index_cast %get3A_364 : i32 to index
      %get3A_366 = arith.constant 16 : index
      %get3A_367 = tpu.vector_load %arg6[%get3A_365, %get3A_366] {strides = array<i32>} : memref<100x32xf32, #tpu.memory_space<vmem>>, vector<1x16xf32>,
      %get3A_368 = vector.shape_cast %get3A_367 : vector<1x16xf32> to vector<16xf32>
      %get3A_369 = arith.constant 3 : i32
      %get3A_370 = arith.index_cast %get3A_369 : i32 to index
      %get3A_371 = arith.constant 16 : index
      %get3A_372 = tpu.vector_load %arg6[%get3A_370, %get3A_371] {strides = array<i32>} : memref<100x32xf32, #tpu.memory_space<vmem>>, vector<1x16xf32>,
      %get3A_373 = vector.shape_cast %get3A_372 : vector<1x16xf32> to vector<16xf32>
      %get3A_374 = arith.constant 4 : i32
      %get3A_375 = arith.index_cast %get3A_374 : i32 to index
      %get3A_376 = arith.constant 16 : index
      %get3A_377 = tpu.vector_load %arg6[%get3A_375, %get3A_376] {strides = array<i32>} : memref<100x32xf32, #tpu.memory_space<vmem>>, vector<1x16xf32>,
      %get3A_378 = vector.shape_cast %get3A_377 : vector<1x16xf32> to vector<16xf32>
      %get3A_379 = arith.constant 5 : i32
      %get3A_380 = arith.index_cast %get3A_379 : i32 to index
      %get3A_381 = arith.constant 16 : index
      %get3A_382 = tpu.vector_load %arg6[%get3A_380, %get3A_381] {strides = array<i32>} : memref<100x32xf32, #tpu.memory_space<vmem>>, vector<1x16xf32>,
      %get3A_383 = vector.shape_cast %get3A_382 : vector<1x16xf32> to vector<16xf32>
      %get3A_384 = arith.constant 6 : i32
      %get3A_385 = arith.index_cast %get3A_384 : i32 to index
      %get3A_386 = arith.constant 16 : index
      %get3A_387 = tpu.vector_load %arg6[%get3A_385, %get3A_386] {strides = array<i32>} : memref<100x32xf32, #tpu.memory_space<vmem>>, vector<1x16xf32>,
      %get3A_388 = vector.shape_cast %get3A_387 : vector<1x16xf32> to vector<16xf32>
      %get3A_389 = arith.constant 7 : i32
      %get3A_390 = arith.index_cast %get3A_389 : i32 to index
      %get3A_391 = arith.constant 16 : index
      %get3A_392 = tpu.vector_load %arg6[%get3A_390, %get3A_391] {strides = array<i32>} : memref<100x32xf32, #tpu.memory_space<vmem>>, vector<1x16xf32>,
      %get3A_393 = vector.shape_cast %get3A_392 : vector<1x16xf32> to vector<16xf32>
      %get3A_394 = arith.constant 8 : i32
      %get3A_395 = arith.index_cast %get3A_394 : i32 to index
      %get3A_396 = arith.constant 16 : index
      %get3A_397 = tpu.vector_load %arg6[%get3A_395, %get3A_396] {strides = array<i32>} : memref<100x32xf32, #tpu.memory_space<vmem>>, vector<1x16xf32>,
      %get3A_398 = vector.shape_cast %get3A_397 : vector<1x16xf32> to vector<16xf32>
      %get3A_399 = arith.constant 9 : i32
      %get3A_400 = arith.index_cast %get3A_399 : i32 to index
      %get3A_401 = arith.constant 16 : index
      %get3A_402 = tpu.vector_load %arg6[%get3A_400, %get3A_401] {strides = array<i32>} : memref<100x32xf32, #tpu.memory_space<vmem>>, vector<1x16xf32>,
      %get3A_403 = vector.shape_cast %get3A_402 : vector<1x16xf32> to vector<16xf32>
      %get3A_404 = arith.constant 10 : i32
      %get3A_405 = arith.index_cast %get3A_404 : i32 to index
      %get3A_406 = arith.constant 16 : index
      %get3A_407 = tpu.vector_load %arg6[%get3A_405, %get3A_406] {strides = array<i32>} : memref<100x32xf32, #tpu.memory_space<vmem>>, vector<1x16xf32>,
      %get3A_408 = vector.shape_cast %get3A_407 : vector<1x16xf32> to vector<16xf32>
      %get3A_409 = arith.constant 11 : i32
      %get3A_410 = arith.index_cast %get3A_409 : i32 to index
      %get3A_411 = arith.constant 16 : index
      %get3A_412 = tpu.vector_load %arg6[%get3A_410, %get3A_411] {strides = array<i32>} : memref<100x32xf32, #tpu.memory_space<vmem>>, vector<1x16xf32>,
      %get3A_413 = vector.shape_cast %get3A_412 : vector<1x16xf32> to vector<16xf32>
      %get3A_414 = arith.constant 12 : i32
      %get3A_415 = arith.index_cast %get3A_414 : i32 to index
      %get3A_416 = arith.constant 16 : index
      %get3A_417 = tpu.vector_load %arg6[%get3A_415, %get3A_416] {strides = array<i32>} : memref<100x32xf32, #tpu.memory_space<vmem>>, vector<1x16xf32>,
      %get3A_418 = vector.shape_cast %get3A_417 : vector<1x16xf32> to vector<16xf32>
      %get3A_419 = arith.constant 13 : i32
      %get3A_420 = arith.index_cast %get3A_419 : i32 to index
      %get3A_421 = arith.constant 16 : index
      %get3A_422 = tpu.vector_load %arg6[%get3A_420, %get3A_421] {strides = array<i32>} : memref<100x32xf32, #tpu.memory_space<vmem>>, vector<1x16xf32>,
      %get3A_423 = vector.shape_cast %get3A_422 : vector<1x16xf32> to vector<16xf32>
      %get3A_424 = arith.constant 14 : i32
      %get3A_425 = arith.index_cast %get3A_424 : i32 to index
      %get3A_426 = arith.constant 16 : index
      %get3A_427 = tpu.vector_load %arg6[%get3A_425, %get3A_426] {strides = array<i32>} : memref<100x32xf32, #tpu.memory_space<vmem>>, vector<1x16xf32>,
      %get3A_428 = vector.shape_cast %get3A_427 : vector<1x16xf32> to vector<16xf32>
      %get3A_429 = arith.constant 15 : i32
      %get3A_430 = arith.index_cast %get3A_429 : i32 to index
      %get3A_431 = arith.constant 16 : index
      %get3A_432 = tpu.vector_load %arg6[%get3A_430, %get3A_431] {strides = array<i32>} : memref<100x32xf32, #tpu.memory_space<vmem>>, vector<1x16xf32>,
      %get3A_433 = vector.shape_cast %get3A_432 : vector<1x16xf32> to vector<16xf32>
      %get3A_434 = arith.constant 16 : i32
      %get3A_435 = arith.index_cast %get3A_434 : i32 to index
      %get3A_436 = arith.constant 16 : index
      %get3A_437 = tpu.vector_load %arg6[%get3A_435, %get3A_436] {strides = array<i32>} : memref<100x32xf32, #tpu.memory_space<vmem>>, vector<1x16xf32>,
      %get3A_438 = vector.shape_cast %get3A_437 : vector<1x16xf32> to vector<16xf32>
      %get3A_439 = arith.constant 17 : i32
      %get3A_440 = arith.index_cast %get3A_439 : i32 to index
      %get3A_441 = arith.constant 16 : index
      %get3A_442 = tpu.vector_load %arg6[%get3A_440, %get3A_441] {strides = array<i32>} : memref<100x32xf32, #tpu.memory_space<vmem>>, vector<1x16xf32>,
      %get3A_443 = vector.shape_cast %get3A_442 : vector<1x16xf32> to vector<16xf32>
      %get3A_444 = arith.constant 18 : i32
      %get3A_445 = arith.index_cast %get3A_444 : i32 to index
      %get3A_446 = arith.constant 16 : index
      %get3A_447 = tpu.vector_load %arg6[%get3A_445, %get3A_446] {strides = array<i32>} : memref<100x32xf32, #tpu.memory_space<vmem>>, vector<1x16xf32>,
      %get3A_448 = vector.shape_cast %get3A_447 : vector<1x16xf32> to vector<16xf32>
      %get3A_449 = arith.constant 19 : i32
      %get3A_450 = arith.index_cast %get3A_449 : i32 to index
      %get3A_451 = arith.constant 16 : index
      %get3A_452 = tpu.vector_load %arg6[%get3A_450, %get3A_451] {strides = array<i32>} : memref<100x32xf32, #tpu.memory_space<vmem>>, vector<1x16xf32>,
      %get3A_453 = vector.shape_cast %get3A_452 : vector<1x16xf32> to vector<16xf32>
      %get3A_454 = arith.constant 20 : i32
      %get3A_455 = arith.index_cast %get3A_454 : i32 to index
      %get3A_456 = arith.constant 16 : index
      %get3A_457 = tpu.vector_load %arg6[%get3A_455, %get3A_456] {strides = array<i32>} : memref<100x32xf32, #tpu.memory_space<vmem>>, vector<1x16xf32>,
      %get3A_458 = vector.shape_cast %get3A_457 : vector<1x16xf32> to vector<16xf32>
      %get3A_459 = arith.constant 21 : i32
      %get3A_460 = arith.index_cast %get3A_459 : i32 to index
      %get3A_461 = arith.constant 16 : index
      %get3A_462 = tpu.vector_load %arg6[%get3A_460, %get3A_461] {strides = array<i32>} : memref<100x32xf32, #tpu.memory_space<vmem>>, vector<1x16xf32>,
      %get3A_463 = vector.shape_cast %get3A_462 : vector<1x16xf32> to vector<16xf32>
      %get3A_464 = arith.constant 22 : i32
      %get3A_465 = arith.index_cast %get3A_464 : i32 to index
      %get3A_466 = arith.constant 16 : index
      %get3A_467 = tpu.vector_load %arg6[%get3A_465, %get3A_466] {strides = array<i32>} : memref<100x32xf32, #tpu.memory_space<vmem>>, vector<1x16xf32>,
      %get3A_468 = vector.shape_cast %get3A_467 : vector<1x16xf32> to vector<16xf32>
      %get3A_469 = arith.constant 23 : i32
      %get3A_470 = arith.index_cast %get3A_469 : i32 to index
      %get3A_471 = arith.constant 16 : index
      %get3A_472 = tpu.vector_load %arg6[%get3A_470, %get3A_471] {strides = array<i32>} : memref<100x32xf32, #tpu.memory_space<vmem>>, vector<1x16xf32>,
      %get3A_473 = vector.shape_cast %get3A_472 : vector<1x16xf32> to vector<16xf32>
      %get3A_474 = arith.constant 24 : i32
      %get3A_475 = arith.index_cast %get3A_474 : i32 to index
      %get3A_476 = arith.constant 16 : index
      %get3A_477 = tpu.vector_load %arg6[%get3A_475, %get3A_476] {strides = array<i32>} : memref<100x32xf32, #tpu.memory_space<vmem>>, vector<1x16xf32>,
      %get3A_478 = vector.shape_cast %get3A_477 : vector<1x16xf32> to vector<16xf32>
      %get3A_479 = arith.constant 25 : i32
      %get3A_480 = arith.index_cast %get3A_479 : i32 to index
      %get3A_481 = arith.constant 16 : index
      %get3A_482 = tpu.vector_load %arg6[%get3A_480, %get3A_481] {strides = array<i32>} : memref<100x32xf32, #tpu.memory_space<vmem>>, vector<1x16xf32>,
      %get3A_483 = vector.shape_cast %get3A_482 : vector<1x16xf32> to vector<16xf32>
      %get3A_484 = arith.constant 26 : i32
      %get3A_485 = arith.index_cast %get3A_484 : i32 to index
      %get3A_486 = arith.constant 16 : index
      %get3A_487 = tpu.vector_load %arg6[%get3A_485, %get3A_486] {strides = array<i32>} : memref<100x32xf32, #tpu.memory_space<vmem>>, vector<1x16xf32>,
      %get3A_488 = vector.shape_cast %get3A_487 : vector<1x16xf32> to vector<16xf32>
      %get3A_489 = arith.constant 27 : i32
      %get3A_490 = arith.index_cast %get3A_489 : i32 to index
      %get3A_491 = arith.constant 16 : index
      %get3A_492 = tpu.vector_load %arg6[%get3A_490, %get3A_491] {strides = array<i32>} : memref<100x32xf32, #tpu.memory_space<vmem>>, vector<1x16xf32>,
      %get3A_493 = vector.shape_cast %get3A_492 : vector<1x16xf32> to vector<16xf32>
      %get3A_494 = arith.constant 28 : i32
      %get3A_495 = arith.index_cast %get3A_494 : i32 to index
      %get3A_496 = arith.constant 16 : index
      %get3A_497 = tpu.vector_load %arg6[%get3A_495, %get3A_496] {strides = array<i32>} : memref<100x32xf32, #tpu.memory_space<vmem>>, vector<1x16xf32>,
      %get3A_498 = vector.shape_cast %get3A_497 : vector<1x16xf32> to vector<16xf32>
      %get3A_499 = arith.constant 29 : i32
      %get3A_500 = arith.index_cast %get3A_499 : i32 to index
      %get3A_501 = arith.constant 16 : index
      %get3A_502 = tpu.vector_load %arg6[%get3A_500, %get3A_501] {strides = array<i32>} : memref<100x32xf32, #tpu.memory_space<vmem>>, vector<1x16xf32>,
      %get3A_503 = vector.shape_cast %get3A_502 : vector<1x16xf32> to vector<16xf32>
      %get3A_504 = arith.constant 30 : i32
      %get3A_505 = arith.index_cast %get3A_504 : i32 to index
      %get3A_506 = arith.constant 16 : index
      %get3A_507 = tpu.vector_load %arg6[%get3A_505, %get3A_506] {strides = array<i32>} : memref<100x32xf32, #tpu.memory_space<vmem>>, vector<1x16xf32>,
      %get3A_508 = vector.shape_cast %get3A_507 : vector<1x16xf32> to vector<16xf32>
      %get3A_509 = arith.constant 31 : i32
      %get3A_510 = arith.index_cast %get3A_509 : i32 to index
      %get3A_511 = arith.constant 16 : index
      %get3A_512 = tpu.vector_load %arg6[%get3A_510, %get3A_511] {strides = array<i32>} : memref<100x32xf32, #tpu.memory_space<vmem>>, vector<1x16xf32>,
      %get3A_513 = vector.shape_cast %get3A_512 : vector<1x16xf32> to vector<16xf32>
      %get3A_514 = arith.constant 32 : i32
      %get3A_515 = arith.index_cast %get3A_514 : i32 to index
      %get3A_516 = arith.constant 16 : index
      %get3A_517 = tpu.vector_load %arg6[%get3A_515, %get3A_516] {strides = array<i32>} : memref<100x32xf32, #tpu.memory_space<vmem>>, vector<1x16xf32>,
      %get3A_518 = vector.shape_cast %get3A_517 : vector<1x16xf32> to vector<16xf32>
      %get3A_519 = arith.constant 33 : i32
      %get3A_520 = arith.index_cast %get3A_519 : i32 to index
      %get3A_521 = arith.constant 16 : index
      %get3A_522 = tpu.vector_load %arg6[%get3A_520, %get3A_521] {strides = array<i32>} : memref<100x32xf32, #tpu.memory_space<vmem>>, vector<1x16xf32>,
      %get3A_523 = vector.shape_cast %get3A_522 : vector<1x16xf32> to vector<16xf32>
      %get3A_524 = arith.constant 34 : i32
      %get3A_525 = arith.index_cast %get3A_524 : i32 to index
      %get3A_526 = arith.constant 16 : index
      %get3A_527 = tpu.vector_load %arg6[%get3A_525, %get3A_526] {strides = array<i32>} : memref<100x32xf32, #tpu.memory_space<vmem>>, vector<1x16xf32>,
      %get3A_528 = vector.shape_cast %get3A_527 : vector<1x16xf32> to vector<16xf32>
      %get3A_529 = arith.constant 35 : i32
      %get3A_530 = arith.index_cast %get3A_529 : i32 to index
      %get3A_531 = arith.constant 16 : index
      %get3A_532 = tpu.vector_load %arg6[%get3A_530, %get3A_531] {strides = array<i32>} : memref<100x32xf32, #tpu.memory_space<vmem>>, vector<1x16xf32>,
      %get3A_533 = vector.shape_cast %get3A_532 : vector<1x16xf32> to vector<16xf32>
      %get3A_534 = arith.constant 36 : i32
      %get3A_535 = arith.index_cast %get3A_534 : i32 to index
      %get3A_536 = arith.constant 16 : index
      %get3A_537 = tpu.vector_load %arg6[%get3A_535, %get3A_536] {strides = array<i32>} : memref<100x32xf32, #tpu.memory_space<vmem>>, vector<1x16xf32>,
      %get3A_538 = vector.shape_cast %get3A_537 : vector<1x16xf32> to vector<16xf32>
      %get3A_539 = arith.constant 37 : i32
      %get3A_540 = arith.index_cast %get3A_539 : i32 to index
      %get3A_541 = arith.constant 16 : index
      %get3A_542 = tpu.vector_load %arg6[%get3A_540, %get3A_541] {strides = array<i32>} : memref<100x32xf32, #tpu.memory_space<vmem>>, vector<1x16xf32>,
      %get3A_543 = vector.shape_cast %get3A_542 : vector<1x16xf32> to vector<16xf32>
      %get3A_544 = arith.constant 38 : i32
      %get3A_545 = arith.index_cast %get3A_544 : i32 to index
      %get3A_546 = arith.constant 16 : index
      %get3A_547 = tpu.vector_load %arg6[%get3A_545, %get3A_546] {strides = array<i32>} : memref<100x32xf32, #tpu.memory_space<vmem>>, vector<1x16xf32>,
      %get3A_548 = vector.shape_cast %get3A_547 : vector<1x16xf32> to vector<16xf32>
      %get3A_549 = arith.constant 39 : i32
      %get3A_550 = arith.index_cast %get3A_549 : i32 to index
      %get3A_551 = arith.constant 16 : index
      %get3A_552 = tpu.vector_load %arg6[%get3A_550, %get3A_551] {strides = array<i32>} : memref<100x32xf32, #tpu.memory_space<vmem>>, vector<1x16xf32>,
      %get3A_553 = vector.shape_cast %get3A_552 : vector<1x16xf32> to vector<16xf32>
      %get3A_554 = arith.constant 40 : i32
      %get3A_555 = arith.index_cast %get3A_554 : i32 to index
      %get3A_556 = arith.constant 16 : index
      %get3A_557 = tpu.vector_load %arg6[%get3A_555, %get3A_556] {strides = array<i32>} : memref<100x32xf32, #tpu.memory_space<vmem>>, vector<1x16xf32>,
      %get3A_558 = vector.shape_cast %get3A_557 : vector<1x16xf32> to vector<16xf32>
      %get3A_559 = arith.constant 41 : i32
      %get3A_560 = arith.index_cast %get3A_559 : i32 to index
      %get3A_561 = arith.constant 16 : index
      %get3A_562 = tpu.vector_load %arg6[%get3A_560, %get3A_561] {strides = array<i32>} : memref<100x32xf32, #tpu.memory_space<vmem>>, vector<1x16xf32>,
      %get3A_563 = vector.shape_cast %get3A_562 : vector<1x16xf32> to vector<16xf32>
      %get3A_564 = arith.constant 42 : i32
      %get3A_565 = arith.index_cast %get3A_564 : i32 to index
      %get3A_566 = arith.constant 16 : index
      %get3A_567 = tpu.vector_load %arg6[%get3A_565, %get3A_566] {strides = array<i32>} : memref<100x32xf32, #tpu.memory_space<vmem>>, vector<1x16xf32>,
      %get3A_568 = vector.shape_cast %get3A_567 : vector<1x16xf32> to vector<16xf32>
      %get3A_569 = arith.constant 43 : i32
      %get3A_570 = arith.index_cast %get3A_569 : i32 to index
      %get3A_571 = arith.constant 16 : index
      %get3A_572 = tpu.vector_load %arg6[%get3A_570, %get3A_571] {strides = array<i32>} : memref<100x32xf32, #tpu.memory_space<vmem>>, vector<1x16xf32>,
      %get3A_573 = vector.shape_cast %get3A_572 : vector<1x16xf32> to vector<16xf32>
      %get3A_574 = arith.constant 44 : i32
      %get3A_575 = arith.index_cast %get3A_574 : i32 to index
      %get3A_576 = arith.constant 16 : index
      %get3A_577 = tpu.vector_load %arg6[%get3A_575, %get3A_576] {strides = array<i32>} : memref<100x32xf32, #tpu.memory_space<vmem>>, vector<1x16xf32>,
      %get3A_578 = vector.shape_cast %get3A_577 : vector<1x16xf32> to vector<16xf32>
      %get3A_579 = arith.constant 45 : i32
      %get3A_580 = arith.index_cast %get3A_579 : i32 to index
      %get3A_581 = arith.constant 16 : index
      %get3A_582 = tpu.vector_load %arg6[%get3A_580, %get3A_581] {strides = array<i32>} : memref<100x32xf32, #tpu.memory_space<vmem>>, vector<1x16xf32>,
      %get3A_583 = vector.shape_cast %get3A_582 : vector<1x16xf32> to vector<16xf32>
      %get3A_584 = arith.constant 46 : i32
      %get3A_585 = arith.index_cast %get3A_584 : i32 to index
      %get3A_586 = arith.constant 16 : index
      %get3A_587 = tpu.vector_load %arg6[%get3A_585, %get3A_586] {strides = array<i32>} : memref<100x32xf32, #tpu.memory_space<vmem>>, vector<1x16xf32>,
      %get3A_588 = vector.shape_cast %get3A_587 : vector<1x16xf32> to vector<16xf32>
      %get3A_589 = arith.constant 47 : i32
      %get3A_590 = arith.index_cast %get3A_589 : i32 to index
      %get3A_591 = arith.constant 16 : index
      %get3A_592 = tpu.vector_load %arg6[%get3A_590, %get3A_591] {strides = array<i32>} : memref<100x32xf32, #tpu.memory_space<vmem>>, vector<1x16xf32>,
      %get3A_593 = vector.shape_cast %get3A_592 : vector<1x16xf32> to vector<16xf32>
      %get3A_594 = arith.constant 48 : i32
      %get3A_595 = arith.index_cast %get3A_594 : i32 to index
      %get3A_596 = arith.constant 16 : index
      %get3A_597 = tpu.vector_load %arg6[%get3A_595, %get3A_596] {strides = array<i32>} : memref<100x32xf32, #tpu.memory_space<vmem>>, vector<1x16xf32>,
      %get3A_598 = vector.shape_cast %get3A_597 : vector<1x16xf32> to vector<16xf32>
      %get3A_599 = arith.constant 49 : i32
      %get3A_600 = arith.index_cast %get3A_599 : i32 to index
      %get3A_601 = arith.constant 16 : index
      %get3A_602 = tpu.vector_load %arg6[%get3A_600, %get3A_601] {strides = array<i32>} : memref<100x32xf32, #tpu.memory_space<vmem>>, vector<1x16xf32>,
      %get3A_603 = vector.shape_cast %get3A_602 : vector<1x16xf32> to vector<16xf32>
      %add3A_604 = arith.addf %get3A_358, %get3A_363 : vector<16xf32>
      %add3A_605 = arith.addf %get3A_368, %get3A_373 : vector<16xf32>
      %add3A_606 = arith.addf %get3A_378, %get3A_383 : vector<16xf32>
      %add3A_607 = arith.addf %get3A_388, %get3A_393 : vector<16xf32>
      %add3A_608 = arith.addf %get3A_398, %get3A_403 : vector<16xf32>
      %add3A_609 = arith.addf %get3A_408, %get3A_413 : vector<16xf32>
      %add3A_610 = arith.addf %get3A_418, %get3A_423 : vector<16xf32>
      %add3A_611 = arith.addf %get3A_428, %get3A_433 : vector<16xf32>
      %add3A_612 = arith.addf %get3A_438, %get3A_443 : vector<16xf32>
      %add3A_613 = arith.addf %get3A_448, %get3A_453 : vector<16xf32>
      %add3A_614 = arith.addf %get3A_458, %get3A_463 : vector<16xf32>
      %add3A_615 = arith.addf %get3A_468, %get3A_473 : vector<16xf32>
      %add3A_616 = arith.addf %get3A_478, %get3A_483 : vector<16xf32>
      %add3A_617 = arith.addf %get3A_488, %get3A_493 : vector<16xf32>
      %add3A_618 = arith.addf %get3A_498, %get3A_503 : vector<16xf32>
      %add3A_619 = arith.addf %get3A_508, %get3A_513 : vector<16xf32>
      %add3A_620 = arith.addf %get3A_518, %get3A_523 : vector<16xf32>
      %add3A_621 = arith.addf %get3A_528, %get3A_533 : vector<16xf32>
      %add3A_622 = arith.addf %get3A_538, %get3A_543 : vector<16xf32>
      %add3A_623 = arith.addf %get3A_548, %get3A_553 : vector<16xf32>
      %add3A_624 = arith.addf %get3A_558, %get3A_563 : vector<16xf32>
      %add3A_625 = arith.addf %get3A_568, %get3A_573 : vector<16xf32>
      %add3A_626 = arith.addf %get3A_578, %get3A_583 : vector<16xf32>
      %add3A_627 = arith.addf %get3A_588, %get3A_593 : vector<16xf32>
      %add3A_628 = arith.addf %get3A_598, %get3A_603 : vector<16xf32>
      %add3A_629 = arith.addf %add3A_604, %add3A_605 : vector<16xf32>
      %add3A_630 = arith.addf %add3A_606, %add3A_607 : vector<16xf32>
      %add3A_631 = arith.addf %add3A_608, %add3A_609 : vector<16xf32>
      %add3A_632 = arith.addf %add3A_610, %add3A_611 : vector<16xf32>
      %add3A_633 = arith.addf %add3A_612, %add3A_613 : vector<16xf32>
      %add3A_634 = arith.addf %add3A_614, %add3A_615 : vector<16xf32>
      %add3A_635 = arith.addf %add3A_616, %add3A_617 : vector<16xf32>
      %add3A_636 = arith.addf %add3A_618, %add3A_619 : vector<16xf32>
      %add3A_637 = arith.addf %add3A_620, %add3A_621 : vector<16xf32>
      %add3A_638 = arith.addf %add3A_622, %add3A_623 : vector<16xf32>
      %add3A_639 = arith.addf %add3A_624, %add3A_625 : vector<16xf32>
      %add3A_640 = arith.addf %add3A_626, %add3A_627 : vector<16xf32>
      %add3A_641 = arith.addf %add3A_629, %add3A_630 : vector<16xf32>
      %add3A_642 = arith.addf %add3A_631, %add3A_632 : vector<16xf32>
      %add3A_643 = arith.addf %add3A_633, %add3A_634 : vector<16xf32>
      %add3A_644 = arith.addf %add3A_635, %add3A_636 : vector<16xf32>
      %add3A_645 = arith.addf %add3A_637, %add3A_638 : vector<16xf32>
      %add3A_646 = arith.addf %add3A_639, %add3A_640 : vector<16xf32>
      %add3A_647 = arith.addf %add3A_641, %add3A_642 : vector<16xf32>
      %add3A_648 = arith.addf %add3A_643, %add3A_644 : vector<16xf32>
      %add3A_649 = arith.addf %add3A_645, %add3A_646 : vector<16xf32>
      %add3A_650 = arith.addf %add3A_647, %add3A_648 : vector<16xf32>
      %add3A_651 = arith.addf %add3A_649, %add3A_628 : vector<16xf32>
      %add3A_652 = arith.addf %add3A_650, %add3A_651 : vector<16xf32>
      %swap3A_653 = arith.index_cast %add3A_51 : i32 to index
      %swap3A_654 = arith.constant 16 : index
      %swap3A_655 = tpu.vector_load %arg10[%swap3A_653, %swap3A_654] {strides = array<i32>} : memref<512x32xf32, #tpu.memory_space<vmem>>, vector<1x16xf32>,
      %swap3A_656 = vector.shape_cast %swap3A_655 : vector<1x16xf32> to vector<16xf32>
      %swap3A_657 = vector.shape_cast %add3A_652 : vector<16xf32> to vector<1x16xf32>
      tpu.vector_store %arg10[%swap3A_653, %swap3A_654], %swap3A_657 {strides = array<i32>} : memref<512x32xf32, #tpu.memory_space<vmem>>, vector<1x16xf32>,
      %mul3A_658 = arith.constant 2 : i32
      %mul3A_659 = arith.muli %add3A_47, %mul3A_658 : i32
      %add3A_660 = arith.constant 1 : i32
      %add3A_661 = arith.addi %mul3A_659, %add3A_660 : i32
      %get3A_662 = arith.constant 50 : i32
      %get3A_663 = arith.index_cast %get3A_662 : i32 to index
      %get3A_664 = arith.constant 0 : index
      %get3A_665 = tpu.vector_load %arg6[%get3A_663, %get3A_664] {strides = array<i32>} : memref<100x32xf32, #tpu.memory_space<vmem>>, vector<1x16xf32>,
      %get3A_666 = vector.shape_cast %get3A_665 : vector<1x16xf32> to vector<16xf32>
      %get3A_667 = arith.constant 51 : i32
      %get3A_668 = arith.index_cast %get3A_667 : i32 to index
      %get3A_669 = arith.constant 0 : index
      %get3A_670 = tpu.vector_load %arg6[%get3A_668, %get3A_669] {strides = array<i32>} : memref<100x32xf32, #tpu.memory_space<vmem>>, vector<1x16xf32>,
      %get3A_671 = vector.shape_cast %get3A_670 : vector<1x16xf32> to vector<16xf32>
      %get3A_672 = arith.constant 52 : i32
      %get3A_673 = arith.index_cast %get3A_672 : i32 to index
      %get3A_674 = arith.constant 0 : index
      %get3A_675 = tpu.vector_load %arg6[%get3A_673, %get3A_674] {strides = array<i32>} : memref<100x32xf32, #tpu.memory_space<vmem>>, vector<1x16xf32>,
      %get3A_676 = vector.shape_cast %get3A_675 : vector<1x16xf32> to vector<16xf32>
      %get3A_677 = arith.constant 53 : i32
      %get3A_678 = arith.index_cast %get3A_677 : i32 to index
      %get3A_679 = arith.constant 0 : index
      %get3A_680 = tpu.vector_load %arg6[%get3A_678, %get3A_679] {strides = array<i32>} : memref<100x32xf32, #tpu.memory_space<vmem>>, vector<1x16xf32>,
      %get3A_681 = vector.shape_cast %get3A_680 : vector<1x16xf32> to vector<16xf32>
      %get3A_682 = arith.constant 54 : i32
      %get3A_683 = arith.index_cast %get3A_682 : i32 to index
      %get3A_684 = arith.constant 0 : index
      %get3A_685 = tpu.vector_load %arg6[%get3A_683, %get3A_684] {strides = array<i32>} : memref<100x32xf32, #tpu.memory_space<vmem>>, vector<1x16xf32>,
      %get3A_686 = vector.shape_cast %get3A_685 : vector<1x16xf32> to vector<16xf32>
      %get3A_687 = arith.constant 55 : i32
      %get3A_688 = arith.index_cast %get3A_687 : i32 to index
      %get3A_689 = arith.constant 0 : index
      %get3A_690 = tpu.vector_load %arg6[%get3A_688, %get3A_689] {strides = array<i32>} : memref<100x32xf32, #tpu.memory_space<vmem>>, vector<1x16xf32>,
      %get3A_691 = vector.shape_cast %get3A_690 : vector<1x16xf32> to vector<16xf32>
      %get3A_692 = arith.constant 56 : i32
      %get3A_693 = arith.index_cast %get3A_692 : i32 to index
      %get3A_694 = arith.constant 0 : index
      %get3A_695 = tpu.vector_load %arg6[%get3A_693, %get3A_694] {strides = array<i32>} : memref<100x32xf32, #tpu.memory_space<vmem>>, vector<1x16xf32>,
      %get3A_696 = vector.shape_cast %get3A_695 : vector<1x16xf32> to vector<16xf32>
      %get3A_697 = arith.constant 57 : i32
      %get3A_698 = arith.index_cast %get3A_697 : i32 to index
      %get3A_699 = arith.constant 0 : index
      %get3A_700 = tpu.vector_load %arg6[%get3A_698, %get3A_699] {strides = array<i32>} : memref<100x32xf32, #tpu.memory_space<vmem>>, vector<1x16xf32>,
      %get3A_701 = vector.shape_cast %get3A_700 : vector<1x16xf32> to vector<16xf32>
      %get3A_702 = arith.constant 58 : i32
      %get3A_703 = arith.index_cast %get3A_702 : i32 to index
      %get3A_704 = arith.constant 0 : index
      %get3A_705 = tpu.vector_load %arg6[%get3A_703, %get3A_704] {strides = array<i32>} : memref<100x32xf32, #tpu.memory_space<vmem>>, vector<1x16xf32>,
      %get3A_706 = vector.shape_cast %get3A_705 : vector<1x16xf32> to vector<16xf32>
      %get3A_707 = arith.constant 59 : i32
      %get3A_708 = arith.index_cast %get3A_707 : i32 to index
      %get3A_709 = arith.constant 0 : index
      %get3A_710 = tpu.vector_load %arg6[%get3A_708, %get3A_709] {strides = array<i32>} : memref<100x32xf32, #tpu.memory_space<vmem>>, vector<1x16xf32>,
      %get3A_711 = vector.shape_cast %get3A_710 : vector<1x16xf32> to vector<16xf32>
      %get3A_712 = arith.constant 60 : i32
      %get3A_713 = arith.index_cast %get3A_712 : i32 to index
      %get3A_714 = arith.constant 0 : index
      %get3A_715 = tpu.vector_load %arg6[%get3A_713, %get3A_714] {strides = array<i32>} : memref<100x32xf32, #tpu.memory_space<vmem>>, vector<1x16xf32>,
      %get3A_716 = vector.shape_cast %get3A_715 : vector<1x16xf32> to vector<16xf32>
      %get3A_717 = arith.constant 61 : i32
      %get3A_718 = arith.index_cast %get3A_717 : i32 to index
      %get3A_719 = arith.constant 0 : index
      %get3A_720 = tpu.vector_load %arg6[%get3A_718, %get3A_719] {strides = array<i32>} : memref<100x32xf32, #tpu.memory_space<vmem>>, vector<1x16xf32>,
      %get3A_721 = vector.shape_cast %get3A_720 : vector<1x16xf32> to vector<16xf32>
      %get3A_722 = arith.constant 62 : i32
      %get3A_723 = arith.index_cast %get3A_722 : i32 to index
      %get3A_724 = arith.constant 0 : index
      %get3A_725 = tpu.vector_load %arg6[%get3A_723, %get3A_724] {strides = array<i32>} : memref<100x32xf32, #tpu.memory_space<vmem>>, vector<1x16xf32>,
      %get3A_726 = vector.shape_cast %get3A_725 : vector<1x16xf32> to vector<16xf32>
      %get3A_727 = arith.constant 63 : i32
      %get3A_728 = arith.index_cast %get3A_727 : i32 to index
      %get3A_729 = arith.constant 0 : index
      %get3A_730 = tpu.vector_load %arg6[%get3A_728, %get3A_729] {strides = array<i32>} : memref<100x32xf32, #tpu.memory_space<vmem>>, vector<1x16xf32>,
      %get3A_731 = vector.shape_cast %get3A_730 : vector<1x16xf32> to vector<16xf32>
      %get3A_732 = arith.constant 64 : i32
      %get3A_733 = arith.index_cast %get3A_732 : i32 to index
      %get3A_734 = arith.constant 0 : index
      %get3A_735 = tpu.vector_load %arg6[%get3A_733, %get3A_734] {strides = array<i32>} : memref<100x32xf32, #tpu.memory_space<vmem>>, vector<1x16xf32>,
      %get3A_736 = vector.shape_cast %get3A_735 : vector<1x16xf32> to vector<16xf32>
      %get3A_737 = arith.constant 65 : i32
      %get3A_738 = arith.index_cast %get3A_737 : i32 to index
      %get3A_739 = arith.constant 0 : index
      %get3A_740 = tpu.vector_load %arg6[%get3A_738, %get3A_739] {strides = array<i32>} : memref<100x32xf32, #tpu.memory_space<vmem>>, vector<1x16xf32>,
      %get3A_741 = vector.shape_cast %get3A_740 : vector<1x16xf32> to vector<16xf32>
      %get3A_742 = arith.constant 66 : i32
      %get3A_743 = arith.index_cast %get3A_742 : i32 to index
      %get3A_744 = arith.constant 0 : index
      %get3A_745 = tpu.vector_load %arg6[%get3A_743, %get3A_744] {strides = array<i32>} : memref<100x32xf32, #tpu.memory_space<vmem>>, vector<1x16xf32>,
      %get3A_746 = vector.shape_cast %get3A_745 : vector<1x16xf32> to vector<16xf32>
      %get3A_747 = arith.constant 67 : i32
      %get3A_748 = arith.index_cast %get3A_747 : i32 to index
      %get3A_749 = arith.constant 0 : index
      %get3A_750 = tpu.vector_load %arg6[%get3A_748, %get3A_749] {strides = array<i32>} : memref<100x32xf32, #tpu.memory_space<vmem>>, vector<1x16xf32>,
      %get3A_751 = vector.shape_cast %get3A_750 : vector<1x16xf32> to vector<16xf32>
      %get3A_752 = arith.constant 68 : i32
      %get3A_753 = arith.index_cast %get3A_752 : i32 to index
      %get3A_754 = arith.constant 0 : index
      %get3A_755 = tpu.vector_load %arg6[%get3A_753, %get3A_754] {strides = array<i32>} : memref<100x32xf32, #tpu.memory_space<vmem>>, vector<1x16xf32>,
      %get3A_756 = vector.shape_cast %get3A_755 : vector<1x16xf32> to vector<16xf32>
      %get3A_757 = arith.constant 69 : i32
      %get3A_758 = arith.index_cast %get3A_757 : i32 to index
      %get3A_759 = arith.constant 0 : index
      %get3A_760 = tpu.vector_load %arg6[%get3A_758, %get3A_759] {strides = array<i32>} : memref<100x32xf32, #tpu.memory_space<vmem>>, vector<1x16xf32>,
      %get3A_761 = vector.shape_cast %get3A_760 : vector<1x16xf32> to vector<16xf32>
      %get3A_762 = arith.constant 70 : i32
      %get3A_763 = arith.index_cast %get3A_762 : i32 to index
      %get3A_764 = arith.constant 0 : index
      %get3A_765 = tpu.vector_load %arg6[%get3A_763, %get3A_764] {strides = array<i32>} : memref<100x32xf32, #tpu.memory_space<vmem>>, vector<1x16xf32>,
      %get3A_766 = vector.shape_cast %get3A_765 : vector<1x16xf32> to vector<16xf32>
      %get3A_767 = arith.constant 71 : i32
      %get3A_768 = arith.index_cast %get3A_767 : i32 to index
      %get3A_769 = arith.constant 0 : index
      %get3A_770 = tpu.vector_load %arg6[%get3A_768, %get3A_769] {strides = array<i32>} : memref<100x32xf32, #tpu.memory_space<vmem>>, vector<1x16xf32>,
      %get3A_771 = vector.shape_cast %get3A_770 : vector<1x16xf32> to vector<16xf32>
      %get3A_772 = arith.constant 72 : i32
      %get3A_773 = arith.index_cast %get3A_772 : i32 to index
      %get3A_774 = arith.constant 0 : index
      %get3A_775 = tpu.vector_load %arg6[%get3A_773, %get3A_774] {strides = array<i32>} : memref<100x32xf32, #tpu.memory_space<vmem>>, vector<1x16xf32>,
      %get3A_776 = vector.shape_cast %get3A_775 : vector<1x16xf32> to vector<16xf32>
      %get3A_777 = arith.constant 73 : i32
      %get3A_778 = arith.index_cast %get3A_777 : i32 to index
      %get3A_779 = arith.constant 0 : index
      %get3A_780 = tpu.vector_load %arg6[%get3A_778, %get3A_779] {strides = array<i32>} : memref<100x32xf32, #tpu.memory_space<vmem>>, vector<1x16xf32>,
      %get3A_781 = vector.shape_cast %get3A_780 : vector<1x16xf32> to vector<16xf32>
      %get3A_782 = arith.constant 74 : i32
      %get3A_783 = arith.index_cast %get3A_782 : i32 to index
      %get3A_784 = arith.constant 0 : index
      %get3A_785 = tpu.vector_load %arg6[%get3A_783, %get3A_784] {strides = array<i32>} : memref<100x32xf32, #tpu.memory_space<vmem>>, vector<1x16xf32>,
      %get3A_786 = vector.shape_cast %get3A_785 : vector<1x16xf32> to vector<16xf32>
      %get3A_787 = arith.constant 75 : i32
      %get3A_788 = arith.index_cast %get3A_787 : i32 to index
      %get3A_789 = arith.constant 0 : index
      %get3A_790 = tpu.vector_load %arg6[%get3A_788, %get3A_789] {strides = array<i32>} : memref<100x32xf32, #tpu.memory_space<vmem>>, vector<1x16xf32>,
      %get3A_791 = vector.shape_cast %get3A_790 : vector<1x16xf32> to vector<16xf32>
      %get3A_792 = arith.constant 76 : i32
      %get3A_793 = arith.index_cast %get3A_792 : i32 to index
      %get3A_794 = arith.constant 0 : index
      %get3A_795 = tpu.vector_load %arg6[%get3A_793, %get3A_794] {strides = array<i32>} : memref<100x32xf32, #tpu.memory_space<vmem>>, vector<1x16xf32>,
      %get3A_796 = vector.shape_cast %get3A_795 : vector<1x16xf32> to vector<16xf32>
      %get3A_797 = arith.constant 77 : i32
      %get3A_798 = arith.index_cast %get3A_797 : i32 to index
      %get3A_799 = arith.constant 0 : index
      %get3A_800 = tpu.vector_load %arg6[%get3A_798, %get3A_799] {strides = array<i32>} : memref<100x32xf32, #tpu.memory_space<vmem>>, vector<1x16xf32>,
      %get3A_801 = vector.shape_cast %get3A_800 : vector<1x16xf32> to vector<16xf32>
      %get3A_802 = arith.constant 78 : i32
      %get3A_803 = arith.index_cast %get3A_802 : i32 to index
      %get3A_804 = arith.constant 0 : index
      %get3A_805 = tpu.vector_load %arg6[%get3A_803, %get3A_804] {strides = array<i32>} : memref<100x32xf32, #tpu.memory_space<vmem>>, vector<1x16xf32>,
      %get3A_806 = vector.shape_cast %get3A_805 : vector<1x16xf32> to vector<16xf32>
      %get3A_807 = arith.constant 79 : i32
      %get3A_808 = arith.index_cast %get3A_807 : i32 to index
      %get3A_809 = arith.constant 0 : index
      %get3A_810 = tpu.vector_load %arg6[%get3A_808, %get3A_809] {strides = array<i32>} : memref<100x32xf32, #tpu.memory_space<vmem>>, vector<1x16xf32>,
      %get3A_811 = vector.shape_cast %get3A_810 : vector<1x16xf32> to vector<16xf32>
      %get3A_812 = arith.constant 80 : i32
      %get3A_813 = arith.index_cast %get3A_812 : i32 to index
      %get3A_814 = arith.constant 0 : index
      %get3A_815 = tpu.vector_load %arg6[%get3A_813, %get3A_814] {strides = array<i32>} : memref<100x32xf32, #tpu.memory_space<vmem>>, vector<1x16xf32>,
      %get3A_816 = vector.shape_cast %get3A_815 : vector<1x16xf32> to vector<16xf32>
      %get3A_817 = arith.constant 81 : i32
      %get3A_818 = arith.index_cast %get3A_817 : i32 to index
      %get3A_819 = arith.constant 0 : index
      %get3A_820 = tpu.vector_load %arg6[%get3A_818, %get3A_819] {strides = array<i32>} : memref<100x32xf32, #tpu.memory_space<vmem>>, vector<1x16xf32>,
      %get3A_821 = vector.shape_cast %get3A_820 : vector<1x16xf32> to vector<16xf32>
      %get3A_822 = arith.constant 82 : i32
      %get3A_823 = arith.index_cast %get3A_822 : i32 to index
      %get3A_824 = arith.constant 0 : index
      %get3A_825 = tpu.vector_load %arg6[%get3A_823, %get3A_824] {strides = array<i32>} : memref<100x32xf32, #tpu.memory_space<vmem>>, vector<1x16xf32>,
      %get3A_826 = vector.shape_cast %get3A_825 : vector<1x16xf32> to vector<16xf32>
      %get3A_827 = arith.constant 83 : i32
      %get3A_828 = arith.index_cast %get3A_827 : i32 to index
      %get3A_829 = arith.constant 0 : index
      %get3A_830 = tpu.vector_load %arg6[%get3A_828, %get3A_829] {strides = array<i32>} : memref<100x32xf32, #tpu.memory_space<vmem>>, vector<1x16xf32>,
      %get3A_831 = vector.shape_cast %get3A_830 : vector<1x16xf32> to vector<16xf32>
      %get3A_832 = arith.constant 84 : i32
      %get3A_833 = arith.index_cast %get3A_832 : i32 to index
      %get3A_834 = arith.constant 0 : index
      %get3A_835 = tpu.vector_load %arg6[%get3A_833, %get3A_834] {strides = array<i32>} : memref<100x32xf32, #tpu.memory_space<vmem>>, vector<1x16xf32>,
      %get3A_836 = vector.shape_cast %get3A_835 : vector<1x16xf32> to vector<16xf32>
      %get3A_837 = arith.constant 85 : i32
      %get3A_838 = arith.index_cast %get3A_837 : i32 to index
      %get3A_839 = arith.constant 0 : index
      %get3A_840 = tpu.vector_load %arg6[%get3A_838, %get3A_839] {strides = array<i32>} : memref<100x32xf32, #tpu.memory_space<vmem>>, vector<1x16xf32>,
      %get3A_841 = vector.shape_cast %get3A_840 : vector<1x16xf32> to vector<16xf32>
      %get3A_842 = arith.constant 86 : i32
      %get3A_843 = arith.index_cast %get3A_842 : i32 to index
      %get3A_844 = arith.constant 0 : index
      %get3A_845 = tpu.vector_load %arg6[%get3A_843, %get3A_844] {strides = array<i32>} : memref<100x32xf32, #tpu.memory_space<vmem>>, vector<1x16xf32>,
      %get3A_846 = vector.shape_cast %get3A_845 : vector<1x16xf32> to vector<16xf32>
      %get3A_847 = arith.constant 87 : i32
      %get3A_848 = arith.index_cast %get3A_847 : i32 to index
      %get3A_849 = arith.constant 0 : index
      %get3A_850 = tpu.vector_load %arg6[%get3A_848, %get3A_849] {strides = array<i32>} : memref<100x32xf32, #tpu.memory_space<vmem>>, vector<1x16xf32>,
      %get3A_851 = vector.shape_cast %get3A_850 : vector<1x16xf32> to vector<16xf32>
      %get3A_852 = arith.constant 88 : i32
      %get3A_853 = arith.index_cast %get3A_852 : i32 to index
      %get3A_854 = arith.constant 0 : index
      %get3A_855 = tpu.vector_load %arg6[%get3A_853, %get3A_854] {strides = array<i32>} : memref<100x32xf32, #tpu.memory_space<vmem>>, vector<1x16xf32>,
      %get3A_856 = vector.shape_cast %get3A_855 : vector<1x16xf32> to vector<16xf32>
      %get3A_857 = arith.constant 89 : i32
      %get3A_858 = arith.index_cast %get3A_857 : i32 to index
      %get3A_859 = arith.constant 0 : index
      %get3A_860 = tpu.vector_load %arg6[%get3A_858, %get3A_859] {strides = array<i32>} : memref<100x32xf32, #tpu.memory_space<vmem>>, vector<1x16xf32>,
      %get3A_861 = vector.shape_cast %get3A_860 : vector<1x16xf32> to vector<16xf32>
      %get3A_862 = arith.constant 90 : i32
      %get3A_863 = arith.index_cast %get3A_862 : i32 to index
      %get3A_864 = arith.constant 0 : index
      %get3A_865 = tpu.vector_load %arg6[%get3A_863, %get3A_864] {strides = array<i32>} : memref<100x32xf32, #tpu.memory_space<vmem>>, vector<1x16xf32>,
      %get3A_866 = vector.shape_cast %get3A_865 : vector<1x16xf32> to vector<16xf32>
      %get3A_867 = arith.constant 91 : i32
      %get3A_868 = arith.index_cast %get3A_867 : i32 to index
      %get3A_869 = arith.constant 0 : index
      %get3A_870 = tpu.vector_load %arg6[%get3A_868, %get3A_869] {strides = array<i32>} : memref<100x32xf32, #tpu.memory_space<vmem>>, vector<1x16xf32>,
      %get3A_871 = vector.shape_cast %get3A_870 : vector<1x16xf32> to vector<16xf32>
      %get3A_872 = arith.constant 92 : i32
      %get3A_873 = arith.index_cast %get3A_872 : i32 to index
      %get3A_874 = arith.constant 0 : index
      %get3A_875 = tpu.vector_load %arg6[%get3A_873, %get3A_874] {strides = array<i32>} : memref<100x32xf32, #tpu.memory_space<vmem>>, vector<1x16xf32>,
      %get3A_876 = vector.shape_cast %get3A_875 : vector<1x16xf32> to vector<16xf32>
      %get3A_877 = arith.constant 93 : i32
      %get3A_878 = arith.index_cast %get3A_877 : i32 to index
      %get3A_879 = arith.constant 0 : index
      %get3A_880 = tpu.vector_load %arg6[%get3A_878, %get3A_879] {strides = array<i32>} : memref<100x32xf32, #tpu.memory_space<vmem>>, vector<1x16xf32>,
      %get3A_881 = vector.shape_cast %get3A_880 : vector<1x16xf32> to vector<16xf32>
      %get3A_882 = arith.constant 94 : i32
      %get3A_883 = arith.index_cast %get3A_882 : i32 to index
      %get3A_884 = arith.constant 0 : index
      %get3A_885 = tpu.vector_load %arg6[%get3A_883, %get3A_884] {strides = array<i32>} : memref<100x32xf32, #tpu.memory_space<vmem>>, vector<1x16xf32>,
      %get3A_886 = vector.shape_cast %get3A_885 : vector<1x16xf32> to vector<16xf32>
      %get3A_887 = arith.constant 95 : i32
      %get3A_888 = arith.index_cast %get3A_887 : i32 to index
      %get3A_889 = arith.constant 0 : index
      %get3A_890 = tpu.vector_load %arg6[%get3A_888, %get3A_889] {strides = array<i32>} : memref<100x32xf32, #tpu.memory_space<vmem>>, vector<1x16xf32>,
      %get3A_891 = vector.shape_cast %get3A_890 : vector<1x16xf32> to vector<16xf32>
      %get3A_892 = arith.constant 96 : i32
      %get3A_893 = arith.index_cast %get3A_892 : i32 to index
      %get3A_894 = arith.constant 0 : index
      %get3A_895 = tpu.vector_load %arg6[%get3A_893, %get3A_894] {strides = array<i32>} : memref<100x32xf32, #tpu.memory_space<vmem>>, vector<1x16xf32>,
      %get3A_896 = vector.shape_cast %get3A_895 : vector<1x16xf32> to vector<16xf32>
      %get3A_897 = arith.constant 97 : i32
      %get3A_898 = arith.index_cast %get3A_897 : i32 to index
      %get3A_899 = arith.constant 0 : index
      %get3A_900 = tpu.vector_load %arg6[%get3A_898, %get3A_899] {strides = array<i32>} : memref<100x32xf32, #tpu.memory_space<vmem>>, vector<1x16xf32>,
      %get3A_901 = vector.shape_cast %get3A_900 : vector<1x16xf32> to vector<16xf32>
      %get3A_902 = arith.constant 98 : i32
      %get3A_903 = arith.index_cast %get3A_902 : i32 to index
      %get3A_904 = arith.constant 0 : index
      %get3A_905 = tpu.vector_load %arg6[%get3A_903, %get3A_904] {strides = array<i32>} : memref<100x32xf32, #tpu.memory_space<vmem>>, vector<1x16xf32>,
      %get3A_906 = vector.shape_cast %get3A_905 : vector<1x16xf32> to vector<16xf32>
      %get3A_907 = arith.constant 99 : i32
      %get3A_908 = arith.index_cast %get3A_907 : i32 to index
      %get3A_909 = arith.constant 0 : index
      %get3A_910 = tpu.vector_load %arg6[%get3A_908, %get3A_909] {strides = array<i32>} : memref<100x32xf32, #tpu.memory_space<vmem>>, vector<1x16xf32>,
      %get3A_911 = vector.shape_cast %get3A_910 : vector<1x16xf32> to vector<16xf32>
      %add3A_912 = arith.addf %get3A_666, %get3A_671 : vector<16xf32>
      %add3A_913 = arith.addf %get3A_676, %get3A_681 : vector<16xf32>
      %add3A_914 = arith.addf %get3A_686, %get3A_691 : vector<16xf32>
      %add3A_915 = arith.addf %get3A_696, %get3A_701 : vector<16xf32>
      %add3A_916 = arith.addf %get3A_706, %get3A_711 : vector<16xf32>
      %add3A_917 = arith.addf %get3A_716, %get3A_721 : vector<16xf32>
      %add3A_918 = arith.addf %get3A_726, %get3A_731 : vector<16xf32>
      %add3A_919 = arith.addf %get3A_736, %get3A_741 : vector<16xf32>
      %add3A_920 = arith.addf %get3A_746, %get3A_751 : vector<16xf32>
      %add3A_921 = arith.addf %get3A_756, %get3A_761 : vector<16xf32>
      %add3A_922 = arith.addf %get3A_766, %get3A_771 : vector<16xf32>
      %add3A_923 = arith.addf %get3A_776, %get3A_781 : vector<16xf32>
      %add3A_924 = arith.addf %get3A_786, %get3A_791 : vector<16xf32>
      %add3A_925 = arith.addf %get3A_796, %get3A_801 : vector<16xf32>
      %add3A_926 = arith.addf %get3A_806, %get3A_811 : vector<16xf32>
      %add3A_927 = arith.addf %get3A_816, %get3A_821 : vector<16xf32>
      %add3A_928 = arith.addf %get3A_826, %get3A_831 : vector<16xf32>
      %add3A_929 = arith.addf %get3A_836, %get3A_841 : vector<16xf32>
      %add3A_930 = arith.addf %get3A_846, %get3A_851 : vector<16xf32>
      %add3A_931 = arith.addf %get3A_856, %get3A_861 : vector<16xf32>
      %add3A_932 = arith.addf %get3A_866, %get3A_871 : vector<16xf32>
      %add3A_933 = arith.addf %get3A_876, %get3A_881 : vector<16xf32>
      %add3A_934 = arith.addf %get3A_886, %get3A_891 : vector<16xf32>
      %add3A_935 = arith.addf %get3A_896, %get3A_901 : vector<16xf32>
      %add3A_936 = arith.addf %get3A_906, %get3A_911 : vector<16xf32>
      %add3A_937 = arith.addf %add3A_912, %add3A_913 : vector<16xf32>
      %add3A_938 = arith.addf %add3A_914, %add3A_915 : vector<16xf32>
      %add3A_939 = arith.addf %add3A_916, %add3A_917 : vector<16xf32>
      %add3A_940 = arith.addf %add3A_918, %add3A_919 : vector<16xf32>
      %add3A_941 = arith.addf %add3A_920, %add3A_921 : vector<16xf32>
      %add3A_942 = arith.addf %add3A_922, %add3A_923 : vector<16xf32>
      %add3A_943 = arith.addf %add3A_924, %add3A_925 : vector<16xf32>
      %add3A_944 = arith.addf %add3A_926, %add3A_927 : vector<16xf32>
      %add3A_945 = arith.addf %add3A_928, %add3A_929 : vector<16xf32>
      %add3A_946 = arith.addf %add3A_930, %add3A_931 : vector<16xf32>
      %add3A_947 = arith.addf %add3A_932, %add3A_933 : vector<16xf32>
      %add3A_948 = arith.addf %add3A_934, %add3A_935 : vector<16xf32>
      %add3A_949 = arith.addf %add3A_937, %add3A_938 : vector<16xf32>
      %add3A_950 = arith.addf %add3A_939, %add3A_940 : vector<16xf32>
      %add3A_951 = arith.addf %add3A_941, %add3A_942 : vector<16xf32>
      %add3A_952 = arith.addf %add3A_943, %add3A_944 : vector<16xf32>
      %add3A_953 = arith.addf %add3A_945, %add3A_946 : vector<16xf32>
      %add3A_954 = arith.addf %add3A_947, %add3A_948 : vector<16xf32>
      %add3A_955 = arith.addf %add3A_949, %add3A_950 : vector<16xf32>
      %add3A_956 = arith.addf %add3A_951, %add3A_952 : vector<16xf32>
      %add3A_957 = arith.addf %add3A_953, %add3A_954 : vector<16xf32>
      %add3A_958 = arith.addf %add3A_955, %add3A_956 : vector<16xf32>
      %add3A_959 = arith.addf %add3A_957, %add3A_936 : vector<16xf32>
      %add3A_960 = arith.addf %add3A_958, %add3A_959 : vector<16xf32>
      %swap3A_961 = arith.index_cast %add3A_661 : i32 to index
      %swap3A_962 = arith.constant 0 : index
      %swap3A_963 = tpu.vector_load %arg10[%swap3A_961, %swap3A_962] {strides = array<i32>} : memref<512x32xf32, #tpu.memory_space<vmem>>, vector<1x16xf32>,
      %swap3A_964 = vector.shape_cast %swap3A_963 : vector<1x16xf32> to vector<16xf32>
      %swap3A_965 = vector.shape_cast %add3A_960 : vector<16xf32> to vector<1x16xf32>
      tpu.vector_store %arg10[%swap3A_961, %swap3A_962], %swap3A_965 {strides = array<i32>} : memref<512x32xf32, #tpu.memory_space<vmem>>, vector<1x16xf32>,
      %get3A_966 = arith.constant 50 : i32
      %get3A_967 = arith.index_cast %get3A_966 : i32 to index
      %get3A_968 = arith.constant 16 : index
      %get3A_969 = tpu.vector_load %arg6[%get3A_967, %get3A_968] {strides = array<i32>} : memref<100x32xf32, #tpu.memory_space<vmem>>, vector<1x16xf32>,
      %get3A_970 = vector.shape_cast %get3A_969 : vector<1x16xf32> to vector<16xf32>
      %get3A_971 = arith.constant 51 : i32
      %get3A_972 = arith.index_cast %get3A_971 : i32 to index
      %get3A_973 = arith.constant 16 : index
      %get3A_974 = tpu.vector_load %arg6[%get3A_972, %get3A_973] {strides = array<i32>} : memref<100x32xf32, #tpu.memory_space<vmem>>, vector<1x16xf32>,
      %get3A_975 = vector.shape_cast %get3A_974 : vector<1x16xf32> to vector<16xf32>
      %get3A_976 = arith.constant 52 : i32
      %get3A_977 = arith.index_cast %get3A_976 : i32 to index
      %get3A_978 = arith.constant 16 : index
      %get3A_979 = tpu.vector_load %arg6[%get3A_977, %get3A_978] {strides = array<i32>} : memref<100x32xf32, #tpu.memory_space<vmem>>, vector<1x16xf32>,
      %get3A_980 = vector.shape_cast %get3A_979 : vector<1x16xf32> to vector<16xf32>
      %get3A_981 = arith.constant 53 : i32
      %get3A_982 = arith.index_cast %get3A_981 : i32 to index
      %get3A_983 = arith.constant 16 : index
      %get3A_984 = tpu.vector_load %arg6[%get3A_982, %get3A_983] {strides = array<i32>} : memref<100x32xf32, #tpu.memory_space<vmem>>, vector<1x16xf32>,
      %get3A_985 = vector.shape_cast %get3A_984 : vector<1x16xf32> to vector<16xf32>
      %get3A_986 = arith.constant 54 : i32
      %get3A_987 = arith.index_cast %get3A_986 : i32 to index
      %get3A_988 = arith.constant 16 : index
      %get3A_989 = tpu.vector_load %arg6[%get3A_987, %get3A_988] {strides = array<i32>} : memref<100x32xf32, #tpu.memory_space<vmem>>, vector<1x16xf32>,
      %get3A_990 = vector.shape_cast %get3A_989 : vector<1x16xf32> to vector<16xf32>
      %get3A_991 = arith.constant 55 : i32
      %get3A_992 = arith.index_cast %get3A_991 : i32 to index
      %get3A_993 = arith.constant 16 : index
      %get3A_994 = tpu.vector_load %arg6[%get3A_992, %get3A_993] {strides = array<i32>} : memref<100x32xf32, #tpu.memory_space<vmem>>, vector<1x16xf32>,
      %get3A_995 = vector.shape_cast %get3A_994 : vector<1x16xf32> to vector<16xf32>
      %get3A_996 = arith.constant 56 : i32
      %get3A_997 = arith.index_cast %get3A_996 : i32 to index
      %get3A_998 = arith.constant 16 : index
      %get3A_999 = tpu.vector_load %arg6[%get3A_997, %get3A_998] {strides = array<i32>} : memref<100x32xf32, #tpu.memory_space<vmem>>, vector<1x16xf32>,
      %get3A_1000 = vector.shape_cast %get3A_999 : vector<1x16xf32> to vector<16xf32>
      %get3A_1001 = arith.constant 57 : i32
      %get3A_1002 = arith.index_cast %get3A_1001 : i32 to index
      %get3A_1003 = arith.constant 16 : index
      %get3A_1004 = tpu.vector_load %arg6[%get3A_1002, %get3A_1003] {strides = array<i32>} : memref<100x32xf32, #tpu.memory_space<vmem>>, vector<1x16xf32>,
      %get3A_1005 = vector.shape_cast %get3A_1004 : vector<1x16xf32> to vector<16xf32>
      %get3A_1006 = arith.constant 58 : i32
      %get3A_1007 = arith.index_cast %get3A_1006 : i32 to index
      %get3A_1008 = arith.constant 16 : index
      %get3A_1009 = tpu.vector_load %arg6[%get3A_1007, %get3A_1008] {strides = array<i32>} : memref<100x32xf32, #tpu.memory_space<vmem>>, vector<1x16xf32>,
      %get3A_1010 = vector.shape_cast %get3A_1009 : vector<1x16xf32> to vector<16xf32>
      %get3A_1011 = arith.constant 59 : i32
      %get3A_1012 = arith.index_cast %get3A_1011 : i32 to index
      %get3A_1013 = arith.constant 16 : index
      %get3A_1014 = tpu.vector_load %arg6[%get3A_1012, %get3A_1013] {strides = array<i32>} : memref<100x32xf32, #tpu.memory_space<vmem>>, vector<1x16xf32>,
      %get3A_1015 = vector.shape_cast %get3A_1014 : vector<1x16xf32> to vector<16xf32>
      %get3A_1016 = arith.constant 60 : i32
      %get3A_1017 = arith.index_cast %get3A_1016 : i32 to index
      %get3A_1018 = arith.constant 16 : index
      %get3A_1019 = tpu.vector_load %arg6[%get3A_1017, %get3A_1018] {strides = array<i32>} : memref<100x32xf32, #tpu.memory_space<vmem>>, vector<1x16xf32>,
      %get3A_1020 = vector.shape_cast %get3A_1019 : vector<1x16xf32> to vector<16xf32>
      %get3A_1021 = arith.constant 61 : i32
      %get3A_1022 = arith.index_cast %get3A_1021 : i32 to index
      %get3A_1023 = arith.constant 16 : index
      %get3A_1024 = tpu.vector_load %arg6[%get3A_1022, %get3A_1023] {strides = array<i32>} : memref<100x32xf32, #tpu.memory_space<vmem>>, vector<1x16xf32>,
      %get3A_1025 = vector.shape_cast %get3A_1024 : vector<1x16xf32> to vector<16xf32>
      %get3A_1026 = arith.constant 62 : i32
      %get3A_1027 = arith.index_cast %get3A_1026 : i32 to index
      %get3A_1028 = arith.constant 16 : index
      %get3A_1029 = tpu.vector_load %arg6[%get3A_1027, %get3A_1028] {strides = array<i32>} : memref<100x32xf32, #tpu.memory_space<vmem>>, vector<1x16xf32>,
      %get3A_1030 = vector.shape_cast %get3A_1029 : vector<1x16xf32> to vector<16xf32>
      %get3A_1031 = arith.constant 63 : i32
      %get3A_1032 = arith.index_cast %get3A_1031 : i32 to index
      %get3A_1033 = arith.constant 16 : index
      %get3A_1034 = tpu.vector_load %arg6[%get3A_1032, %get3A_1033] {strides = array<i32>} : memref<100x32xf32, #tpu.memory_space<vmem>>, vector<1x16xf32>,
      %get3A_1035 = vector.shape_cast %get3A_1034 : vector<1x16xf32> to vector<16xf32>
      %get3A_1036 = arith.constant 64 : i32
      %get3A_1037 = arith.index_cast %get3A_1036 : i32 to index
      %get3A_1038 = arith.constant 16 : index
      %get3A_1039 = tpu.vector_load %arg6[%get3A_1037, %get3A_1038] {strides = array<i32>} : memref<100x32xf32, #tpu.memory_space<vmem>>, vector<1x16xf32>,
      %get3A_1040 = vector.shape_cast %get3A_1039 : vector<1x16xf32> to vector<16xf32>
      %get3A_1041 = arith.constant 65 : i32
      %get3A_1042 = arith.index_cast %get3A_1041 : i32 to index
      %get3A_1043 = arith.constant 16 : index
      %get3A_1044 = tpu.vector_load %arg6[%get3A_1042, %get3A_1043] {strides = array<i32>} : memref<100x32xf32, #tpu.memory_space<vmem>>, vector<1x16xf32>,
      %get3A_1045 = vector.shape_cast %get3A_1044 : vector<1x16xf32> to vector<16xf32>
      %get3A_1046 = arith.constant 66 : i32
      %get3A_1047 = arith.index_cast %get3A_1046 : i32 to index
      %get3A_1048 = arith.constant 16 : index
      %get3A_1049 = tpu.vector_load %arg6[%get3A_1047, %get3A_1048] {strides = array<i32>} : memref<100x32xf32, #tpu.memory_space<vmem>>, vector<1x16xf32>,
      %get3A_1050 = vector.shape_cast %get3A_1049 : vector<1x16xf32> to vector<16xf32>
      %get3A_1051 = arith.constant 67 : i32
      %get3A_1052 = arith.index_cast %get3A_1051 : i32 to index
      %get3A_1053 = arith.constant 16 : index
      %get3A_1054 = tpu.vector_load %arg6[%get3A_1052, %get3A_1053] {strides = array<i32>} : memref<100x32xf32, #tpu.memory_space<vmem>>, vector<1x16xf32>,
      %get3A_1055 = vector.shape_cast %get3A_1054 : vector<1x16xf32> to vector<16xf32>
      %get3A_1056 = arith.constant 68 : i32
      %get3A_1057 = arith.index_cast %get3A_1056 : i32 to index
      %get3A_1058 = arith.constant 16 : index
      %get3A_1059 = tpu.vector_load %arg6[%get3A_1057, %get3A_1058] {strides = array<i32>} : memref<100x32xf32, #tpu.memory_space<vmem>>, vector<1x16xf32>,
      %get3A_1060 = vector.shape_cast %get3A_1059 : vector<1x16xf32> to vector<16xf32>
      %get3A_1061 = arith.constant 69 : i32
      %get3A_1062 = arith.index_cast %get3A_1061 : i32 to index
      %get3A_1063 = arith.constant 16 : index
      %get3A_1064 = tpu.vector_load %arg6[%get3A_1062, %get3A_1063] {strides = array<i32>} : memref<100x32xf32, #tpu.memory_space<vmem>>, vector<1x16xf32>,
      %get3A_1065 = vector.shape_cast %get3A_1064 : vector<1x16xf32> to vector<16xf32>
      %get3A_1066 = arith.constant 70 : i32
      %get3A_1067 = arith.index_cast %get3A_1066 : i32 to index
      %get3A_1068 = arith.constant 16 : index
      %get3A_1069 = tpu.vector_load %arg6[%get3A_1067, %get3A_1068] {strides = array<i32>} : memref<100x32xf32, #tpu.memory_space<vmem>>, vector<1x16xf32>,
      %get3A_1070 = vector.shape_cast %get3A_1069 : vector<1x16xf32> to vector<16xf32>
      %get3A_1071 = arith.constant 71 : i32
      %get3A_1072 = arith.index_cast %get3A_1071 : i32 to index
      %get3A_1073 = arith.constant 16 : index
      %get3A_1074 = tpu.vector_load %arg6[%get3A_1072, %get3A_1073] {strides = array<i32>} : memref<100x32xf32, #tpu.memory_space<vmem>>, vector<1x16xf32>,
      %get3A_1075 = vector.shape_cast %get3A_1074 : vector<1x16xf32> to vector<16xf32>
      %get3A_1076 = arith.constant 72 : i32
      %get3A_1077 = arith.index_cast %get3A_1076 : i32 to index
      %get3A_1078 = arith.constant 16 : index
      %get3A_1079 = tpu.vector_load %arg6[%get3A_1077, %get3A_1078] {strides = array<i32>} : memref<100x32xf32, #tpu.memory_space<vmem>>, vector<1x16xf32>,
      %get3A_1080 = vector.shape_cast %get3A_1079 : vector<1x16xf32> to vector<16xf32>
      %get3A_1081 = arith.constant 73 : i32
      %get3A_1082 = arith.index_cast %get3A_1081 : i32 to index
      %get3A_1083 = arith.constant 16 : index
      %get3A_1084 = tpu.vector_load %arg6[%get3A_1082, %get3A_1083] {strides = array<i32>} : memref<100x32xf32, #tpu.memory_space<vmem>>, vector<1x16xf32>,
      %get3A_1085 = vector.shape_cast %get3A_1084 : vector<1x16xf32> to vector<16xf32>
      %get3A_1086 = arith.constant 74 : i32
      %get3A_1087 = arith.index_cast %get3A_1086 : i32 to index
      %get3A_1088 = arith.constant 16 : index
      %get3A_1089 = tpu.vector_load %arg6[%get3A_1087, %get3A_1088] {strides = array<i32>} : memref<100x32xf32, #tpu.memory_space<vmem>>, vector<1x16xf32>,
      %get3A_1090 = vector.shape_cast %get3A_1089 : vector<1x16xf32> to vector<16xf32>
      %get3A_1091 = arith.constant 75 : i32
      %get3A_1092 = arith.index_cast %get3A_1091 : i32 to index
      %get3A_1093 = arith.constant 16 : index
      %get3A_1094 = tpu.vector_load %arg6[%get3A_1092, %get3A_1093] {strides = array<i32>} : memref<100x32xf32, #tpu.memory_space<vmem>>, vector<1x16xf32>,
      %get3A_1095 = vector.shape_cast %get3A_1094 : vector<1x16xf32> to vector<16xf32>
      %get3A_1096 = arith.constant 76 : i32
      %get3A_1097 = arith.index_cast %get3A_1096 : i32 to index
      %get3A_1098 = arith.constant 16 : index
      %get3A_1099 = tpu.vector_load %arg6[%get3A_1097, %get3A_1098] {strides = array<i32>} : memref<100x32xf32, #tpu.memory_space<vmem>>, vector<1x16xf32>,
      %get3A_1100 = vector.shape_cast %get3A_1099 : vector<1x16xf32> to vector<16xf32>
      %get3A_1101 = arith.constant 77 : i32
      %get3A_1102 = arith.index_cast %get3A_1101 : i32 to index
      %get3A_1103 = arith.constant 16 : index
      %get3A_1104 = tpu.vector_load %arg6[%get3A_1102, %get3A_1103] {strides = array<i32>} : memref<100x32xf32, #tpu.memory_space<vmem>>, vector<1x16xf32>,
      %get3A_1105 = vector.shape_cast %get3A_1104 : vector<1x16xf32> to vector<16xf32>
      %get3A_1106 = arith.constant 78 : i32
      %get3A_1107 = arith.index_cast %get3A_1106 : i32 to index
      %get3A_1108 = arith.constant 16 : index
      %get3A_1109 = tpu.vector_load %arg6[%get3A_1107, %get3A_1108] {strides = array<i32>} : memref<100x32xf32, #tpu.memory_space<vmem>>, vector<1x16xf32>,
      %get3A_1110 = vector.shape_cast %get3A_1109 : vector<1x16xf32> to vector<16xf32>
      %get3A_1111 = arith.constant 79 : i32
      %get3A_1112 = arith.index_cast %get3A_1111 : i32 to index
      %get3A_1113 = arith.constant 16 : index
      %get3A_1114 = tpu.vector_load %arg6[%get3A_1112, %get3A_1113] {strides = array<i32>} : memref<100x32xf32, #tpu.memory_space<vmem>>, vector<1x16xf32>,
      %get3A_1115 = vector.shape_cast %get3A_1114 : vector<1x16xf32> to vector<16xf32>
      %get3A_1116 = arith.constant 80 : i32
      %get3A_1117 = arith.index_cast %get3A_1116 : i32 to index
      %get3A_1118 = arith.constant 16 : index
      %get3A_1119 = tpu.vector_load %arg6[%get3A_1117, %get3A_1118] {strides = array<i32>} : memref<100x32xf32, #tpu.memory_space<vmem>>, vector<1x16xf32>,
      %get3A_1120 = vector.shape_cast %get3A_1119 : vector<1x16xf32> to vector<16xf32>
      %get3A_1121 = arith.constant 81 : i32
      %get3A_1122 = arith.index_cast %get3A_1121 : i32 to index
      %get3A_1123 = arith.constant 16 : index
      %get3A_1124 = tpu.vector_load %arg6[%get3A_1122, %get3A_1123] {strides = array<i32>} : memref<100x32xf32, #tpu.memory_space<vmem>>, vector<1x16xf32>,
      %get3A_1125 = vector.shape_cast %get3A_1124 : vector<1x16xf32> to vector<16xf32>
      %get3A_1126 = arith.constant 82 : i32
      %get3A_1127 = arith.index_cast %get3A_1126 : i32 to index
      %get3A_1128 = arith.constant 16 : index
      %get3A_1129 = tpu.vector_load %arg6[%get3A_1127, %get3A_1128] {strides = array<i32>} : memref<100x32xf32, #tpu.memory_space<vmem>>, vector<1x16xf32>,
      %get3A_1130 = vector.shape_cast %get3A_1129 : vector<1x16xf32> to vector<16xf32>
      %get3A_1131 = arith.constant 83 : i32
      %get3A_1132 = arith.index_cast %get3A_1131 : i32 to index
      %get3A_1133 = arith.constant 16 : index
      %get3A_1134 = tpu.vector_load %arg6[%get3A_1132, %get3A_1133] {strides = array<i32>} : memref<100x32xf32, #tpu.memory_space<vmem>>, vector<1x16xf32>,
      %get3A_1135 = vector.shape_cast %get3A_1134 : vector<1x16xf32> to vector<16xf32>
      %get3A_1136 = arith.constant 84 : i32
      %get3A_1137 = arith.index_cast %get3A_1136 : i32 to index
      %get3A_1138 = arith.constant 16 : index
      %get3A_1139 = tpu.vector_load %arg6[%get3A_1137, %get3A_1138] {strides = array<i32>} : memref<100x32xf32, #tpu.memory_space<vmem>>, vector<1x16xf32>,
      %get3A_1140 = vector.shape_cast %get3A_1139 : vector<1x16xf32> to vector<16xf32>
      %get3A_1141 = arith.constant 85 : i32
      %get3A_1142 = arith.index_cast %get3A_1141 : i32 to index
      %get3A_1143 = arith.constant 16 : index
      %get3A_1144 = tpu.vector_load %arg6[%get3A_1142, %get3A_1143] {strides = array<i32>} : memref<100x32xf32, #tpu.memory_space<vmem>>, vector<1x16xf32>,
      %get3A_1145 = vector.shape_cast %get3A_1144 : vector<1x16xf32> to vector<16xf32>
      %get3A_1146 = arith.constant 86 : i32
      %get3A_1147 = arith.index_cast %get3A_1146 : i32 to index
      %get3A_1148 = arith.constant 16 : index
      %get3A_1149 = tpu.vector_load %arg6[%get3A_1147, %get3A_1148] {strides = array<i32>} : memref<100x32xf32, #tpu.memory_space<vmem>>, vector<1x16xf32>,
      %get3A_1150 = vector.shape_cast %get3A_1149 : vector<1x16xf32> to vector<16xf32>
      %get3A_1151 = arith.constant 87 : i32
      %get3A_1152 = arith.index_cast %get3A_1151 : i32 to index
      %get3A_1153 = arith.constant 16 : index
      %get3A_1154 = tpu.vector_load %arg6[%get3A_1152, %get3A_1153] {strides = array<i32>} : memref<100x32xf32, #tpu.memory_space<vmem>>, vector<1x16xf32>,
      %get3A_1155 = vector.shape_cast %get3A_1154 : vector<1x16xf32> to vector<16xf32>
      %get3A_1156 = arith.constant 88 : i32
      %get3A_1157 = arith.index_cast %get3A_1156 : i32 to index
      %get3A_1158 = arith.constant 16 : index
      %get3A_1159 = tpu.vector_load %arg6[%get3A_1157, %get3A_1158] {strides = array<i32>} : memref<100x32xf32, #tpu.memory_space<vmem>>, vector<1x16xf32>,
      %get3A_1160 = vector.shape_cast %get3A_1159 : vector<1x16xf32> to vector<16xf32>
      %get3A_1161 = arith.constant 89 : i32
      %get3A_1162 = arith.index_cast %get3A_1161 : i32 to index
      %get3A_1163 = arith.constant 16 : index
      %get3A_1164 = tpu.vector_load %arg6[%get3A_1162, %get3A_1163] {strides = array<i32>} : memref<100x32xf32, #tpu.memory_space<vmem>>, vector<1x16xf32>,
      %get3A_1165 = vector.shape_cast %get3A_1164 : vector<1x16xf32> to vector<16xf32>
      %get3A_1166 = arith.constant 90 : i32
      %get3A_1167 = arith.index_cast %get3A_1166 : i32 to index
      %get3A_1168 = arith.constant 16 : index
      %get3A_1169 = tpu.vector_load %arg6[%get3A_1167, %get3A_1168] {strides = array<i32>} : memref<100x32xf32, #tpu.memory_space<vmem>>, vector<1x16xf32>,
      %get3A_1170 = vector.shape_cast %get3A_1169 : vector<1x16xf32> to vector<16xf32>
      %get3A_1171 = arith.constant 91 : i32
      %get3A_1172 = arith.index_cast %get3A_1171 : i32 to index
      %get3A_1173 = arith.constant 16 : index
      %get3A_1174 = tpu.vector_load %arg6[%get3A_1172, %get3A_1173] {strides = array<i32>} : memref<100x32xf32, #tpu.memory_space<vmem>>, vector<1x16xf32>,
      %get3A_1175 = vector.shape_cast %get3A_1174 : vector<1x16xf32> to vector<16xf32>
      %get3A_1176 = arith.constant 92 : i32
      %get3A_1177 = arith.index_cast %get3A_1176 : i32 to index
      %get3A_1178 = arith.constant 16 : index
      %get3A_1179 = tpu.vector_load %arg6[%get3A_1177, %get3A_1178] {strides = array<i32>} : memref<100x32xf32, #tpu.memory_space<vmem>>, vector<1x16xf32>,
      %get3A_1180 = vector.shape_cast %get3A_1179 : vector<1x16xf32> to vector<16xf32>
      %get3A_1181 = arith.constant 93 : i32
      %get3A_1182 = arith.index_cast %get3A_1181 : i32 to index
      %get3A_1183 = arith.constant 16 : index
      %get3A_1184 = tpu.vector_load %arg6[%get3A_1182, %get3A_1183] {strides = array<i32>} : memref<100x32xf32, #tpu.memory_space<vmem>>, vector<1x16xf32>,
      %get3A_1185 = vector.shape_cast %get3A_1184 : vector<1x16xf32> to vector<16xf32>
      %get3A_1186 = arith.constant 94 : i32
      %get3A_1187 = arith.index_cast %get3A_1186 : i32 to index
      %get3A_1188 = arith.constant 16 : index
      %get3A_1189 = tpu.vector_load %arg6[%get3A_1187, %get3A_1188] {strides = array<i32>} : memref<100x32xf32, #tpu.memory_space<vmem>>, vector<1x16xf32>,
      %get3A_1190 = vector.shape_cast %get3A_1189 : vector<1x16xf32> to vector<16xf32>
      %get3A_1191 = arith.constant 95 : i32
      %get3A_1192 = arith.index_cast %get3A_1191 : i32 to index
      %get3A_1193 = arith.constant 16 : index
      %get3A_1194 = tpu.vector_load %arg6[%get3A_1192, %get3A_1193] {strides = array<i32>} : memref<100x32xf32, #tpu.memory_space<vmem>>, vector<1x16xf32>,
      %get3A_1195 = vector.shape_cast %get3A_1194 : vector<1x16xf32> to vector<16xf32>
      %get3A_1196 = arith.constant 96 : i32
      %get3A_1197 = arith.index_cast %get3A_1196 : i32 to index
      %get3A_1198 = arith.constant 16 : index
      %get3A_1199 = tpu.vector_load %arg6[%get3A_1197, %get3A_1198] {strides = array<i32>} : memref<100x32xf32, #tpu.memory_space<vmem>>, vector<1x16xf32>,
      %get3A_1200 = vector.shape_cast %get3A_1199 : vector<1x16xf32> to vector<16xf32>
      %get3A_1201 = arith.constant 97 : i32
      %get3A_1202 = arith.index_cast %get3A_1201 : i32 to index
      %get3A_1203 = arith.constant 16 : index
      %get3A_1204 = tpu.vector_load %arg6[%get3A_1202, %get3A_1203] {strides = array<i32>} : memref<100x32xf32, #tpu.memory_space<vmem>>, vector<1x16xf32>,
      %get3A_1205 = vector.shape_cast %get3A_1204 : vector<1x16xf32> to vector<16xf32>
      %get3A_1206 = arith.constant 98 : i32
      %get3A_1207 = arith.index_cast %get3A_1206 : i32 to index
      %get3A_1208 = arith.constant 16 : index
      %get3A_1209 = tpu.vector_load %arg6[%get3A_1207, %get3A_1208] {strides = array<i32>} : memref<100x32xf32, #tpu.memory_space<vmem>>, vector<1x16xf32>,
      %get3A_1210 = vector.shape_cast %get3A_1209 : vector<1x16xf32> to vector<16xf32>
      %get3A_1211 = arith.constant 99 : i32
      %get3A_1212 = arith.index_cast %get3A_1211 : i32 to index
      %get3A_1213 = arith.constant 16 : index
      %get3A_1214 = tpu.vector_load %arg6[%get3A_1212, %get3A_1213] {strides = array<i32>} : memref<100x32xf32, #tpu.memory_space<vmem>>, vector<1x16xf32>,
      %get3A_1215 = vector.shape_cast %get3A_1214 : vector<1x16xf32> to vector<16xf32>
      %add3A_1216 = arith.addf %get3A_970, %get3A_975 : vector<16xf32>
      %add3A_1217 = arith.addf %get3A_980, %get3A_985 : vector<16xf32>
      %add3A_1218 = arith.addf %get3A_990, %get3A_995 : vector<16xf32>
      %add3A_1219 = arith.addf %get3A_1000, %get3A_1005 : vector<16xf32>
      %add3A_1220 = arith.addf %get3A_1010, %get3A_1015 : vector<16xf32>
      %add3A_1221 = arith.addf %get3A_1020, %get3A_1025 : vector<16xf32>
      %add3A_1222 = arith.addf %get3A_1030, %get3A_1035 : vector<16xf32>
      %add3A_1223 = arith.addf %get3A_1040, %get3A_1045 : vector<16xf32>
      %add3A_1224 = arith.addf %get3A_1050, %get3A_1055 : vector<16xf32>
      %add3A_1225 = arith.addf %get3A_1060, %get3A_1065 : vector<16xf32>
      %add3A_1226 = arith.addf %get3A_1070, %get3A_1075 : vector<16xf32>
      %add3A_1227 = arith.addf %get3A_1080, %get3A_1085 : vector<16xf32>
      %add3A_1228 = arith.addf %get3A_1090, %get3A_1095 : vector<16xf32>
      %add3A_1229 = arith.addf %get3A_1100, %get3A_1105 : vector<16xf32>
      %add3A_1230 = arith.addf %get3A_1110, %get3A_1115 : vector<16xf32>
      %add3A_1231 = arith.addf %get3A_1120, %get3A_1125 : vector<16xf32>
      %add3A_1232 = arith.addf %get3A_1130, %get3A_1135 : vector<16xf32>
      %add3A_1233 = arith.addf %get3A_1140, %get3A_1145 : vector<16xf32>
      %add3A_1234 = arith.addf %get3A_1150, %get3A_1155 : vector<16xf32>
      %add3A_1235 = arith.addf %get3A_1160, %get3A_1165 : vector<16xf32>
      %add3A_1236 = arith.addf %get3A_1170, %get3A_1175 : vector<16xf32>
      %add3A_1237 = arith.addf %get3A_1180, %get3A_1185 : vector<16xf32>
      %add3A_1238 = arith.addf %get3A_1190, %get3A_1195 : vector<16xf32>
      %add3A_1239 = arith.addf %get3A_1200, %get3A_1205 : vector<16xf32>
      %add3A_1240 = arith.addf %get3A_1210, %get3A_1215 : vector<16xf32>
      %add3A_1241 = arith.addf %add3A_1216, %add3A_1217 : vector<16xf32>
      %add3A_1242 = arith.addf %add3A_1218, %add3A_1219 : vector<16xf32>
      %add3A_1243 = arith.addf %add3A_1220, %add3A_1221 : vector<16xf32>
      %add3A_1244 = arith.addf %add3A_1222, %add3A_1223 : vector<16xf32>
      %add3A_1245 = arith.addf %add3A_1224, %add3A_1225 : vector<16xf32>
      %add3A_1246 = arith.addf %add3A_1226, %add3A_1227 : vector<16xf32>
      %add3A_1247 = arith.addf %add3A_1228, %add3A_1229 : vector<16xf32>
      %add3A_1248 = arith.addf %add3A_1230, %add3A_1231 : vector<16xf32>
      %add3A_1249 = arith.addf %add3A_1232, %add3A_1233 : vector<16xf32>
      %add3A_1250 = arith.addf %add3A_1234, %add3A_1235 : vector<16xf32>
      %add3A_1251 = arith.addf %add3A_1236, %add3A_1237 : vector<16xf32>
      %add3A_1252 = arith.addf %add3A_1238, %add3A_1239 : vector<16xf32>
      %add3A_1253 = arith.addf %add3A_1241, %add3A_1242 : vector<16xf32>
      %add3A_1254 = arith.addf %add3A_1243, %add3A_1244 : vector<16xf32>
      %add3A_1255 = arith.addf %add3A_1245, %add3A_1246 : vector<16xf32>
      %add3A_1256 = arith.addf %add3A_1247, %add3A_1248 : vector<16xf32>
      %add3A_1257 = arith.addf %add3A_1249, %add3A_1250 : vector<16xf32>
      %add3A_1258 = arith.addf %add3A_1251, %add3A_1252 : vector<16xf32>
      %add3A_1259 = arith.addf %add3A_1253, %add3A_1254 : vector<16xf32>
      %add3A_1260 = arith.addf %add3A_1255, %add3A_1256 : vector<16xf32>
      %add3A_1261 = arith.addf %add3A_1257, %add3A_1258 : vector<16xf32>
      %add3A_1262 = arith.addf %add3A_1259, %add3A_1260 : vector<16xf32>
      %add3A_1263 = arith.addf %add3A_1261, %add3A_1240 : vector<16xf32>
      %add3A_1264 = arith.addf %add3A_1262, %add3A_1263 : vector<16xf32>
      %swap3A_1265 = arith.index_cast %add3A_661 : i32 to index
      %swap3A_1266 = arith.constant 16 : index
      %swap3A_1267 = tpu.vector_load %arg10[%swap3A_1265, %swap3A_1266] {strides = array<i32>} : memref<512x32xf32, #tpu.memory_space<vmem>>, vector<1x16xf32>,
      %swap3A_1268 = vector.shape_cast %swap3A_1267 : vector<1x16xf32> to vector<16xf32>
      %swap3A_1269 = vector.shape_cast %add3A_1264 : vector<16xf32> to vector<1x16xf32>
      tpu.vector_store %arg10[%swap3A_1265, %swap3A_1266], %swap3A_1269 {strides = array<i32>} : memref<512x32xf32, #tpu.memory_space<vmem>>, vector<1x16xf32>,
      %add3A_1270 = arith.constant 0 : i32
      %add3A_1271 = arith.addi %add3A_38, %add3A_1270 : i32
      %add3A_1272 = arith.constant 4 : i32
      %add3A_1273 = arith.addi %add3A_1271, %add3A_1272 : i32
      %lt3A = arith.constant 256 : i32
      %lt3A_1274 = arith.cmpi slt, %add3A_1273, %lt3A : i32
      %convert_element_type3A = arith.extui %lt3A_1274 : i1 to i32
      %cond3A = arith.constant 0 : i32
      %cond3A_1275 = arith.cmpi ne, %convert_element_type3A, %cond3A : i32
      scf.if %cond3A_1275 {
        %add3A_5005 = arith.constant 0 : i32
        %add3A_5006 = arith.addi %add3A_38, %add3A_5005 : i32
        %add3A_5007 = arith.constant 4 : i32
        %add3A_5008 = arith.addi %add3A_5006, %add3A_5007 : i32
        %dma_start3A_5009 = arith.constant 0 : i32
        %dma_start3A_5010 = tpu.memref_slice %arg5[%add3A_5008, %dma_start3A_5009] : memref<256x100xi32, #tpu.memory_space<vmem>> -> memref<1x100xi32, #tpu.memory_space<vmem>>
        %dma_start3A_5011 = tpu.memref_squeeze %dma_start3A_5010 : memref<1x100xi32, #tpu.memory_space<vmem>> -> memref<100xi32, #tpu.memory_space<vmem>>
        %dma_start3A_5012 = arith.constant 0 : i32
        %dma_start3A_5013 = arith.constant 0 : i32
        %dma_start3A_5014 = tpu.memref_slice %arg3[%dma_start3A_5012, %dma_start3A_5013] : memref<1015808x32xf32, #tpu.memory_space<hbm>> -> memref<1015808x32xf32, #tpu.memory_space<hbm>>
        tpu.enqueue_indirect_dma source(%dma_start3A_5014 : memref<1015808x32xf32, #tpu.memory_space<hbm>>) target(%arg6 : memref<100x32xf32, #tpu.memory_space<vmem>>) offsets(%dma_start3A_5011 : memref<100xi32, #tpu.memory_space<vmem>>) semaphore(%arg11 : memref<!tpu.dma_semaphore, #tpu.memory_space<semaphore_mem>>)
      } else {
      }
      %add3A_1276 = arith.constant 1 : i32
      %add3A_1277 = arith.addi %add3A_38, %add3A_1276 : i32
      %dma_wait3A_1278 = arith.constant 0 : i32
      %dma_wait3A_1279 = tpu.memref_slice %arg5[%add3A_1277, %dma_wait3A_1278] : memref<256x100xi32, #tpu.memory_space<vmem>> -> memref<1x100xi32, #tpu.memory_space<vmem>>
      %dma_wait3A_1280 = tpu.memref_squeeze %dma_wait3A_1279 : memref<1x100xi32, #tpu.memory_space<vmem>> -> memref<100xi32, #tpu.memory_space<vmem>>
      %dma_wait3A_1281 = arith.constant 0 : i32
      %dma_wait3A_1282 = arith.constant 0 : i32
      %dma_wait3A_1283 = tpu.memref_slice %arg3[%dma_wait3A_1281, %dma_wait3A_1282] : memref<1015808x32xf32, #tpu.memory_space<hbm>> -> memref<1015808x32xf32, #tpu.memory_space<hbm>>
      tpu.wait_indirect_dma semaphore(%arg12 : memref<!tpu.dma_semaphore, #tpu.memory_space<semaphore_mem>>) src(%dma_wait3A_1283 : memref<1015808x32xf32, #tpu.memory_space<hbm>>) dst(%arg7 : memref<100x32xf32, #tpu.memory_space<vmem>>)
      %add3A_1284 = arith.constant 1 : i32
      %add3A_1285 = arith.addi %add3A_38, %add3A_1284 : i32
      %mul3A_1286 = arith.constant 2 : i32
      %mul3A_1287 = arith.muli %add3A_1285, %mul3A_1286 : i32
      %add3A_1288 = arith.constant 0 : i32
      %add3A_1289 = arith.addi %mul3A_1287, %add3A_1288 : i32
      %get3A_1290 = arith.constant 0 : i32
      %get3A_1291 = arith.index_cast %get3A_1290 : i32 to index
      %get3A_1292 = arith.constant 0 : index
      %get3A_1293 = tpu.vector_load %arg7[%get3A_1291, %get3A_1292] {strides = array<i32>} : memref<100x32xf32, #tpu.memory_space<vmem>>, vector<1x16xf32>,
      %get3A_1294 = vector.shape_cast %get3A_1293 : vector<1x16xf32> to vector<16xf32>
      %get3A_1295 = arith.constant 1 : i32
      %get3A_1296 = arith.index_cast %get3A_1295 : i32 to index
      %get3A_1297 = arith.constant 0 : index
      %get3A_1298 = tpu.vector_load %arg7[%get3A_1296, %get3A_1297] {strides = array<i32>} : memref<100x32xf32, #tpu.memory_space<vmem>>, vector<1x16xf32>,
      %get3A_1299 = vector.shape_cast %get3A_1298 : vector<1x16xf32> to vector<16xf32>
      %get3A_1300 = arith.constant 2 : i32
      %get3A_1301 = arith.index_cast %get3A_1300 : i32 to index
      %get3A_1302 = arith.constant 0 : index
      %get3A_1303 = tpu.vector_load %arg7[%get3A_1301, %get3A_1302] {strides = array<i32>} : memref<100x32xf32, #tpu.memory_space<vmem>>, vector<1x16xf32>,
      %get3A_1304 = vector.shape_cast %get3A_1303 : vector<1x16xf32> to vector<16xf32>
      %get3A_1305 = arith.constant 3 : i32
      %get3A_1306 = arith.index_cast %get3A_1305 : i32 to index
      %get3A_1307 = arith.constant 0 : index
      %get3A_1308 = tpu.vector_load %arg7[%get3A_1306, %get3A_1307] {strides = array<i32>} : memref<100x32xf32, #tpu.memory_space<vmem>>, vector<1x16xf32>,
      %get3A_1309 = vector.shape_cast %get3A_1308 : vector<1x16xf32> to vector<16xf32>
      %get3A_1310 = arith.constant 4 : i32
      %get3A_1311 = arith.index_cast %get3A_1310 : i32 to index
      %get3A_1312 = arith.constant 0 : index
      %get3A_1313 = tpu.vector_load %arg7[%get3A_1311, %get3A_1312] {strides = array<i32>} : memref<100x32xf32, #tpu.memory_space<vmem>>, vector<1x16xf32>,
      %get3A_1314 = vector.shape_cast %get3A_1313 : vector<1x16xf32> to vector<16xf32>
      %get3A_1315 = arith.constant 5 : i32
      %get3A_1316 = arith.index_cast %get3A_1315 : i32 to index
      %get3A_1317 = arith.constant 0 : index
      %get3A_1318 = tpu.vector_load %arg7[%get3A_1316, %get3A_1317] {strides = array<i32>} : memref<100x32xf32, #tpu.memory_space<vmem>>, vector<1x16xf32>,
      %get3A_1319 = vector.shape_cast %get3A_1318 : vector<1x16xf32> to vector<16xf32>
      %get3A_1320 = arith.constant 6 : i32
      %get3A_1321 = arith.index_cast %get3A_1320 : i32 to index
      %get3A_1322 = arith.constant 0 : index
      %get3A_1323 = tpu.vector_load %arg7[%get3A_1321, %get3A_1322] {strides = array<i32>} : memref<100x32xf32, #tpu.memory_space<vmem>>, vector<1x16xf32>,
      %get3A_1324 = vector.shape_cast %get3A_1323 : vector<1x16xf32> to vector<16xf32>
      %get3A_1325 = arith.constant 7 : i32
      %get3A_1326 = arith.index_cast %get3A_1325 : i32 to index
      %get3A_1327 = arith.constant 0 : index
      %get3A_1328 = tpu.vector_load %arg7[%get3A_1326, %get3A_1327] {strides = array<i32>} : memref<100x32xf32, #tpu.memory_space<vmem>>, vector<1x16xf32>,
      %get3A_1329 = vector.shape_cast %get3A_1328 : vector<1x16xf32> to vector<16xf32>
      %get3A_1330 = arith.constant 8 : i32
      %get3A_1331 = arith.index_cast %get3A_1330 : i32 to index
      %get3A_1332 = arith.constant 0 : index
      %get3A_1333 = tpu.vector_load %arg7[%get3A_1331, %get3A_1332] {strides = array<i32>} : memref<100x32xf32, #tpu.memory_space<vmem>>, vector<1x16xf32>,
      %get3A_1334 = vector.shape_cast %get3A_1333 : vector<1x16xf32> to vector<16xf32>
      %get3A_1335 = arith.constant 9 : i32
      %get3A_1336 = arith.index_cast %get3A_1335 : i32 to index
      %get3A_1337 = arith.constant 0 : index
      %get3A_1338 = tpu.vector_load %arg7[%get3A_1336, %get3A_1337] {strides = array<i32>} : memref<100x32xf32, #tpu.memory_space<vmem>>, vector<1x16xf32>,
      %get3A_1339 = vector.shape_cast %get3A_1338 : vector<1x16xf32> to vector<16xf32>
      %get3A_1340 = arith.constant 10 : i32
      %get3A_1341 = arith.index_cast %get3A_1340 : i32 to index
      %get3A_1342 = arith.constant 0 : index
      %get3A_1343 = tpu.vector_load %arg7[%get3A_1341, %get3A_1342] {strides = array<i32>} : memref<100x32xf32, #tpu.memory_space<vmem>>, vector<1x16xf32>,
      %get3A_1344 = vector.shape_cast %get3A_1343 : vector<1x16xf32> to vector<16xf32>
      %get3A_1345 = arith.constant 11 : i32
      %get3A_1346 = arith.index_cast %get3A_1345 : i32 to index
      %get3A_1347 = arith.constant 0 : index
      %get3A_1348 = tpu.vector_load %arg7[%get3A_1346, %get3A_1347] {strides = array<i32>} : memref<100x32xf32, #tpu.memory_space<vmem>>, vector<1x16xf32>,
      %get3A_1349 = vector.shape_cast %get3A_1348 : vector<1x16xf32> to vector<16xf32>
      %get3A_1350 = arith.constant 12 : i32
      %get3A_1351 = arith.index_cast %get3A_1350 : i32 to index
      %get3A_1352 = arith.constant 0 : index
      %get3A_1353 = tpu.vector_load %arg7[%get3A_1351, %get3A_1352] {strides = array<i32>} : memref<100x32xf32, #tpu.memory_space<vmem>>, vector<1x16xf32>,
      %get3A_1354 = vector.shape_cast %get3A_1353 : vector<1x16xf32> to vector<16xf32>
      %get3A_1355 = arith.constant 13 : i32
      %get3A_1356 = arith.index_cast %get3A_1355 : i32 to index
      %get3A_1357 = arith.constant 0 : index
      %get3A_1358 = tpu.vector_load %arg7[%get3A_1356, %get3A_1357] {strides = array<i32>} : memref<100x32xf32, #tpu.memory_space<vmem>>, vector<1x16xf32>,
      %get3A_1359 = vector.shape_cast %get3A_1358 : vector<1x16xf32> to vector<16xf32>
      %get3A_1360 = arith.constant 14 : i32
      %get3A_1361 = arith.index_cast %get3A_1360 : i32 to index
      %get3A_1362 = arith.constant 0 : index
      %get3A_1363 = tpu.vector_load %arg7[%get3A_1361, %get3A_1362] {strides = array<i32>} : memref<100x32xf32, #tpu.memory_space<vmem>>, vector<1x16xf32>,
      %get3A_1364 = vector.shape_cast %get3A_1363 : vector<1x16xf32> to vector<16xf32>
      %get3A_1365 = arith.constant 15 : i32
      %get3A_1366 = arith.index_cast %get3A_1365 : i32 to index
      %get3A_1367 = arith.constant 0 : index
      %get3A_1368 = tpu.vector_load %arg7[%get3A_1366, %get3A_1367] {strides = array<i32>} : memref<100x32xf32, #tpu.memory_space<vmem>>, vector<1x16xf32>,
      %get3A_1369 = vector.shape_cast %get3A_1368 : vector<1x16xf32> to vector<16xf32>
      %get3A_1370 = arith.constant 16 : i32
      %get3A_1371 = arith.index_cast %get3A_1370 : i32 to index
      %get3A_1372 = arith.constant 0 : index
      %get3A_1373 = tpu.vector_load %arg7[%get3A_1371, %get3A_1372] {strides = array<i32>} : memref<100x32xf32, #tpu.memory_space<vmem>>, vector<1x16xf32>,
      %get3A_1374 = vector.shape_cast %get3A_1373 : vector<1x16xf32> to vector<16xf32>
      %get3A_1375 = arith.constant 17 : i32
      %get3A_1376 = arith.index_cast %get3A_1375 : i32 to index
      %get3A_1377 = arith.constant 0 : index
      %get3A_1378 = tpu.vector_load %arg7[%get3A_1376, %get3A_1377] {strides = array<i32>} : memref<100x32xf32, #tpu.memory_space<vmem>>, vector<1x16xf32>,
      %get3A_1379 = vector.shape_cast %get3A_1378 : vector<1x16xf32> to vector<16xf32>
      %get3A_1380 = arith.constant 18 : i32
      %get3A_1381 = arith.index_cast %get3A_1380 : i32 to index
      %get3A_1382 = arith.constant 0 : index
      %get3A_1383 = tpu.vector_load %arg7[%get3A_1381, %get3A_1382] {strides = array<i32>} : memref<100x32xf32, #tpu.memory_space<vmem>>, vector<1x16xf32>,
      %get3A_1384 = vector.shape_cast %get3A_1383 : vector<1x16xf32> to vector<16xf32>
      %get3A_1385 = arith.constant 19 : i32
      %get3A_1386 = arith.index_cast %get3A_1385 : i32 to index
      %get3A_1387 = arith.constant 0 : index
      %get3A_1388 = tpu.vector_load %arg7[%get3A_1386, %get3A_1387] {strides = array<i32>} : memref<100x32xf32, #tpu.memory_space<vmem>>, vector<1x16xf32>,
      %get3A_1389 = vector.shape_cast %get3A_1388 : vector<1x16xf32> to vector<16xf32>
      %get3A_1390 = arith.constant 20 : i32
      %get3A_1391 = arith.index_cast %get3A_1390 : i32 to index
      %get3A_1392 = arith.constant 0 : index
      %get3A_1393 = tpu.vector_load %arg7[%get3A_1391, %get3A_1392] {strides = array<i32>} : memref<100x32xf32, #tpu.memory_space<vmem>>, vector<1x16xf32>,
      %get3A_1394 = vector.shape_cast %get3A_1393 : vector<1x16xf32> to vector<16xf32>
      %get3A_1395 = arith.constant 21 : i32
      %get3A_1396 = arith.index_cast %get3A_1395 : i32 to index
      %get3A_1397 = arith.constant 0 : index
      %get3A_1398 = tpu.vector_load %arg7[%get3A_1396, %get3A_1397] {strides = array<i32>} : memref<100x32xf32, #tpu.memory_space<vmem>>, vector<1x16xf32>,
      %get3A_1399 = vector.shape_cast %get3A_1398 : vector<1x16xf32> to vector<16xf32>
      %get3A_1400 = arith.constant 22 : i32
      %get3A_1401 = arith.index_cast %get3A_1400 : i32 to index
      %get3A_1402 = arith.constant 0 : index
      %get3A_1403 = tpu.vector_load %arg7[%get3A_1401, %get3A_1402] {strides = array<i32>} : memref<100x32xf32, #tpu.memory_space<vmem>>, vector<1x16xf32>,
      %get3A_1404 = vector.shape_cast %get3A_1403 : vector<1x16xf32> to vector<16xf32>
      %get3A_1405 = arith.constant 23 : i32
      %get3A_1406 = arith.index_cast %get3A_1405 : i32 to index
      %get3A_1407 = arith.constant 0 : index
      %get3A_1408 = tpu.vector_load %arg7[%get3A_1406, %get3A_1407] {strides = array<i32>} : memref<100x32xf32, #tpu.memory_space<vmem>>, vector<1x16xf32>,
      %get3A_1409 = vector.shape_cast %get3A_1408 : vector<1x16xf32> to vector<16xf32>
      %get3A_1410 = arith.constant 24 : i32
      %get3A_1411 = arith.index_cast %get3A_1410 : i32 to index
      %get3A_1412 = arith.constant 0 : index
      %get3A_1413 = tpu.vector_load %arg7[%get3A_1411, %get3A_1412] {strides = array<i32>} : memref<100x32xf32, #tpu.memory_space<vmem>>, vector<1x16xf32>,
      %get3A_1414 = vector.shape_cast %get3A_1413 : vector<1x16xf32> to vector<16xf32>
      %get3A_1415 = arith.constant 25 : i32
      %get3A_1416 = arith.index_cast %get3A_1415 : i32 to index
      %get3A_1417 = arith.constant 0 : index
      %get3A_1418 = tpu.vector_load %arg7[%get3A_1416, %get3A_1417] {strides = array<i32>} : memref<100x32xf32, #tpu.memory_space<vmem>>, vector<1x16xf32>,
      %get3A_1419 = vector.shape_cast %get3A_1418 : vector<1x16xf32> to vector<16xf32>
      %get3A_1420 = arith.constant 26 : i32
      %get3A_1421 = arith.index_cast %get3A_1420 : i32 to index
      %get3A_1422 = arith.constant 0 : index
      %get3A_1423 = tpu.vector_load %arg7[%get3A_1421, %get3A_1422] {strides = array<i32>} : memref<100x32xf32, #tpu.memory_space<vmem>>, vector<1x16xf32>,
      %get3A_1424 = vector.shape_cast %get3A_1423 : vector<1x16xf32> to vector<16xf32>
      %get3A_1425 = arith.constant 27 : i32
      %get3A_1426 = arith.index_cast %get3A_1425 : i32 to index
      %get3A_1427 = arith.constant 0 : index
      %get3A_1428 = tpu.vector_load %arg7[%get3A_1426, %get3A_1427] {strides = array<i32>} : memref<100x32xf32, #tpu.memory_space<vmem>>, vector<1x16xf32>,
      %get3A_1429 = vector.shape_cast %get3A_1428 : vector<1x16xf32> to vector<16xf32>
      %get3A_1430 = arith.constant 28 : i32
      %get3A_1431 = arith.index_cast %get3A_1430 : i32 to index
      %get3A_1432 = arith.constant 0 : index
      %get3A_1433 = tpu.vector_load %arg7[%get3A_1431, %get3A_1432] {strides = array<i32>} : memref<100x32xf32, #tpu.memory_space<vmem>>, vector<1x16xf32>,
      %get3A_1434 = vector.shape_cast %get3A_1433 : vector<1x16xf32> to vector<16xf32>
      %get3A_1435 = arith.constant 29 : i32
      %get3A_1436 = arith.index_cast %get3A_1435 : i32 to index
      %get3A_1437 = arith.constant 0 : index
      %get3A_1438 = tpu.vector_load %arg7[%get3A_1436, %get3A_1437] {strides = array<i32>} : memref<100x32xf32, #tpu.memory_space<vmem>>, vector<1x16xf32>,
      %get3A_1439 = vector.shape_cast %get3A_1438 : vector<1x16xf32> to vector<16xf32>
      %get3A_1440 = arith.constant 30 : i32
      %get3A_1441 = arith.index_cast %get3A_1440 : i32 to index
      %get3A_1442 = arith.constant 0 : index
      %get3A_1443 = tpu.vector_load %arg7[%get3A_1441, %get3A_1442] {strides = array<i32>} : memref<100x32xf32, #tpu.memory_space<vmem>>, vector<1x16xf32>,
      %get3A_1444 = vector.shape_cast %get3A_1443 : vector<1x16xf32> to vector<16xf32>
      %get3A_1445 = arith.constant 31 : i32
      %get3A_1446 = arith.index_cast %get3A_1445 : i32 to index
      %get3A_1447 = arith.constant 0 : index
      %get3A_1448 = tpu.vector_load %arg7[%get3A_1446, %get3A_1447] {strides = array<i32>} : memref<100x32xf32, #tpu.memory_space<vmem>>, vector<1x16xf32>,
      %get3A_1449 = vector.shape_cast %get3A_1448 : vector<1x16xf32> to vector<16xf32>
      %get3A_1450 = arith.constant 32 : i32
      %get3A_1451 = arith.index_cast %get3A_1450 : i32 to index
      %get3A_1452 = arith.constant 0 : index
      %get3A_1453 = tpu.vector_load %arg7[%get3A_1451, %get3A_1452] {strides = array<i32>} : memref<100x32xf32, #tpu.memory_space<vmem>>, vector<1x16xf32>,
      %get3A_1454 = vector.shape_cast %get3A_1453 : vector<1x16xf32> to vector<16xf32>
      %get3A_1455 = arith.constant 33 : i32
      %get3A_1456 = arith.index_cast %get3A_1455 : i32 to index
      %get3A_1457 = arith.constant 0 : index
      %get3A_1458 = tpu.vector_load %arg7[%get3A_1456, %get3A_1457] {strides = array<i32>} : memref<100x32xf32, #tpu.memory_space<vmem>>, vector<1x16xf32>,
      %get3A_1459 = vector.shape_cast %get3A_1458 : vector<1x16xf32> to vector<16xf32>
      %get3A_1460 = arith.constant 34 : i32
      %get3A_1461 = arith.index_cast %get3A_1460 : i32 to index
      %get3A_1462 = arith.constant 0 : index
      %get3A_1463 = tpu.vector_load %arg7[%get3A_1461, %get3A_1462] {strides = array<i32>} : memref<100x32xf32, #tpu.memory_space<vmem>>, vector<1x16xf32>,
      %get3A_1464 = vector.shape_cast %get3A_1463 : vector<1x16xf32> to vector<16xf32>
      %get3A_1465 = arith.constant 35 : i32
      %get3A_1466 = arith.index_cast %get3A_1465 : i32 to index
      %get3A_1467 = arith.constant 0 : index
      %get3A_1468 = tpu.vector_load %arg7[%get3A_1466, %get3A_1467] {strides = array<i32>} : memref<100x32xf32, #tpu.memory_space<vmem>>, vector<1x16xf32>,
      %get3A_1469 = vector.shape_cast %get3A_1468 : vector<1x16xf32> to vector<16xf32>
      %get3A_1470 = arith.constant 36 : i32
      %get3A_1471 = arith.index_cast %get3A_1470 : i32 to index
      %get3A_1472 = arith.constant 0 : index
      %get3A_1473 = tpu.vector_load %arg7[%get3A_1471, %get3A_1472] {strides = array<i32>} : memref<100x32xf32, #tpu.memory_space<vmem>>, vector<1x16xf32>,
      %get3A_1474 = vector.shape_cast %get3A_1473 : vector<1x16xf32> to vector<16xf32>
      %get3A_1475 = arith.constant 37 : i32
      %get3A_1476 = arith.index_cast %get3A_1475 : i32 to index
      %get3A_1477 = arith.constant 0 : index
      %get3A_1478 = tpu.vector_load %arg7[%get3A_1476, %get3A_1477] {strides = array<i32>} : memref<100x32xf32, #tpu.memory_space<vmem>>, vector<1x16xf32>,
      %get3A_1479 = vector.shape_cast %get3A_1478 : vector<1x16xf32> to vector<16xf32>
      %get3A_1480 = arith.constant 38 : i32
      %get3A_1481 = arith.index_cast %get3A_1480 : i32 to index
      %get3A_1482 = arith.constant 0 : index
      %get3A_1483 = tpu.vector_load %arg7[%get3A_1481, %get3A_1482] {strides = array<i32>} : memref<100x32xf32, #tpu.memory_space<vmem>>, vector<1x16xf32>,
      %get3A_1484 = vector.shape_cast %get3A_1483 : vector<1x16xf32> to vector<16xf32>
      %get3A_1485 = arith.constant 39 : i32
      %get3A_1486 = arith.index_cast %get3A_1485 : i32 to index
      %get3A_1487 = arith.constant 0 : index
      %get3A_1488 = tpu.vector_load %arg7[%get3A_1486, %get3A_1487] {strides = array<i32>} : memref<100x32xf32, #tpu.memory_space<vmem>>, vector<1x16xf32>,
      %get3A_1489 = vector.shape_cast %get3A_1488 : vector<1x16xf32> to vector<16xf32>
      %get3A_1490 = arith.constant 40 : i32
      %get3A_1491 = arith.index_cast %get3A_1490 : i32 to index
      %get3A_1492 = arith.constant 0 : index
      %get3A_1493 = tpu.vector_load %arg7[%get3A_1491, %get3A_1492] {strides = array<i32>} : memref<100x32xf32, #tpu.memory_space<vmem>>, vector<1x16xf32>,
      %get3A_1494 = vector.shape_cast %get3A_1493 : vector<1x16xf32> to vector<16xf32>
      %get3A_1495 = arith.constant 41 : i32
      %get3A_1496 = arith.index_cast %get3A_1495 : i32 to index
      %get3A_1497 = arith.constant 0 : index
      %get3A_1498 = tpu.vector_load %arg7[%get3A_1496, %get3A_1497] {strides = array<i32>} : memref<100x32xf32, #tpu.memory_space<vmem>>, vector<1x16xf32>,
      %get3A_1499 = vector.shape_cast %get3A_1498 : vector<1x16xf32> to vector<16xf32>
      %get3A_1500 = arith.constant 42 : i32
      %get3A_1501 = arith.index_cast %get3A_1500 : i32 to index
      %get3A_1502 = arith.constant 0 : index
      %get3A_1503 = tpu.vector_load %arg7[%get3A_1501, %get3A_1502] {strides = array<i32>} : memref<100x32xf32, #tpu.memory_space<vmem>>, vector<1x16xf32>,
      %get3A_1504 = vector.shape_cast %get3A_1503 : vector<1x16xf32> to vector<16xf32>
      %get3A_1505 = arith.constant 43 : i32
      %get3A_1506 = arith.index_cast %get3A_1505 : i32 to index
      %get3A_1507 = arith.constant 0 : index
      %get3A_1508 = tpu.vector_load %arg7[%get3A_1506, %get3A_1507] {strides = array<i32>} : memref<100x32xf32, #tpu.memory_space<vmem>>, vector<1x16xf32>,
      %get3A_1509 = vector.shape_cast %get3A_1508 : vector<1x16xf32> to vector<16xf32>
      %get3A_1510 = arith.constant 44 : i32
      %get3A_1511 = arith.index_cast %get3A_1510 : i32 to index
      %get3A_1512 = arith.constant 0 : index
      %get3A_1513 = tpu.vector_load %arg7[%get3A_1511, %get3A_1512] {strides = array<i32>} : memref<100x32xf32, #tpu.memory_space<vmem>>, vector<1x16xf32>,
      %get3A_1514 = vector.shape_cast %get3A_1513 : vector<1x16xf32> to vector<16xf32>
      %get3A_1515 = arith.constant 45 : i32
      %get3A_1516 = arith.index_cast %get3A_1515 : i32 to index
      %get3A_1517 = arith.constant 0 : index
      %get3A_1518 = tpu.vector_load %arg7[%get3A_1516, %get3A_1517] {strides = array<i32>} : memref<100x32xf32, #tpu.memory_space<vmem>>, vector<1x16xf32>,
      %get3A_1519 = vector.shape_cast %get3A_1518 : vector<1x16xf32> to vector<16xf32>
      %get3A_1520 = arith.constant 46 : i32
      %get3A_1521 = arith.index_cast %get3A_1520 : i32 to index
      %get3A_1522 = arith.constant 0 : index
      %get3A_1523 = tpu.vector_load %arg7[%get3A_1521, %get3A_1522] {strides = array<i32>} : memref<100x32xf32, #tpu.memory_space<vmem>>, vector<1x16xf32>,
      %get3A_1524 = vector.shape_cast %get3A_1523 : vector<1x16xf32> to vector<16xf32>
      %get3A_1525 = arith.constant 47 : i32
      %get3A_1526 = arith.index_cast %get3A_1525 : i32 to index
      %get3A_1527 = arith.constant 0 : index
      %get3A_1528 = tpu.vector_load %arg7[%get3A_1526, %get3A_1527] {strides = array<i32>} : memref<100x32xf32, #tpu.memory_space<vmem>>, vector<1x16xf32>,
      %get3A_1529 = vector.shape_cast %get3A_1528 : vector<1x16xf32> to vector<16xf32>
      %get3A_1530 = arith.constant 48 : i32
      %get3A_1531 = arith.index_cast %get3A_1530 : i32 to index
      %get3A_1532 = arith.constant 0 : index
      %get3A_1533 = tpu.vector_load %arg7[%get3A_1531, %get3A_1532] {strides = array<i32>} : memref<100x32xf32, #tpu.memory_space<vmem>>, vector<1x16xf32>,
      %get3A_1534 = vector.shape_cast %get3A_1533 : vector<1x16xf32> to vector<16xf32>
      %get3A_1535 = arith.constant 49 : i32
      %get3A_1536 = arith.index_cast %get3A_1535 : i32 to index
      %get3A_1537 = arith.constant 0 : index
      %get3A_1538 = tpu.vector_load %arg7[%get3A_1536, %get3A_1537] {strides = array<i32>} : memref<100x32xf32, #tpu.memory_space<vmem>>, vector<1x16xf32>,
      %get3A_1539 = vector.shape_cast %get3A_1538 : vector<1x16xf32> to vector<16xf32>
      %add3A_1540 = arith.addf %get3A_1294, %get3A_1299 : vector<16xf32>
      %add3A_1541 = arith.addf %get3A_1304, %get3A_1309 : vector<16xf32>
      %add3A_1542 = arith.addf %get3A_1314, %get3A_1319 : vector<16xf32>
      %add3A_1543 = arith.addf %get3A_1324, %get3A_1329 : vector<16xf32>
      %add3A_1544 = arith.addf %get3A_1334, %get3A_1339 : vector<16xf32>
      %add3A_1545 = arith.addf %get3A_1344, %get3A_1349 : vector<16xf32>
      %add3A_1546 = arith.addf %get3A_1354, %get3A_1359 : vector<16xf32>
      %add3A_1547 = arith.addf %get3A_1364, %get3A_1369 : vector<16xf32>
      %add3A_1548 = arith.addf %get3A_1374, %get3A_1379 : vector<16xf32>
      %add3A_1549 = arith.addf %get3A_1384, %get3A_1389 : vector<16xf32>
      %add3A_1550 = arith.addf %get3A_1394, %get3A_1399 : vector<16xf32>
      %add3A_1551 = arith.addf %get3A_1404, %get3A_1409 : vector<16xf32>
      %add3A_1552 = arith.addf %get3A_1414, %get3A_1419 : vector<16xf32>
      %add3A_1553 = arith.addf %get3A_1424, %get3A_1429 : vector<16xf32>
      %add3A_1554 = arith.addf %get3A_1434, %get3A_1439 : vector<16xf32>
      %add3A_1555 = arith.addf %get3A_1444, %get3A_1449 : vector<16xf32>
      %add3A_1556 = arith.addf %get3A_1454, %get3A_1459 : vector<16xf32>
      %add3A_1557 = arith.addf %get3A_1464, %get3A_1469 : vector<16xf32>
      %add3A_1558 = arith.addf %get3A_1474, %get3A_1479 : vector<16xf32>
      %add3A_1559 = arith.addf %get3A_1484, %get3A_1489 : vector<16xf32>
      %add3A_1560 = arith.addf %get3A_1494, %get3A_1499 : vector<16xf32>
      %add3A_1561 = arith.addf %get3A_1504, %get3A_1509 : vector<16xf32>
      %add3A_1562 = arith.addf %get3A_1514, %get3A_1519 : vector<16xf32>
      %add3A_1563 = arith.addf %get3A_1524, %get3A_1529 : vector<16xf32>
      %add3A_1564 = arith.addf %get3A_1534, %get3A_1539 : vector<16xf32>
      %add3A_1565 = arith.addf %add3A_1540, %add3A_1541 : vector<16xf32>
      %add3A_1566 = arith.addf %add3A_1542, %add3A_1543 : vector<16xf32>
      %add3A_1567 = arith.addf %add3A_1544, %add3A_1545 : vector<16xf32>
      %add3A_1568 = arith.addf %add3A_1546, %add3A_1547 : vector<16xf32>
      %add3A_1569 = arith.addf %add3A_1548, %add3A_1549 : vector<16xf32>
      %add3A_1570 = arith.addf %add3A_1550, %add3A_1551 : vector<16xf32>
      %add3A_1571 = arith.addf %add3A_1552, %add3A_1553 : vector<16xf32>
      %add3A_1572 = arith.addf %add3A_1554, %add3A_1555 : vector<16xf32>
      %add3A_1573 = arith.addf %add3A_1556, %add3A_1557 : vector<16xf32>
      %add3A_1574 = arith.addf %add3A_1558, %add3A_1559 : vector<16xf32>
      %add3A_1575 = arith.addf %add3A_1560, %add3A_1561 : vector<16xf32>
      %add3A_1576 = arith.addf %add3A_1562, %add3A_1563 : vector<16xf32>
      %add3A_1577 = arith.addf %add3A_1565, %add3A_1566 : vector<16xf32>
      %add3A_1578 = arith.addf %add3A_1567, %add3A_1568 : vector<16xf32>
      %add3A_1579 = arith.addf %add3A_1569, %add3A_1570 : vector<16xf32>
      %add3A_1580 = arith.addf %add3A_1571, %add3A_1572 : vector<16xf32>
      %add3A_1581 = arith.addf %add3A_1573, %add3A_1574 : vector<16xf32>
      %add3A_1582 = arith.addf %add3A_1575, %add3A_1576 : vector<16xf32>
      %add3A_1583 = arith.addf %add3A_1577, %add3A_1578 : vector<16xf32>
      %add3A_1584 = arith.addf %add3A_1579, %add3A_1580 : vector<16xf32>
      %add3A_1585 = arith.addf %add3A_1581, %add3A_1582 : vector<16xf32>
      %add3A_1586 = arith.addf %add3A_1583, %add3A_1584 : vector<16xf32>
      %add3A_1587 = arith.addf %add3A_1585, %add3A_1564 : vector<16xf32>
      %add3A_1588 = arith.addf %add3A_1586, %add3A_1587 : vector<16xf32>
      %swap3A_1589 = arith.index_cast %add3A_1289 : i32 to index
      %swap3A_1590 = arith.constant 0 : index
      %swap3A_1591 = tpu.vector_load %arg10[%swap3A_1589, %swap3A_1590] {strides = array<i32>} : memref<512x32xf32, #tpu.memory_space<vmem>>, vector<1x16xf32>,
      %swap3A_1592 = vector.shape_cast %swap3A_1591 : vector<1x16xf32> to vector<16xf32>
      %swap3A_1593 = vector.shape_cast %add3A_1588 : vector<16xf32> to vector<1x16xf32>
      tpu.vector_store %arg10[%swap3A_1589, %swap3A_1590], %swap3A_1593 {strides = array<i32>} : memref<512x32xf32, #tpu.memory_space<vmem>>, vector<1x16xf32>,
      %get3A_1594 = arith.constant 0 : i32
      %get3A_1595 = arith.index_cast %get3A_1594 : i32 to index
      %get3A_1596 = arith.constant 16 : index
      %get3A_1597 = tpu.vector_load %arg7[%get3A_1595, %get3A_1596] {strides = array<i32>} : memref<100x32xf32, #tpu.memory_space<vmem>>, vector<1x16xf32>,
      %get3A_1598 = vector.shape_cast %get3A_1597 : vector<1x16xf32> to vector<16xf32>
      %get3A_1599 = arith.constant 1 : i32
      %get3A_1600 = arith.index_cast %get3A_1599 : i32 to index
      %get3A_1601 = arith.constant 16 : index
      %get3A_1602 = tpu.vector_load %arg7[%get3A_1600, %get3A_1601] {strides = array<i32>} : memref<100x32xf32, #tpu.memory_space<vmem>>, vector<1x16xf32>,
      %get3A_1603 = vector.shape_cast %get3A_1602 : vector<1x16xf32> to vector<16xf32>
      %get3A_1604 = arith.constant 2 : i32
      %get3A_1605 = arith.index_cast %get3A_1604 : i32 to index
      %get3A_1606 = arith.constant 16 : index
      %get3A_1607 = tpu.vector_load %arg7[%get3A_1605, %get3A_1606] {strides = array<i32>} : memref<100x32xf32, #tpu.memory_space<vmem>>, vector<1x16xf32>,
      %get3A_1608 = vector.shape_cast %get3A_1607 : vector<1x16xf32> to vector<16xf32>
      %get3A_1609 = arith.constant 3 : i32
      %get3A_1610 = arith.index_cast %get3A_1609 : i32 to index
      %get3A_1611 = arith.constant 16 : index
      %get3A_1612 = tpu.vector_load %arg7[%get3A_1610, %get3A_1611] {strides = array<i32>} : memref<100x32xf32, #tpu.memory_space<vmem>>, vector<1x16xf32>,
      %get3A_1613 = vector.shape_cast %get3A_1612 : vector<1x16xf32> to vector<16xf32>
      %get3A_1614 = arith.constant 4 : i32
      %get3A_1615 = arith.index_cast %get3A_1614 : i32 to index
      %get3A_1616 = arith.constant 16 : index
      %get3A_1617 = tpu.vector_load %arg7[%get3A_1615, %get3A_1616] {strides = array<i32>} : memref<100x32xf32, #tpu.memory_space<vmem>>, vector<1x16xf32>,
      %get3A_1618 = vector.shape_cast %get3A_1617 : vector<1x16xf32> to vector<16xf32>
      %get3A_1619 = arith.constant 5 : i32
      %get3A_1620 = arith.index_cast %get3A_1619 : i32 to index
      %get3A_1621 = arith.constant 16 : index
      %get3A_1622 = tpu.vector_load %arg7[%get3A_1620, %get3A_1621] {strides = array<i32>} : memref<100x32xf32, #tpu.memory_space<vmem>>, vector<1x16xf32>,
      %get3A_1623 = vector.shape_cast %get3A_1622 : vector<1x16xf32> to vector<16xf32>
      %get3A_1624 = arith.constant 6 : i32
      %get3A_1625 = arith.index_cast %get3A_1624 : i32 to index
      %get3A_1626 = arith.constant 16 : index
      %get3A_1627 = tpu.vector_load %arg7[%get3A_1625, %get3A_1626] {strides = array<i32>} : memref<100x32xf32, #tpu.memory_space<vmem>>, vector<1x16xf32>,
      %get3A_1628 = vector.shape_cast %get3A_1627 : vector<1x16xf32> to vector<16xf32>
      %get3A_1629 = arith.constant 7 : i32
      %get3A_1630 = arith.index_cast %get3A_1629 : i32 to index
      %get3A_1631 = arith.constant 16 : index
      %get3A_1632 = tpu.vector_load %arg7[%get3A_1630, %get3A_1631] {strides = array<i32>} : memref<100x32xf32, #tpu.memory_space<vmem>>, vector<1x16xf32>,
      %get3A_1633 = vector.shape_cast %get3A_1632 : vector<1x16xf32> to vector<16xf32>
      %get3A_1634 = arith.constant 8 : i32
      %get3A_1635 = arith.index_cast %get3A_1634 : i32 to index
      %get3A_1636 = arith.constant 16 : index
      %get3A_1637 = tpu.vector_load %arg7[%get3A_1635, %get3A_1636] {strides = array<i32>} : memref<100x32xf32, #tpu.memory_space<vmem>>, vector<1x16xf32>,
      %get3A_1638 = vector.shape_cast %get3A_1637 : vector<1x16xf32> to vector<16xf32>
      %get3A_1639 = arith.constant 9 : i32
      %get3A_1640 = arith.index_cast %get3A_1639 : i32 to index
      %get3A_1641 = arith.constant 16 : index
      %get3A_1642 = tpu.vector_load %arg7[%get3A_1640, %get3A_1641] {strides = array<i32>} : memref<100x32xf32, #tpu.memory_space<vmem>>, vector<1x16xf32>,
      %get3A_1643 = vector.shape_cast %get3A_1642 : vector<1x16xf32> to vector<16xf32>
      %get3A_1644 = arith.constant 10 : i32
      %get3A_1645 = arith.index_cast %get3A_1644 : i32 to index
      %get3A_1646 = arith.constant 16 : index
      %get3A_1647 = tpu.vector_load %arg7[%get3A_1645, %get3A_1646] {strides = array<i32>} : memref<100x32xf32, #tpu.memory_space<vmem>>, vector<1x16xf32>,
      %get3A_1648 = vector.shape_cast %get3A_1647 : vector<1x16xf32> to vector<16xf32>
      %get3A_1649 = arith.constant 11 : i32
      %get3A_1650 = arith.index_cast %get3A_1649 : i32 to index
      %get3A_1651 = arith.constant 16 : index
      %get3A_1652 = tpu.vector_load %arg7[%get3A_1650, %get3A_1651] {strides = array<i32>} : memref<100x32xf32, #tpu.memory_space<vmem>>, vector<1x16xf32>,
      %get3A_1653 = vector.shape_cast %get3A_1652 : vector<1x16xf32> to vector<16xf32>
      %get3A_1654 = arith.constant 12 : i32
      %get3A_1655 = arith.index_cast %get3A_1654 : i32 to index
      %get3A_1656 = arith.constant 16 : index
      %get3A_1657 = tpu.vector_load %arg7[%get3A_1655, %get3A_1656] {strides = array<i32>} : memref<100x32xf32, #tpu.memory_space<vmem>>, vector<1x16xf32>,
      %get3A_1658 = vector.shape_cast %get3A_1657 : vector<1x16xf32> to vector<16xf32>
      %get3A_1659 = arith.constant 13 : i32
      %get3A_1660 = arith.index_cast %get3A_1659 : i32 to index
      %get3A_1661 = arith.constant 16 : index
      %get3A_1662 = tpu.vector_load %arg7[%get3A_1660, %get3A_1661] {strides = array<i32>} : memref<100x32xf32, #tpu.memory_space<vmem>>, vector<1x16xf32>,
      %get3A_1663 = vector.shape_cast %get3A_1662 : vector<1x16xf32> to vector<16xf32>
      %get3A_1664 = arith.constant 14 : i32
      %get3A_1665 = arith.index_cast %get3A_1664 : i32 to index
      %get3A_1666 = arith.constant 16 : index
      %get3A_1667 = tpu.vector_load %arg7[%get3A_1665, %get3A_1666] {strides = array<i32>} : memref<100x32xf32, #tpu.memory_space<vmem>>, vector<1x16xf32>,
      %get3A_1668 = vector.shape_cast %get3A_1667 : vector<1x16xf32> to vector<16xf32>
      %get3A_1669 = arith.constant 15 : i32
      %get3A_1670 = arith.index_cast %get3A_1669 : i32 to index
      %get3A_1671 = arith.constant 16 : index
      %get3A_1672 = tpu.vector_load %arg7[%get3A_1670, %get3A_1671] {strides = array<i32>} : memref<100x32xf32, #tpu.memory_space<vmem>>, vector<1x16xf32>,
      %get3A_1673 = vector.shape_cast %get3A_1672 : vector<1x16xf32> to vector<16xf32>
      %get3A_1674 = arith.constant 16 : i32
      %get3A_1675 = arith.index_cast %get3A_1674 : i32 to index
      %get3A_1676 = arith.constant 16 : index
      %get3A_1677 = tpu.vector_load %arg7[%get3A_1675, %get3A_1676] {strides = array<i32>} : memref<100x32xf32, #tpu.memory_space<vmem>>, vector<1x16xf32>,
      %get3A_1678 = vector.shape_cast %get3A_1677 : vector<1x16xf32> to vector<16xf32>
      %get3A_1679 = arith.constant 17 : i32
      %get3A_1680 = arith.index_cast %get3A_1679 : i32 to index
      %get3A_1681 = arith.constant 16 : index
      %get3A_1682 = tpu.vector_load %arg7[%get3A_1680, %get3A_1681] {strides = array<i32>} : memref<100x32xf32, #tpu.memory_space<vmem>>, vector<1x16xf32>,
      %get3A_1683 = vector.shape_cast %get3A_1682 : vector<1x16xf32> to vector<16xf32>
      %get3A_1684 = arith.constant 18 : i32
      %get3A_1685 = arith.index_cast %get3A_1684 : i32 to index
      %get3A_1686 = arith.constant 16 : index
      %get3A_1687 = tpu.vector_load %arg7[%get3A_1685, %get3A_1686] {strides = array<i32>} : memref<100x32xf32, #tpu.memory_space<vmem>>, vector<1x16xf32>,
      %get3A_1688 = vector.shape_cast %get3A_1687 : vector<1x16xf32> to vector<16xf32>
      %get3A_1689 = arith.constant 19 : i32
      %get3A_1690 = arith.index_cast %get3A_1689 : i32 to index
      %get3A_1691 = arith.constant 16 : index
      %get3A_1692 = tpu.vector_load %arg7[%get3A_1690, %get3A_1691] {strides = array<i32>} : memref<100x32xf32, #tpu.memory_space<vmem>>, vector<1x16xf32>,
      %get3A_1693 = vector.shape_cast %get3A_1692 : vector<1x16xf32> to vector<16xf32>
      %get3A_1694 = arith.constant 20 : i32
      %get3A_1695 = arith.index_cast %get3A_1694 : i32 to index
      %get3A_1696 = arith.constant 16 : index
      %get3A_1697 = tpu.vector_load %arg7[%get3A_1695, %get3A_1696] {strides = array<i32>} : memref<100x32xf32, #tpu.memory_space<vmem>>, vector<1x16xf32>,
      %get3A_1698 = vector.shape_cast %get3A_1697 : vector<1x16xf32> to vector<16xf32>
      %get3A_1699 = arith.constant 21 : i32
      %get3A_1700 = arith.index_cast %get3A_1699 : i32 to index
      %get3A_1701 = arith.constant 16 : index
      %get3A_1702 = tpu.vector_load %arg7[%get3A_1700, %get3A_1701] {strides = array<i32>} : memref<100x32xf32, #tpu.memory_space<vmem>>, vector<1x16xf32>,
      %get3A_1703 = vector.shape_cast %get3A_1702 : vector<1x16xf32> to vector<16xf32>
      %get3A_1704 = arith.constant 22 : i32
      %get3A_1705 = arith.index_cast %get3A_1704 : i32 to index
      %get3A_1706 = arith.constant 16 : index
      %get3A_1707 = tpu.vector_load %arg7[%get3A_1705, %get3A_1706] {strides = array<i32>} : memref<100x32xf32, #tpu.memory_space<vmem>>, vector<1x16xf32>,
      %get3A_1708 = vector.shape_cast %get3A_1707 : vector<1x16xf32> to vector<16xf32>
      %get3A_1709 = arith.constant 23 : i32
      %get3A_1710 = arith.index_cast %get3A_1709 : i32 to index
      %get3A_1711 = arith.constant 16 : index
      %get3A_1712 = tpu.vector_load %arg7[%get3A_1710, %get3A_1711] {strides = array<i32>} : memref<100x32xf32, #tpu.memory_space<vmem>>, vector<1x16xf32>,
      %get3A_1713 = vector.shape_cast %get3A_1712 : vector<1x16xf32> to vector<16xf32>
      %get3A_1714 = arith.constant 24 : i32
      %get3A_1715 = arith.index_cast %get3A_1714 : i32 to index
      %get3A_1716 = arith.constant 16 : index
      %get3A_1717 = tpu.vector_load %arg7[%get3A_1715, %get3A_1716] {strides = array<i32>} : memref<100x32xf32, #tpu.memory_space<vmem>>, vector<1x16xf32>,
      %get3A_1718 = vector.shape_cast %get3A_1717 : vector<1x16xf32> to vector<16xf32>
      %get3A_1719 = arith.constant 25 : i32
      %get3A_1720 = arith.index_cast %get3A_1719 : i32 to index
      %get3A_1721 = arith.constant 16 : index
      %get3A_1722 = tpu.vector_load %arg7[%get3A_1720, %get3A_1721] {strides = array<i32>} : memref<100x32xf32, #tpu.memory_space<vmem>>, vector<1x16xf32>,
      %get3A_1723 = vector.shape_cast %get3A_1722 : vector<1x16xf32> to vector<16xf32>
      %get3A_1724 = arith.constant 26 : i32
      %get3A_1725 = arith.index_cast %get3A_1724 : i32 to index
      %get3A_1726 = arith.constant 16 : index
      %get3A_1727 = tpu.vector_load %arg7[%get3A_1725, %get3A_1726] {strides = array<i32>} : memref<100x32xf32, #tpu.memory_space<vmem>>, vector<1x16xf32>,
      %get3A_1728 = vector.shape_cast %get3A_1727 : vector<1x16xf32> to vector<16xf32>
      %get3A_1729 = arith.constant 27 : i32
      %get3A_1730 = arith.index_cast %get3A_1729 : i32 to index
      %get3A_1731 = arith.constant 16 : index
      %get3A_1732 = tpu.vector_load %arg7[%get3A_1730, %get3A_1731] {strides = array<i32>} : memref<100x32xf32, #tpu.memory_space<vmem>>, vector<1x16xf32>,
      %get3A_1733 = vector.shape_cast %get3A_1732 : vector<1x16xf32> to vector<16xf32>
      %get3A_1734 = arith.constant 28 : i32
      %get3A_1735 = arith.index_cast %get3A_1734 : i32 to index
      %get3A_1736 = arith.constant 16 : index
      %get3A_1737 = tpu.vector_load %arg7[%get3A_1735, %get3A_1736] {strides = array<i32>} : memref<100x32xf32, #tpu.memory_space<vmem>>, vector<1x16xf32>,
      %get3A_1738 = vector.shape_cast %get3A_1737 : vector<1x16xf32> to vector<16xf32>
      %get3A_1739 = arith.constant 29 : i32
      %get3A_1740 = arith.index_cast %get3A_1739 : i32 to index
      %get3A_1741 = arith.constant 16 : index
      %get3A_1742 = tpu.vector_load %arg7[%get3A_1740, %get3A_1741] {strides = array<i32>} : memref<100x32xf32, #tpu.memory_space<vmem>>, vector<1x16xf32>,
      %get3A_1743 = vector.shape_cast %get3A_1742 : vector<1x16xf32> to vector<16xf32>
      %get3A_1744 = arith.constant 30 : i32
      %get3A_1745 = arith.index_cast %get3A_1744 : i32 to index
      %get3A_1746 = arith.constant 16 : index
      %get3A_1747 = tpu.vector_load %arg7[%get3A_1745, %get3A_1746] {strides = array<i32>} : memref<100x32xf32, #tpu.memory_space<vmem>>, vector<1x16xf32>,
      %get3A_1748 = vector.shape_cast %get3A_1747 : vector<1x16xf32> to vector<16xf32>
      %get3A_1749 = arith.constant 31 : i32
      %get3A_1750 = arith.index_cast %get3A_1749 : i32 to index
      %get3A_1751 = arith.constant 16 : index
      %get3A_1752 = tpu.vector_load %arg7[%get3A_1750, %get3A_1751] {strides = array<i32>} : memref<100x32xf32, #tpu.memory_space<vmem>>, vector<1x16xf32>,
      %get3A_1753 = vector.shape_cast %get3A_1752 : vector<1x16xf32> to vector<16xf32>
      %get3A_1754 = arith.constant 32 : i32
      %get3A_1755 = arith.index_cast %get3A_1754 : i32 to index
      %get3A_1756 = arith.constant 16 : index
      %get3A_1757 = tpu.vector_load %arg7[%get3A_1755, %get3A_1756] {strides = array<i32>} : memref<100x32xf32, #tpu.memory_space<vmem>>, vector<1x16xf32>,
      %get3A_1758 = vector.shape_cast %get3A_1757 : vector<1x16xf32> to vector<16xf32>
      %get3A_1759 = arith.constant 33 : i32
      %get3A_1760 = arith.index_cast %get3A_1759 : i32 to index
      %get3A_1761 = arith.constant 16 : index
      %get3A_1762 = tpu.vector_load %arg7[%get3A_1760, %get3A_1761] {strides = array<i32>} : memref<100x32xf32, #tpu.memory_space<vmem>>, vector<1x16xf32>,
      %get3A_1763 = vector.shape_cast %get3A_1762 : vector<1x16xf32> to vector<16xf32>
      %get3A_1764 = arith.constant 34 : i32
      %get3A_1765 = arith.index_cast %get3A_1764 : i32 to index
      %get3A_1766 = arith.constant 16 : index
      %get3A_1767 = tpu.vector_load %arg7[%get3A_1765, %get3A_1766] {strides = array<i32>} : memref<100x32xf32, #tpu.memory_space<vmem>>, vector<1x16xf32>,
      %get3A_1768 = vector.shape_cast %get3A_1767 : vector<1x16xf32> to vector<16xf32>
      %get3A_1769 = arith.constant 35 : i32
      %get3A_1770 = arith.index_cast %get3A_1769 : i32 to index
      %get3A_1771 = arith.constant 16 : index
      %get3A_1772 = tpu.vector_load %arg7[%get3A_1770, %get3A_1771] {strides = array<i32>} : memref<100x32xf32, #tpu.memory_space<vmem>>, vector<1x16xf32>,
      %get3A_1773 = vector.shape_cast %get3A_1772 : vector<1x16xf32> to vector<16xf32>
      %get3A_1774 = arith.constant 36 : i32
      %get3A_1775 = arith.index_cast %get3A_1774 : i32 to index
      %get3A_1776 = arith.constant 16 : index
      %get3A_1777 = tpu.vector_load %arg7[%get3A_1775, %get3A_1776] {strides = array<i32>} : memref<100x32xf32, #tpu.memory_space<vmem>>, vector<1x16xf32>,
      %get3A_1778 = vector.shape_cast %get3A_1777 : vector<1x16xf32> to vector<16xf32>
      %get3A_1779 = arith.constant 37 : i32
      %get3A_1780 = arith.index_cast %get3A_1779 : i32 to index
      %get3A_1781 = arith.constant 16 : index
      %get3A_1782 = tpu.vector_load %arg7[%get3A_1780, %get3A_1781] {strides = array<i32>} : memref<100x32xf32, #tpu.memory_space<vmem>>, vector<1x16xf32>,
      %get3A_1783 = vector.shape_cast %get3A_1782 : vector<1x16xf32> to vector<16xf32>
      %get3A_1784 = arith.constant 38 : i32
      %get3A_1785 = arith.index_cast %get3A_1784 : i32 to index
      %get3A_1786 = arith.constant 16 : index
      %get3A_1787 = tpu.vector_load %arg7[%get3A_1785, %get3A_1786] {strides = array<i32>} : memref<100x32xf32, #tpu.memory_space<vmem>>, vector<1x16xf32>,
      %get3A_1788 = vector.shape_cast %get3A_1787 : vector<1x16xf32> to vector<16xf32>
      %get3A_1789 = arith.constant 39 : i32
      %get3A_1790 = arith.index_cast %get3A_1789 : i32 to index
      %get3A_1791 = arith.constant 16 : index
      %get3A_1792 = tpu.vector_load %arg7[%get3A_1790, %get3A_1791] {strides = array<i32>} : memref<100x32xf32, #tpu.memory_space<vmem>>, vector<1x16xf32>,
      %get3A_1793 = vector.shape_cast %get3A_1792 : vector<1x16xf32> to vector<16xf32>
      %get3A_1794 = arith.constant 40 : i32
      %get3A_1795 = arith.index_cast %get3A_1794 : i32 to index
      %get3A_1796 = arith.constant 16 : index
      %get3A_1797 = tpu.vector_load %arg7[%get3A_1795, %get3A_1796] {strides = array<i32>} : memref<100x32xf32, #tpu.memory_space<vmem>>, vector<1x16xf32>,
      %get3A_1798 = vector.shape_cast %get3A_1797 : vector<1x16xf32> to vector<16xf32>
      %get3A_1799 = arith.constant 41 : i32
      %get3A_1800 = arith.index_cast %get3A_1799 : i32 to index
      %get3A_1801 = arith.constant 16 : index
      %get3A_1802 = tpu.vector_load %arg7[%get3A_1800, %get3A_1801] {strides = array<i32>} : memref<100x32xf32, #tpu.memory_space<vmem>>, vector<1x16xf32>,
      %get3A_1803 = vector.shape_cast %get3A_1802 : vector<1x16xf32> to vector<16xf32>
      %get3A_1804 = arith.constant 42 : i32
      %get3A_1805 = arith.index_cast %get3A_1804 : i32 to index
      %get3A_1806 = arith.constant 16 : index
      %get3A_1807 = tpu.vector_load %arg7[%get3A_1805, %get3A_1806] {strides = array<i32>} : memref<100x32xf32, #tpu.memory_space<vmem>>, vector<1x16xf32>,
      %get3A_1808 = vector.shape_cast %get3A_1807 : vector<1x16xf32> to vector<16xf32>
      %get3A_1809 = arith.constant 43 : i32
      %get3A_1810 = arith.index_cast %get3A_1809 : i32 to index
      %get3A_1811 = arith.constant 16 : index
      %get3A_1812 = tpu.vector_load %arg7[%get3A_1810, %get3A_1811] {strides = array<i32>} : memref<100x32xf32, #tpu.memory_space<vmem>>, vector<1x16xf32>,
      %get3A_1813 = vector.shape_cast %get3A_1812 : vector<1x16xf32> to vector<16xf32>
      %get3A_1814 = arith.constant 44 : i32
      %get3A_1815 = arith.index_cast %get3A_1814 : i32 to index
      %get3A_1816 = arith.constant 16 : index
      %get3A_1817 = tpu.vector_load %arg7[%get3A_1815, %get3A_1816] {strides = array<i32>} : memref<100x32xf32, #tpu.memory_space<vmem>>, vector<1x16xf32>,
      %get3A_1818 = vector.shape_cast %get3A_1817 : vector<1x16xf32> to vector<16xf32>
      %get3A_1819 = arith.constant 45 : i32
      %get3A_1820 = arith.index_cast %get3A_1819 : i32 to index
      %get3A_1821 = arith.constant 16 : index
      %get3A_1822 = tpu.vector_load %arg7[%get3A_1820, %get3A_1821] {strides = array<i32>} : memref<100x32xf32, #tpu.memory_space<vmem>>, vector<1x16xf32>,
      %get3A_1823 = vector.shape_cast %get3A_1822 : vector<1x16xf32> to vector<16xf32>
      %get3A_1824 = arith.constant 46 : i32
      %get3A_1825 = arith.index_cast %get3A_1824 : i32 to index
      %get3A_1826 = arith.constant 16 : index
      %get3A_1827 = tpu.vector_load %arg7[%get3A_1825, %get3A_1826] {strides = array<i32>} : memref<100x32xf32, #tpu.memory_space<vmem>>, vector<1x16xf32>,
      %get3A_1828 = vector.shape_cast %get3A_1827 : vector<1x16xf32> to vector<16xf32>
      %get3A_1829 = arith.constant 47 : i32
      %get3A_1830 = arith.index_cast %get3A_1829 : i32 to index
      %get3A_1831 = arith.constant 16 : index
      %get3A_1832 = tpu.vector_load %arg7[%get3A_1830, %get3A_1831] {strides = array<i32>} : memref<100x32xf32, #tpu.memory_space<vmem>>, vector<1x16xf32>,
      %get3A_1833 = vector.shape_cast %get3A_1832 : vector<1x16xf32> to vector<16xf32>
      %get3A_1834 = arith.constant 48 : i32
      %get3A_1835 = arith.index_cast %get3A_1834 : i32 to index
      %get3A_1836 = arith.constant 16 : index
      %get3A_1837 = tpu.vector_load %arg7[%get3A_1835, %get3A_1836] {strides = array<i32>} : memref<100x32xf32, #tpu.memory_space<vmem>>, vector<1x16xf32>,
      %get3A_1838 = vector.shape_cast %get3A_1837 : vector<1x16xf32> to vector<16xf32>
      %get3A_1839 = arith.constant 49 : i32
      %get3A_1840 = arith.index_cast %get3A_1839 : i32 to index
      %get3A_1841 = arith.constant 16 : index
      %get3A_1842 = tpu.vector_load %arg7[%get3A_1840, %get3A_1841] {strides = array<i32>} : memref<100x32xf32, #tpu.memory_space<vmem>>, vector<1x16xf32>,
      %get3A_1843 = vector.shape_cast %get3A_1842 : vector<1x16xf32> to vector<16xf32>
      %add3A_1844 = arith.addf %get3A_1598, %get3A_1603 : vector<16xf32>
      %add3A_1845 = arith.addf %get3A_1608, %get3A_1613 : vector<16xf32>
      %add3A_1846 = arith.addf %get3A_1618, %get3A_1623 : vector<16xf32>
      %add3A_1847 = arith.addf %get3A_1628, %get3A_1633 : vector<16xf32>
      %add3A_1848 = arith.addf %get3A_1638, %get3A_1643 : vector<16xf32>
      %add3A_1849 = arith.addf %get3A_1648, %get3A_1653 : vector<16xf32>
      %add3A_1850 = arith.addf %get3A_1658, %get3A_1663 : vector<16xf32>
      %add3A_1851 = arith.addf %get3A_1668, %get3A_1673 : vector<16xf32>
      %add3A_1852 = arith.addf %get3A_1678, %get3A_1683 : vector<16xf32>
      %add3A_1853 = arith.addf %get3A_1688, %get3A_1693 : vector<16xf32>
      %add3A_1854 = arith.addf %get3A_1698, %get3A_1703 : vector<16xf32>
      %add3A_1855 = arith.addf %get3A_1708, %get3A_1713 : vector<16xf32>
      %add3A_1856 = arith.addf %get3A_1718, %get3A_1723 : vector<16xf32>
      %add3A_1857 = arith.addf %get3A_1728, %get3A_1733 : vector<16xf32>
      %add3A_1858 = arith.addf %get3A_1738, %get3A_1743 : vector<16xf32>
      %add3A_1859 = arith.addf %get3A_1748, %get3A_1753 : vector<16xf32>
      %add3A_1860 = arith.addf %get3A_1758, %get3A_1763 : vector<16xf32>
      %add3A_1861 = arith.addf %get3A_1768, %get3A_1773 : vector<16xf32>
      %add3A_1862 = arith.addf %get3A_1778, %get3A_1783 : vector<16xf32>
      %add3A_1863 = arith.addf %get3A_1788, %get3A_1793 : vector<16xf32>
      %add3A_1864 = arith.addf %get3A_1798, %get3A_1803 : vector<16xf32>
      %add3A_1865 = arith.addf %get3A_1808, %get3A_1813 : vector<16xf32>
      %add3A_1866 = arith.addf %get3A_1818, %get3A_1823 : vector<16xf32>
      %add3A_1867 = arith.addf %get3A_1828, %get3A_1833 : vector<16xf32>
      %add3A_1868 = arith.addf %get3A_1838, %get3A_1843 : vector<16xf32>
      %add3A_1869 = arith.addf %add3A_1844, %add3A_1845 : vector<16xf32>
      %add3A_1870 = arith.addf %add3A_1846, %add3A_1847 : vector<16xf32>
      %add3A_1871 = arith.addf %add3A_1848, %add3A_1849 : vector<16xf32>
      %add3A_1872 = arith.addf %add3A_1850, %add3A_1851 : vector<16xf32>
      %add3A_1873 = arith.addf %add3A_1852, %add3A_1853 : vector<16xf32>
      %add3A_1874 = arith.addf %add3A_1854, %add3A_1855 : vector<16xf32>
      %add3A_1875 = arith.addf %add3A_1856, %add3A_1857 : vector<16xf32>
      %add3A_1876 = arith.addf %add3A_1858, %add3A_1859 : vector<16xf32>
      %add3A_1877 = arith.addf %add3A_1860, %add3A_1861 : vector<16xf32>
      %add3A_1878 = arith.addf %add3A_1862, %add3A_1863 : vector<16xf32>
      %add3A_1879 = arith.addf %add3A_1864, %add3A_1865 : vector<16xf32>
      %add3A_1880 = arith.addf %add3A_1866, %add3A_1867 : vector<16xf32>
      %add3A_1881 = arith.addf %add3A_1869, %add3A_1870 : vector<16xf32>
      %add3A_1882 = arith.addf %add3A_1871, %add3A_1872 : vector<16xf32>
      %add3A_1883 = arith.addf %add3A_1873, %add3A_1874 : vector<16xf32>
      %add3A_1884 = arith.addf %add3A_1875, %add3A_1876 : vector<16xf32>
      %add3A_1885 = arith.addf %add3A_1877, %add3A_1878 : vector<16xf32>
      %add3A_1886 = arith.addf %add3A_1879, %add3A_1880 : vector<16xf32>
      %add3A_1887 = arith.addf %add3A_1881, %add3A_1882 : vector<16xf32>
      %add3A_1888 = arith.addf %add3A_1883, %add3A_1884 : vector<16xf32>
      %add3A_1889 = arith.addf %add3A_1885, %add3A_1886 : vector<16xf32>
      %add3A_1890 = arith.addf %add3A_1887, %add3A_1888 : vector<16xf32>
      %add3A_1891 = arith.addf %add3A_1889, %add3A_1868 : vector<16xf32>
      %add3A_1892 = arith.addf %add3A_1890, %add3A_1891 : vector<16xf32>
      %swap3A_1893 = arith.index_cast %add3A_1289 : i32 to index
      %swap3A_1894 = arith.constant 16 : index
      %swap3A_1895 = tpu.vector_load %arg10[%swap3A_1893, %swap3A_1894] {strides = array<i32>} : memref<512x32xf32, #tpu.memory_space<vmem>>, vector<1x16xf32>,
      %swap3A_1896 = vector.shape_cast %swap3A_1895 : vector<1x16xf32> to vector<16xf32>
      %swap3A_1897 = vector.shape_cast %add3A_1892 : vector<16xf32> to vector<1x16xf32>
      tpu.vector_store %arg10[%swap3A_1893, %swap3A_1894], %swap3A_1897 {strides = array<i32>} : memref<512x32xf32, #tpu.memory_space<vmem>>, vector<1x16xf32>,
      %mul3A_1898 = arith.constant 2 : i32
      %mul3A_1899 = arith.muli %add3A_1285, %mul3A_1898 : i32
      %add3A_1900 = arith.constant 1 : i32
      %add3A_1901 = arith.addi %mul3A_1899, %add3A_1900 : i32
      %get3A_1902 = arith.constant 50 : i32
      %get3A_1903 = arith.index_cast %get3A_1902 : i32 to index
      %get3A_1904 = arith.constant 0 : index
      %get3A_1905 = tpu.vector_load %arg7[%get3A_1903, %get3A_1904] {strides = array<i32>} : memref<100x32xf32, #tpu.memory_space<vmem>>, vector<1x16xf32>,
      %get3A_1906 = vector.shape_cast %get3A_1905 : vector<1x16xf32> to vector<16xf32>
      %get3A_1907 = arith.constant 51 : i32
      %get3A_1908 = arith.index_cast %get3A_1907 : i32 to index
      %get3A_1909 = arith.constant 0 : index
      %get3A_1910 = tpu.vector_load %arg7[%get3A_1908, %get3A_1909] {strides = array<i32>} : memref<100x32xf32, #tpu.memory_space<vmem>>, vector<1x16xf32>,
      %get3A_1911 = vector.shape_cast %get3A_1910 : vector<1x16xf32> to vector<16xf32>
      %get3A_1912 = arith.constant 52 : i32
      %get3A_1913 = arith.index_cast %get3A_1912 : i32 to index
      %get3A_1914 = arith.constant 0 : index
      %get3A_1915 = tpu.vector_load %arg7[%get3A_1913, %get3A_1914] {strides = array<i32>} : memref<100x32xf32, #tpu.memory_space<vmem>>, vector<1x16xf32>,
      %get3A_1916 = vector.shape_cast %get3A_1915 : vector<1x16xf32> to vector<16xf32>
      %get3A_1917 = arith.constant 53 : i32
      %get3A_1918 = arith.index_cast %get3A_1917 : i32 to index
      %get3A_1919 = arith.constant 0 : index
      %get3A_1920 = tpu.vector_load %arg7[%get3A_1918, %get3A_1919] {strides = array<i32>} : memref<100x32xf32, #tpu.memory_space<vmem>>, vector<1x16xf32>,
      %get3A_1921 = vector.shape_cast %get3A_1920 : vector<1x16xf32> to vector<16xf32>
      %get3A_1922 = arith.constant 54 : i32
      %get3A_1923 = arith.index_cast %get3A_1922 : i32 to index
      %get3A_1924 = arith.constant 0 : index
      %get3A_1925 = tpu.vector_load %arg7[%get3A_1923, %get3A_1924] {strides = array<i32>} : memref<100x32xf32, #tpu.memory_space<vmem>>, vector<1x16xf32>,
      %get3A_1926 = vector.shape_cast %get3A_1925 : vector<1x16xf32> to vector<16xf32>
      %get3A_1927 = arith.constant 55 : i32
      %get3A_1928 = arith.index_cast %get3A_1927 : i32 to index
      %get3A_1929 = arith.constant 0 : index
      %get3A_1930 = tpu.vector_load %arg7[%get3A_1928, %get3A_1929] {strides = array<i32>} : memref<100x32xf32, #tpu.memory_space<vmem>>, vector<1x16xf32>,
      %get3A_1931 = vector.shape_cast %get3A_1930 : vector<1x16xf32> to vector<16xf32>
      %get3A_1932 = arith.constant 56 : i32
      %get3A_1933 = arith.index_cast %get3A_1932 : i32 to index
      %get3A_1934 = arith.constant 0 : index
      %get3A_1935 = tpu.vector_load %arg7[%get3A_1933, %get3A_1934] {strides = array<i32>} : memref<100x32xf32, #tpu.memory_space<vmem>>, vector<1x16xf32>,
      %get3A_1936 = vector.shape_cast %get3A_1935 : vector<1x16xf32> to vector<16xf32>
      %get3A_1937 = arith.constant 57 : i32
      %get3A_1938 = arith.index_cast %get3A_1937 : i32 to index
      %get3A_1939 = arith.constant 0 : index
      %get3A_1940 = tpu.vector_load %arg7[%get3A_1938, %get3A_1939] {strides = array<i32>} : memref<100x32xf32, #tpu.memory_space<vmem>>, vector<1x16xf32>,
      %get3A_1941 = vector.shape_cast %get3A_1940 : vector<1x16xf32> to vector<16xf32>
      %get3A_1942 = arith.constant 58 : i32
      %get3A_1943 = arith.index_cast %get3A_1942 : i32 to index
      %get3A_1944 = arith.constant 0 : index
      %get3A_1945 = tpu.vector_load %arg7[%get3A_1943, %get3A_1944] {strides = array<i32>} : memref<100x32xf32, #tpu.memory_space<vmem>>, vector<1x16xf32>,
      %get3A_1946 = vector.shape_cast %get3A_1945 : vector<1x16xf32> to vector<16xf32>
      %get3A_1947 = arith.constant 59 : i32
      %get3A_1948 = arith.index_cast %get3A_1947 : i32 to index
      %get3A_1949 = arith.constant 0 : index
      %get3A_1950 = tpu.vector_load %arg7[%get3A_1948, %get3A_1949] {strides = array<i32>} : memref<100x32xf32, #tpu.memory_space<vmem>>, vector<1x16xf32>,
      %get3A_1951 = vector.shape_cast %get3A_1950 : vector<1x16xf32> to vector<16xf32>
      %get3A_1952 = arith.constant 60 : i32
      %get3A_1953 = arith.index_cast %get3A_1952 : i32 to index
      %get3A_1954 = arith.constant 0 : index
      %get3A_1955 = tpu.vector_load %arg7[%get3A_1953, %get3A_1954] {strides = array<i32>} : memref<100x32xf32, #tpu.memory_space<vmem>>, vector<1x16xf32>,
      %get3A_1956 = vector.shape_cast %get3A_1955 : vector<1x16xf32> to vector<16xf32>
      %get3A_1957 = arith.constant 61 : i32
      %get3A_1958 = arith.index_cast %get3A_1957 : i32 to index
      %get3A_1959 = arith.constant 0 : index
      %get3A_1960 = tpu.vector_load %arg7[%get3A_1958, %get3A_1959] {strides = array<i32>} : memref<100x32xf32, #tpu.memory_space<vmem>>, vector<1x16xf32>,
      %get3A_1961 = vector.shape_cast %get3A_1960 : vector<1x16xf32> to vector<16xf32>
      %get3A_1962 = arith.constant 62 : i32
      %get3A_1963 = arith.index_cast %get3A_1962 : i32 to index
      %get3A_1964 = arith.constant 0 : index
      %get3A_1965 = tpu.vector_load %arg7[%get3A_1963, %get3A_1964] {strides = array<i32>} : memref<100x32xf32, #tpu.memory_space<vmem>>, vector<1x16xf32>,
      %get3A_1966 = vector.shape_cast %get3A_1965 : vector<1x16xf32> to vector<16xf32>
      %get3A_1967 = arith.constant 63 : i32
      %get3A_1968 = arith.index_cast %get3A_1967 : i32 to index
      %get3A_1969 = arith.constant 0 : index
      %get3A_1970 = tpu.vector_load %arg7[%get3A_1968, %get3A_1969] {strides = array<i32>} : memref<100x32xf32, #tpu.memory_space<vmem>>, vector<1x16xf32>,
      %get3A_1971 = vector.shape_cast %get3A_1970 : vector<1x16xf32> to vector<16xf32>
      %get3A_1972 = arith.constant 64 : i32
      %get3A_1973 = arith.index_cast %get3A_1972 : i32 to index
      %get3A_1974 = arith.constant 0 : index
      %get3A_1975 = tpu.vector_load %arg7[%get3A_1973, %get3A_1974] {strides = array<i32>} : memref<100x32xf32, #tpu.memory_space<vmem>>, vector<1x16xf32>,
      %get3A_1976 = vector.shape_cast %get3A_1975 : vector<1x16xf32> to vector<16xf32>
      %get3A_1977 = arith.constant 65 : i32
      %get3A_1978 = arith.index_cast %get3A_1977 : i32 to index
      %get3A_1979 = arith.constant 0 : index
      %get3A_1980 = tpu.vector_load %arg7[%get3A_1978, %get3A_1979] {strides = array<i32>} : memref<100x32xf32, #tpu.memory_space<vmem>>, vector<1x16xf32>,
      %get3A_1981 = vector.shape_cast %get3A_1980 : vector<1x16xf32> to vector<16xf32>
      %get3A_1982 = arith.constant 66 : i32
      %get3A_1983 = arith.index_cast %get3A_1982 : i32 to index
      %get3A_1984 = arith.constant 0 : index
      %get3A_1985 = tpu.vector_load %arg7[%get3A_1983, %get3A_1984] {strides = array<i32>} : memref<100x32xf32, #tpu.memory_space<vmem>>, vector<1x16xf32>,
      %get3A_1986 = vector.shape_cast %get3A_1985 : vector<1x16xf32> to vector<16xf32>
      %get3A_1987 = arith.constant 67 : i32
      %get3A_1988 = arith.index_cast %get3A_1987 : i32 to index
      %get3A_1989 = arith.constant 0 : index
      %get3A_1990 = tpu.vector_load %arg7[%get3A_1988, %get3A_1989] {strides = array<i32>} : memref<100x32xf32, #tpu.memory_space<vmem>>, vector<1x16xf32>,
      %get3A_1991 = vector.shape_cast %get3A_1990 : vector<1x16xf32> to vector<16xf32>
      %get3A_1992 = arith.constant 68 : i32
      %get3A_1993 = arith.index_cast %get3A_1992 : i32 to index
      %get3A_1994 = arith.constant 0 : index
      %get3A_1995 = tpu.vector_load %arg7[%get3A_1993, %get3A_1994] {strides = array<i32>} : memref<100x32xf32, #tpu.memory_space<vmem>>, vector<1x16xf32>,
      %get3A_1996 = vector.shape_cast %get3A_1995 : vector<1x16xf32> to vector<16xf32>
      %get3A_1997 = arith.constant 69 : i32
      %get3A_1998 = arith.index_cast %get3A_1997 : i32 to index
      %get3A_1999 = arith.constant 0 : index
      %get3A_2000 = tpu.vector_load %arg7[%get3A_1998, %get3A_1999] {strides = array<i32>} : memref<100x32xf32, #tpu.memory_space<vmem>>, vector<1x16xf32>,
      %get3A_2001 = vector.shape_cast %get3A_2000 : vector<1x16xf32> to vector<16xf32>
      %get3A_2002 = arith.constant 70 : i32
      %get3A_2003 = arith.index_cast %get3A_2002 : i32 to index
      %get3A_2004 = arith.constant 0 : index
      %get3A_2005 = tpu.vector_load %arg7[%get3A_2003, %get3A_2004] {strides = array<i32>} : memref<100x32xf32, #tpu.memory_space<vmem>>, vector<1x16xf32>,
      %get3A_2006 = vector.shape_cast %get3A_2005 : vector<1x16xf32> to vector<16xf32>
      %get3A_2007 = arith.constant 71 : i32
      %get3A_2008 = arith.index_cast %get3A_2007 : i32 to index
      %get3A_2009 = arith.constant 0 : index
      %get3A_2010 = tpu.vector_load %arg7[%get3A_2008, %get3A_2009] {strides = array<i32>} : memref<100x32xf32, #tpu.memory_space<vmem>>, vector<1x16xf32>,
      %get3A_2011 = vector.shape_cast %get3A_2010 : vector<1x16xf32> to vector<16xf32>
      %get3A_2012 = arith.constant 72 : i32
      %get3A_2013 = arith.index_cast %get3A_2012 : i32 to index
      %get3A_2014 = arith.constant 0 : index
      %get3A_2015 = tpu.vector_load %arg7[%get3A_2013, %get3A_2014] {strides = array<i32>} : memref<100x32xf32, #tpu.memory_space<vmem>>, vector<1x16xf32>,
      %get3A_2016 = vector.shape_cast %get3A_2015 : vector<1x16xf32> to vector<16xf32>
      %get3A_2017 = arith.constant 73 : i32
      %get3A_2018 = arith.index_cast %get3A_2017 : i32 to index
      %get3A_2019 = arith.constant 0 : index
      %get3A_2020 = tpu.vector_load %arg7[%get3A_2018, %get3A_2019] {strides = array<i32>} : memref<100x32xf32, #tpu.memory_space<vmem>>, vector<1x16xf32>,
      %get3A_2021 = vector.shape_cast %get3A_2020 : vector<1x16xf32> to vector<16xf32>
      %get3A_2022 = arith.constant 74 : i32
      %get3A_2023 = arith.index_cast %get3A_2022 : i32 to index
      %get3A_2024 = arith.constant 0 : index
      %get3A_2025 = tpu.vector_load %arg7[%get3A_2023, %get3A_2024] {strides = array<i32>} : memref<100x32xf32, #tpu.memory_space<vmem>>, vector<1x16xf32>,
      %get3A_2026 = vector.shape_cast %get3A_2025 : vector<1x16xf32> to vector<16xf32>
      %get3A_2027 = arith.constant 75 : i32
      %get3A_2028 = arith.index_cast %get3A_2027 : i32 to index
      %get3A_2029 = arith.constant 0 : index
      %get3A_2030 = tpu.vector_load %arg7[%get3A_2028, %get3A_2029] {strides = array<i32>} : memref<100x32xf32, #tpu.memory_space<vmem>>, vector<1x16xf32>,
      %get3A_2031 = vector.shape_cast %get3A_2030 : vector<1x16xf32> to vector<16xf32>
      %get3A_2032 = arith.constant 76 : i32
      %get3A_2033 = arith.index_cast %get3A_2032 : i32 to index
      %get3A_2034 = arith.constant 0 : index
      %get3A_2035 = tpu.vector_load %arg7[%get3A_2033, %get3A_2034] {strides = array<i32>} : memref<100x32xf32, #tpu.memory_space<vmem>>, vector<1x16xf32>,
      %get3A_2036 = vector.shape_cast %get3A_2035 : vector<1x16xf32> to vector<16xf32>
      %get3A_2037 = arith.constant 77 : i32
      %get3A_2038 = arith.index_cast %get3A_2037 : i32 to index
      %get3A_2039 = arith.constant 0 : index
      %get3A_2040 = tpu.vector_load %arg7[%get3A_2038, %get3A_2039] {strides = array<i32>} : memref<100x32xf32, #tpu.memory_space<vmem>>, vector<1x16xf32>,
      %get3A_2041 = vector.shape_cast %get3A_2040 : vector<1x16xf32> to vector<16xf32>
      %get3A_2042 = arith.constant 78 : i32
      %get3A_2043 = arith.index_cast %get3A_2042 : i32 to index
      %get3A_2044 = arith.constant 0 : index
      %get3A_2045 = tpu.vector_load %arg7[%get3A_2043, %get3A_2044] {strides = array<i32>} : memref<100x32xf32, #tpu.memory_space<vmem>>, vector<1x16xf32>,
      %get3A_2046 = vector.shape_cast %get3A_2045 : vector<1x16xf32> to vector<16xf32>
      %get3A_2047 = arith.constant 79 : i32
      %get3A_2048 = arith.index_cast %get3A_2047 : i32 to index
      %get3A_2049 = arith.constant 0 : index
      %get3A_2050 = tpu.vector_load %arg7[%get3A_2048, %get3A_2049] {strides = array<i32>} : memref<100x32xf32, #tpu.memory_space<vmem>>, vector<1x16xf32>,
      %get3A_2051 = vector.shape_cast %get3A_2050 : vector<1x16xf32> to vector<16xf32>
      %get3A_2052 = arith.constant 80 : i32
      %get3A_2053 = arith.index_cast %get3A_2052 : i32 to index
      %get3A_2054 = arith.constant 0 : index
      %get3A_2055 = tpu.vector_load %arg7[%get3A_2053, %get3A_2054] {strides = array<i32>} : memref<100x32xf32, #tpu.memory_space<vmem>>, vector<1x16xf32>,
      %get3A_2056 = vector.shape_cast %get3A_2055 : vector<1x16xf32> to vector<16xf32>
      %get3A_2057 = arith.constant 81 : i32
      %get3A_2058 = arith.index_cast %get3A_2057 : i32 to index
      %get3A_2059 = arith.constant 0 : index
      %get3A_2060 = tpu.vector_load %arg7[%get3A_2058, %get3A_2059] {strides = array<i32>} : memref<100x32xf32, #tpu.memory_space<vmem>>, vector<1x16xf32>,
      %get3A_2061 = vector.shape_cast %get3A_2060 : vector<1x16xf32> to vector<16xf32>
      %get3A_2062 = arith.constant 82 : i32
      %get3A_2063 = arith.index_cast %get3A_2062 : i32 to index
      %get3A_2064 = arith.constant 0 : index
      %get3A_2065 = tpu.vector_load %arg7[%get3A_2063, %get3A_2064] {strides = array<i32>} : memref<100x32xf32, #tpu.memory_space<vmem>>, vector<1x16xf32>,
      %get3A_2066 = vector.shape_cast %get3A_2065 : vector<1x16xf32> to vector<16xf32>
      %get3A_2067 = arith.constant 83 : i32
      %get3A_2068 = arith.index_cast %get3A_2067 : i32 to index
      %get3A_2069 = arith.constant 0 : index
      %get3A_2070 = tpu.vector_load %arg7[%get3A_2068, %get3A_2069] {strides = array<i32>} : memref<100x32xf32, #tpu.memory_space<vmem>>, vector<1x16xf32>,
      %get3A_2071 = vector.shape_cast %get3A_2070 : vector<1x16xf32> to vector<16xf32>
      %get3A_2072 = arith.constant 84 : i32
      %get3A_2073 = arith.index_cast %get3A_2072 : i32 to index
      %get3A_2074 = arith.constant 0 : index
      %get3A_2075 = tpu.vector_load %arg7[%get3A_2073, %get3A_2074] {strides = array<i32>} : memref<100x32xf32, #tpu.memory_space<vmem>>, vector<1x16xf32>,
      %get3A_2076 = vector.shape_cast %get3A_2075 : vector<1x16xf32> to vector<16xf32>
      %get3A_2077 = arith.constant 85 : i32
      %get3A_2078 = arith.index_cast %get3A_2077 : i32 to index
      %get3A_2079 = arith.constant 0 : index
      %get3A_2080 = tpu.vector_load %arg7[%get3A_2078, %get3A_2079] {strides = array<i32>} : memref<100x32xf32, #tpu.memory_space<vmem>>, vector<1x16xf32>,
      %get3A_2081 = vector.shape_cast %get3A_2080 : vector<1x16xf32> to vector<16xf32>
      %get3A_2082 = arith.constant 86 : i32
      %get3A_2083 = arith.index_cast %get3A_2082 : i32 to index
      %get3A_2084 = arith.constant 0 : index
      %get3A_2085 = tpu.vector_load %arg7[%get3A_2083, %get3A_2084] {strides = array<i32>} : memref<100x32xf32, #tpu.memory_space<vmem>>, vector<1x16xf32>,
      %get3A_2086 = vector.shape_cast %get3A_2085 : vector<1x16xf32> to vector<16xf32>
      %get3A_2087 = arith.constant 87 : i32
      %get3A_2088 = arith.index_cast %get3A_2087 : i32 to index
      %get3A_2089 = arith.constant 0 : index
      %get3A_2090 = tpu.vector_load %arg7[%get3A_2088, %get3A_2089] {strides = array<i32>} : memref<100x32xf32, #tpu.memory_space<vmem>>, vector<1x16xf32>,
      %get3A_2091 = vector.shape_cast %get3A_2090 : vector<1x16xf32> to vector<16xf32>
      %get3A_2092 = arith.constant 88 : i32
      %get3A_2093 = arith.index_cast %get3A_2092 : i32 to index
      %get3A_2094 = arith.constant 0 : index
      %get3A_2095 = tpu.vector_load %arg7[%get3A_2093, %get3A_2094] {strides = array<i32>} : memref<100x32xf32, #tpu.memory_space<vmem>>, vector<1x16xf32>,
      %get3A_2096 = vector.shape_cast %get3A_2095 : vector<1x16xf32> to vector<16xf32>
      %get3A_2097 = arith.constant 89 : i32
      %get3A_2098 = arith.index_cast %get3A_2097 : i32 to index
      %get3A_2099 = arith.constant 0 : index
      %get3A_2100 = tpu.vector_load %arg7[%get3A_2098, %get3A_2099] {strides = array<i32>} : memref<100x32xf32, #tpu.memory_space<vmem>>, vector<1x16xf32>,
      %get3A_2101 = vector.shape_cast %get3A_2100 : vector<1x16xf32> to vector<16xf32>
      %get3A_2102 = arith.constant 90 : i32
      %get3A_2103 = arith.index_cast %get3A_2102 : i32 to index
      %get3A_2104 = arith.constant 0 : index
      %get3A_2105 = tpu.vector_load %arg7[%get3A_2103, %get3A_2104] {strides = array<i32>} : memref<100x32xf32, #tpu.memory_space<vmem>>, vector<1x16xf32>,
      %get3A_2106 = vector.shape_cast %get3A_2105 : vector<1x16xf32> to vector<16xf32>
      %get3A_2107 = arith.constant 91 : i32
      %get3A_2108 = arith.index_cast %get3A_2107 : i32 to index
      %get3A_2109 = arith.constant 0 : index
      %get3A_2110 = tpu.vector_load %arg7[%get3A_2108, %get3A_2109] {strides = array<i32>} : memref<100x32xf32, #tpu.memory_space<vmem>>, vector<1x16xf32>,
      %get3A_2111 = vector.shape_cast %get3A_2110 : vector<1x16xf32> to vector<16xf32>
      %get3A_2112 = arith.constant 92 : i32
      %get3A_2113 = arith.index_cast %get3A_2112 : i32 to index
      %get3A_2114 = arith.constant 0 : index
      %get3A_2115 = tpu.vector_load %arg7[%get3A_2113, %get3A_2114] {strides = array<i32>} : memref<100x32xf32, #tpu.memory_space<vmem>>, vector<1x16xf32>,
      %get3A_2116 = vector.shape_cast %get3A_2115 : vector<1x16xf32> to vector<16xf32>
      %get3A_2117 = arith.constant 93 : i32
      %get3A_2118 = arith.index_cast %get3A_2117 : i32 to index
      %get3A_2119 = arith.constant 0 : index
      %get3A_2120 = tpu.vector_load %arg7[%get3A_2118, %get3A_2119] {strides = array<i32>} : memref<100x32xf32, #tpu.memory_space<vmem>>, vector<1x16xf32>,
      %get3A_2121 = vector.shape_cast %get3A_2120 : vector<1x16xf32> to vector<16xf32>
      %get3A_2122 = arith.constant 94 : i32
      %get3A_2123 = arith.index_cast %get3A_2122 : i32 to index
      %get3A_2124 = arith.constant 0 : index
      %get3A_2125 = tpu.vector_load %arg7[%get3A_2123, %get3A_2124] {strides = array<i32>} : memref<100x32xf32, #tpu.memory_space<vmem>>, vector<1x16xf32>,
      %get3A_2126 = vector.shape_cast %get3A_2125 : vector<1x16xf32> to vector<16xf32>
      %get3A_2127 = arith.constant 95 : i32
      %get3A_2128 = arith.index_cast %get3A_2127 : i32 to index
      %get3A_2129 = arith.constant 0 : index
      %get3A_2130 = tpu.vector_load %arg7[%get3A_2128, %get3A_2129] {strides = array<i32>} : memref<100x32xf32, #tpu.memory_space<vmem>>, vector<1x16xf32>,
      %get3A_2131 = vector.shape_cast %get3A_2130 : vector<1x16xf32> to vector<16xf32>
      %get3A_2132 = arith.constant 96 : i32
      %get3A_2133 = arith.index_cast %get3A_2132 : i32 to index
      %get3A_2134 = arith.constant 0 : index
      %get3A_2135 = tpu.vector_load %arg7[%get3A_2133, %get3A_2134] {strides = array<i32>} : memref<100x32xf32, #tpu.memory_space<vmem>>, vector<1x16xf32>,
      %get3A_2136 = vector.shape_cast %get3A_2135 : vector<1x16xf32> to vector<16xf32>
      %get3A_2137 = arith.constant 97 : i32
      %get3A_2138 = arith.index_cast %get3A_2137 : i32 to index
      %get3A_2139 = arith.constant 0 : index
      %get3A_2140 = tpu.vector_load %arg7[%get3A_2138, %get3A_2139] {strides = array<i32>} : memref<100x32xf32, #tpu.memory_space<vmem>>, vector<1x16xf32>,
      %get3A_2141 = vector.shape_cast %get3A_2140 : vector<1x16xf32> to vector<16xf32>
      %get3A_2142 = arith.constant 98 : i32
      %get3A_2143 = arith.index_cast %get3A_2142 : i32 to index
      %get3A_2144 = arith.constant 0 : index
      %get3A_2145 = tpu.vector_load %arg7[%get3A_2143, %get3A_2144] {strides = array<i32>} : memref<100x32xf32, #tpu.memory_space<vmem>>, vector<1x16xf32>,
      %get3A_2146 = vector.shape_cast %get3A_2145 : vector<1x16xf32> to vector<16xf32>
      %get3A_2147 = arith.constant 99 : i32
      %get3A_2148 = arith.index_cast %get3A_2147 : i32 to index
      %get3A_2149 = arith.constant 0 : index
      %get3A_2150 = tpu.vector_load %arg7[%get3A_2148, %get3A_2149] {strides = array<i32>} : memref<100x32xf32, #tpu.memory_space<vmem>>, vector<1x16xf32>,
      %get3A_2151 = vector.shape_cast %get3A_2150 : vector<1x16xf32> to vector<16xf32>
      %add3A_2152 = arith.addf %get3A_1906, %get3A_1911 : vector<16xf32>
      %add3A_2153 = arith.addf %get3A_1916, %get3A_1921 : vector<16xf32>
      %add3A_2154 = arith.addf %get3A_1926, %get3A_1931 : vector<16xf32>
      %add3A_2155 = arith.addf %get3A_1936, %get3A_1941 : vector<16xf32>
      %add3A_2156 = arith.addf %get3A_1946, %get3A_1951 : vector<16xf32>
      %add3A_2157 = arith.addf %get3A_1956, %get3A_1961 : vector<16xf32>
      %add3A_2158 = arith.addf %get3A_1966, %get3A_1971 : vector<16xf32>
      %add3A_2159 = arith.addf %get3A_1976, %get3A_1981 : vector<16xf32>
      %add3A_2160 = arith.addf %get3A_1986, %get3A_1991 : vector<16xf32>
      %add3A_2161 = arith.addf %get3A_1996, %get3A_2001 : vector<16xf32>
      %add3A_2162 = arith.addf %get3A_2006, %get3A_2011 : vector<16xf32>
      %add3A_2163 = arith.addf %get3A_2016, %get3A_2021 : vector<16xf32>
      %add3A_2164 = arith.addf %get3A_2026, %get3A_2031 : vector<16xf32>
      %add3A_2165 = arith.addf %get3A_2036, %get3A_2041 : vector<16xf32>
      %add3A_2166 = arith.addf %get3A_2046, %get3A_2051 : vector<16xf32>
      %add3A_2167 = arith.addf %get3A_2056, %get3A_2061 : vector<16xf32>
      %add3A_2168 = arith.addf %get3A_2066, %get3A_2071 : vector<16xf32>
      %add3A_2169 = arith.addf %get3A_2076, %get3A_2081 : vector<16xf32>
      %add3A_2170 = arith.addf %get3A_2086, %get3A_2091 : vector<16xf32>
      %add3A_2171 = arith.addf %get3A_2096, %get3A_2101 : vector<16xf32>
      %add3A_2172 = arith.addf %get3A_2106, %get3A_2111 : vector<16xf32>
      %add3A_2173 = arith.addf %get3A_2116, %get3A_2121 : vector<16xf32>
      %add3A_2174 = arith.addf %get3A_2126, %get3A_2131 : vector<16xf32>
      %add3A_2175 = arith.addf %get3A_2136, %get3A_2141 : vector<16xf32>
      %add3A_2176 = arith.addf %get3A_2146, %get3A_2151 : vector<16xf32>
      %add3A_2177 = arith.addf %add3A_2152, %add3A_2153 : vector<16xf32>
      %add3A_2178 = arith.addf %add3A_2154, %add3A_2155 : vector<16xf32>
      %add3A_2179 = arith.addf %add3A_2156, %add3A_2157 : vector<16xf32>
      %add3A_2180 = arith.addf %add3A_2158, %add3A_2159 : vector<16xf32>
      %add3A_2181 = arith.addf %add3A_2160, %add3A_2161 : vector<16xf32>
      %add3A_2182 = arith.addf %add3A_2162, %add3A_2163 : vector<16xf32>
      %add3A_2183 = arith.addf %add3A_2164, %add3A_2165 : vector<16xf32>
      %add3A_2184 = arith.addf %add3A_2166, %add3A_2167 : vector<16xf32>
      %add3A_2185 = arith.addf %add3A_2168, %add3A_2169 : vector<16xf32>
      %add3A_2186 = arith.addf %add3A_2170, %add3A_2171 : vector<16xf32>
      %add3A_2187 = arith.addf %add3A_2172, %add3A_2173 : vector<16xf32>
      %add3A_2188 = arith.addf %add3A_2174, %add3A_2175 : vector<16xf32>
      %add3A_2189 = arith.addf %add3A_2177, %add3A_2178 : vector<16xf32>
      %add3A_2190 = arith.addf %add3A_2179, %add3A_2180 : vector<16xf32>
      %add3A_2191 = arith.addf %add3A_2181, %add3A_2182 : vector<16xf32>
      %add3A_2192 = arith.addf %add3A_2183, %add3A_2184 : vector<16xf32>
      %add3A_2193 = arith.addf %add3A_2185, %add3A_2186 : vector<16xf32>
      %add3A_2194 = arith.addf %add3A_2187, %add3A_2188 : vector<16xf32>
      %add3A_2195 = arith.addf %add3A_2189, %add3A_2190 : vector<16xf32>
      %add3A_2196 = arith.addf %add3A_2191, %add3A_2192 : vector<16xf32>
      %add3A_2197 = arith.addf %add3A_2193, %add3A_2194 : vector<16xf32>
      %add3A_2198 = arith.addf %add3A_2195, %add3A_2196 : vector<16xf32>
      %add3A_2199 = arith.addf %add3A_2197, %add3A_2176 : vector<16xf32>
      %add3A_2200 = arith.addf %add3A_2198, %add3A_2199 : vector<16xf32>
      %swap3A_2201 = arith.index_cast %add3A_1901 : i32 to index
      %swap3A_2202 = arith.constant 0 : index
      %swap3A_2203 = tpu.vector_load %arg10[%swap3A_2201, %swap3A_2202] {strides = array<i32>} : memref<512x32xf32, #tpu.memory_space<vmem>>, vector<1x16xf32>,
      %swap3A_2204 = vector.shape_cast %swap3A_2203 : vector<1x16xf32> to vector<16xf32>
      %swap3A_2205 = vector.shape_cast %add3A_2200 : vector<16xf32> to vector<1x16xf32>
      tpu.vector_store %arg10[%swap3A_2201, %swap3A_2202], %swap3A_2205 {strides = array<i32>} : memref<512x32xf32, #tpu.memory_space<vmem>>, vector<1x16xf32>,
      %get3A_2206 = arith.constant 50 : i32
      %get3A_2207 = arith.index_cast %get3A_2206 : i32 to index
      %get3A_2208 = arith.constant 16 : index
      %get3A_2209 = tpu.vector_load %arg7[%get3A_2207, %get3A_2208] {strides = array<i32>} : memref<100x32xf32, #tpu.memory_space<vmem>>, vector<1x16xf32>,
      %get3A_2210 = vector.shape_cast %get3A_2209 : vector<1x16xf32> to vector<16xf32>
      %get3A_2211 = arith.constant 51 : i32
      %get3A_2212 = arith.index_cast %get3A_2211 : i32 to index
      %get3A_2213 = arith.constant 16 : index
      %get3A_2214 = tpu.vector_load %arg7[%get3A_2212, %get3A_2213] {strides = array<i32>} : memref<100x32xf32, #tpu.memory_space<vmem>>, vector<1x16xf32>,
      %get3A_2215 = vector.shape_cast %get3A_2214 : vector<1x16xf32> to vector<16xf32>
      %get3A_2216 = arith.constant 52 : i32
      %get3A_2217 = arith.index_cast %get3A_2216 : i32 to index
      %get3A_2218 = arith.constant 16 : index
      %get3A_2219 = tpu.vector_load %arg7[%get3A_2217, %get3A_2218] {strides = array<i32>} : memref<100x32xf32, #tpu.memory_space<vmem>>, vector<1x16xf32>,
      %get3A_2220 = vector.shape_cast %get3A_2219 : vector<1x16xf32> to vector<16xf32>
      %get3A_2221 = arith.constant 53 : i32
      %get3A_2222 = arith.index_cast %get3A_2221 : i32 to index
      %get3A_2223 = arith.constant 16 : index
      %get3A_2224 = tpu.vector_load %arg7[%get3A_2222, %get3A_2223] {strides = array<i32>} : memref<100x32xf32, #tpu.memory_space<vmem>>, vector<1x16xf32>,
      %get3A_2225 = vector.shape_cast %get3A_2224 : vector<1x16xf32> to vector<16xf32>
      %get3A_2226 = arith.constant 54 : i32
      %get3A_2227 = arith.index_cast %get3A_2226 : i32 to index
      %get3A_2228 = arith.constant 16 : index
      %get3A_2229 = tpu.vector_load %arg7[%get3A_2227, %get3A_2228] {strides = array<i32>} : memref<100x32xf32, #tpu.memory_space<vmem>>, vector<1x16xf32>,
      %get3A_2230 = vector.shape_cast %get3A_2229 : vector<1x16xf32> to vector<16xf32>
      %get3A_2231 = arith.constant 55 : i32
      %get3A_2232 = arith.index_cast %get3A_2231 : i32 to index
      %get3A_2233 = arith.constant 16 : index
      %get3A_2234 = tpu.vector_load %arg7[%get3A_2232, %get3A_2233] {strides = array<i32>} : memref<100x32xf32, #tpu.memory_space<vmem>>, vector<1x16xf32>,
      %get3A_2235 = vector.shape_cast %get3A_2234 : vector<1x16xf32> to vector<16xf32>
      %get3A_2236 = arith.constant 56 : i32
      %get3A_2237 = arith.index_cast %get3A_2236 : i32 to index
      %get3A_2238 = arith.constant 16 : index
      %get3A_2239 = tpu.vector_load %arg7[%get3A_2237, %get3A_2238] {strides = array<i32>} : memref<100x32xf32, #tpu.memory_space<vmem>>, vector<1x16xf32>,
      %get3A_2240 = vector.shape_cast %get3A_2239 : vector<1x16xf32> to vector<16xf32>
      %get3A_2241 = arith.constant 57 : i32
      %get3A_2242 = arith.index_cast %get3A_2241 : i32 to index
      %get3A_2243 = arith.constant 16 : index
      %get3A_2244 = tpu.vector_load %arg7[%get3A_2242, %get3A_2243] {strides = array<i32>} : memref<100x32xf32, #tpu.memory_space<vmem>>, vector<1x16xf32>,
      %get3A_2245 = vector.shape_cast %get3A_2244 : vector<1x16xf32> to vector<16xf32>
      %get3A_2246 = arith.constant 58 : i32
      %get3A_2247 = arith.index_cast %get3A_2246 : i32 to index
      %get3A_2248 = arith.constant 16 : index
      %get3A_2249 = tpu.vector_load %arg7[%get3A_2247, %get3A_2248] {strides = array<i32>} : memref<100x32xf32, #tpu.memory_space<vmem>>, vector<1x16xf32>,
      %get3A_2250 = vector.shape_cast %get3A_2249 : vector<1x16xf32> to vector<16xf32>
      %get3A_2251 = arith.constant 59 : i32
      %get3A_2252 = arith.index_cast %get3A_2251 : i32 to index
      %get3A_2253 = arith.constant 16 : index
      %get3A_2254 = tpu.vector_load %arg7[%get3A_2252, %get3A_2253] {strides = array<i32>} : memref<100x32xf32, #tpu.memory_space<vmem>>, vector<1x16xf32>,
      %get3A_2255 = vector.shape_cast %get3A_2254 : vector<1x16xf32> to vector<16xf32>
      %get3A_2256 = arith.constant 60 : i32
      %get3A_2257 = arith.index_cast %get3A_2256 : i32 to index
      %get3A_2258 = arith.constant 16 : index
      %get3A_2259 = tpu.vector_load %arg7[%get3A_2257, %get3A_2258] {strides = array<i32>} : memref<100x32xf32, #tpu.memory_space<vmem>>, vector<1x16xf32>,
      %get3A_2260 = vector.shape_cast %get3A_2259 : vector<1x16xf32> to vector<16xf32>
      %get3A_2261 = arith.constant 61 : i32
      %get3A_2262 = arith.index_cast %get3A_2261 : i32 to index
      %get3A_2263 = arith.constant 16 : index
      %get3A_2264 = tpu.vector_load %arg7[%get3A_2262, %get3A_2263] {strides = array<i32>} : memref<100x32xf32, #tpu.memory_space<vmem>>, vector<1x16xf32>,
      %get3A_2265 = vector.shape_cast %get3A_2264 : vector<1x16xf32> to vector<16xf32>
      %get3A_2266 = arith.constant 62 : i32
      %get3A_2267 = arith.index_cast %get3A_2266 : i32 to index
      %get3A_2268 = arith.constant 16 : index
      %get3A_2269 = tpu.vector_load %arg7[%get3A_2267, %get3A_2268] {strides = array<i32>} : memref<100x32xf32, #tpu.memory_space<vmem>>, vector<1x16xf32>,
      %get3A_2270 = vector.shape_cast %get3A_2269 : vector<1x16xf32> to vector<16xf32>
      %get3A_2271 = arith.constant 63 : i32
      %get3A_2272 = arith.index_cast %get3A_2271 : i32 to index
      %get3A_2273 = arith.constant 16 : index
      %get3A_2274 = tpu.vector_load %arg7[%get3A_2272, %get3A_2273] {strides = array<i32>} : memref<100x32xf32, #tpu.memory_space<vmem>>, vector<1x16xf32>,
      %get3A_2275 = vector.shape_cast %get3A_2274 : vector<1x16xf32> to vector<16xf32>
      %get3A_2276 = arith.constant 64 : i32
      %get3A_2277 = arith.index_cast %get3A_2276 : i32 to index
      %get3A_2278 = arith.constant 16 : index
      %get3A_2279 = tpu.vector_load %arg7[%get3A_2277, %get3A_2278] {strides = array<i32>} : memref<100x32xf32, #tpu.memory_space<vmem>>, vector<1x16xf32>,
      %get3A_2280 = vector.shape_cast %get3A_2279 : vector<1x16xf32> to vector<16xf32>
      %get3A_2281 = arith.constant 65 : i32
      %get3A_2282 = arith.index_cast %get3A_2281 : i32 to index
      %get3A_2283 = arith.constant 16 : index
      %get3A_2284 = tpu.vector_load %arg7[%get3A_2282, %get3A_2283] {strides = array<i32>} : memref<100x32xf32, #tpu.memory_space<vmem>>, vector<1x16xf32>,
      %get3A_2285 = vector.shape_cast %get3A_2284 : vector<1x16xf32> to vector<16xf32>
      %get3A_2286 = arith.constant 66 : i32
      %get3A_2287 = arith.index_cast %get3A_2286 : i32 to index
      %get3A_2288 = arith.constant 16 : index
      %get3A_2289 = tpu.vector_load %arg7[%get3A_2287, %get3A_2288] {strides = array<i32>} : memref<100x32xf32, #tpu.memory_space<vmem>>, vector<1x16xf32>,
      %get3A_2290 = vector.shape_cast %get3A_2289 : vector<1x16xf32> to vector<16xf32>
      %get3A_2291 = arith.constant 67 : i32
      %get3A_2292 = arith.index_cast %get3A_2291 : i32 to index
      %get3A_2293 = arith.constant 16 : index
      %get3A_2294 = tpu.vector_load %arg7[%get3A_2292, %get3A_2293] {strides = array<i32>} : memref<100x32xf32, #tpu.memory_space<vmem>>, vector<1x16xf32>,
      %get3A_2295 = vector.shape_cast %get3A_2294 : vector<1x16xf32> to vector<16xf32>
      %get3A_2296 = arith.constant 68 : i32
      %get3A_2297 = arith.index_cast %get3A_2296 : i32 to index
      %get3A_2298 = arith.constant 16 : index
      %get3A_2299 = tpu.vector_load %arg7[%get3A_2297, %get3A_2298] {strides = array<i32>} : memref<100x32xf32, #tpu.memory_space<vmem>>, vector<1x16xf32>,
      %get3A_2300 = vector.shape_cast %get3A_2299 : vector<1x16xf32> to vector<16xf32>
      %get3A_2301 = arith.constant 69 : i32
      %get3A_2302 = arith.index_cast %get3A_2301 : i32 to index
      %get3A_2303 = arith.constant 16 : index
      %get3A_2304 = tpu.vector_load %arg7[%get3A_2302, %get3A_2303] {strides = array<i32>} : memref<100x32xf32, #tpu.memory_space<vmem>>, vector<1x16xf32>,
      %get3A_2305 = vector.shape_cast %get3A_2304 : vector<1x16xf32> to vector<16xf32>
      %get3A_2306 = arith.constant 70 : i32
      %get3A_2307 = arith.index_cast %get3A_2306 : i32 to index
      %get3A_2308 = arith.constant 16 : index
      %get3A_2309 = tpu.vector_load %arg7[%get3A_2307, %get3A_2308] {strides = array<i32>} : memref<100x32xf32, #tpu.memory_space<vmem>>, vector<1x16xf32>,
      %get3A_2310 = vector.shape_cast %get3A_2309 : vector<1x16xf32> to vector<16xf32>
      %get3A_2311 = arith.constant 71 : i32
      %get3A_2312 = arith.index_cast %get3A_2311 : i32 to index
      %get3A_2313 = arith.constant 16 : index
      %get3A_2314 = tpu.vector_load %arg7[%get3A_2312, %get3A_2313] {strides = array<i32>} : memref<100x32xf32, #tpu.memory_space<vmem>>, vector<1x16xf32>,
      %get3A_2315 = vector.shape_cast %get3A_2314 : vector<1x16xf32> to vector<16xf32>
      %get3A_2316 = arith.constant 72 : i32
      %get3A_2317 = arith.index_cast %get3A_2316 : i32 to index
      %get3A_2318 = arith.constant 16 : index
      %get3A_2319 = tpu.vector_load %arg7[%get3A_2317, %get3A_2318] {strides = array<i32>} : memref<100x32xf32, #tpu.memory_space<vmem>>, vector<1x16xf32>,
      %get3A_2320 = vector.shape_cast %get3A_2319 : vector<1x16xf32> to vector<16xf32>
      %get3A_2321 = arith.constant 73 : i32
      %get3A_2322 = arith.index_cast %get3A_2321 : i32 to index
      %get3A_2323 = arith.constant 16 : index
      %get3A_2324 = tpu.vector_load %arg7[%get3A_2322, %get3A_2323] {strides = array<i32>} : memref<100x32xf32, #tpu.memory_space<vmem>>, vector<1x16xf32>,
      %get3A_2325 = vector.shape_cast %get3A_2324 : vector<1x16xf32> to vector<16xf32>
      %get3A_2326 = arith.constant 74 : i32
      %get3A_2327 = arith.index_cast %get3A_2326 : i32 to index
      %get3A_2328 = arith.constant 16 : index
      %get3A_2329 = tpu.vector_load %arg7[%get3A_2327, %get3A_2328] {strides = array<i32>} : memref<100x32xf32, #tpu.memory_space<vmem>>, vector<1x16xf32>,
      %get3A_2330 = vector.shape_cast %get3A_2329 : vector<1x16xf32> to vector<16xf32>
      %get3A_2331 = arith.constant 75 : i32
      %get3A_2332 = arith.index_cast %get3A_2331 : i32 to index
      %get3A_2333 = arith.constant 16 : index
      %get3A_2334 = tpu.vector_load %arg7[%get3A_2332, %get3A_2333] {strides = array<i32>} : memref<100x32xf32, #tpu.memory_space<vmem>>, vector<1x16xf32>,
      %get3A_2335 = vector.shape_cast %get3A_2334 : vector<1x16xf32> to vector<16xf32>
      %get3A_2336 = arith.constant 76 : i32
      %get3A_2337 = arith.index_cast %get3A_2336 : i32 to index
      %get3A_2338 = arith.constant 16 : index
      %get3A_2339 = tpu.vector_load %arg7[%get3A_2337, %get3A_2338] {strides = array<i32>} : memref<100x32xf32, #tpu.memory_space<vmem>>, vector<1x16xf32>,
      %get3A_2340 = vector.shape_cast %get3A_2339 : vector<1x16xf32> to vector<16xf32>
      %get3A_2341 = arith.constant 77 : i32
      %get3A_2342 = arith.index_cast %get3A_2341 : i32 to index
      %get3A_2343 = arith.constant 16 : index
      %get3A_2344 = tpu.vector_load %arg7[%get3A_2342, %get3A_2343] {strides = array<i32>} : memref<100x32xf32, #tpu.memory_space<vmem>>, vector<1x16xf32>,
      %get3A_2345 = vector.shape_cast %get3A_2344 : vector<1x16xf32> to vector<16xf32>
      %get3A_2346 = arith.constant 78 : i32
      %get3A_2347 = arith.index_cast %get3A_2346 : i32 to index
      %get3A_2348 = arith.constant 16 : index
      %get3A_2349 = tpu.vector_load %arg7[%get3A_2347, %get3A_2348] {strides = array<i32>} : memref<100x32xf32, #tpu.memory_space<vmem>>, vector<1x16xf32>,
      %get3A_2350 = vector.shape_cast %get3A_2349 : vector<1x16xf32> to vector<16xf32>
      %get3A_2351 = arith.constant 79 : i32
      %get3A_2352 = arith.index_cast %get3A_2351 : i32 to index
      %get3A_2353 = arith.constant 16 : index
      %get3A_2354 = tpu.vector_load %arg7[%get3A_2352, %get3A_2353] {strides = array<i32>} : memref<100x32xf32, #tpu.memory_space<vmem>>, vector<1x16xf32>,
      %get3A_2355 = vector.shape_cast %get3A_2354 : vector<1x16xf32> to vector<16xf32>
      %get3A_2356 = arith.constant 80 : i32
      %get3A_2357 = arith.index_cast %get3A_2356 : i32 to index
      %get3A_2358 = arith.constant 16 : index
      %get3A_2359 = tpu.vector_load %arg7[%get3A_2357, %get3A_2358] {strides = array<i32>} : memref<100x32xf32, #tpu.memory_space<vmem>>, vector<1x16xf32>,
      %get3A_2360 = vector.shape_cast %get3A_2359 : vector<1x16xf32> to vector<16xf32>
      %get3A_2361 = arith.constant 81 : i32
      %get3A_2362 = arith.index_cast %get3A_2361 : i32 to index
      %get3A_2363 = arith.constant 16 : index
      %get3A_2364 = tpu.vector_load %arg7[%get3A_2362, %get3A_2363] {strides = array<i32>} : memref<100x32xf32, #tpu.memory_space<vmem>>, vector<1x16xf32>,
      %get3A_2365 = vector.shape_cast %get3A_2364 : vector<1x16xf32> to vector<16xf32>
      %get3A_2366 = arith.constant 82 : i32
      %get3A_2367 = arith.index_cast %get3A_2366 : i32 to index
      %get3A_2368 = arith.constant 16 : index
      %get3A_2369 = tpu.vector_load %arg7[%get3A_2367, %get3A_2368] {strides = array<i32>} : memref<100x32xf32, #tpu.memory_space<vmem>>, vector<1x16xf32>,
      %get3A_2370 = vector.shape_cast %get3A_2369 : vector<1x16xf32> to vector<16xf32>
      %get3A_2371 = arith.constant 83 : i32
      %get3A_2372 = arith.index_cast %get3A_2371 : i32 to index
      %get3A_2373 = arith.constant 16 : index
      %get3A_2374 = tpu.vector_load %arg7[%get3A_2372, %get3A_2373] {strides = array<i32>} : memref<100x32xf32, #tpu.memory_space<vmem>>, vector<1x16xf32>,
      %get3A_2375 = vector.shape_cast %get3A_2374 : vector<1x16xf32> to vector<16xf32>
      %get3A_2376 = arith.constant 84 : i32
      %get3A_2377 = arith.index_cast %get3A_2376 : i32 to index
      %get3A_2378 = arith.constant 16 : index
      %get3A_2379 = tpu.vector_load %arg7[%get3A_2377, %get3A_2378] {strides = array<i32>} : memref<100x32xf32, #tpu.memory_space<vmem>>, vector<1x16xf32>,
      %get3A_2380 = vector.shape_cast %get3A_2379 : vector<1x16xf32> to vector<16xf32>
      %get3A_2381 = arith.constant 85 : i32
      %get3A_2382 = arith.index_cast %get3A_2381 : i32 to index
      %get3A_2383 = arith.constant 16 : index
      %get3A_2384 = tpu.vector_load %arg7[%get3A_2382, %get3A_2383] {strides = array<i32>} : memref<100x32xf32, #tpu.memory_space<vmem>>, vector<1x16xf32>,
      %get3A_2385 = vector.shape_cast %get3A_2384 : vector<1x16xf32> to vector<16xf32>
      %get3A_2386 = arith.constant 86 : i32
      %get3A_2387 = arith.index_cast %get3A_2386 : i32 to index
      %get3A_2388 = arith.constant 16 : index
      %get3A_2389 = tpu.vector_load %arg7[%get3A_2387, %get3A_2388] {strides = array<i32>} : memref<100x32xf32, #tpu.memory_space<vmem>>, vector<1x16xf32>,
      %get3A_2390 = vector.shape_cast %get3A_2389 : vector<1x16xf32> to vector<16xf32>
      %get3A_2391 = arith.constant 87 : i32
      %get3A_2392 = arith.index_cast %get3A_2391 : i32 to index
      %get3A_2393 = arith.constant 16 : index
      %get3A_2394 = tpu.vector_load %arg7[%get3A_2392, %get3A_2393] {strides = array<i32>} : memref<100x32xf32, #tpu.memory_space<vmem>>, vector<1x16xf32>,
      %get3A_2395 = vector.shape_cast %get3A_2394 : vector<1x16xf32> to vector<16xf32>
      %get3A_2396 = arith.constant 88 : i32
      %get3A_2397 = arith.index_cast %get3A_2396 : i32 to index
      %get3A_2398 = arith.constant 16 : index
      %get3A_2399 = tpu.vector_load %arg7[%get3A_2397, %get3A_2398] {strides = array<i32>} : memref<100x32xf32, #tpu.memory_space<vmem>>, vector<1x16xf32>,
      %get3A_2400 = vector.shape_cast %get3A_2399 : vector<1x16xf32> to vector<16xf32>
      %get3A_2401 = arith.constant 89 : i32
      %get3A_2402 = arith.index_cast %get3A_2401 : i32 to index
      %get3A_2403 = arith.constant 16 : index
      %get3A_2404 = tpu.vector_load %arg7[%get3A_2402, %get3A_2403] {strides = array<i32>} : memref<100x32xf32, #tpu.memory_space<vmem>>, vector<1x16xf32>,
      %get3A_2405 = vector.shape_cast %get3A_2404 : vector<1x16xf32> to vector<16xf32>
      %get3A_2406 = arith.constant 90 : i32
      %get3A_2407 = arith.index_cast %get3A_2406 : i32 to index
      %get3A_2408 = arith.constant 16 : index
      %get3A_2409 = tpu.vector_load %arg7[%get3A_2407, %get3A_2408] {strides = array<i32>} : memref<100x32xf32, #tpu.memory_space<vmem>>, vector<1x16xf32>,
      %get3A_2410 = vector.shape_cast %get3A_2409 : vector<1x16xf32> to vector<16xf32>
      %get3A_2411 = arith.constant 91 : i32
      %get3A_2412 = arith.index_cast %get3A_2411 : i32 to index
      %get3A_2413 = arith.constant 16 : index
      %get3A_2414 = tpu.vector_load %arg7[%get3A_2412, %get3A_2413] {strides = array<i32>} : memref<100x32xf32, #tpu.memory_space<vmem>>, vector<1x16xf32>,
      %get3A_2415 = vector.shape_cast %get3A_2414 : vector<1x16xf32> to vector<16xf32>
      %get3A_2416 = arith.constant 92 : i32
      %get3A_2417 = arith.index_cast %get3A_2416 : i32 to index
      %get3A_2418 = arith.constant 16 : index
      %get3A_2419 = tpu.vector_load %arg7[%get3A_2417, %get3A_2418] {strides = array<i32>} : memref<100x32xf32, #tpu.memory_space<vmem>>, vector<1x16xf32>,
      %get3A_2420 = vector.shape_cast %get3A_2419 : vector<1x16xf32> to vector<16xf32>
      %get3A_2421 = arith.constant 93 : i32
      %get3A_2422 = arith.index_cast %get3A_2421 : i32 to index
      %get3A_2423 = arith.constant 16 : index
      %get3A_2424 = tpu.vector_load %arg7[%get3A_2422, %get3A_2423] {strides = array<i32>} : memref<100x32xf32, #tpu.memory_space<vmem>>, vector<1x16xf32>,
      %get3A_2425 = vector.shape_cast %get3A_2424 : vector<1x16xf32> to vector<16xf32>
      %get3A_2426 = arith.constant 94 : i32
      %get3A_2427 = arith.index_cast %get3A_2426 : i32 to index
      %get3A_2428 = arith.constant 16 : index
      %get3A_2429 = tpu.vector_load %arg7[%get3A_2427, %get3A_2428] {strides = array<i32>} : memref<100x32xf32, #tpu.memory_space<vmem>>, vector<1x16xf32>,
      %get3A_2430 = vector.shape_cast %get3A_2429 : vector<1x16xf32> to vector<16xf32>
      %get3A_2431 = arith.constant 95 : i32
      %get3A_2432 = arith.index_cast %get3A_2431 : i32 to index
      %get3A_2433 = arith.constant 16 : index
      %get3A_2434 = tpu.vector_load %arg7[%get3A_2432, %get3A_2433] {strides = array<i32>} : memref<100x32xf32, #tpu.memory_space<vmem>>, vector<1x16xf32>,
      %get3A_2435 = vector.shape_cast %get3A_2434 : vector<1x16xf32> to vector<16xf32>
      %get3A_2436 = arith.constant 96 : i32
      %get3A_2437 = arith.index_cast %get3A_2436 : i32 to index
      %get3A_2438 = arith.constant 16 : index
      %get3A_2439 = tpu.vector_load %arg7[%get3A_2437, %get3A_2438] {strides = array<i32>} : memref<100x32xf32, #tpu.memory_space<vmem>>, vector<1x16xf32>,
      %get3A_2440 = vector.shape_cast %get3A_2439 : vector<1x16xf32> to vector<16xf32>
      %get3A_2441 = arith.constant 97 : i32
      %get3A_2442 = arith.index_cast %get3A_2441 : i32 to index
      %get3A_2443 = arith.constant 16 : index
      %get3A_2444 = tpu.vector_load %arg7[%get3A_2442, %get3A_2443] {strides = array<i32>} : memref<100x32xf32, #tpu.memory_space<vmem>>, vector<1x16xf32>,
      %get3A_2445 = vector.shape_cast %get3A_2444 : vector<1x16xf32> to vector<16xf32>
      %get3A_2446 = arith.constant 98 : i32
      %get3A_2447 = arith.index_cast %get3A_2446 : i32 to index
      %get3A_2448 = arith.constant 16 : index
      %get3A_2449 = tpu.vector_load %arg7[%get3A_2447, %get3A_2448] {strides = array<i32>} : memref<100x32xf32, #tpu.memory_space<vmem>>, vector<1x16xf32>,
      %get3A_2450 = vector.shape_cast %get3A_2449 : vector<1x16xf32> to vector<16xf32>
      %get3A_2451 = arith.constant 99 : i32
      %get3A_2452 = arith.index_cast %get3A_2451 : i32 to index
      %get3A_2453 = arith.constant 16 : index
      %get3A_2454 = tpu.vector_load %arg7[%get3A_2452, %get3A_2453] {strides = array<i32>} : memref<100x32xf32, #tpu.memory_space<vmem>>, vector<1x16xf32>,
      %get3A_2455 = vector.shape_cast %get3A_2454 : vector<1x16xf32> to vector<16xf32>
      %add3A_2456 = arith.addf %get3A_2210, %get3A_2215 : vector<16xf32>
      %add3A_2457 = arith.addf %get3A_2220, %get3A_2225 : vector<16xf32>
      %add3A_2458 = arith.addf %get3A_2230, %get3A_2235 : vector<16xf32>
      %add3A_2459 = arith.addf %get3A_2240, %get3A_2245 : vector<16xf32>
      %add3A_2460 = arith.addf %get3A_2250, %get3A_2255 : vector<16xf32>
      %add3A_2461 = arith.addf %get3A_2260, %get3A_2265 : vector<16xf32>
      %add3A_2462 = arith.addf %get3A_2270, %get3A_2275 : vector<16xf32>
      %add3A_2463 = arith.addf %get3A_2280, %get3A_2285 : vector<16xf32>
      %add3A_2464 = arith.addf %get3A_2290, %get3A_2295 : vector<16xf32>
      %add3A_2465 = arith.addf %get3A_2300, %get3A_2305 : vector<16xf32>
      %add3A_2466 = arith.addf %get3A_2310, %get3A_2315 : vector<16xf32>
      %add3A_2467 = arith.addf %get3A_2320, %get3A_2325 : vector<16xf32>
      %add3A_2468 = arith.addf %get3A_2330, %get3A_2335 : vector<16xf32>
      %add3A_2469 = arith.addf %get3A_2340, %get3A_2345 : vector<16xf32>
      %add3A_2470 = arith.addf %get3A_2350, %get3A_2355 : vector<16xf32>
      %add3A_2471 = arith.addf %get3A_2360, %get3A_2365 : vector<16xf32>
      %add3A_2472 = arith.addf %get3A_2370, %get3A_2375 : vector<16xf32>
      %add3A_2473 = arith.addf %get3A_2380, %get3A_2385 : vector<16xf32>
      %add3A_2474 = arith.addf %get3A_2390, %get3A_2395 : vector<16xf32>
      %add3A_2475 = arith.addf %get3A_2400, %get3A_2405 : vector<16xf32>
      %add3A_2476 = arith.addf %get3A_2410, %get3A_2415 : vector<16xf32>
      %add3A_2477 = arith.addf %get3A_2420, %get3A_2425 : vector<16xf32>
      %add3A_2478 = arith.addf %get3A_2430, %get3A_2435 : vector<16xf32>
      %add3A_2479 = arith.addf %get3A_2440, %get3A_2445 : vector<16xf32>
      %add3A_2480 = arith.addf %get3A_2450, %get3A_2455 : vector<16xf32>
      %add3A_2481 = arith.addf %add3A_2456, %add3A_2457 : vector<16xf32>
      %add3A_2482 = arith.addf %add3A_2458, %add3A_2459 : vector<16xf32>
      %add3A_2483 = arith.addf %add3A_2460, %add3A_2461 : vector<16xf32>
      %add3A_2484 = arith.addf %add3A_2462, %add3A_2463 : vector<16xf32>
      %add3A_2485 = arith.addf %add3A_2464, %add3A_2465 : vector<16xf32>
      %add3A_2486 = arith.addf %add3A_2466, %add3A_2467 : vector<16xf32>
      %add3A_2487 = arith.addf %add3A_2468, %add3A_2469 : vector<16xf32>
      %add3A_2488 = arith.addf %add3A_2470, %add3A_2471 : vector<16xf32>
      %add3A_2489 = arith.addf %add3A_2472, %add3A_2473 : vector<16xf32>
      %add3A_2490 = arith.addf %add3A_2474, %add3A_2475 : vector<16xf32>
      %add3A_2491 = arith.addf %add3A_2476, %add3A_2477 : vector<16xf32>
      %add3A_2492 = arith.addf %add3A_2478, %add3A_2479 : vector<16xf32>
      %add3A_2493 = arith.addf %add3A_2481, %add3A_2482 : vector<16xf32>
      %add3A_2494 = arith.addf %add3A_2483, %add3A_2484 : vector<16xf32>
      %add3A_2495 = arith.addf %add3A_2485, %add3A_2486 : vector<16xf32>
      %add3A_2496 = arith.addf %add3A_2487, %add3A_2488 : vector<16xf32>
      %add3A_2497 = arith.addf %add3A_2489, %add3A_2490 : vector<16xf32>
      %add3A_2498 = arith.addf %add3A_2491, %add3A_2492 : vector<16xf32>
      %add3A_2499 = arith.addf %add3A_2493, %add3A_2494 : vector<16xf32>
      %add3A_2500 = arith.addf %add3A_2495, %add3A_2496 : vector<16xf32>
      %add3A_2501 = arith.addf %add3A_2497, %add3A_2498 : vector<16xf32>
      %add3A_2502 = arith.addf %add3A_2499, %add3A_2500 : vector<16xf32>
      %add3A_2503 = arith.addf %add3A_2501, %add3A_2480 : vector<16xf32>
      %add3A_2504 = arith.addf %add3A_2502, %add3A_2503 : vector<16xf32>
      %swap3A_2505 = arith.index_cast %add3A_1901 : i32 to index
      %swap3A_2506 = arith.constant 16 : index
      %swap3A_2507 = tpu.vector_load %arg10[%swap3A_2505, %swap3A_2506] {strides = array<i32>} : memref<512x32xf32, #tpu.memory_space<vmem>>, vector<1x16xf32>,
      %swap3A_2508 = vector.shape_cast %swap3A_2507 : vector<1x16xf32> to vector<16xf32>
      %swap3A_2509 = vector.shape_cast %add3A_2504 : vector<16xf32> to vector<1x16xf32>
      tpu.vector_store %arg10[%swap3A_2505, %swap3A_2506], %swap3A_2509 {strides = array<i32>} : memref<512x32xf32, #tpu.memory_space<vmem>>, vector<1x16xf32>,
      %add3A_2510 = arith.constant 1 : i32
      %add3A_2511 = arith.addi %add3A_38, %add3A_2510 : i32
      %add3A_2512 = arith.constant 4 : i32
      %add3A_2513 = arith.addi %add3A_2511, %add3A_2512 : i32
      %lt3A_2514 = arith.constant 256 : i32
      %lt3A_2515 = arith.cmpi slt, %add3A_2513, %lt3A_2514 : i32
      %convert_element_type3A_2516 = arith.extui %lt3A_2515 : i1 to i32
      %cond3A_2517 = arith.constant 0 : i32
      %cond3A_2518 = arith.cmpi ne, %convert_element_type3A_2516, %cond3A_2517 : i32
      scf.if %cond3A_2518 {
        %add3A_5005 = arith.constant 1 : i32
        %add3A_5006 = arith.addi %add3A_38, %add3A_5005 : i32
        %add3A_5007 = arith.constant 4 : i32
        %add3A_5008 = arith.addi %add3A_5006, %add3A_5007 : i32
        %dma_start3A_5009 = arith.constant 0 : i32
        %dma_start3A_5010 = tpu.memref_slice %arg5[%add3A_5008, %dma_start3A_5009] : memref<256x100xi32, #tpu.memory_space<vmem>> -> memref<1x100xi32, #tpu.memory_space<vmem>>
        %dma_start3A_5011 = tpu.memref_squeeze %dma_start3A_5010 : memref<1x100xi32, #tpu.memory_space<vmem>> -> memref<100xi32, #tpu.memory_space<vmem>>
        %dma_start3A_5012 = arith.constant 0 : i32
        %dma_start3A_5013 = arith.constant 0 : i32
        %dma_start3A_5014 = tpu.memref_slice %arg3[%dma_start3A_5012, %dma_start3A_5013] : memref<1015808x32xf32, #tpu.memory_space<hbm>> -> memref<1015808x32xf32, #tpu.memory_space<hbm>>
        tpu.enqueue_indirect_dma source(%dma_start3A_5014 : memref<1015808x32xf32, #tpu.memory_space<hbm>>) target(%arg7 : memref<100x32xf32, #tpu.memory_space<vmem>>) offsets(%dma_start3A_5011 : memref<100xi32, #tpu.memory_space<vmem>>) semaphore(%arg12 : memref<!tpu.dma_semaphore, #tpu.memory_space<semaphore_mem>>)
      } else {
      }
      %add3A_2519 = arith.constant 2 : i32
      %add3A_2520 = arith.addi %add3A_38, %add3A_2519 : i32
      %dma_wait3A_2521 = arith.constant 0 : i32
      %dma_wait3A_2522 = tpu.memref_slice %arg5[%add3A_2520, %dma_wait3A_2521] : memref<256x100xi32, #tpu.memory_space<vmem>> -> memref<1x100xi32, #tpu.memory_space<vmem>>
      %dma_wait3A_2523 = tpu.memref_squeeze %dma_wait3A_2522 : memref<1x100xi32, #tpu.memory_space<vmem>> -> memref<100xi32, #tpu.memory_space<vmem>>
      %dma_wait3A_2524 = arith.constant 0 : i32
      %dma_wait3A_2525 = arith.constant 0 : i32
      %dma_wait3A_2526 = tpu.memref_slice %arg3[%dma_wait3A_2524, %dma_wait3A_2525] : memref<1015808x32xf32, #tpu.memory_space<hbm>> -> memref<1015808x32xf32, #tpu.memory_space<hbm>>
      tpu.wait_indirect_dma semaphore(%arg13 : memref<!tpu.dma_semaphore, #tpu.memory_space<semaphore_mem>>) src(%dma_wait3A_2526 : memref<1015808x32xf32, #tpu.memory_space<hbm>>) dst(%arg8 : memref<100x32xf32, #tpu.memory_space<vmem>>)
      %add3A_2527 = arith.constant 2 : i32
      %add3A_2528 = arith.addi %add3A_38, %add3A_2527 : i32
      %mul3A_2529 = arith.constant 2 : i32
      %mul3A_2530 = arith.muli %add3A_2528, %mul3A_2529 : i32
      %add3A_2531 = arith.constant 0 : i32
      %add3A_2532 = arith.addi %mul3A_2530, %add3A_2531 : i32
      %get3A_2533 = arith.constant 0 : i32
      %get3A_2534 = arith.index_cast %get3A_2533 : i32 to index
      %get3A_2535 = arith.constant 0 : index
      %get3A_2536 = tpu.vector_load %arg8[%get3A_2534, %get3A_2535] {strides = array<i32>} : memref<100x32xf32, #tpu.memory_space<vmem>>, vector<1x16xf32>,
      %get3A_2537 = vector.shape_cast %get3A_2536 : vector<1x16xf32> to vector<16xf32>
      %get3A_2538 = arith.constant 1 : i32
      %get3A_2539 = arith.index_cast %get3A_2538 : i32 to index
      %get3A_2540 = arith.constant 0 : index
      %get3A_2541 = tpu.vector_load %arg8[%get3A_2539, %get3A_2540] {strides = array<i32>} : memref<100x32xf32, #tpu.memory_space<vmem>>, vector<1x16xf32>,
      %get3A_2542 = vector.shape_cast %get3A_2541 : vector<1x16xf32> to vector<16xf32>
      %get3A_2543 = arith.constant 2 : i32
      %get3A_2544 = arith.index_cast %get3A_2543 : i32 to index
      %get3A_2545 = arith.constant 0 : index
      %get3A_2546 = tpu.vector_load %arg8[%get3A_2544, %get3A_2545] {strides = array<i32>} : memref<100x32xf32, #tpu.memory_space<vmem>>, vector<1x16xf32>,
      %get3A_2547 = vector.shape_cast %get3A_2546 : vector<1x16xf32> to vector<16xf32>
      %get3A_2548 = arith.constant 3 : i32
      %get3A_2549 = arith.index_cast %get3A_2548 : i32 to index
      %get3A_2550 = arith.constant 0 : index
      %get3A_2551 = tpu.vector_load %arg8[%get3A_2549, %get3A_2550] {strides = array<i32>} : memref<100x32xf32, #tpu.memory_space<vmem>>, vector<1x16xf32>,
      %get3A_2552 = vector.shape_cast %get3A_2551 : vector<1x16xf32> to vector<16xf32>
      %get3A_2553 = arith.constant 4 : i32
      %get3A_2554 = arith.index_cast %get3A_2553 : i32 to index
      %get3A_2555 = arith.constant 0 : index
      %get3A_2556 = tpu.vector_load %arg8[%get3A_2554, %get3A_2555] {strides = array<i32>} : memref<100x32xf32, #tpu.memory_space<vmem>>, vector<1x16xf32>,
      %get3A_2557 = vector.shape_cast %get3A_2556 : vector<1x16xf32> to vector<16xf32>
      %get3A_2558 = arith.constant 5 : i32
      %get3A_2559 = arith.index_cast %get3A_2558 : i32 to index
      %get3A_2560 = arith.constant 0 : index
      %get3A_2561 = tpu.vector_load %arg8[%get3A_2559, %get3A_2560] {strides = array<i32>} : memref<100x32xf32, #tpu.memory_space<vmem>>, vector<1x16xf32>,
      %get3A_2562 = vector.shape_cast %get3A_2561 : vector<1x16xf32> to vector<16xf32>
      %get3A_2563 = arith.constant 6 : i32
      %get3A_2564 = arith.index_cast %get3A_2563 : i32 to index
      %get3A_2565 = arith.constant 0 : index
      %get3A_2566 = tpu.vector_load %arg8[%get3A_2564, %get3A_2565] {strides = array<i32>} : memref<100x32xf32, #tpu.memory_space<vmem>>, vector<1x16xf32>,
      %get3A_2567 = vector.shape_cast %get3A_2566 : vector<1x16xf32> to vector<16xf32>
      %get3A_2568 = arith.constant 7 : i32
      %get3A_2569 = arith.index_cast %get3A_2568 : i32 to index
      %get3A_2570 = arith.constant 0 : index
      %get3A_2571 = tpu.vector_load %arg8[%get3A_2569, %get3A_2570] {strides = array<i32>} : memref<100x32xf32, #tpu.memory_space<vmem>>, vector<1x16xf32>,
      %get3A_2572 = vector.shape_cast %get3A_2571 : vector<1x16xf32> to vector<16xf32>
      %get3A_2573 = arith.constant 8 : i32
      %get3A_2574 = arith.index_cast %get3A_2573 : i32 to index
      %get3A_2575 = arith.constant 0 : index
      %get3A_2576 = tpu.vector_load %arg8[%get3A_2574, %get3A_2575] {strides = array<i32>} : memref<100x32xf32, #tpu.memory_space<vmem>>, vector<1x16xf32>,
      %get3A_2577 = vector.shape_cast %get3A_2576 : vector<1x16xf32> to vector<16xf32>
      %get3A_2578 = arith.constant 9 : i32
      %get3A_2579 = arith.index_cast %get3A_2578 : i32 to index
      %get3A_2580 = arith.constant 0 : index
      %get3A_2581 = tpu.vector_load %arg8[%get3A_2579, %get3A_2580] {strides = array<i32>} : memref<100x32xf32, #tpu.memory_space<vmem>>, vector<1x16xf32>,
      %get3A_2582 = vector.shape_cast %get3A_2581 : vector<1x16xf32> to vector<16xf32>
      %get3A_2583 = arith.constant 10 : i32
      %get3A_2584 = arith.index_cast %get3A_2583 : i32 to index
      %get3A_2585 = arith.constant 0 : index
      %get3A_2586 = tpu.vector_load %arg8[%get3A_2584, %get3A_2585] {strides = array<i32>} : memref<100x32xf32, #tpu.memory_space<vmem>>, vector<1x16xf32>,
      %get3A_2587 = vector.shape_cast %get3A_2586 : vector<1x16xf32> to vector<16xf32>
      %get3A_2588 = arith.constant 11 : i32
      %get3A_2589 = arith.index_cast %get3A_2588 : i32 to index
      %get3A_2590 = arith.constant 0 : index
      %get3A_2591 = tpu.vector_load %arg8[%get3A_2589, %get3A_2590] {strides = array<i32>} : memref<100x32xf32, #tpu.memory_space<vmem>>, vector<1x16xf32>,
      %get3A_2592 = vector.shape_cast %get3A_2591 : vector<1x16xf32> to vector<16xf32>
      %get3A_2593 = arith.constant 12 : i32
      %get3A_2594 = arith.index_cast %get3A_2593 : i32 to index
      %get3A_2595 = arith.constant 0 : index
      %get3A_2596 = tpu.vector_load %arg8[%get3A_2594, %get3A_2595] {strides = array<i32>} : memref<100x32xf32, #tpu.memory_space<vmem>>, vector<1x16xf32>,
      %get3A_2597 = vector.shape_cast %get3A_2596 : vector<1x16xf32> to vector<16xf32>
      %get3A_2598 = arith.constant 13 : i32
      %get3A_2599 = arith.index_cast %get3A_2598 : i32 to index
      %get3A_2600 = arith.constant 0 : index
      %get3A_2601 = tpu.vector_load %arg8[%get3A_2599, %get3A_2600] {strides = array<i32>} : memref<100x32xf32, #tpu.memory_space<vmem>>, vector<1x16xf32>,
      %get3A_2602 = vector.shape_cast %get3A_2601 : vector<1x16xf32> to vector<16xf32>
      %get3A_2603 = arith.constant 14 : i32
      %get3A_2604 = arith.index_cast %get3A_2603 : i32 to index
      %get3A_2605 = arith.constant 0 : index
      %get3A_2606 = tpu.vector_load %arg8[%get3A_2604, %get3A_2605] {strides = array<i32>} : memref<100x32xf32, #tpu.memory_space<vmem>>, vector<1x16xf32>,
      %get3A_2607 = vector.shape_cast %get3A_2606 : vector<1x16xf32> to vector<16xf32>
      %get3A_2608 = arith.constant 15 : i32
      %get3A_2609 = arith.index_cast %get3A_2608 : i32 to index
      %get3A_2610 = arith.constant 0 : index
      %get3A_2611 = tpu.vector_load %arg8[%get3A_2609, %get3A_2610] {strides = array<i32>} : memref<100x32xf32, #tpu.memory_space<vmem>>, vector<1x16xf32>,
      %get3A_2612 = vector.shape_cast %get3A_2611 : vector<1x16xf32> to vector<16xf32>
      %get3A_2613 = arith.constant 16 : i32
      %get3A_2614 = arith.index_cast %get3A_2613 : i32 to index
      %get3A_2615 = arith.constant 0 : index
      %get3A_2616 = tpu.vector_load %arg8[%get3A_2614, %get3A_2615] {strides = array<i32>} : memref<100x32xf32, #tpu.memory_space<vmem>>, vector<1x16xf32>,
      %get3A_2617 = vector.shape_cast %get3A_2616 : vector<1x16xf32> to vector<16xf32>
      %get3A_2618 = arith.constant 17 : i32
      %get3A_2619 = arith.index_cast %get3A_2618 : i32 to index
      %get3A_2620 = arith.constant 0 : index
      %get3A_2621 = tpu.vector_load %arg8[%get3A_2619, %get3A_2620] {strides = array<i32>} : memref<100x32xf32, #tpu.memory_space<vmem>>, vector<1x16xf32>,
      %get3A_2622 = vector.shape_cast %get3A_2621 : vector<1x16xf32> to vector<16xf32>
      %get3A_2623 = arith.constant 18 : i32
      %get3A_2624 = arith.index_cast %get3A_2623 : i32 to index
      %get3A_2625 = arith.constant 0 : index
      %get3A_2626 = tpu.vector_load %arg8[%get3A_2624, %get3A_2625] {strides = array<i32>} : memref<100x32xf32, #tpu.memory_space<vmem>>, vector<1x16xf32>,
      %get3A_2627 = vector.shape_cast %get3A_2626 : vector<1x16xf32> to vector<16xf32>
      %get3A_2628 = arith.constant 19 : i32
      %get3A_2629 = arith.index_cast %get3A_2628 : i32 to index
      %get3A_2630 = arith.constant 0 : index
      %get3A_2631 = tpu.vector_load %arg8[%get3A_2629, %get3A_2630] {strides = array<i32>} : memref<100x32xf32, #tpu.memory_space<vmem>>, vector<1x16xf32>,
      %get3A_2632 = vector.shape_cast %get3A_2631 : vector<1x16xf32> to vector<16xf32>
      %get3A_2633 = arith.constant 20 : i32
      %get3A_2634 = arith.index_cast %get3A_2633 : i32 to index
      %get3A_2635 = arith.constant 0 : index
      %get3A_2636 = tpu.vector_load %arg8[%get3A_2634, %get3A_2635] {strides = array<i32>} : memref<100x32xf32, #tpu.memory_space<vmem>>, vector<1x16xf32>,
      %get3A_2637 = vector.shape_cast %get3A_2636 : vector<1x16xf32> to vector<16xf32>
      %get3A_2638 = arith.constant 21 : i32
      %get3A_2639 = arith.index_cast %get3A_2638 : i32 to index
      %get3A_2640 = arith.constant 0 : index
      %get3A_2641 = tpu.vector_load %arg8[%get3A_2639, %get3A_2640] {strides = array<i32>} : memref<100x32xf32, #tpu.memory_space<vmem>>, vector<1x16xf32>,
      %get3A_2642 = vector.shape_cast %get3A_2641 : vector<1x16xf32> to vector<16xf32>
      %get3A_2643 = arith.constant 22 : i32
      %get3A_2644 = arith.index_cast %get3A_2643 : i32 to index
      %get3A_2645 = arith.constant 0 : index
      %get3A_2646 = tpu.vector_load %arg8[%get3A_2644, %get3A_2645] {strides = array<i32>} : memref<100x32xf32, #tpu.memory_space<vmem>>, vector<1x16xf32>,
      %get3A_2647 = vector.shape_cast %get3A_2646 : vector<1x16xf32> to vector<16xf32>
      %get3A_2648 = arith.constant 23 : i32
      %get3A_2649 = arith.index_cast %get3A_2648 : i32 to index
      %get3A_2650 = arith.constant 0 : index
      %get3A_2651 = tpu.vector_load %arg8[%get3A_2649, %get3A_2650] {strides = array<i32>} : memref<100x32xf32, #tpu.memory_space<vmem>>, vector<1x16xf32>,
      %get3A_2652 = vector.shape_cast %get3A_2651 : vector<1x16xf32> to vector<16xf32>
      %get3A_2653 = arith.constant 24 : i32
      %get3A_2654 = arith.index_cast %get3A_2653 : i32 to index
      %get3A_2655 = arith.constant 0 : index
      %get3A_2656 = tpu.vector_load %arg8[%get3A_2654, %get3A_2655] {strides = array<i32>} : memref<100x32xf32, #tpu.memory_space<vmem>>, vector<1x16xf32>,
      %get3A_2657 = vector.shape_cast %get3A_2656 : vector<1x16xf32> to vector<16xf32>
      %get3A_2658 = arith.constant 25 : i32
      %get3A_2659 = arith.index_cast %get3A_2658 : i32 to index
      %get3A_2660 = arith.constant 0 : index
      %get3A_2661 = tpu.vector_load %arg8[%get3A_2659, %get3A_2660] {strides = array<i32>} : memref<100x32xf32, #tpu.memory_space<vmem>>, vector<1x16xf32>,
      %get3A_2662 = vector.shape_cast %get3A_2661 : vector<1x16xf32> to vector<16xf32>
      %get3A_2663 = arith.constant 26 : i32
      %get3A_2664 = arith.index_cast %get3A_2663 : i32 to index
      %get3A_2665 = arith.constant 0 : index
      %get3A_2666 = tpu.vector_load %arg8[%get3A_2664, %get3A_2665] {strides = array<i32>} : memref<100x32xf32, #tpu.memory_space<vmem>>, vector<1x16xf32>,
      %get3A_2667 = vector.shape_cast %get3A_2666 : vector<1x16xf32> to vector<16xf32>
      %get3A_2668 = arith.constant 27 : i32
      %get3A_2669 = arith.index_cast %get3A_2668 : i32 to index
      %get3A_2670 = arith.constant 0 : index
      %get3A_2671 = tpu.vector_load %arg8[%get3A_2669, %get3A_2670] {strides = array<i32>} : memref<100x32xf32, #tpu.memory_space<vmem>>, vector<1x16xf32>,
      %get3A_2672 = vector.shape_cast %get3A_2671 : vector<1x16xf32> to vector<16xf32>
      %get3A_2673 = arith.constant 28 : i32
      %get3A_2674 = arith.index_cast %get3A_2673 : i32 to index
      %get3A_2675 = arith.constant 0 : index
      %get3A_2676 = tpu.vector_load %arg8[%get3A_2674, %get3A_2675] {strides = array<i32>} : memref<100x32xf32, #tpu.memory_space<vmem>>, vector<1x16xf32>,
      %get3A_2677 = vector.shape_cast %get3A_2676 : vector<1x16xf32> to vector<16xf32>
      %get3A_2678 = arith.constant 29 : i32
      %get3A_2679 = arith.index_cast %get3A_2678 : i32 to index
      %get3A_2680 = arith.constant 0 : index
      %get3A_2681 = tpu.vector_load %arg8[%get3A_2679, %get3A_2680] {strides = array<i32>} : memref<100x32xf32, #tpu.memory_space<vmem>>, vector<1x16xf32>,
      %get3A_2682 = vector.shape_cast %get3A_2681 : vector<1x16xf32> to vector<16xf32>
      %get3A_2683 = arith.constant 30 : i32
      %get3A_2684 = arith.index_cast %get3A_2683 : i32 to index
      %get3A_2685 = arith.constant 0 : index
      %get3A_2686 = tpu.vector_load %arg8[%get3A_2684, %get3A_2685] {strides = array<i32>} : memref<100x32xf32, #tpu.memory_space<vmem>>, vector<1x16xf32>,
      %get3A_2687 = vector.shape_cast %get3A_2686 : vector<1x16xf32> to vector<16xf32>
      %get3A_2688 = arith.constant 31 : i32
      %get3A_2689 = arith.index_cast %get3A_2688 : i32 to index
      %get3A_2690 = arith.constant 0 : index
      %get3A_2691 = tpu.vector_load %arg8[%get3A_2689, %get3A_2690] {strides = array<i32>} : memref<100x32xf32, #tpu.memory_space<vmem>>, vector<1x16xf32>,
      %get3A_2692 = vector.shape_cast %get3A_2691 : vector<1x16xf32> to vector<16xf32>
      %get3A_2693 = arith.constant 32 : i32
      %get3A_2694 = arith.index_cast %get3A_2693 : i32 to index
      %get3A_2695 = arith.constant 0 : index
      %get3A_2696 = tpu.vector_load %arg8[%get3A_2694, %get3A_2695] {strides = array<i32>} : memref<100x32xf32, #tpu.memory_space<vmem>>, vector<1x16xf32>,
      %get3A_2697 = vector.shape_cast %get3A_2696 : vector<1x16xf32> to vector<16xf32>
      %get3A_2698 = arith.constant 33 : i32
      %get3A_2699 = arith.index_cast %get3A_2698 : i32 to index
      %get3A_2700 = arith.constant 0 : index
      %get3A_2701 = tpu.vector_load %arg8[%get3A_2699, %get3A_2700] {strides = array<i32>} : memref<100x32xf32, #tpu.memory_space<vmem>>, vector<1x16xf32>,
      %get3A_2702 = vector.shape_cast %get3A_2701 : vector<1x16xf32> to vector<16xf32>
      %get3A_2703 = arith.constant 34 : i32
      %get3A_2704 = arith.index_cast %get3A_2703 : i32 to index
      %get3A_2705 = arith.constant 0 : index
      %get3A_2706 = tpu.vector_load %arg8[%get3A_2704, %get3A_2705] {strides = array<i32>} : memref<100x32xf32, #tpu.memory_space<vmem>>, vector<1x16xf32>,
      %get3A_2707 = vector.shape_cast %get3A_2706 : vector<1x16xf32> to vector<16xf32>
      %get3A_2708 = arith.constant 35 : i32
      %get3A_2709 = arith.index_cast %get3A_2708 : i32 to index
      %get3A_2710 = arith.constant 0 : index
      %get3A_2711 = tpu.vector_load %arg8[%get3A_2709, %get3A_2710] {strides = array<i32>} : memref<100x32xf32, #tpu.memory_space<vmem>>, vector<1x16xf32>,
      %get3A_2712 = vector.shape_cast %get3A_2711 : vector<1x16xf32> to vector<16xf32>
      %get3A_2713 = arith.constant 36 : i32
      %get3A_2714 = arith.index_cast %get3A_2713 : i32 to index
      %get3A_2715 = arith.constant 0 : index
      %get3A_2716 = tpu.vector_load %arg8[%get3A_2714, %get3A_2715] {strides = array<i32>} : memref<100x32xf32, #tpu.memory_space<vmem>>, vector<1x16xf32>,
      %get3A_2717 = vector.shape_cast %get3A_2716 : vector<1x16xf32> to vector<16xf32>
      %get3A_2718 = arith.constant 37 : i32
      %get3A_2719 = arith.index_cast %get3A_2718 : i32 to index
      %get3A_2720 = arith.constant 0 : index
      %get3A_2721 = tpu.vector_load %arg8[%get3A_2719, %get3A_2720] {strides = array<i32>} : memref<100x32xf32, #tpu.memory_space<vmem>>, vector<1x16xf32>,
      %get3A_2722 = vector.shape_cast %get3A_2721 : vector<1x16xf32> to vector<16xf32>
      %get3A_2723 = arith.constant 38 : i32
      %get3A_2724 = arith.index_cast %get3A_2723 : i32 to index
      %get3A_2725 = arith.constant 0 : index
      %get3A_2726 = tpu.vector_load %arg8[%get3A_2724, %get3A_2725] {strides = array<i32>} : memref<100x32xf32, #tpu.memory_space<vmem>>, vector<1x16xf32>,
      %get3A_2727 = vector.shape_cast %get3A_2726 : vector<1x16xf32> to vector<16xf32>
      %get3A_2728 = arith.constant 39 : i32
      %get3A_2729 = arith.index_cast %get3A_2728 : i32 to index
      %get3A_2730 = arith.constant 0 : index
      %get3A_2731 = tpu.vector_load %arg8[%get3A_2729, %get3A_2730] {strides = array<i32>} : memref<100x32xf32, #tpu.memory_space<vmem>>, vector<1x16xf32>,
      %get3A_2732 = vector.shape_cast %get3A_2731 : vector<1x16xf32> to vector<16xf32>
      %get3A_2733 = arith.constant 40 : i32
      %get3A_2734 = arith.index_cast %get3A_2733 : i32 to index
      %get3A_2735 = arith.constant 0 : index
      %get3A_2736 = tpu.vector_load %arg8[%get3A_2734, %get3A_2735] {strides = array<i32>} : memref<100x32xf32, #tpu.memory_space<vmem>>, vector<1x16xf32>,
      %get3A_2737 = vector.shape_cast %get3A_2736 : vector<1x16xf32> to vector<16xf32>
      %get3A_2738 = arith.constant 41 : i32
      %get3A_2739 = arith.index_cast %get3A_2738 : i32 to index
      %get3A_2740 = arith.constant 0 : index
      %get3A_2741 = tpu.vector_load %arg8[%get3A_2739, %get3A_2740] {strides = array<i32>} : memref<100x32xf32, #tpu.memory_space<vmem>>, vector<1x16xf32>,
      %get3A_2742 = vector.shape_cast %get3A_2741 : vector<1x16xf32> to vector<16xf32>
      %get3A_2743 = arith.constant 42 : i32
      %get3A_2744 = arith.index_cast %get3A_2743 : i32 to index
      %get3A_2745 = arith.constant 0 : index
      %get3A_2746 = tpu.vector_load %arg8[%get3A_2744, %get3A_2745] {strides = array<i32>} : memref<100x32xf32, #tpu.memory_space<vmem>>, vector<1x16xf32>,
      %get3A_2747 = vector.shape_cast %get3A_2746 : vector<1x16xf32> to vector<16xf32>
      %get3A_2748 = arith.constant 43 : i32
      %get3A_2749 = arith.index_cast %get3A_2748 : i32 to index
      %get3A_2750 = arith.constant 0 : index
      %get3A_2751 = tpu.vector_load %arg8[%get3A_2749, %get3A_2750] {strides = array<i32>} : memref<100x32xf32, #tpu.memory_space<vmem>>, vector<1x16xf32>,
      %get3A_2752 = vector.shape_cast %get3A_2751 : vector<1x16xf32> to vector<16xf32>
      %get3A_2753 = arith.constant 44 : i32
      %get3A_2754 = arith.index_cast %get3A_2753 : i32 to index
      %get3A_2755 = arith.constant 0 : index
      %get3A_2756 = tpu.vector_load %arg8[%get3A_2754, %get3A_2755] {strides = array<i32>} : memref<100x32xf32, #tpu.memory_space<vmem>>, vector<1x16xf32>,
      %get3A_2757 = vector.shape_cast %get3A_2756 : vector<1x16xf32> to vector<16xf32>
      %get3A_2758 = arith.constant 45 : i32
      %get3A_2759 = arith.index_cast %get3A_2758 : i32 to index
      %get3A_2760 = arith.constant 0 : index
      %get3A_2761 = tpu.vector_load %arg8[%get3A_2759, %get3A_2760] {strides = array<i32>} : memref<100x32xf32, #tpu.memory_space<vmem>>, vector<1x16xf32>,
      %get3A_2762 = vector.shape_cast %get3A_2761 : vector<1x16xf32> to vector<16xf32>
      %get3A_2763 = arith.constant 46 : i32
      %get3A_2764 = arith.index_cast %get3A_2763 : i32 to index
      %get3A_2765 = arith.constant 0 : index
      %get3A_2766 = tpu.vector_load %arg8[%get3A_2764, %get3A_2765] {strides = array<i32>} : memref<100x32xf32, #tpu.memory_space<vmem>>, vector<1x16xf32>,
      %get3A_2767 = vector.shape_cast %get3A_2766 : vector<1x16xf32> to vector<16xf32>
      %get3A_2768 = arith.constant 47 : i32
      %get3A_2769 = arith.index_cast %get3A_2768 : i32 to index
      %get3A_2770 = arith.constant 0 : index
      %get3A_2771 = tpu.vector_load %arg8[%get3A_2769, %get3A_2770] {strides = array<i32>} : memref<100x32xf32, #tpu.memory_space<vmem>>, vector<1x16xf32>,
      %get3A_2772 = vector.shape_cast %get3A_2771 : vector<1x16xf32> to vector<16xf32>
      %get3A_2773 = arith.constant 48 : i32
      %get3A_2774 = arith.index_cast %get3A_2773 : i32 to index
      %get3A_2775 = arith.constant 0 : index
      %get3A_2776 = tpu.vector_load %arg8[%get3A_2774, %get3A_2775] {strides = array<i32>} : memref<100x32xf32, #tpu.memory_space<vmem>>, vector<1x16xf32>,
      %get3A_2777 = vector.shape_cast %get3A_2776 : vector<1x16xf32> to vector<16xf32>
      %get3A_2778 = arith.constant 49 : i32
      %get3A_2779 = arith.index_cast %get3A_2778 : i32 to index
      %get3A_2780 = arith.constant 0 : index
      %get3A_2781 = tpu.vector_load %arg8[%get3A_2779, %get3A_2780] {strides = array<i32>} : memref<100x32xf32, #tpu.memory_space<vmem>>, vector<1x16xf32>,
      %get3A_2782 = vector.shape_cast %get3A_2781 : vector<1x16xf32> to vector<16xf32>
      %add3A_2783 = arith.addf %get3A_2537, %get3A_2542 : vector<16xf32>
      %add3A_2784 = arith.addf %get3A_2547, %get3A_2552 : vector<16xf32>
      %add3A_2785 = arith.addf %get3A_2557, %get3A_2562 : vector<16xf32>
      %add3A_2786 = arith.addf %get3A_2567, %get3A_2572 : vector<16xf32>
      %add3A_2787 = arith.addf %get3A_2577, %get3A_2582 : vector<16xf32>
      %add3A_2788 = arith.addf %get3A_2587, %get3A_2592 : vector<16xf32>
      %add3A_2789 = arith.addf %get3A_2597, %get3A_2602 : vector<16xf32>
      %add3A_2790 = arith.addf %get3A_2607, %get3A_2612 : vector<16xf32>
      %add3A_2791 = arith.addf %get3A_2617, %get3A_2622 : vector<16xf32>
      %add3A_2792 = arith.addf %get3A_2627, %get3A_2632 : vector<16xf32>
      %add3A_2793 = arith.addf %get3A_2637, %get3A_2642 : vector<16xf32>
      %add3A_2794 = arith.addf %get3A_2647, %get3A_2652 : vector<16xf32>
      %add3A_2795 = arith.addf %get3A_2657, %get3A_2662 : vector<16xf32>
      %add3A_2796 = arith.addf %get3A_2667, %get3A_2672 : vector<16xf32>
      %add3A_2797 = arith.addf %get3A_2677, %get3A_2682 : vector<16xf32>
      %add3A_2798 = arith.addf %get3A_2687, %get3A_2692 : vector<16xf32>
      %add3A_2799 = arith.addf %get3A_2697, %get3A_2702 : vector<16xf32>
      %add3A_2800 = arith.addf %get3A_2707, %get3A_2712 : vector<16xf32>
      %add3A_2801 = arith.addf %get3A_2717, %get3A_2722 : vector<16xf32>
      %add3A_2802 = arith.addf %get3A_2727, %get3A_2732 : vector<16xf32>
      %add3A_2803 = arith.addf %get3A_2737, %get3A_2742 : vector<16xf32>
      %add3A_2804 = arith.addf %get3A_2747, %get3A_2752 : vector<16xf32>
      %add3A_2805 = arith.addf %get3A_2757, %get3A_2762 : vector<16xf32>
      %add3A_2806 = arith.addf %get3A_2767, %get3A_2772 : vector<16xf32>
      %add3A_2807 = arith.addf %get3A_2777, %get3A_2782 : vector<16xf32>
      %add3A_2808 = arith.addf %add3A_2783, %add3A_2784 : vector<16xf32>
      %add3A_2809 = arith.addf %add3A_2785, %add3A_2786 : vector<16xf32>
      %add3A_2810 = arith.addf %add3A_2787, %add3A_2788 : vector<16xf32>
      %add3A_2811 = arith.addf %add3A_2789, %add3A_2790 : vector<16xf32>
      %add3A_2812 = arith.addf %add3A_2791, %add3A_2792 : vector<16xf32>
      %add3A_2813 = arith.addf %add3A_2793, %add3A_2794 : vector<16xf32>
      %add3A_2814 = arith.addf %add3A_2795, %add3A_2796 : vector<16xf32>
      %add3A_2815 = arith.addf %add3A_2797, %add3A_2798 : vector<16xf32>
      %add3A_2816 = arith.addf %add3A_2799, %add3A_2800 : vector<16xf32>
      %add3A_2817 = arith.addf %add3A_2801, %add3A_2802 : vector<16xf32>
      %add3A_2818 = arith.addf %add3A_2803, %add3A_2804 : vector<16xf32>
      %add3A_2819 = arith.addf %add3A_2805, %add3A_2806 : vector<16xf32>
      %add3A_2820 = arith.addf %add3A_2808, %add3A_2809 : vector<16xf32>
      %add3A_2821 = arith.addf %add3A_2810, %add3A_2811 : vector<16xf32>
      %add3A_2822 = arith.addf %add3A_2812, %add3A_2813 : vector<16xf32>
      %add3A_2823 = arith.addf %add3A_2814, %add3A_2815 : vector<16xf32>
      %add3A_2824 = arith.addf %add3A_2816, %add3A_2817 : vector<16xf32>
      %add3A_2825 = arith.addf %add3A_2818, %add3A_2819 : vector<16xf32>
      %add3A_2826 = arith.addf %add3A_2820, %add3A_2821 : vector<16xf32>
      %add3A_2827 = arith.addf %add3A_2822, %add3A_2823 : vector<16xf32>
      %add3A_2828 = arith.addf %add3A_2824, %add3A_2825 : vector<16xf32>
      %add3A_2829 = arith.addf %add3A_2826, %add3A_2827 : vector<16xf32>
      %add3A_2830 = arith.addf %add3A_2828, %add3A_2807 : vector<16xf32>
      %add3A_2831 = arith.addf %add3A_2829, %add3A_2830 : vector<16xf32>
      %swap3A_2832 = arith.index_cast %add3A_2532 : i32 to index
      %swap3A_2833 = arith.constant 0 : index
      %swap3A_2834 = tpu.vector_load %arg10[%swap3A_2832, %swap3A_2833] {strides = array<i32>} : memref<512x32xf32, #tpu.memory_space<vmem>>, vector<1x16xf32>,
      %swap3A_2835 = vector.shape_cast %swap3A_2834 : vector<1x16xf32> to vector<16xf32>
      %swap3A_2836 = vector.shape_cast %add3A_2831 : vector<16xf32> to vector<1x16xf32>
      tpu.vector_store %arg10[%swap3A_2832, %swap3A_2833], %swap3A_2836 {strides = array<i32>} : memref<512x32xf32, #tpu.memory_space<vmem>>, vector<1x16xf32>,
      %get3A_2837 = arith.constant 0 : i32
      %get3A_2838 = arith.index_cast %get3A_2837 : i32 to index
      %get3A_2839 = arith.constant 16 : index
      %get3A_2840 = tpu.vector_load %arg8[%get3A_2838, %get3A_2839] {strides = array<i32>} : memref<100x32xf32, #tpu.memory_space<vmem>>, vector<1x16xf32>,
      %get3A_2841 = vector.shape_cast %get3A_2840 : vector<1x16xf32> to vector<16xf32>
      %get3A_2842 = arith.constant 1 : i32
      %get3A_2843 = arith.index_cast %get3A_2842 : i32 to index
      %get3A_2844 = arith.constant 16 : index
      %get3A_2845 = tpu.vector_load %arg8[%get3A_2843, %get3A_2844] {strides = array<i32>} : memref<100x32xf32, #tpu.memory_space<vmem>>, vector<1x16xf32>,
      %get3A_2846 = vector.shape_cast %get3A_2845 : vector<1x16xf32> to vector<16xf32>
      %get3A_2847 = arith.constant 2 : i32
      %get3A_2848 = arith.index_cast %get3A_2847 : i32 to index
      %get3A_2849 = arith.constant 16 : index
      %get3A_2850 = tpu.vector_load %arg8[%get3A_2848, %get3A_2849] {strides = array<i32>} : memref<100x32xf32, #tpu.memory_space<vmem>>, vector<1x16xf32>,
      %get3A_2851 = vector.shape_cast %get3A_2850 : vector<1x16xf32> to vector<16xf32>
      %get3A_2852 = arith.constant 3 : i32
      %get3A_2853 = arith.index_cast %get3A_2852 : i32 to index
      %get3A_2854 = arith.constant 16 : index
      %get3A_2855 = tpu.vector_load %arg8[%get3A_2853, %get3A_2854] {strides = array<i32>} : memref<100x32xf32, #tpu.memory_space<vmem>>, vector<1x16xf32>,
      %get3A_2856 = vector.shape_cast %get3A_2855 : vector<1x16xf32> to vector<16xf32>
      %get3A_2857 = arith.constant 4 : i32
      %get3A_2858 = arith.index_cast %get3A_2857 : i32 to index
      %get3A_2859 = arith.constant 16 : index
      %get3A_2860 = tpu.vector_load %arg8[%get3A_2858, %get3A_2859] {strides = array<i32>} : memref<100x32xf32, #tpu.memory_space<vmem>>, vector<1x16xf32>,
      %get3A_2861 = vector.shape_cast %get3A_2860 : vector<1x16xf32> to vector<16xf32>
      %get3A_2862 = arith.constant 5 : i32
      %get3A_2863 = arith.index_cast %get3A_2862 : i32 to index
      %get3A_2864 = arith.constant 16 : index
      %get3A_2865 = tpu.vector_load %arg8[%get3A_2863, %get3A_2864] {strides = array<i32>} : memref<100x32xf32, #tpu.memory_space<vmem>>, vector<1x16xf32>,
      %get3A_2866 = vector.shape_cast %get3A_2865 : vector<1x16xf32> to vector<16xf32>
      %get3A_2867 = arith.constant 6 : i32
      %get3A_2868 = arith.index_cast %get3A_2867 : i32 to index
      %get3A_2869 = arith.constant 16 : index
      %get3A_2870 = tpu.vector_load %arg8[%get3A_2868, %get3A_2869] {strides = array<i32>} : memref<100x32xf32, #tpu.memory_space<vmem>>, vector<1x16xf32>,
      %get3A_2871 = vector.shape_cast %get3A_2870 : vector<1x16xf32> to vector<16xf32>
      %get3A_2872 = arith.constant 7 : i32
      %get3A_2873 = arith.index_cast %get3A_2872 : i32 to index
      %get3A_2874 = arith.constant 16 : index
      %get3A_2875 = tpu.vector_load %arg8[%get3A_2873, %get3A_2874] {strides = array<i32>} : memref<100x32xf32, #tpu.memory_space<vmem>>, vector<1x16xf32>,
      %get3A_2876 = vector.shape_cast %get3A_2875 : vector<1x16xf32> to vector<16xf32>
      %get3A_2877 = arith.constant 8 : i32
      %get3A_2878 = arith.index_cast %get3A_2877 : i32 to index
      %get3A_2879 = arith.constant 16 : index
      %get3A_2880 = tpu.vector_load %arg8[%get3A_2878, %get3A_2879] {strides = array<i32>} : memref<100x32xf32, #tpu.memory_space<vmem>>, vector<1x16xf32>,
      %get3A_2881 = vector.shape_cast %get3A_2880 : vector<1x16xf32> to vector<16xf32>
      %get3A_2882 = arith.constant 9 : i32
      %get3A_2883 = arith.index_cast %get3A_2882 : i32 to index
      %get3A_2884 = arith.constant 16 : index
      %get3A_2885 = tpu.vector_load %arg8[%get3A_2883, %get3A_2884] {strides = array<i32>} : memref<100x32xf32, #tpu.memory_space<vmem>>, vector<1x16xf32>,
      %get3A_2886 = vector.shape_cast %get3A_2885 : vector<1x16xf32> to vector<16xf32>
      %get3A_2887 = arith.constant 10 : i32
      %get3A_2888 = arith.index_cast %get3A_2887 : i32 to index
      %get3A_2889 = arith.constant 16 : index
      %get3A_2890 = tpu.vector_load %arg8[%get3A_2888, %get3A_2889] {strides = array<i32>} : memref<100x32xf32, #tpu.memory_space<vmem>>, vector<1x16xf32>,
      %get3A_2891 = vector.shape_cast %get3A_2890 : vector<1x16xf32> to vector<16xf32>
      %get3A_2892 = arith.constant 11 : i32
      %get3A_2893 = arith.index_cast %get3A_2892 : i32 to index
      %get3A_2894 = arith.constant 16 : index
      %get3A_2895 = tpu.vector_load %arg8[%get3A_2893, %get3A_2894] {strides = array<i32>} : memref<100x32xf32, #tpu.memory_space<vmem>>, vector<1x16xf32>,
      %get3A_2896 = vector.shape_cast %get3A_2895 : vector<1x16xf32> to vector<16xf32>
      %get3A_2897 = arith.constant 12 : i32
      %get3A_2898 = arith.index_cast %get3A_2897 : i32 to index
      %get3A_2899 = arith.constant 16 : index
      %get3A_2900 = tpu.vector_load %arg8[%get3A_2898, %get3A_2899] {strides = array<i32>} : memref<100x32xf32, #tpu.memory_space<vmem>>, vector<1x16xf32>,
      %get3A_2901 = vector.shape_cast %get3A_2900 : vector<1x16xf32> to vector<16xf32>
      %get3A_2902 = arith.constant 13 : i32
      %get3A_2903 = arith.index_cast %get3A_2902 : i32 to index
      %get3A_2904 = arith.constant 16 : index
      %get3A_2905 = tpu.vector_load %arg8[%get3A_2903, %get3A_2904] {strides = array<i32>} : memref<100x32xf32, #tpu.memory_space<vmem>>, vector<1x16xf32>,
      %get3A_2906 = vector.shape_cast %get3A_2905 : vector<1x16xf32> to vector<16xf32>
      %get3A_2907 = arith.constant 14 : i32
      %get3A_2908 = arith.index_cast %get3A_2907 : i32 to index
      %get3A_2909 = arith.constant 16 : index
      %get3A_2910 = tpu.vector_load %arg8[%get3A_2908, %get3A_2909] {strides = array<i32>} : memref<100x32xf32, #tpu.memory_space<vmem>>, vector<1x16xf32>,
      %get3A_2911 = vector.shape_cast %get3A_2910 : vector<1x16xf32> to vector<16xf32>
      %get3A_2912 = arith.constant 15 : i32
      %get3A_2913 = arith.index_cast %get3A_2912 : i32 to index
      %get3A_2914 = arith.constant 16 : index
      %get3A_2915 = tpu.vector_load %arg8[%get3A_2913, %get3A_2914] {strides = array<i32>} : memref<100x32xf32, #tpu.memory_space<vmem>>, vector<1x16xf32>,
      %get3A_2916 = vector.shape_cast %get3A_2915 : vector<1x16xf32> to vector<16xf32>
      %get3A_2917 = arith.constant 16 : i32
      %get3A_2918 = arith.index_cast %get3A_2917 : i32 to index
      %get3A_2919 = arith.constant 16 : index
      %get3A_2920 = tpu.vector_load %arg8[%get3A_2918, %get3A_2919] {strides = array<i32>} : memref<100x32xf32, #tpu.memory_space<vmem>>, vector<1x16xf32>,
      %get3A_2921 = vector.shape_cast %get3A_2920 : vector<1x16xf32> to vector<16xf32>
      %get3A_2922 = arith.constant 17 : i32
      %get3A_2923 = arith.index_cast %get3A_2922 : i32 to index
      %get3A_2924 = arith.constant 16 : index
      %get3A_2925 = tpu.vector_load %arg8[%get3A_2923, %get3A_2924] {strides = array<i32>} : memref<100x32xf32, #tpu.memory_space<vmem>>, vector<1x16xf32>,
      %get3A_2926 = vector.shape_cast %get3A_2925 : vector<1x16xf32> to vector<16xf32>
      %get3A_2927 = arith.constant 18 : i32
      %get3A_2928 = arith.index_cast %get3A_2927 : i32 to index
      %get3A_2929 = arith.constant 16 : index
      %get3A_2930 = tpu.vector_load %arg8[%get3A_2928, %get3A_2929] {strides = array<i32>} : memref<100x32xf32, #tpu.memory_space<vmem>>, vector<1x16xf32>,
      %get3A_2931 = vector.shape_cast %get3A_2930 : vector<1x16xf32> to vector<16xf32>
      %get3A_2932 = arith.constant 19 : i32
      %get3A_2933 = arith.index_cast %get3A_2932 : i32 to index
      %get3A_2934 = arith.constant 16 : index
      %get3A_2935 = tpu.vector_load %arg8[%get3A_2933, %get3A_2934] {strides = array<i32>} : memref<100x32xf32, #tpu.memory_space<vmem>>, vector<1x16xf32>,
      %get3A_2936 = vector.shape_cast %get3A_2935 : vector<1x16xf32> to vector<16xf32>
      %get3A_2937 = arith.constant 20 : i32
      %get3A_2938 = arith.index_cast %get3A_2937 : i32 to index
      %get3A_2939 = arith.constant 16 : index
      %get3A_2940 = tpu.vector_load %arg8[%get3A_2938, %get3A_2939] {strides = array<i32>} : memref<100x32xf32, #tpu.memory_space<vmem>>, vector<1x16xf32>,
      %get3A_2941 = vector.shape_cast %get3A_2940 : vector<1x16xf32> to vector<16xf32>
      %get3A_2942 = arith.constant 21 : i32
      %get3A_2943 = arith.index_cast %get3A_2942 : i32 to index
      %get3A_2944 = arith.constant 16 : index
      %get3A_2945 = tpu.vector_load %arg8[%get3A_2943, %get3A_2944] {strides = array<i32>} : memref<100x32xf32, #tpu.memory_space<vmem>>, vector<1x16xf32>,
      %get3A_2946 = vector.shape_cast %get3A_2945 : vector<1x16xf32> to vector<16xf32>
      %get3A_2947 = arith.constant 22 : i32
      %get3A_2948 = arith.index_cast %get3A_2947 : i32 to index
      %get3A_2949 = arith.constant 16 : index
      %get3A_2950 = tpu.vector_load %arg8[%get3A_2948, %get3A_2949] {strides = array<i32>} : memref<100x32xf32, #tpu.memory_space<vmem>>, vector<1x16xf32>,
      %get3A_2951 = vector.shape_cast %get3A_2950 : vector<1x16xf32> to vector<16xf32>
      %get3A_2952 = arith.constant 23 : i32
      %get3A_2953 = arith.index_cast %get3A_2952 : i32 to index
      %get3A_2954 = arith.constant 16 : index
      %get3A_2955 = tpu.vector_load %arg8[%get3A_2953, %get3A_2954] {strides = array<i32>} : memref<100x32xf32, #tpu.memory_space<vmem>>, vector<1x16xf32>,
      %get3A_2956 = vector.shape_cast %get3A_2955 : vector<1x16xf32> to vector<16xf32>
      %get3A_2957 = arith.constant 24 : i32
      %get3A_2958 = arith.index_cast %get3A_2957 : i32 to index
      %get3A_2959 = arith.constant 16 : index
      %get3A_2960 = tpu.vector_load %arg8[%get3A_2958, %get3A_2959] {strides = array<i32>} : memref<100x32xf32, #tpu.memory_space<vmem>>, vector<1x16xf32>,
      %get3A_2961 = vector.shape_cast %get3A_2960 : vector<1x16xf32> to vector<16xf32>
      %get3A_2962 = arith.constant 25 : i32
      %get3A_2963 = arith.index_cast %get3A_2962 : i32 to index
      %get3A_2964 = arith.constant 16 : index
      %get3A_2965 = tpu.vector_load %arg8[%get3A_2963, %get3A_2964] {strides = array<i32>} : memref<100x32xf32, #tpu.memory_space<vmem>>, vector<1x16xf32>,
      %get3A_2966 = vector.shape_cast %get3A_2965 : vector<1x16xf32> to vector<16xf32>
      %get3A_2967 = arith.constant 26 : i32
      %get3A_2968 = arith.index_cast %get3A_2967 : i32 to index
      %get3A_2969 = arith.constant 16 : index
      %get3A_2970 = tpu.vector_load %arg8[%get3A_2968, %get3A_2969] {strides = array<i32>} : memref<100x32xf32, #tpu.memory_space<vmem>>, vector<1x16xf32>,
      %get3A_2971 = vector.shape_cast %get3A_2970 : vector<1x16xf32> to vector<16xf32>
      %get3A_2972 = arith.constant 27 : i32
      %get3A_2973 = arith.index_cast %get3A_2972 : i32 to index
      %get3A_2974 = arith.constant 16 : index
      %get3A_2975 = tpu.vector_load %arg8[%get3A_2973, %get3A_2974] {strides = array<i32>} : memref<100x32xf32, #tpu.memory_space<vmem>>, vector<1x16xf32>,
      %get3A_2976 = vector.shape_cast %get3A_2975 : vector<1x16xf32> to vector<16xf32>
      %get3A_2977 = arith.constant 28 : i32
      %get3A_2978 = arith.index_cast %get3A_2977 : i32 to index
      %get3A_2979 = arith.constant 16 : index
      %get3A_2980 = tpu.vector_load %arg8[%get3A_2978, %get3A_2979] {strides = array<i32>} : memref<100x32xf32, #tpu.memory_space<vmem>>, vector<1x16xf32>,
      %get3A_2981 = vector.shape_cast %get3A_2980 : vector<1x16xf32> to vector<16xf32>
      %get3A_2982 = arith.constant 29 : i32
      %get3A_2983 = arith.index_cast %get3A_2982 : i32 to index
      %get3A_2984 = arith.constant 16 : index
      %get3A_2985 = tpu.vector_load %arg8[%get3A_2983, %get3A_2984] {strides = array<i32>} : memref<100x32xf32, #tpu.memory_space<vmem>>, vector<1x16xf32>,
      %get3A_2986 = vector.shape_cast %get3A_2985 : vector<1x16xf32> to vector<16xf32>
      %get3A_2987 = arith.constant 30 : i32
      %get3A_2988 = arith.index_cast %get3A_2987 : i32 to index
      %get3A_2989 = arith.constant 16 : index
      %get3A_2990 = tpu.vector_load %arg8[%get3A_2988, %get3A_2989] {strides = array<i32>} : memref<100x32xf32, #tpu.memory_space<vmem>>, vector<1x16xf32>,
      %get3A_2991 = vector.shape_cast %get3A_2990 : vector<1x16xf32> to vector<16xf32>
      %get3A_2992 = arith.constant 31 : i32
      %get3A_2993 = arith.index_cast %get3A_2992 : i32 to index
      %get3A_2994 = arith.constant 16 : index
      %get3A_2995 = tpu.vector_load %arg8[%get3A_2993, %get3A_2994] {strides = array<i32>} : memref<100x32xf32, #tpu.memory_space<vmem>>, vector<1x16xf32>,
      %get3A_2996 = vector.shape_cast %get3A_2995 : vector<1x16xf32> to vector<16xf32>
      %get3A_2997 = arith.constant 32 : i32
      %get3A_2998 = arith.index_cast %get3A_2997 : i32 to index
      %get3A_2999 = arith.constant 16 : index
      %get3A_3000 = tpu.vector_load %arg8[%get3A_2998, %get3A_2999] {strides = array<i32>} : memref<100x32xf32, #tpu.memory_space<vmem>>, vector<1x16xf32>,
      %get3A_3001 = vector.shape_cast %get3A_3000 : vector<1x16xf32> to vector<16xf32>
      %get3A_3002 = arith.constant 33 : i32
      %get3A_3003 = arith.index_cast %get3A_3002 : i32 to index
      %get3A_3004 = arith.constant 16 : index
      %get3A_3005 = tpu.vector_load %arg8[%get3A_3003, %get3A_3004] {strides = array<i32>} : memref<100x32xf32, #tpu.memory_space<vmem>>, vector<1x16xf32>,
      %get3A_3006 = vector.shape_cast %get3A_3005 : vector<1x16xf32> to vector<16xf32>
      %get3A_3007 = arith.constant 34 : i32
      %get3A_3008 = arith.index_cast %get3A_3007 : i32 to index
      %get3A_3009 = arith.constant 16 : index
      %get3A_3010 = tpu.vector_load %arg8[%get3A_3008, %get3A_3009] {strides = array<i32>} : memref<100x32xf32, #tpu.memory_space<vmem>>, vector<1x16xf32>,
      %get3A_3011 = vector.shape_cast %get3A_3010 : vector<1x16xf32> to vector<16xf32>
      %get3A_3012 = arith.constant 35 : i32
      %get3A_3013 = arith.index_cast %get3A_3012 : i32 to index
      %get3A_3014 = arith.constant 16 : index
      %get3A_3015 = tpu.vector_load %arg8[%get3A_3013, %get3A_3014] {strides = array<i32>} : memref<100x32xf32, #tpu.memory_space<vmem>>, vector<1x16xf32>,
      %get3A_3016 = vector.shape_cast %get3A_3015 : vector<1x16xf32> to vector<16xf32>
      %get3A_3017 = arith.constant 36 : i32
      %get3A_3018 = arith.index_cast %get3A_3017 : i32 to index
      %get3A_3019 = arith.constant 16 : index
      %get3A_3020 = tpu.vector_load %arg8[%get3A_3018, %get3A_3019] {strides = array<i32>} : memref<100x32xf32, #tpu.memory_space<vmem>>, vector<1x16xf32>,
      %get3A_3021 = vector.shape_cast %get3A_3020 : vector<1x16xf32> to vector<16xf32>
      %get3A_3022 = arith.constant 37 : i32
      %get3A_3023 = arith.index_cast %get3A_3022 : i32 to index
      %get3A_3024 = arith.constant 16 : index
      %get3A_3025 = tpu.vector_load %arg8[%get3A_3023, %get3A_3024] {strides = array<i32>} : memref<100x32xf32, #tpu.memory_space<vmem>>, vector<1x16xf32>,
      %get3A_3026 = vector.shape_cast %get3A_3025 : vector<1x16xf32> to vector<16xf32>
      %get3A_3027 = arith.constant 38 : i32
      %get3A_3028 = arith.index_cast %get3A_3027 : i32 to index
      %get3A_3029 = arith.constant 16 : index
      %get3A_3030 = tpu.vector_load %arg8[%get3A_3028, %get3A_3029] {strides = array<i32>} : memref<100x32xf32, #tpu.memory_space<vmem>>, vector<1x16xf32>,
      %get3A_3031 = vector.shape_cast %get3A_3030 : vector<1x16xf32> to vector<16xf32>
      %get3A_3032 = arith.constant 39 : i32
      %get3A_3033 = arith.index_cast %get3A_3032 : i32 to index
      %get3A_3034 = arith.constant 16 : index
      %get3A_3035 = tpu.vector_load %arg8[%get3A_3033, %get3A_3034] {strides = array<i32>} : memref<100x32xf32, #tpu.memory_space<vmem>>, vector<1x16xf32>,
      %get3A_3036 = vector.shape_cast %get3A_3035 : vector<1x16xf32> to vector<16xf32>
      %get3A_3037 = arith.constant 40 : i32
      %get3A_3038 = arith.index_cast %get3A_3037 : i32 to index
      %get3A_3039 = arith.constant 16 : index
      %get3A_3040 = tpu.vector_load %arg8[%get3A_3038, %get3A_3039] {strides = array<i32>} : memref<100x32xf32, #tpu.memory_space<vmem>>, vector<1x16xf32>,
      %get3A_3041 = vector.shape_cast %get3A_3040 : vector<1x16xf32> to vector<16xf32>
      %get3A_3042 = arith.constant 41 : i32
      %get3A_3043 = arith.index_cast %get3A_3042 : i32 to index
      %get3A_3044 = arith.constant 16 : index
      %get3A_3045 = tpu.vector_load %arg8[%get3A_3043, %get3A_3044] {strides = array<i32>} : memref<100x32xf32, #tpu.memory_space<vmem>>, vector<1x16xf32>,
      %get3A_3046 = vector.shape_cast %get3A_3045 : vector<1x16xf32> to vector<16xf32>
      %get3A_3047 = arith.constant 42 : i32
      %get3A_3048 = arith.index_cast %get3A_3047 : i32 to index
      %get3A_3049 = arith.constant 16 : index
      %get3A_3050 = tpu.vector_load %arg8[%get3A_3048, %get3A_3049] {strides = array<i32>} : memref<100x32xf32, #tpu.memory_space<vmem>>, vector<1x16xf32>,
      %get3A_3051 = vector.shape_cast %get3A_3050 : vector<1x16xf32> to vector<16xf32>
      %get3A_3052 = arith.constant 43 : i32
      %get3A_3053 = arith.index_cast %get3A_3052 : i32 to index
      %get3A_3054 = arith.constant 16 : index
      %get3A_3055 = tpu.vector_load %arg8[%get3A_3053, %get3A_3054] {strides = array<i32>} : memref<100x32xf32, #tpu.memory_space<vmem>>, vector<1x16xf32>,
      %get3A_3056 = vector.shape_cast %get3A_3055 : vector<1x16xf32> to vector<16xf32>
      %get3A_3057 = arith.constant 44 : i32
      %get3A_3058 = arith.index_cast %get3A_3057 : i32 to index
      %get3A_3059 = arith.constant 16 : index
      %get3A_3060 = tpu.vector_load %arg8[%get3A_3058, %get3A_3059] {strides = array<i32>} : memref<100x32xf32, #tpu.memory_space<vmem>>, vector<1x16xf32>,
      %get3A_3061 = vector.shape_cast %get3A_3060 : vector<1x16xf32> to vector<16xf32>
      %get3A_3062 = arith.constant 45 : i32
      %get3A_3063 = arith.index_cast %get3A_3062 : i32 to index
      %get3A_3064 = arith.constant 16 : index
      %get3A_3065 = tpu.vector_load %arg8[%get3A_3063, %get3A_3064] {strides = array<i32>} : memref<100x32xf32, #tpu.memory_space<vmem>>, vector<1x16xf32>,
      %get3A_3066 = vector.shape_cast %get3A_3065 : vector<1x16xf32> to vector<16xf32>
      %get3A_3067 = arith.constant 46 : i32
      %get3A_3068 = arith.index_cast %get3A_3067 : i32 to index
      %get3A_3069 = arith.constant 16 : index
      %get3A_3070 = tpu.vector_load %arg8[%get3A_3068, %get3A_3069] {strides = array<i32>} : memref<100x32xf32, #tpu.memory_space<vmem>>, vector<1x16xf32>,
      %get3A_3071 = vector.shape_cast %get3A_3070 : vector<1x16xf32> to vector<16xf32>
      %get3A_3072 = arith.constant 47 : i32
      %get3A_3073 = arith.index_cast %get3A_3072 : i32 to index
      %get3A_3074 = arith.constant 16 : index
      %get3A_3075 = tpu.vector_load %arg8[%get3A_3073, %get3A_3074] {strides = array<i32>} : memref<100x32xf32, #tpu.memory_space<vmem>>, vector<1x16xf32>,
      %get3A_3076 = vector.shape_cast %get3A_3075 : vector<1x16xf32> to vector<16xf32>
      %get3A_3077 = arith.constant 48 : i32
      %get3A_3078 = arith.index_cast %get3A_3077 : i32 to index
      %get3A_3079 = arith.constant 16 : index
      %get3A_3080 = tpu.vector_load %arg8[%get3A_3078, %get3A_3079] {strides = array<i32>} : memref<100x32xf32, #tpu.memory_space<vmem>>, vector<1x16xf32>,
      %get3A_3081 = vector.shape_cast %get3A_3080 : vector<1x16xf32> to vector<16xf32>
      %get3A_3082 = arith.constant 49 : i32
      %get3A_3083 = arith.index_cast %get3A_3082 : i32 to index
      %get3A_3084 = arith.constant 16 : index
      %get3A_3085 = tpu.vector_load %arg8[%get3A_3083, %get3A_3084] {strides = array<i32>} : memref<100x32xf32, #tpu.memory_space<vmem>>, vector<1x16xf32>,
      %get3A_3086 = vector.shape_cast %get3A_3085 : vector<1x16xf32> to vector<16xf32>
      %add3A_3087 = arith.addf %get3A_2841, %get3A_2846 : vector<16xf32>
      %add3A_3088 = arith.addf %get3A_2851, %get3A_2856 : vector<16xf32>
      %add3A_3089 = arith.addf %get3A_2861, %get3A_2866 : vector<16xf32>
      %add3A_3090 = arith.addf %get3A_2871, %get3A_2876 : vector<16xf32>
      %add3A_3091 = arith.addf %get3A_2881, %get3A_2886 : vector<16xf32>
      %add3A_3092 = arith.addf %get3A_2891, %get3A_2896 : vector<16xf32>
      %add3A_3093 = arith.addf %get3A_2901, %get3A_2906 : vector<16xf32>
      %add3A_3094 = arith.addf %get3A_2911, %get3A_2916 : vector<16xf32>
      %add3A_3095 = arith.addf %get3A_2921, %get3A_2926 : vector<16xf32>
      %add3A_3096 = arith.addf %get3A_2931, %get3A_2936 : vector<16xf32>
      %add3A_3097 = arith.addf %get3A_2941, %get3A_2946 : vector<16xf32>
      %add3A_3098 = arith.addf %get3A_2951, %get3A_2956 : vector<16xf32>
      %add3A_3099 = arith.addf %get3A_2961, %get3A_2966 : vector<16xf32>
      %add3A_3100 = arith.addf %get3A_2971, %get3A_2976 : vector<16xf32>
      %add3A_3101 = arith.addf %get3A_2981, %get3A_2986 : vector<16xf32>
      %add3A_3102 = arith.addf %get3A_2991, %get3A_2996 : vector<16xf32>
      %add3A_3103 = arith.addf %get3A_3001, %get3A_3006 : vector<16xf32>
      %add3A_3104 = arith.addf %get3A_3011, %get3A_3016 : vector<16xf32>
      %add3A_3105 = arith.addf %get3A_3021, %get3A_3026 : vector<16xf32>
      %add3A_3106 = arith.addf %get3A_3031, %get3A_3036 : vector<16xf32>
      %add3A_3107 = arith.addf %get3A_3041, %get3A_3046 : vector<16xf32>
      %add3A_3108 = arith.addf %get3A_3051, %get3A_3056 : vector<16xf32>
      %add3A_3109 = arith.addf %get3A_3061, %get3A_3066 : vector<16xf32>
      %add3A_3110 = arith.addf %get3A_3071, %get3A_3076 : vector<16xf32>
      %add3A_3111 = arith.addf %get3A_3081, %get3A_3086 : vector<16xf32>
      %add3A_3112 = arith.addf %add3A_3087, %add3A_3088 : vector<16xf32>
      %add3A_3113 = arith.addf %add3A_3089, %add3A_3090 : vector<16xf32>
      %add3A_3114 = arith.addf %add3A_3091, %add3A_3092 : vector<16xf32>
      %add3A_3115 = arith.addf %add3A_3093, %add3A_3094 : vector<16xf32>
      %add3A_3116 = arith.addf %add3A_3095, %add3A_3096 : vector<16xf32>
      %add3A_3117 = arith.addf %add3A_3097, %add3A_3098 : vector<16xf32>
      %add3A_3118 = arith.addf %add3A_3099, %add3A_3100 : vector<16xf32>
      %add3A_3119 = arith.addf %add3A_3101, %add3A_3102 : vector<16xf32>
      %add3A_3120 = arith.addf %add3A_3103, %add3A_3104 : vector<16xf32>
      %add3A_3121 = arith.addf %add3A_3105, %add3A_3106 : vector<16xf32>
      %add3A_3122 = arith.addf %add3A_3107, %add3A_3108 : vector<16xf32>
      %add3A_3123 = arith.addf %add3A_3109, %add3A_3110 : vector<16xf32>
      %add3A_3124 = arith.addf %add3A_3112, %add3A_3113 : vector<16xf32>
      %add3A_3125 = arith.addf %add3A_3114, %add3A_3115 : vector<16xf32>
      %add3A_3126 = arith.addf %add3A_3116, %add3A_3117 : vector<16xf32>
      %add3A_3127 = arith.addf %add3A_3118, %add3A_3119 : vector<16xf32>
      %add3A_3128 = arith.addf %add3A_3120, %add3A_3121 : vector<16xf32>
      %add3A_3129 = arith.addf %add3A_3122, %add3A_3123 : vector<16xf32>
      %add3A_3130 = arith.addf %add3A_3124, %add3A_3125 : vector<16xf32>
      %add3A_3131 = arith.addf %add3A_3126, %add3A_3127 : vector<16xf32>
      %add3A_3132 = arith.addf %add3A_3128, %add3A_3129 : vector<16xf32>
      %add3A_3133 = arith.addf %add3A_3130, %add3A_3131 : vector<16xf32>
      %add3A_3134 = arith.addf %add3A_3132, %add3A_3111 : vector<16xf32>
      %add3A_3135 = arith.addf %add3A_3133, %add3A_3134 : vector<16xf32>
      %swap3A_3136 = arith.index_cast %add3A_2532 : i32 to index
      %swap3A_3137 = arith.constant 16 : index
      %swap3A_3138 = tpu.vector_load %arg10[%swap3A_3136, %swap3A_3137] {strides = array<i32>} : memref<512x32xf32, #tpu.memory_space<vmem>>, vector<1x16xf32>,
      %swap3A_3139 = vector.shape_cast %swap3A_3138 : vector<1x16xf32> to vector<16xf32>
      %swap3A_3140 = vector.shape_cast %add3A_3135 : vector<16xf32> to vector<1x16xf32>
      tpu.vector_store %arg10[%swap3A_3136, %swap3A_3137], %swap3A_3140 {strides = array<i32>} : memref<512x32xf32, #tpu.memory_space<vmem>>, vector<1x16xf32>,
      %mul3A_3141 = arith.constant 2 : i32
      %mul3A_3142 = arith.muli %add3A_2528, %mul3A_3141 : i32
      %add3A_3143 = arith.constant 1 : i32
      %add3A_3144 = arith.addi %mul3A_3142, %add3A_3143 : i32
      %get3A_3145 = arith.constant 50 : i32
      %get3A_3146 = arith.index_cast %get3A_3145 : i32 to index
      %get3A_3147 = arith.constant 0 : index
      %get3A_3148 = tpu.vector_load %arg8[%get3A_3146, %get3A_3147] {strides = array<i32>} : memref<100x32xf32, #tpu.memory_space<vmem>>, vector<1x16xf32>,
      %get3A_3149 = vector.shape_cast %get3A_3148 : vector<1x16xf32> to vector<16xf32>
      %get3A_3150 = arith.constant 51 : i32
      %get3A_3151 = arith.index_cast %get3A_3150 : i32 to index
      %get3A_3152 = arith.constant 0 : index
      %get3A_3153 = tpu.vector_load %arg8[%get3A_3151, %get3A_3152] {strides = array<i32>} : memref<100x32xf32, #tpu.memory_space<vmem>>, vector<1x16xf32>,
      %get3A_3154 = vector.shape_cast %get3A_3153 : vector<1x16xf32> to vector<16xf32>
      %get3A_3155 = arith.constant 52 : i32
      %get3A_3156 = arith.index_cast %get3A_3155 : i32 to index
      %get3A_3157 = arith.constant 0 : index
      %get3A_3158 = tpu.vector_load %arg8[%get3A_3156, %get3A_3157] {strides = array<i32>} : memref<100x32xf32, #tpu.memory_space<vmem>>, vector<1x16xf32>,
      %get3A_3159 = vector.shape_cast %get3A_3158 : vector<1x16xf32> to vector<16xf32>
      %get3A_3160 = arith.constant 53 : i32
      %get3A_3161 = arith.index_cast %get3A_3160 : i32 to index
      %get3A_3162 = arith.constant 0 : index
      %get3A_3163 = tpu.vector_load %arg8[%get3A_3161, %get3A_3162] {strides = array<i32>} : memref<100x32xf32, #tpu.memory_space<vmem>>, vector<1x16xf32>,
      %get3A_3164 = vector.shape_cast %get3A_3163 : vector<1x16xf32> to vector<16xf32>
      %get3A_3165 = arith.constant 54 : i32
      %get3A_3166 = arith.index_cast %get3A_3165 : i32 to index
      %get3A_3167 = arith.constant 0 : index
      %get3A_3168 = tpu.vector_load %arg8[%get3A_3166, %get3A_3167] {strides = array<i32>} : memref<100x32xf32, #tpu.memory_space<vmem>>, vector<1x16xf32>,
      %get3A_3169 = vector.shape_cast %get3A_3168 : vector<1x16xf32> to vector<16xf32>
      %get3A_3170 = arith.constant 55 : i32
      %get3A_3171 = arith.index_cast %get3A_3170 : i32 to index
      %get3A_3172 = arith.constant 0 : index
      %get3A_3173 = tpu.vector_load %arg8[%get3A_3171, %get3A_3172] {strides = array<i32>} : memref<100x32xf32, #tpu.memory_space<vmem>>, vector<1x16xf32>,
      %get3A_3174 = vector.shape_cast %get3A_3173 : vector<1x16xf32> to vector<16xf32>
      %get3A_3175 = arith.constant 56 : i32
      %get3A_3176 = arith.index_cast %get3A_3175 : i32 to index
      %get3A_3177 = arith.constant 0 : index
      %get3A_3178 = tpu.vector_load %arg8[%get3A_3176, %get3A_3177] {strides = array<i32>} : memref<100x32xf32, #tpu.memory_space<vmem>>, vector<1x16xf32>,
      %get3A_3179 = vector.shape_cast %get3A_3178 : vector<1x16xf32> to vector<16xf32>
      %get3A_3180 = arith.constant 57 : i32
      %get3A_3181 = arith.index_cast %get3A_3180 : i32 to index
      %get3A_3182 = arith.constant 0 : index
      %get3A_3183 = tpu.vector_load %arg8[%get3A_3181, %get3A_3182] {strides = array<i32>} : memref<100x32xf32, #tpu.memory_space<vmem>>, vector<1x16xf32>,
      %get3A_3184 = vector.shape_cast %get3A_3183 : vector<1x16xf32> to vector<16xf32>
      %get3A_3185 = arith.constant 58 : i32
      %get3A_3186 = arith.index_cast %get3A_3185 : i32 to index
      %get3A_3187 = arith.constant 0 : index
      %get3A_3188 = tpu.vector_load %arg8[%get3A_3186, %get3A_3187] {strides = array<i32>} : memref<100x32xf32, #tpu.memory_space<vmem>>, vector<1x16xf32>,
      %get3A_3189 = vector.shape_cast %get3A_3188 : vector<1x16xf32> to vector<16xf32>
      %get3A_3190 = arith.constant 59 : i32
      %get3A_3191 = arith.index_cast %get3A_3190 : i32 to index
      %get3A_3192 = arith.constant 0 : index
      %get3A_3193 = tpu.vector_load %arg8[%get3A_3191, %get3A_3192] {strides = array<i32>} : memref<100x32xf32, #tpu.memory_space<vmem>>, vector<1x16xf32>,
      %get3A_3194 = vector.shape_cast %get3A_3193 : vector<1x16xf32> to vector<16xf32>
      %get3A_3195 = arith.constant 60 : i32
      %get3A_3196 = arith.index_cast %get3A_3195 : i32 to index
      %get3A_3197 = arith.constant 0 : index
      %get3A_3198 = tpu.vector_load %arg8[%get3A_3196, %get3A_3197] {strides = array<i32>} : memref<100x32xf32, #tpu.memory_space<vmem>>, vector<1x16xf32>,
      %get3A_3199 = vector.shape_cast %get3A_3198 : vector<1x16xf32> to vector<16xf32>
      %get3A_3200 = arith.constant 61 : i32
      %get3A_3201 = arith.index_cast %get3A_3200 : i32 to index
      %get3A_3202 = arith.constant 0 : index
      %get3A_3203 = tpu.vector_load %arg8[%get3A_3201, %get3A_3202] {strides = array<i32>} : memref<100x32xf32, #tpu.memory_space<vmem>>, vector<1x16xf32>,
      %get3A_3204 = vector.shape_cast %get3A_3203 : vector<1x16xf32> to vector<16xf32>
      %get3A_3205 = arith.constant 62 : i32
      %get3A_3206 = arith.index_cast %get3A_3205 : i32 to index
      %get3A_3207 = arith.constant 0 : index
      %get3A_3208 = tpu.vector_load %arg8[%get3A_3206, %get3A_3207] {strides = array<i32>} : memref<100x32xf32, #tpu.memory_space<vmem>>, vector<1x16xf32>,
      %get3A_3209 = vector.shape_cast %get3A_3208 : vector<1x16xf32> to vector<16xf32>
      %get3A_3210 = arith.constant 63 : i32
      %get3A_3211 = arith.index_cast %get3A_3210 : i32 to index
      %get3A_3212 = arith.constant 0 : index
      %get3A_3213 = tpu.vector_load %arg8[%get3A_3211, %get3A_3212] {strides = array<i32>} : memref<100x32xf32, #tpu.memory_space<vmem>>, vector<1x16xf32>,
      %get3A_3214 = vector.shape_cast %get3A_3213 : vector<1x16xf32> to vector<16xf32>
      %get3A_3215 = arith.constant 64 : i32
      %get3A_3216 = arith.index_cast %get3A_3215 : i32 to index
      %get3A_3217 = arith.constant 0 : index
      %get3A_3218 = tpu.vector_load %arg8[%get3A_3216, %get3A_3217] {strides = array<i32>} : memref<100x32xf32, #tpu.memory_space<vmem>>, vector<1x16xf32>,
      %get3A_3219 = vector.shape_cast %get3A_3218 : vector<1x16xf32> to vector<16xf32>
      %get3A_3220 = arith.constant 65 : i32
      %get3A_3221 = arith.index_cast %get3A_3220 : i32 to index
      %get3A_3222 = arith.constant 0 : index
      %get3A_3223 = tpu.vector_load %arg8[%get3A_3221, %get3A_3222] {strides = array<i32>} : memref<100x32xf32, #tpu.memory_space<vmem>>, vector<1x16xf32>,
      %get3A_3224 = vector.shape_cast %get3A_3223 : vector<1x16xf32> to vector<16xf32>
      %get3A_3225 = arith.constant 66 : i32
      %get3A_3226 = arith.index_cast %get3A_3225 : i32 to index
      %get3A_3227 = arith.constant 0 : index
      %get3A_3228 = tpu.vector_load %arg8[%get3A_3226, %get3A_3227] {strides = array<i32>} : memref<100x32xf32, #tpu.memory_space<vmem>>, vector<1x16xf32>,
      %get3A_3229 = vector.shape_cast %get3A_3228 : vector<1x16xf32> to vector<16xf32>
      %get3A_3230 = arith.constant 67 : i32
      %get3A_3231 = arith.index_cast %get3A_3230 : i32 to index
      %get3A_3232 = arith.constant 0 : index
      %get3A_3233 = tpu.vector_load %arg8[%get3A_3231, %get3A_3232] {strides = array<i32>} : memref<100x32xf32, #tpu.memory_space<vmem>>, vector<1x16xf32>,
      %get3A_3234 = vector.shape_cast %get3A_3233 : vector<1x16xf32> to vector<16xf32>
      %get3A_3235 = arith.constant 68 : i32
      %get3A_3236 = arith.index_cast %get3A_3235 : i32 to index
      %get3A_3237 = arith.constant 0 : index
      %get3A_3238 = tpu.vector_load %arg8[%get3A_3236, %get3A_3237] {strides = array<i32>} : memref<100x32xf32, #tpu.memory_space<vmem>>, vector<1x16xf32>,
      %get3A_3239 = vector.shape_cast %get3A_3238 : vector<1x16xf32> to vector<16xf32>
      %get3A_3240 = arith.constant 69 : i32
      %get3A_3241 = arith.index_cast %get3A_3240 : i32 to index
      %get3A_3242 = arith.constant 0 : index
      %get3A_3243 = tpu.vector_load %arg8[%get3A_3241, %get3A_3242] {strides = array<i32>} : memref<100x32xf32, #tpu.memory_space<vmem>>, vector<1x16xf32>,
      %get3A_3244 = vector.shape_cast %get3A_3243 : vector<1x16xf32> to vector<16xf32>
      %get3A_3245 = arith.constant 70 : i32
      %get3A_3246 = arith.index_cast %get3A_3245 : i32 to index
      %get3A_3247 = arith.constant 0 : index
      %get3A_3248 = tpu.vector_load %arg8[%get3A_3246, %get3A_3247] {strides = array<i32>} : memref<100x32xf32, #tpu.memory_space<vmem>>, vector<1x16xf32>,
      %get3A_3249 = vector.shape_cast %get3A_3248 : vector<1x16xf32> to vector<16xf32>
      %get3A_3250 = arith.constant 71 : i32
      %get3A_3251 = arith.index_cast %get3A_3250 : i32 to index
      %get3A_3252 = arith.constant 0 : index
      %get3A_3253 = tpu.vector_load %arg8[%get3A_3251, %get3A_3252] {strides = array<i32>} : memref<100x32xf32, #tpu.memory_space<vmem>>, vector<1x16xf32>,
      %get3A_3254 = vector.shape_cast %get3A_3253 : vector<1x16xf32> to vector<16xf32>
      %get3A_3255 = arith.constant 72 : i32
      %get3A_3256 = arith.index_cast %get3A_3255 : i32 to index
      %get3A_3257 = arith.constant 0 : index
      %get3A_3258 = tpu.vector_load %arg8[%get3A_3256, %get3A_3257] {strides = array<i32>} : memref<100x32xf32, #tpu.memory_space<vmem>>, vector<1x16xf32>,
      %get3A_3259 = vector.shape_cast %get3A_3258 : vector<1x16xf32> to vector<16xf32>
      %get3A_3260 = arith.constant 73 : i32
      %get3A_3261 = arith.index_cast %get3A_3260 : i32 to index
      %get3A_3262 = arith.constant 0 : index
      %get3A_3263 = tpu.vector_load %arg8[%get3A_3261, %get3A_3262] {strides = array<i32>} : memref<100x32xf32, #tpu.memory_space<vmem>>, vector<1x16xf32>,
      %get3A_3264 = vector.shape_cast %get3A_3263 : vector<1x16xf32> to vector<16xf32>
      %get3A_3265 = arith.constant 74 : i32
      %get3A_3266 = arith.index_cast %get3A_3265 : i32 to index
      %get3A_3267 = arith.constant 0 : index
      %get3A_3268 = tpu.vector_load %arg8[%get3A_3266, %get3A_3267] {strides = array<i32>} : memref<100x32xf32, #tpu.memory_space<vmem>>, vector<1x16xf32>,
      %get3A_3269 = vector.shape_cast %get3A_3268 : vector<1x16xf32> to vector<16xf32>
      %get3A_3270 = arith.constant 75 : i32
      %get3A_3271 = arith.index_cast %get3A_3270 : i32 to index
      %get3A_3272 = arith.constant 0 : index
      %get3A_3273 = tpu.vector_load %arg8[%get3A_3271, %get3A_3272] {strides = array<i32>} : memref<100x32xf32, #tpu.memory_space<vmem>>, vector<1x16xf32>,
      %get3A_3274 = vector.shape_cast %get3A_3273 : vector<1x16xf32> to vector<16xf32>
      %get3A_3275 = arith.constant 76 : i32
      %get3A_3276 = arith.index_cast %get3A_3275 : i32 to index
      %get3A_3277 = arith.constant 0 : index
      %get3A_3278 = tpu.vector_load %arg8[%get3A_3276, %get3A_3277] {strides = array<i32>} : memref<100x32xf32, #tpu.memory_space<vmem>>, vector<1x16xf32>,
      %get3A_3279 = vector.shape_cast %get3A_3278 : vector<1x16xf32> to vector<16xf32>
      %get3A_3280 = arith.constant 77 : i32
      %get3A_3281 = arith.index_cast %get3A_3280 : i32 to index
      %get3A_3282 = arith.constant 0 : index
      %get3A_3283 = tpu.vector_load %arg8[%get3A_3281, %get3A_3282] {strides = array<i32>} : memref<100x32xf32, #tpu.memory_space<vmem>>, vector<1x16xf32>,
      %get3A_3284 = vector.shape_cast %get3A_3283 : vector<1x16xf32> to vector<16xf32>
      %get3A_3285 = arith.constant 78 : i32
      %get3A_3286 = arith.index_cast %get3A_3285 : i32 to index
      %get3A_3287 = arith.constant 0 : index
      %get3A_3288 = tpu.vector_load %arg8[%get3A_3286, %get3A_3287] {strides = array<i32>} : memref<100x32xf32, #tpu.memory_space<vmem>>, vector<1x16xf32>,
      %get3A_3289 = vector.shape_cast %get3A_3288 : vector<1x16xf32> to vector<16xf32>
      %get3A_3290 = arith.constant 79 : i32
      %get3A_3291 = arith.index_cast %get3A_3290 : i32 to index
      %get3A_3292 = arith.constant 0 : index
      %get3A_3293 = tpu.vector_load %arg8[%get3A_3291, %get3A_3292] {strides = array<i32>} : memref<100x32xf32, #tpu.memory_space<vmem>>, vector<1x16xf32>,
      %get3A_3294 = vector.shape_cast %get3A_3293 : vector<1x16xf32> to vector<16xf32>
      %get3A_3295 = arith.constant 80 : i32
      %get3A_3296 = arith.index_cast %get3A_3295 : i32 to index
      %get3A_3297 = arith.constant 0 : index
      %get3A_3298 = tpu.vector_load %arg8[%get3A_3296, %get3A_3297] {strides = array<i32>} : memref<100x32xf32, #tpu.memory_space<vmem>>, vector<1x16xf32>,
      %get3A_3299 = vector.shape_cast %get3A_3298 : vector<1x16xf32> to vector<16xf32>
      %get3A_3300 = arith.constant 81 : i32
      %get3A_3301 = arith.index_cast %get3A_3300 : i32 to index
      %get3A_3302 = arith.constant 0 : index
      %get3A_3303 = tpu.vector_load %arg8[%get3A_3301, %get3A_3302] {strides = array<i32>} : memref<100x32xf32, #tpu.memory_space<vmem>>, vector<1x16xf32>,
      %get3A_3304 = vector.shape_cast %get3A_3303 : vector<1x16xf32> to vector<16xf32>
      %get3A_3305 = arith.constant 82 : i32
      %get3A_3306 = arith.index_cast %get3A_3305 : i32 to index
      %get3A_3307 = arith.constant 0 : index
      %get3A_3308 = tpu.vector_load %arg8[%get3A_3306, %get3A_3307] {strides = array<i32>} : memref<100x32xf32, #tpu.memory_space<vmem>>, vector<1x16xf32>,
      %get3A_3309 = vector.shape_cast %get3A_3308 : vector<1x16xf32> to vector<16xf32>
      %get3A_3310 = arith.constant 83 : i32
      %get3A_3311 = arith.index_cast %get3A_3310 : i32 to index
      %get3A_3312 = arith.constant 0 : index
      %get3A_3313 = tpu.vector_load %arg8[%get3A_3311, %get3A_3312] {strides = array<i32>} : memref<100x32xf32, #tpu.memory_space<vmem>>, vector<1x16xf32>,
      %get3A_3314 = vector.shape_cast %get3A_3313 : vector<1x16xf32> to vector<16xf32>
      %get3A_3315 = arith.constant 84 : i32
      %get3A_3316 = arith.index_cast %get3A_3315 : i32 to index
      %get3A_3317 = arith.constant 0 : index
      %get3A_3318 = tpu.vector_load %arg8[%get3A_3316, %get3A_3317] {strides = array<i32>} : memref<100x32xf32, #tpu.memory_space<vmem>>, vector<1x16xf32>,
      %get3A_3319 = vector.shape_cast %get3A_3318 : vector<1x16xf32> to vector<16xf32>
      %get3A_3320 = arith.constant 85 : i32
      %get3A_3321 = arith.index_cast %get3A_3320 : i32 to index
      %get3A_3322 = arith.constant 0 : index
      %get3A_3323 = tpu.vector_load %arg8[%get3A_3321, %get3A_3322] {strides = array<i32>} : memref<100x32xf32, #tpu.memory_space<vmem>>, vector<1x16xf32>,
      %get3A_3324 = vector.shape_cast %get3A_3323 : vector<1x16xf32> to vector<16xf32>
      %get3A_3325 = arith.constant 86 : i32
      %get3A_3326 = arith.index_cast %get3A_3325 : i32 to index
      %get3A_3327 = arith.constant 0 : index
      %get3A_3328 = tpu.vector_load %arg8[%get3A_3326, %get3A_3327] {strides = array<i32>} : memref<100x32xf32, #tpu.memory_space<vmem>>, vector<1x16xf32>,
      %get3A_3329 = vector.shape_cast %get3A_3328 : vector<1x16xf32> to vector<16xf32>
      %get3A_3330 = arith.constant 87 : i32
      %get3A_3331 = arith.index_cast %get3A_3330 : i32 to index
      %get3A_3332 = arith.constant 0 : index
      %get3A_3333 = tpu.vector_load %arg8[%get3A_3331, %get3A_3332] {strides = array<i32>} : memref<100x32xf32, #tpu.memory_space<vmem>>, vector<1x16xf32>,
      %get3A_3334 = vector.shape_cast %get3A_3333 : vector<1x16xf32> to vector<16xf32>
      %get3A_3335 = arith.constant 88 : i32
      %get3A_3336 = arith.index_cast %get3A_3335 : i32 to index
      %get3A_3337 = arith.constant 0 : index
      %get3A_3338 = tpu.vector_load %arg8[%get3A_3336, %get3A_3337] {strides = array<i32>} : memref<100x32xf32, #tpu.memory_space<vmem>>, vector<1x16xf32>,
      %get3A_3339 = vector.shape_cast %get3A_3338 : vector<1x16xf32> to vector<16xf32>
      %get3A_3340 = arith.constant 89 : i32
      %get3A_3341 = arith.index_cast %get3A_3340 : i32 to index
      %get3A_3342 = arith.constant 0 : index
      %get3A_3343 = tpu.vector_load %arg8[%get3A_3341, %get3A_3342] {strides = array<i32>} : memref<100x32xf32, #tpu.memory_space<vmem>>, vector<1x16xf32>,
      %get3A_3344 = vector.shape_cast %get3A_3343 : vector<1x16xf32> to vector<16xf32>
      %get3A_3345 = arith.constant 90 : i32
      %get3A_3346 = arith.index_cast %get3A_3345 : i32 to index
      %get3A_3347 = arith.constant 0 : index
      %get3A_3348 = tpu.vector_load %arg8[%get3A_3346, %get3A_3347] {strides = array<i32>} : memref<100x32xf32, #tpu.memory_space<vmem>>, vector<1x16xf32>,
      %get3A_3349 = vector.shape_cast %get3A_3348 : vector<1x16xf32> to vector<16xf32>
      %get3A_3350 = arith.constant 91 : i32
      %get3A_3351 = arith.index_cast %get3A_3350 : i32 to index
      %get3A_3352 = arith.constant 0 : index
      %get3A_3353 = tpu.vector_load %arg8[%get3A_3351, %get3A_3352] {strides = array<i32>} : memref<100x32xf32, #tpu.memory_space<vmem>>, vector<1x16xf32>,
      %get3A_3354 = vector.shape_cast %get3A_3353 : vector<1x16xf32> to vector<16xf32>
      %get3A_3355 = arith.constant 92 : i32
      %get3A_3356 = arith.index_cast %get3A_3355 : i32 to index
      %get3A_3357 = arith.constant 0 : index
      %get3A_3358 = tpu.vector_load %arg8[%get3A_3356, %get3A_3357] {strides = array<i32>} : memref<100x32xf32, #tpu.memory_space<vmem>>, vector<1x16xf32>,
      %get3A_3359 = vector.shape_cast %get3A_3358 : vector<1x16xf32> to vector<16xf32>
      %get3A_3360 = arith.constant 93 : i32
      %get3A_3361 = arith.index_cast %get3A_3360 : i32 to index
      %get3A_3362 = arith.constant 0 : index
      %get3A_3363 = tpu.vector_load %arg8[%get3A_3361, %get3A_3362] {strides = array<i32>} : memref<100x32xf32, #tpu.memory_space<vmem>>, vector<1x16xf32>,
      %get3A_3364 = vector.shape_cast %get3A_3363 : vector<1x16xf32> to vector<16xf32>
      %get3A_3365 = arith.constant 94 : i32
      %get3A_3366 = arith.index_cast %get3A_3365 : i32 to index
      %get3A_3367 = arith.constant 0 : index
      %get3A_3368 = tpu.vector_load %arg8[%get3A_3366, %get3A_3367] {strides = array<i32>} : memref<100x32xf32, #tpu.memory_space<vmem>>, vector<1x16xf32>,
      %get3A_3369 = vector.shape_cast %get3A_3368 : vector<1x16xf32> to vector<16xf32>
      %get3A_3370 = arith.constant 95 : i32
      %get3A_3371 = arith.index_cast %get3A_3370 : i32 to index
      %get3A_3372 = arith.constant 0 : index
      %get3A_3373 = tpu.vector_load %arg8[%get3A_3371, %get3A_3372] {strides = array<i32>} : memref<100x32xf32, #tpu.memory_space<vmem>>, vector<1x16xf32>,
      %get3A_3374 = vector.shape_cast %get3A_3373 : vector<1x16xf32> to vector<16xf32>
      %get3A_3375 = arith.constant 96 : i32
      %get3A_3376 = arith.index_cast %get3A_3375 : i32 to index
      %get3A_3377 = arith.constant 0 : index
      %get3A_3378 = tpu.vector_load %arg8[%get3A_3376, %get3A_3377] {strides = array<i32>} : memref<100x32xf32, #tpu.memory_space<vmem>>, vector<1x16xf32>,
      %get3A_3379 = vector.shape_cast %get3A_3378 : vector<1x16xf32> to vector<16xf32>
      %get3A_3380 = arith.constant 97 : i32
      %get3A_3381 = arith.index_cast %get3A_3380 : i32 to index
      %get3A_3382 = arith.constant 0 : index
      %get3A_3383 = tpu.vector_load %arg8[%get3A_3381, %get3A_3382] {strides = array<i32>} : memref<100x32xf32, #tpu.memory_space<vmem>>, vector<1x16xf32>,
      %get3A_3384 = vector.shape_cast %get3A_3383 : vector<1x16xf32> to vector<16xf32>
      %get3A_3385 = arith.constant 98 : i32
      %get3A_3386 = arith.index_cast %get3A_3385 : i32 to index
      %get3A_3387 = arith.constant 0 : index
      %get3A_3388 = tpu.vector_load %arg8[%get3A_3386, %get3A_3387] {strides = array<i32>} : memref<100x32xf32, #tpu.memory_space<vmem>>, vector<1x16xf32>,
      %get3A_3389 = vector.shape_cast %get3A_3388 : vector<1x16xf32> to vector<16xf32>
      %get3A_3390 = arith.constant 99 : i32
      %get3A_3391 = arith.index_cast %get3A_3390 : i32 to index
      %get3A_3392 = arith.constant 0 : index
      %get3A_3393 = tpu.vector_load %arg8[%get3A_3391, %get3A_3392] {strides = array<i32>} : memref<100x32xf32, #tpu.memory_space<vmem>>, vector<1x16xf32>,
      %get3A_3394 = vector.shape_cast %get3A_3393 : vector<1x16xf32> to vector<16xf32>
      %add3A_3395 = arith.addf %get3A_3149, %get3A_3154 : vector<16xf32>
      %add3A_3396 = arith.addf %get3A_3159, %get3A_3164 : vector<16xf32>
      %add3A_3397 = arith.addf %get3A_3169, %get3A_3174 : vector<16xf32>
      %add3A_3398 = arith.addf %get3A_3179, %get3A_3184 : vector<16xf32>
      %add3A_3399 = arith.addf %get3A_3189, %get3A_3194 : vector<16xf32>
      %add3A_3400 = arith.addf %get3A_3199, %get3A_3204 : vector<16xf32>
      %add3A_3401 = arith.addf %get3A_3209, %get3A_3214 : vector<16xf32>
      %add3A_3402 = arith.addf %get3A_3219, %get3A_3224 : vector<16xf32>
      %add3A_3403 = arith.addf %get3A_3229, %get3A_3234 : vector<16xf32>
      %add3A_3404 = arith.addf %get3A_3239, %get3A_3244 : vector<16xf32>
      %add3A_3405 = arith.addf %get3A_3249, %get3A_3254 : vector<16xf32>
      %add3A_3406 = arith.addf %get3A_3259, %get3A_3264 : vector<16xf32>
      %add3A_3407 = arith.addf %get3A_3269, %get3A_3274 : vector<16xf32>
      %add3A_3408 = arith.addf %get3A_3279, %get3A_3284 : vector<16xf32>
      %add3A_3409 = arith.addf %get3A_3289, %get3A_3294 : vector<16xf32>
      %add3A_3410 = arith.addf %get3A_3299, %get3A_3304 : vector<16xf32>
      %add3A_3411 = arith.addf %get3A_3309, %get3A_3314 : vector<16xf32>
      %add3A_3412 = arith.addf %get3A_3319, %get3A_3324 : vector<16xf32>
      %add3A_3413 = arith.addf %get3A_3329, %get3A_3334 : vector<16xf32>
      %add3A_3414 = arith.addf %get3A_3339, %get3A_3344 : vector<16xf32>
      %add3A_3415 = arith.addf %get3A_3349, %get3A_3354 : vector<16xf32>
      %add3A_3416 = arith.addf %get3A_3359, %get3A_3364 : vector<16xf32>
      %add3A_3417 = arith.addf %get3A_3369, %get3A_3374 : vector<16xf32>
      %add3A_3418 = arith.addf %get3A_3379, %get3A_3384 : vector<16xf32>
      %add3A_3419 = arith.addf %get3A_3389, %get3A_3394 : vector<16xf32>
      %add3A_3420 = arith.addf %add3A_3395, %add3A_3396 : vector<16xf32>
      %add3A_3421 = arith.addf %add3A_3397, %add3A_3398 : vector<16xf32>
      %add3A_3422 = arith.addf %add3A_3399, %add3A_3400 : vector<16xf32>
      %add3A_3423 = arith.addf %add3A_3401, %add3A_3402 : vector<16xf32>
      %add3A_3424 = arith.addf %add3A_3403, %add3A_3404 : vector<16xf32>
      %add3A_3425 = arith.addf %add3A_3405, %add3A_3406 : vector<16xf32>
      %add3A_3426 = arith.addf %add3A_3407, %add3A_3408 : vector<16xf32>
      %add3A_3427 = arith.addf %add3A_3409, %add3A_3410 : vector<16xf32>
      %add3A_3428 = arith.addf %add3A_3411, %add3A_3412 : vector<16xf32>
      %add3A_3429 = arith.addf %add3A_3413, %add3A_3414 : vector<16xf32>
      %add3A_3430 = arith.addf %add3A_3415, %add3A_3416 : vector<16xf32>
      %add3A_3431 = arith.addf %add3A_3417, %add3A_3418 : vector<16xf32>
      %add3A_3432 = arith.addf %add3A_3420, %add3A_3421 : vector<16xf32>
      %add3A_3433 = arith.addf %add3A_3422, %add3A_3423 : vector<16xf32>
      %add3A_3434 = arith.addf %add3A_3424, %add3A_3425 : vector<16xf32>
      %add3A_3435 = arith.addf %add3A_3426, %add3A_3427 : vector<16xf32>
      %add3A_3436 = arith.addf %add3A_3428, %add3A_3429 : vector<16xf32>
      %add3A_3437 = arith.addf %add3A_3430, %add3A_3431 : vector<16xf32>
      %add3A_3438 = arith.addf %add3A_3432, %add3A_3433 : vector<16xf32>
      %add3A_3439 = arith.addf %add3A_3434, %add3A_3435 : vector<16xf32>
      %add3A_3440 = arith.addf %add3A_3436, %add3A_3437 : vector<16xf32>
      %add3A_3441 = arith.addf %add3A_3438, %add3A_3439 : vector<16xf32>
      %add3A_3442 = arith.addf %add3A_3440, %add3A_3419 : vector<16xf32>
      %add3A_3443 = arith.addf %add3A_3441, %add3A_3442 : vector<16xf32>
      %swap3A_3444 = arith.index_cast %add3A_3144 : i32 to index
      %swap3A_3445 = arith.constant 0 : index
      %swap3A_3446 = tpu.vector_load %arg10[%swap3A_3444, %swap3A_3445] {strides = array<i32>} : memref<512x32xf32, #tpu.memory_space<vmem>>, vector<1x16xf32>,
      %swap3A_3447 = vector.shape_cast %swap3A_3446 : vector<1x16xf32> to vector<16xf32>
      %swap3A_3448 = vector.shape_cast %add3A_3443 : vector<16xf32> to vector<1x16xf32>
      tpu.vector_store %arg10[%swap3A_3444, %swap3A_3445], %swap3A_3448 {strides = array<i32>} : memref<512x32xf32, #tpu.memory_space<vmem>>, vector<1x16xf32>,
      %get3A_3449 = arith.constant 50 : i32
      %get3A_3450 = arith.index_cast %get3A_3449 : i32 to index
      %get3A_3451 = arith.constant 16 : index
      %get3A_3452 = tpu.vector_load %arg8[%get3A_3450, %get3A_3451] {strides = array<i32>} : memref<100x32xf32, #tpu.memory_space<vmem>>, vector<1x16xf32>,
      %get3A_3453 = vector.shape_cast %get3A_3452 : vector<1x16xf32> to vector<16xf32>
      %get3A_3454 = arith.constant 51 : i32
      %get3A_3455 = arith.index_cast %get3A_3454 : i32 to index
      %get3A_3456 = arith.constant 16 : index
      %get3A_3457 = tpu.vector_load %arg8[%get3A_3455, %get3A_3456] {strides = array<i32>} : memref<100x32xf32, #tpu.memory_space<vmem>>, vector<1x16xf32>,
      %get3A_3458 = vector.shape_cast %get3A_3457 : vector<1x16xf32> to vector<16xf32>
      %get3A_3459 = arith.constant 52 : i32
      %get3A_3460 = arith.index_cast %get3A_3459 : i32 to index
      %get3A_3461 = arith.constant 16 : index
      %get3A_3462 = tpu.vector_load %arg8[%get3A_3460, %get3A_3461] {strides = array<i32>} : memref<100x32xf32, #tpu.memory_space<vmem>>, vector<1x16xf32>,
      %get3A_3463 = vector.shape_cast %get3A_3462 : vector<1x16xf32> to vector<16xf32>
      %get3A_3464 = arith.constant 53 : i32
      %get3A_3465 = arith.index_cast %get3A_3464 : i32 to index
      %get3A_3466 = arith.constant 16 : index
      %get3A_3467 = tpu.vector_load %arg8[%get3A_3465, %get3A_3466] {strides = array<i32>} : memref<100x32xf32, #tpu.memory_space<vmem>>, vector<1x16xf32>,
      %get3A_3468 = vector.shape_cast %get3A_3467 : vector<1x16xf32> to vector<16xf32>
      %get3A_3469 = arith.constant 54 : i32
      %get3A_3470 = arith.index_cast %get3A_3469 : i32 to index
      %get3A_3471 = arith.constant 16 : index
      %get3A_3472 = tpu.vector_load %arg8[%get3A_3470, %get3A_3471] {strides = array<i32>} : memref<100x32xf32, #tpu.memory_space<vmem>>, vector<1x16xf32>,
      %get3A_3473 = vector.shape_cast %get3A_3472 : vector<1x16xf32> to vector<16xf32>
      %get3A_3474 = arith.constant 55 : i32
      %get3A_3475 = arith.index_cast %get3A_3474 : i32 to index
      %get3A_3476 = arith.constant 16 : index
      %get3A_3477 = tpu.vector_load %arg8[%get3A_3475, %get3A_3476] {strides = array<i32>} : memref<100x32xf32, #tpu.memory_space<vmem>>, vector<1x16xf32>,
      %get3A_3478 = vector.shape_cast %get3A_3477 : vector<1x16xf32> to vector<16xf32>
      %get3A_3479 = arith.constant 56 : i32
      %get3A_3480 = arith.index_cast %get3A_3479 : i32 to index
      %get3A_3481 = arith.constant 16 : index
      %get3A_3482 = tpu.vector_load %arg8[%get3A_3480, %get3A_3481] {strides = array<i32>} : memref<100x32xf32, #tpu.memory_space<vmem>>, vector<1x16xf32>,
      %get3A_3483 = vector.shape_cast %get3A_3482 : vector<1x16xf32> to vector<16xf32>
      %get3A_3484 = arith.constant 57 : i32
      %get3A_3485 = arith.index_cast %get3A_3484 : i32 to index
      %get3A_3486 = arith.constant 16 : index
      %get3A_3487 = tpu.vector_load %arg8[%get3A_3485, %get3A_3486] {strides = array<i32>} : memref<100x32xf32, #tpu.memory_space<vmem>>, vector<1x16xf32>,
      %get3A_3488 = vector.shape_cast %get3A_3487 : vector<1x16xf32> to vector<16xf32>
      %get3A_3489 = arith.constant 58 : i32
      %get3A_3490 = arith.index_cast %get3A_3489 : i32 to index
      %get3A_3491 = arith.constant 16 : index
      %get3A_3492 = tpu.vector_load %arg8[%get3A_3490, %get3A_3491] {strides = array<i32>} : memref<100x32xf32, #tpu.memory_space<vmem>>, vector<1x16xf32>,
      %get3A_3493 = vector.shape_cast %get3A_3492 : vector<1x16xf32> to vector<16xf32>
      %get3A_3494 = arith.constant 59 : i32
      %get3A_3495 = arith.index_cast %get3A_3494 : i32 to index
      %get3A_3496 = arith.constant 16 : index
      %get3A_3497 = tpu.vector_load %arg8[%get3A_3495, %get3A_3496] {strides = array<i32>} : memref<100x32xf32, #tpu.memory_space<vmem>>, vector<1x16xf32>,
      %get3A_3498 = vector.shape_cast %get3A_3497 : vector<1x16xf32> to vector<16xf32>
      %get3A_3499 = arith.constant 60 : i32
      %get3A_3500 = arith.index_cast %get3A_3499 : i32 to index
      %get3A_3501 = arith.constant 16 : index
      %get3A_3502 = tpu.vector_load %arg8[%get3A_3500, %get3A_3501] {strides = array<i32>} : memref<100x32xf32, #tpu.memory_space<vmem>>, vector<1x16xf32>,
      %get3A_3503 = vector.shape_cast %get3A_3502 : vector<1x16xf32> to vector<16xf32>
      %get3A_3504 = arith.constant 61 : i32
      %get3A_3505 = arith.index_cast %get3A_3504 : i32 to index
      %get3A_3506 = arith.constant 16 : index
      %get3A_3507 = tpu.vector_load %arg8[%get3A_3505, %get3A_3506] {strides = array<i32>} : memref<100x32xf32, #tpu.memory_space<vmem>>, vector<1x16xf32>,
      %get3A_3508 = vector.shape_cast %get3A_3507 : vector<1x16xf32> to vector<16xf32>
      %get3A_3509 = arith.constant 62 : i32
      %get3A_3510 = arith.index_cast %get3A_3509 : i32 to index
      %get3A_3511 = arith.constant 16 : index
      %get3A_3512 = tpu.vector_load %arg8[%get3A_3510, %get3A_3511] {strides = array<i32>} : memref<100x32xf32, #tpu.memory_space<vmem>>, vector<1x16xf32>,
      %get3A_3513 = vector.shape_cast %get3A_3512 : vector<1x16xf32> to vector<16xf32>
      %get3A_3514 = arith.constant 63 : i32
      %get3A_3515 = arith.index_cast %get3A_3514 : i32 to index
      %get3A_3516 = arith.constant 16 : index
      %get3A_3517 = tpu.vector_load %arg8[%get3A_3515, %get3A_3516] {strides = array<i32>} : memref<100x32xf32, #tpu.memory_space<vmem>>, vector<1x16xf32>,
      %get3A_3518 = vector.shape_cast %get3A_3517 : vector<1x16xf32> to vector<16xf32>
      %get3A_3519 = arith.constant 64 : i32
      %get3A_3520 = arith.index_cast %get3A_3519 : i32 to index
      %get3A_3521 = arith.constant 16 : index
      %get3A_3522 = tpu.vector_load %arg8[%get3A_3520, %get3A_3521] {strides = array<i32>} : memref<100x32xf32, #tpu.memory_space<vmem>>, vector<1x16xf32>,
      %get3A_3523 = vector.shape_cast %get3A_3522 : vector<1x16xf32> to vector<16xf32>
      %get3A_3524 = arith.constant 65 : i32
      %get3A_3525 = arith.index_cast %get3A_3524 : i32 to index
      %get3A_3526 = arith.constant 16 : index
      %get3A_3527 = tpu.vector_load %arg8[%get3A_3525, %get3A_3526] {strides = array<i32>} : memref<100x32xf32, #tpu.memory_space<vmem>>, vector<1x16xf32>,
      %get3A_3528 = vector.shape_cast %get3A_3527 : vector<1x16xf32> to vector<16xf32>
      %get3A_3529 = arith.constant 66 : i32
      %get3A_3530 = arith.index_cast %get3A_3529 : i32 to index
      %get3A_3531 = arith.constant 16 : index
      %get3A_3532 = tpu.vector_load %arg8[%get3A_3530, %get3A_3531] {strides = array<i32>} : memref<100x32xf32, #tpu.memory_space<vmem>>, vector<1x16xf32>,
      %get3A_3533 = vector.shape_cast %get3A_3532 : vector<1x16xf32> to vector<16xf32>
      %get3A_3534 = arith.constant 67 : i32
      %get3A_3535 = arith.index_cast %get3A_3534 : i32 to index
      %get3A_3536 = arith.constant 16 : index
      %get3A_3537 = tpu.vector_load %arg8[%get3A_3535, %get3A_3536] {strides = array<i32>} : memref<100x32xf32, #tpu.memory_space<vmem>>, vector<1x16xf32>,
      %get3A_3538 = vector.shape_cast %get3A_3537 : vector<1x16xf32> to vector<16xf32>
      %get3A_3539 = arith.constant 68 : i32
      %get3A_3540 = arith.index_cast %get3A_3539 : i32 to index
      %get3A_3541 = arith.constant 16 : index
      %get3A_3542 = tpu.vector_load %arg8[%get3A_3540, %get3A_3541] {strides = array<i32>} : memref<100x32xf32, #tpu.memory_space<vmem>>, vector<1x16xf32>,
      %get3A_3543 = vector.shape_cast %get3A_3542 : vector<1x16xf32> to vector<16xf32>
      %get3A_3544 = arith.constant 69 : i32
      %get3A_3545 = arith.index_cast %get3A_3544 : i32 to index
      %get3A_3546 = arith.constant 16 : index
      %get3A_3547 = tpu.vector_load %arg8[%get3A_3545, %get3A_3546] {strides = array<i32>} : memref<100x32xf32, #tpu.memory_space<vmem>>, vector<1x16xf32>,
      %get3A_3548 = vector.shape_cast %get3A_3547 : vector<1x16xf32> to vector<16xf32>
      %get3A_3549 = arith.constant 70 : i32
      %get3A_3550 = arith.index_cast %get3A_3549 : i32 to index
      %get3A_3551 = arith.constant 16 : index
      %get3A_3552 = tpu.vector_load %arg8[%get3A_3550, %get3A_3551] {strides = array<i32>} : memref<100x32xf32, #tpu.memory_space<vmem>>, vector<1x16xf32>,
      %get3A_3553 = vector.shape_cast %get3A_3552 : vector<1x16xf32> to vector<16xf32>
      %get3A_3554 = arith.constant 71 : i32
      %get3A_3555 = arith.index_cast %get3A_3554 : i32 to index
      %get3A_3556 = arith.constant 16 : index
      %get3A_3557 = tpu.vector_load %arg8[%get3A_3555, %get3A_3556] {strides = array<i32>} : memref<100x32xf32, #tpu.memory_space<vmem>>, vector<1x16xf32>,
      %get3A_3558 = vector.shape_cast %get3A_3557 : vector<1x16xf32> to vector<16xf32>
      %get3A_3559 = arith.constant 72 : i32
      %get3A_3560 = arith.index_cast %get3A_3559 : i32 to index
      %get3A_3561 = arith.constant 16 : index
      %get3A_3562 = tpu.vector_load %arg8[%get3A_3560, %get3A_3561] {strides = array<i32>} : memref<100x32xf32, #tpu.memory_space<vmem>>, vector<1x16xf32>,
      %get3A_3563 = vector.shape_cast %get3A_3562 : vector<1x16xf32> to vector<16xf32>
      %get3A_3564 = arith.constant 73 : i32
      %get3A_3565 = arith.index_cast %get3A_3564 : i32 to index
      %get3A_3566 = arith.constant 16 : index
      %get3A_3567 = tpu.vector_load %arg8[%get3A_3565, %get3A_3566] {strides = array<i32>} : memref<100x32xf32, #tpu.memory_space<vmem>>, vector<1x16xf32>,
      %get3A_3568 = vector.shape_cast %get3A_3567 : vector<1x16xf32> to vector<16xf32>
      %get3A_3569 = arith.constant 74 : i32
      %get3A_3570 = arith.index_cast %get3A_3569 : i32 to index
      %get3A_3571 = arith.constant 16 : index
      %get3A_3572 = tpu.vector_load %arg8[%get3A_3570, %get3A_3571] {strides = array<i32>} : memref<100x32xf32, #tpu.memory_space<vmem>>, vector<1x16xf32>,
      %get3A_3573 = vector.shape_cast %get3A_3572 : vector<1x16xf32> to vector<16xf32>
      %get3A_3574 = arith.constant 75 : i32
      %get3A_3575 = arith.index_cast %get3A_3574 : i32 to index
      %get3A_3576 = arith.constant 16 : index
      %get3A_3577 = tpu.vector_load %arg8[%get3A_3575, %get3A_3576] {strides = array<i32>} : memref<100x32xf32, #tpu.memory_space<vmem>>, vector<1x16xf32>,
      %get3A_3578 = vector.shape_cast %get3A_3577 : vector<1x16xf32> to vector<16xf32>
      %get3A_3579 = arith.constant 76 : i32
      %get3A_3580 = arith.index_cast %get3A_3579 : i32 to index
      %get3A_3581 = arith.constant 16 : index
      %get3A_3582 = tpu.vector_load %arg8[%get3A_3580, %get3A_3581] {strides = array<i32>} : memref<100x32xf32, #tpu.memory_space<vmem>>, vector<1x16xf32>,
      %get3A_3583 = vector.shape_cast %get3A_3582 : vector<1x16xf32> to vector<16xf32>
      %get3A_3584 = arith.constant 77 : i32
      %get3A_3585 = arith.index_cast %get3A_3584 : i32 to index
      %get3A_3586 = arith.constant 16 : index
      %get3A_3587 = tpu.vector_load %arg8[%get3A_3585, %get3A_3586] {strides = array<i32>} : memref<100x32xf32, #tpu.memory_space<vmem>>, vector<1x16xf32>,
      %get3A_3588 = vector.shape_cast %get3A_3587 : vector<1x16xf32> to vector<16xf32>
      %get3A_3589 = arith.constant 78 : i32
      %get3A_3590 = arith.index_cast %get3A_3589 : i32 to index
      %get3A_3591 = arith.constant 16 : index
      %get3A_3592 = tpu.vector_load %arg8[%get3A_3590, %get3A_3591] {strides = array<i32>} : memref<100x32xf32, #tpu.memory_space<vmem>>, vector<1x16xf32>,
      %get3A_3593 = vector.shape_cast %get3A_3592 : vector<1x16xf32> to vector<16xf32>
      %get3A_3594 = arith.constant 79 : i32
      %get3A_3595 = arith.index_cast %get3A_3594 : i32 to index
      %get3A_3596 = arith.constant 16 : index
      %get3A_3597 = tpu.vector_load %arg8[%get3A_3595, %get3A_3596] {strides = array<i32>} : memref<100x32xf32, #tpu.memory_space<vmem>>, vector<1x16xf32>,
      %get3A_3598 = vector.shape_cast %get3A_3597 : vector<1x16xf32> to vector<16xf32>
      %get3A_3599 = arith.constant 80 : i32
      %get3A_3600 = arith.index_cast %get3A_3599 : i32 to index
      %get3A_3601 = arith.constant 16 : index
      %get3A_3602 = tpu.vector_load %arg8[%get3A_3600, %get3A_3601] {strides = array<i32>} : memref<100x32xf32, #tpu.memory_space<vmem>>, vector<1x16xf32>,
      %get3A_3603 = vector.shape_cast %get3A_3602 : vector<1x16xf32> to vector<16xf32>
      %get3A_3604 = arith.constant 81 : i32
      %get3A_3605 = arith.index_cast %get3A_3604 : i32 to index
      %get3A_3606 = arith.constant 16 : index
      %get3A_3607 = tpu.vector_load %arg8[%get3A_3605, %get3A_3606] {strides = array<i32>} : memref<100x32xf32, #tpu.memory_space<vmem>>, vector<1x16xf32>,
      %get3A_3608 = vector.shape_cast %get3A_3607 : vector<1x16xf32> to vector<16xf32>
      %get3A_3609 = arith.constant 82 : i32
      %get3A_3610 = arith.index_cast %get3A_3609 : i32 to index
      %get3A_3611 = arith.constant 16 : index
      %get3A_3612 = tpu.vector_load %arg8[%get3A_3610, %get3A_3611] {strides = array<i32>} : memref<100x32xf32, #tpu.memory_space<vmem>>, vector<1x16xf32>,
      %get3A_3613 = vector.shape_cast %get3A_3612 : vector<1x16xf32> to vector<16xf32>
      %get3A_3614 = arith.constant 83 : i32
      %get3A_3615 = arith.index_cast %get3A_3614 : i32 to index
      %get3A_3616 = arith.constant 16 : index
      %get3A_3617 = tpu.vector_load %arg8[%get3A_3615, %get3A_3616] {strides = array<i32>} : memref<100x32xf32, #tpu.memory_space<vmem>>, vector<1x16xf32>,
      %get3A_3618 = vector.shape_cast %get3A_3617 : vector<1x16xf32> to vector<16xf32>
      %get3A_3619 = arith.constant 84 : i32
      %get3A_3620 = arith.index_cast %get3A_3619 : i32 to index
      %get3A_3621 = arith.constant 16 : index
      %get3A_3622 = tpu.vector_load %arg8[%get3A_3620, %get3A_3621] {strides = array<i32>} : memref<100x32xf32, #tpu.memory_space<vmem>>, vector<1x16xf32>,
      %get3A_3623 = vector.shape_cast %get3A_3622 : vector<1x16xf32> to vector<16xf32>
      %get3A_3624 = arith.constant 85 : i32
      %get3A_3625 = arith.index_cast %get3A_3624 : i32 to index
      %get3A_3626 = arith.constant 16 : index
      %get3A_3627 = tpu.vector_load %arg8[%get3A_3625, %get3A_3626] {strides = array<i32>} : memref<100x32xf32, #tpu.memory_space<vmem>>, vector<1x16xf32>,
      %get3A_3628 = vector.shape_cast %get3A_3627 : vector<1x16xf32> to vector<16xf32>
      %get3A_3629 = arith.constant 86 : i32
      %get3A_3630 = arith.index_cast %get3A_3629 : i32 to index
      %get3A_3631 = arith.constant 16 : index
      %get3A_3632 = tpu.vector_load %arg8[%get3A_3630, %get3A_3631] {strides = array<i32>} : memref<100x32xf32, #tpu.memory_space<vmem>>, vector<1x16xf32>,
      %get3A_3633 = vector.shape_cast %get3A_3632 : vector<1x16xf32> to vector<16xf32>
      %get3A_3634 = arith.constant 87 : i32
      %get3A_3635 = arith.index_cast %get3A_3634 : i32 to index
      %get3A_3636 = arith.constant 16 : index
      %get3A_3637 = tpu.vector_load %arg8[%get3A_3635, %get3A_3636] {strides = array<i32>} : memref<100x32xf32, #tpu.memory_space<vmem>>, vector<1x16xf32>,
      %get3A_3638 = vector.shape_cast %get3A_3637 : vector<1x16xf32> to vector<16xf32>
      %get3A_3639 = arith.constant 88 : i32
      %get3A_3640 = arith.index_cast %get3A_3639 : i32 to index
      %get3A_3641 = arith.constant 16 : index
      %get3A_3642 = tpu.vector_load %arg8[%get3A_3640, %get3A_3641] {strides = array<i32>} : memref<100x32xf32, #tpu.memory_space<vmem>>, vector<1x16xf32>,
      %get3A_3643 = vector.shape_cast %get3A_3642 : vector<1x16xf32> to vector<16xf32>
      %get3A_3644 = arith.constant 89 : i32
      %get3A_3645 = arith.index_cast %get3A_3644 : i32 to index
      %get3A_3646 = arith.constant 16 : index
      %get3A_3647 = tpu.vector_load %arg8[%get3A_3645, %get3A_3646] {strides = array<i32>} : memref<100x32xf32, #tpu.memory_space<vmem>>, vector<1x16xf32>,
      %get3A_3648 = vector.shape_cast %get3A_3647 : vector<1x16xf32> to vector<16xf32>
      %get3A_3649 = arith.constant 90 : i32
      %get3A_3650 = arith.index_cast %get3A_3649 : i32 to index
      %get3A_3651 = arith.constant 16 : index
      %get3A_3652 = tpu.vector_load %arg8[%get3A_3650, %get3A_3651] {strides = array<i32>} : memref<100x32xf32, #tpu.memory_space<vmem>>, vector<1x16xf32>,
      %get3A_3653 = vector.shape_cast %get3A_3652 : vector<1x16xf32> to vector<16xf32>
      %get3A_3654 = arith.constant 91 : i32
      %get3A_3655 = arith.index_cast %get3A_3654 : i32 to index
      %get3A_3656 = arith.constant 16 : index
      %get3A_3657 = tpu.vector_load %arg8[%get3A_3655, %get3A_3656] {strides = array<i32>} : memref<100x32xf32, #tpu.memory_space<vmem>>, vector<1x16xf32>,
      %get3A_3658 = vector.shape_cast %get3A_3657 : vector<1x16xf32> to vector<16xf32>
      %get3A_3659 = arith.constant 92 : i32
      %get3A_3660 = arith.index_cast %get3A_3659 : i32 to index
      %get3A_3661 = arith.constant 16 : index
      %get3A_3662 = tpu.vector_load %arg8[%get3A_3660, %get3A_3661] {strides = array<i32>} : memref<100x32xf32, #tpu.memory_space<vmem>>, vector<1x16xf32>,
      %get3A_3663 = vector.shape_cast %get3A_3662 : vector<1x16xf32> to vector<16xf32>
      %get3A_3664 = arith.constant 93 : i32
      %get3A_3665 = arith.index_cast %get3A_3664 : i32 to index
      %get3A_3666 = arith.constant 16 : index
      %get3A_3667 = tpu.vector_load %arg8[%get3A_3665, %get3A_3666] {strides = array<i32>} : memref<100x32xf32, #tpu.memory_space<vmem>>, vector<1x16xf32>,
      %get3A_3668 = vector.shape_cast %get3A_3667 : vector<1x16xf32> to vector<16xf32>
      %get3A_3669 = arith.constant 94 : i32
      %get3A_3670 = arith.index_cast %get3A_3669 : i32 to index
      %get3A_3671 = arith.constant 16 : index
      %get3A_3672 = tpu.vector_load %arg8[%get3A_3670, %get3A_3671] {strides = array<i32>} : memref<100x32xf32, #tpu.memory_space<vmem>>, vector<1x16xf32>,
      %get3A_3673 = vector.shape_cast %get3A_3672 : vector<1x16xf32> to vector<16xf32>
      %get3A_3674 = arith.constant 95 : i32
      %get3A_3675 = arith.index_cast %get3A_3674 : i32 to index
      %get3A_3676 = arith.constant 16 : index
      %get3A_3677 = tpu.vector_load %arg8[%get3A_3675, %get3A_3676] {strides = array<i32>} : memref<100x32xf32, #tpu.memory_space<vmem>>, vector<1x16xf32>,
      %get3A_3678 = vector.shape_cast %get3A_3677 : vector<1x16xf32> to vector<16xf32>
      %get3A_3679 = arith.constant 96 : i32
      %get3A_3680 = arith.index_cast %get3A_3679 : i32 to index
      %get3A_3681 = arith.constant 16 : index
      %get3A_3682 = tpu.vector_load %arg8[%get3A_3680, %get3A_3681] {strides = array<i32>} : memref<100x32xf32, #tpu.memory_space<vmem>>, vector<1x16xf32>,
      %get3A_3683 = vector.shape_cast %get3A_3682 : vector<1x16xf32> to vector<16xf32>
      %get3A_3684 = arith.constant 97 : i32
      %get3A_3685 = arith.index_cast %get3A_3684 : i32 to index
      %get3A_3686 = arith.constant 16 : index
      %get3A_3687 = tpu.vector_load %arg8[%get3A_3685, %get3A_3686] {strides = array<i32>} : memref<100x32xf32, #tpu.memory_space<vmem>>, vector<1x16xf32>,
      %get3A_3688 = vector.shape_cast %get3A_3687 : vector<1x16xf32> to vector<16xf32>
      %get3A_3689 = arith.constant 98 : i32
      %get3A_3690 = arith.index_cast %get3A_3689 : i32 to index
      %get3A_3691 = arith.constant 16 : index
      %get3A_3692 = tpu.vector_load %arg8[%get3A_3690, %get3A_3691] {strides = array<i32>} : memref<100x32xf32, #tpu.memory_space<vmem>>, vector<1x16xf32>,
      %get3A_3693 = vector.shape_cast %get3A_3692 : vector<1x16xf32> to vector<16xf32>
      %get3A_3694 = arith.constant 99 : i32
      %get3A_3695 = arith.index_cast %get3A_3694 : i32 to index
      %get3A_3696 = arith.constant 16 : index
      %get3A_3697 = tpu.vector_load %arg8[%get3A_3695, %get3A_3696] {strides = array<i32>} : memref<100x32xf32, #tpu.memory_space<vmem>>, vector<1x16xf32>,
      %get3A_3698 = vector.shape_cast %get3A_3697 : vector<1x16xf32> to vector<16xf32>
      %add3A_3699 = arith.addf %get3A_3453, %get3A_3458 : vector<16xf32>
      %add3A_3700 = arith.addf %get3A_3463, %get3A_3468 : vector<16xf32>
      %add3A_3701 = arith.addf %get3A_3473, %get3A_3478 : vector<16xf32>
      %add3A_3702 = arith.addf %get3A_3483, %get3A_3488 : vector<16xf32>
      %add3A_3703 = arith.addf %get3A_3493, %get3A_3498 : vector<16xf32>
      %add3A_3704 = arith.addf %get3A_3503, %get3A_3508 : vector<16xf32>
      %add3A_3705 = arith.addf %get3A_3513, %get3A_3518 : vector<16xf32>
      %add3A_3706 = arith.addf %get3A_3523, %get3A_3528 : vector<16xf32>
      %add3A_3707 = arith.addf %get3A_3533, %get3A_3538 : vector<16xf32>
      %add3A_3708 = arith.addf %get3A_3543, %get3A_3548 : vector<16xf32>
      %add3A_3709 = arith.addf %get3A_3553, %get3A_3558 : vector<16xf32>
      %add3A_3710 = arith.addf %get3A_3563, %get3A_3568 : vector<16xf32>
      %add3A_3711 = arith.addf %get3A_3573, %get3A_3578 : vector<16xf32>
      %add3A_3712 = arith.addf %get3A_3583, %get3A_3588 : vector<16xf32>
      %add3A_3713 = arith.addf %get3A_3593, %get3A_3598 : vector<16xf32>
      %add3A_3714 = arith.addf %get3A_3603, %get3A_3608 : vector<16xf32>
      %add3A_3715 = arith.addf %get3A_3613, %get3A_3618 : vector<16xf32>
      %add3A_3716 = arith.addf %get3A_3623, %get3A_3628 : vector<16xf32>
      %add3A_3717 = arith.addf %get3A_3633, %get3A_3638 : vector<16xf32>
      %add3A_3718 = arith.addf %get3A_3643, %get3A_3648 : vector<16xf32>
      %add3A_3719 = arith.addf %get3A_3653, %get3A_3658 : vector<16xf32>
      %add3A_3720 = arith.addf %get3A_3663, %get3A_3668 : vector<16xf32>
      %add3A_3721 = arith.addf %get3A_3673, %get3A_3678 : vector<16xf32>
      %add3A_3722 = arith.addf %get3A_3683, %get3A_3688 : vector<16xf32>
      %add3A_3723 = arith.addf %get3A_3693, %get3A_3698 : vector<16xf32>
      %add3A_3724 = arith.addf %add3A_3699, %add3A_3700 : vector<16xf32>
      %add3A_3725 = arith.addf %add3A_3701, %add3A_3702 : vector<16xf32>
      %add3A_3726 = arith.addf %add3A_3703, %add3A_3704 : vector<16xf32>
      %add3A_3727 = arith.addf %add3A_3705, %add3A_3706 : vector<16xf32>
      %add3A_3728 = arith.addf %add3A_3707, %add3A_3708 : vector<16xf32>
      %add3A_3729 = arith.addf %add3A_3709, %add3A_3710 : vector<16xf32>
      %add3A_3730 = arith.addf %add3A_3711, %add3A_3712 : vector<16xf32>
      %add3A_3731 = arith.addf %add3A_3713, %add3A_3714 : vector<16xf32>
      %add3A_3732 = arith.addf %add3A_3715, %add3A_3716 : vector<16xf32>
      %add3A_3733 = arith.addf %add3A_3717, %add3A_3718 : vector<16xf32>
      %add3A_3734 = arith.addf %add3A_3719, %add3A_3720 : vector<16xf32>
      %add3A_3735 = arith.addf %add3A_3721, %add3A_3722 : vector<16xf32>
      %add3A_3736 = arith.addf %add3A_3724, %add3A_3725 : vector<16xf32>
      %add3A_3737 = arith.addf %add3A_3726, %add3A_3727 : vector<16xf32>
      %add3A_3738 = arith.addf %add3A_3728, %add3A_3729 : vector<16xf32>
      %add3A_3739 = arith.addf %add3A_3730, %add3A_3731 : vector<16xf32>
      %add3A_3740 = arith.addf %add3A_3732, %add3A_3733 : vector<16xf32>
      %add3A_3741 = arith.addf %add3A_3734, %add3A_3735 : vector<16xf32>
      %add3A_3742 = arith.addf %add3A_3736, %add3A_3737 : vector<16xf32>
      %add3A_3743 = arith.addf %add3A_3738, %add3A_3739 : vector<16xf32>
      %add3A_3744 = arith.addf %add3A_3740, %add3A_3741 : vector<16xf32>
      %add3A_3745 = arith.addf %add3A_3742, %add3A_3743 : vector<16xf32>
      %add3A_3746 = arith.addf %add3A_3744, %add3A_3723 : vector<16xf32>
      %add3A_3747 = arith.addf %add3A_3745, %add3A_3746 : vector<16xf32>
      %swap3A_3748 = arith.index_cast %add3A_3144 : i32 to index
      %swap3A_3749 = arith.constant 16 : index
      %swap3A_3750 = tpu.vector_load %arg10[%swap3A_3748, %swap3A_3749] {strides = array<i32>} : memref<512x32xf32, #tpu.memory_space<vmem>>, vector<1x16xf32>,
      %swap3A_3751 = vector.shape_cast %swap3A_3750 : vector<1x16xf32> to vector<16xf32>
      %swap3A_3752 = vector.shape_cast %add3A_3747 : vector<16xf32> to vector<1x16xf32>
      tpu.vector_store %arg10[%swap3A_3748, %swap3A_3749], %swap3A_3752 {strides = array<i32>} : memref<512x32xf32, #tpu.memory_space<vmem>>, vector<1x16xf32>,
      %add3A_3753 = arith.constant 2 : i32
      %add3A_3754 = arith.addi %add3A_38, %add3A_3753 : i32
      %add3A_3755 = arith.constant 4 : i32
      %add3A_3756 = arith.addi %add3A_3754, %add3A_3755 : i32
      %lt3A_3757 = arith.constant 256 : i32
      %lt3A_3758 = arith.cmpi slt, %add3A_3756, %lt3A_3757 : i32
      %convert_element_type3A_3759 = arith.extui %lt3A_3758 : i1 to i32
      %cond3A_3760 = arith.constant 0 : i32
      %cond3A_3761 = arith.cmpi ne, %convert_element_type3A_3759, %cond3A_3760 : i32
      scf.if %cond3A_3761 {
        %add3A_5005 = arith.constant 2 : i32
        %add3A_5006 = arith.addi %add3A_38, %add3A_5005 : i32
        %add3A_5007 = arith.constant 4 : i32
        %add3A_5008 = arith.addi %add3A_5006, %add3A_5007 : i32
        %dma_start3A_5009 = arith.constant 0 : i32
        %dma_start3A_5010 = tpu.memref_slice %arg5[%add3A_5008, %dma_start3A_5009] : memref<256x100xi32, #tpu.memory_space<vmem>> -> memref<1x100xi32, #tpu.memory_space<vmem>>
        %dma_start3A_5011 = tpu.memref_squeeze %dma_start3A_5010 : memref<1x100xi32, #tpu.memory_space<vmem>> -> memref<100xi32, #tpu.memory_space<vmem>>
        %dma_start3A_5012 = arith.constant 0 : i32
        %dma_start3A_5013 = arith.constant 0 : i32
        %dma_start3A_5014 = tpu.memref_slice %arg3[%dma_start3A_5012, %dma_start3A_5013] : memref<1015808x32xf32, #tpu.memory_space<hbm>> -> memref<1015808x32xf32, #tpu.memory_space<hbm>>
        tpu.enqueue_indirect_dma source(%dma_start3A_5014 : memref<1015808x32xf32, #tpu.memory_space<hbm>>) target(%arg8 : memref<100x32xf32, #tpu.memory_space<vmem>>) offsets(%dma_start3A_5011 : memref<100xi32, #tpu.memory_space<vmem>>) semaphore(%arg13 : memref<!tpu.dma_semaphore, #tpu.memory_space<semaphore_mem>>)
      } else {
      }
      %add3A_3762 = arith.constant 3 : i32
      %add3A_3763 = arith.addi %add3A_38, %add3A_3762 : i32
      %dma_wait3A_3764 = arith.constant 0 : i32
      %dma_wait3A_3765 = tpu.memref_slice %arg5[%add3A_3763, %dma_wait3A_3764] : memref<256x100xi32, #tpu.memory_space<vmem>> -> memref<1x100xi32, #tpu.memory_space<vmem>>
      %dma_wait3A_3766 = tpu.memref_squeeze %dma_wait3A_3765 : memref<1x100xi32, #tpu.memory_space<vmem>> -> memref<100xi32, #tpu.memory_space<vmem>>
      %dma_wait3A_3767 = arith.constant 0 : i32
      %dma_wait3A_3768 = arith.constant 0 : i32
      %dma_wait3A_3769 = tpu.memref_slice %arg3[%dma_wait3A_3767, %dma_wait3A_3768] : memref<1015808x32xf32, #tpu.memory_space<hbm>> -> memref<1015808x32xf32, #tpu.memory_space<hbm>>
      tpu.wait_indirect_dma semaphore(%arg14 : memref<!tpu.dma_semaphore, #tpu.memory_space<semaphore_mem>>) src(%dma_wait3A_3769 : memref<1015808x32xf32, #tpu.memory_space<hbm>>) dst(%arg9 : memref<100x32xf32, #tpu.memory_space<vmem>>)
      %add3A_3770 = arith.constant 3 : i32
      %add3A_3771 = arith.addi %add3A_38, %add3A_3770 : i32
      %mul3A_3772 = arith.constant 2 : i32
      %mul3A_3773 = arith.muli %add3A_3771, %mul3A_3772 : i32
      %add3A_3774 = arith.constant 0 : i32
      %add3A_3775 = arith.addi %mul3A_3773, %add3A_3774 : i32
      %get3A_3776 = arith.constant 0 : i32
      %get3A_3777 = arith.index_cast %get3A_3776 : i32 to index
      %get3A_3778 = arith.constant 0 : index
      %get3A_3779 = tpu.vector_load %arg9[%get3A_3777, %get3A_3778] {strides = array<i32>} : memref<100x32xf32, #tpu.memory_space<vmem>>, vector<1x16xf32>,
      %get3A_3780 = vector.shape_cast %get3A_3779 : vector<1x16xf32> to vector<16xf32>
      %get3A_3781 = arith.constant 1 : i32
      %get3A_3782 = arith.index_cast %get3A_3781 : i32 to index
      %get3A_3783 = arith.constant 0 : index
      %get3A_3784 = tpu.vector_load %arg9[%get3A_3782, %get3A_3783] {strides = array<i32>} : memref<100x32xf32, #tpu.memory_space<vmem>>, vector<1x16xf32>,
      %get3A_3785 = vector.shape_cast %get3A_3784 : vector<1x16xf32> to vector<16xf32>
      %get3A_3786 = arith.constant 2 : i32
      %get3A_3787 = arith.index_cast %get3A_3786 : i32 to index
      %get3A_3788 = arith.constant 0 : index
      %get3A_3789 = tpu.vector_load %arg9[%get3A_3787, %get3A_3788] {strides = array<i32>} : memref<100x32xf32, #tpu.memory_space<vmem>>, vector<1x16xf32>,
      %get3A_3790 = vector.shape_cast %get3A_3789 : vector<1x16xf32> to vector<16xf32>
      %get3A_3791 = arith.constant 3 : i32
      %get3A_3792 = arith.index_cast %get3A_3791 : i32 to index
      %get3A_3793 = arith.constant 0 : index
      %get3A_3794 = tpu.vector_load %arg9[%get3A_3792, %get3A_3793] {strides = array<i32>} : memref<100x32xf32, #tpu.memory_space<vmem>>, vector<1x16xf32>,
      %get3A_3795 = vector.shape_cast %get3A_3794 : vector<1x16xf32> to vector<16xf32>
      %get3A_3796 = arith.constant 4 : i32
      %get3A_3797 = arith.index_cast %get3A_3796 : i32 to index
      %get3A_3798 = arith.constant 0 : index
      %get3A_3799 = tpu.vector_load %arg9[%get3A_3797, %get3A_3798] {strides = array<i32>} : memref<100x32xf32, #tpu.memory_space<vmem>>, vector<1x16xf32>,
      %get3A_3800 = vector.shape_cast %get3A_3799 : vector<1x16xf32> to vector<16xf32>
      %get3A_3801 = arith.constant 5 : i32
      %get3A_3802 = arith.index_cast %get3A_3801 : i32 to index
      %get3A_3803 = arith.constant 0 : index
      %get3A_3804 = tpu.vector_load %arg9[%get3A_3802, %get3A_3803] {strides = array<i32>} : memref<100x32xf32, #tpu.memory_space<vmem>>, vector<1x16xf32>,
      %get3A_3805 = vector.shape_cast %get3A_3804 : vector<1x16xf32> to vector<16xf32>
      %get3A_3806 = arith.constant 6 : i32
      %get3A_3807 = arith.index_cast %get3A_3806 : i32 to index
      %get3A_3808 = arith.constant 0 : index
      %get3A_3809 = tpu.vector_load %arg9[%get3A_3807, %get3A_3808] {strides = array<i32>} : memref<100x32xf32, #tpu.memory_space<vmem>>, vector<1x16xf32>,
      %get3A_3810 = vector.shape_cast %get3A_3809 : vector<1x16xf32> to vector<16xf32>
      %get3A_3811 = arith.constant 7 : i32
      %get3A_3812 = arith.index_cast %get3A_3811 : i32 to index
      %get3A_3813 = arith.constant 0 : index
      %get3A_3814 = tpu.vector_load %arg9[%get3A_3812, %get3A_3813] {strides = array<i32>} : memref<100x32xf32, #tpu.memory_space<vmem>>, vector<1x16xf32>,
      %get3A_3815 = vector.shape_cast %get3A_3814 : vector<1x16xf32> to vector<16xf32>
      %get3A_3816 = arith.constant 8 : i32
      %get3A_3817 = arith.index_cast %get3A_3816 : i32 to index
      %get3A_3818 = arith.constant 0 : index
      %get3A_3819 = tpu.vector_load %arg9[%get3A_3817, %get3A_3818] {strides = array<i32>} : memref<100x32xf32, #tpu.memory_space<vmem>>, vector<1x16xf32>,
      %get3A_3820 = vector.shape_cast %get3A_3819 : vector<1x16xf32> to vector<16xf32>
      %get3A_3821 = arith.constant 9 : i32
      %get3A_3822 = arith.index_cast %get3A_3821 : i32 to index
      %get3A_3823 = arith.constant 0 : index
      %get3A_3824 = tpu.vector_load %arg9[%get3A_3822, %get3A_3823] {strides = array<i32>} : memref<100x32xf32, #tpu.memory_space<vmem>>, vector<1x16xf32>,
      %get3A_3825 = vector.shape_cast %get3A_3824 : vector<1x16xf32> to vector<16xf32>
      %get3A_3826 = arith.constant 10 : i32
      %get3A_3827 = arith.index_cast %get3A_3826 : i32 to index
      %get3A_3828 = arith.constant 0 : index
      %get3A_3829 = tpu.vector_load %arg9[%get3A_3827, %get3A_3828] {strides = array<i32>} : memref<100x32xf32, #tpu.memory_space<vmem>>, vector<1x16xf32>,
      %get3A_3830 = vector.shape_cast %get3A_3829 : vector<1x16xf32> to vector<16xf32>
      %get3A_3831 = arith.constant 11 : i32
      %get3A_3832 = arith.index_cast %get3A_3831 : i32 to index
      %get3A_3833 = arith.constant 0 : index
      %get3A_3834 = tpu.vector_load %arg9[%get3A_3832, %get3A_3833] {strides = array<i32>} : memref<100x32xf32, #tpu.memory_space<vmem>>, vector<1x16xf32>,
      %get3A_3835 = vector.shape_cast %get3A_3834 : vector<1x16xf32> to vector<16xf32>
      %get3A_3836 = arith.constant 12 : i32
      %get3A_3837 = arith.index_cast %get3A_3836 : i32 to index
      %get3A_3838 = arith.constant 0 : index
      %get3A_3839 = tpu.vector_load %arg9[%get3A_3837, %get3A_3838] {strides = array<i32>} : memref<100x32xf32, #tpu.memory_space<vmem>>, vector<1x16xf32>,
      %get3A_3840 = vector.shape_cast %get3A_3839 : vector<1x16xf32> to vector<16xf32>
      %get3A_3841 = arith.constant 13 : i32
      %get3A_3842 = arith.index_cast %get3A_3841 : i32 to index
      %get3A_3843 = arith.constant 0 : index
      %get3A_3844 = tpu.vector_load %arg9[%get3A_3842, %get3A_3843] {strides = array<i32>} : memref<100x32xf32, #tpu.memory_space<vmem>>, vector<1x16xf32>,
      %get3A_3845 = vector.shape_cast %get3A_3844 : vector<1x16xf32> to vector<16xf32>
      %get3A_3846 = arith.constant 14 : i32
      %get3A_3847 = arith.index_cast %get3A_3846 : i32 to index
      %get3A_3848 = arith.constant 0 : index
      %get3A_3849 = tpu.vector_load %arg9[%get3A_3847, %get3A_3848] {strides = array<i32>} : memref<100x32xf32, #tpu.memory_space<vmem>>, vector<1x16xf32>,
      %get3A_3850 = vector.shape_cast %get3A_3849 : vector<1x16xf32> to vector<16xf32>
      %get3A_3851 = arith.constant 15 : i32
      %get3A_3852 = arith.index_cast %get3A_3851 : i32 to index
      %get3A_3853 = arith.constant 0 : index
      %get3A_3854 = tpu.vector_load %arg9[%get3A_3852, %get3A_3853] {strides = array<i32>} : memref<100x32xf32, #tpu.memory_space<vmem>>, vector<1x16xf32>,
      %get3A_3855 = vector.shape_cast %get3A_3854 : vector<1x16xf32> to vector<16xf32>
      %get3A_3856 = arith.constant 16 : i32
      %get3A_3857 = arith.index_cast %get3A_3856 : i32 to index
      %get3A_3858 = arith.constant 0 : index
      %get3A_3859 = tpu.vector_load %arg9[%get3A_3857, %get3A_3858] {strides = array<i32>} : memref<100x32xf32, #tpu.memory_space<vmem>>, vector<1x16xf32>,
      %get3A_3860 = vector.shape_cast %get3A_3859 : vector<1x16xf32> to vector<16xf32>
      %get3A_3861 = arith.constant 17 : i32
      %get3A_3862 = arith.index_cast %get3A_3861 : i32 to index
      %get3A_3863 = arith.constant 0 : index
      %get3A_3864 = tpu.vector_load %arg9[%get3A_3862, %get3A_3863] {strides = array<i32>} : memref<100x32xf32, #tpu.memory_space<vmem>>, vector<1x16xf32>,
      %get3A_3865 = vector.shape_cast %get3A_3864 : vector<1x16xf32> to vector<16xf32>
      %get3A_3866 = arith.constant 18 : i32
      %get3A_3867 = arith.index_cast %get3A_3866 : i32 to index
      %get3A_3868 = arith.constant 0 : index
      %get3A_3869 = tpu.vector_load %arg9[%get3A_3867, %get3A_3868] {strides = array<i32>} : memref<100x32xf32, #tpu.memory_space<vmem>>, vector<1x16xf32>,
      %get3A_3870 = vector.shape_cast %get3A_3869 : vector<1x16xf32> to vector<16xf32>
      %get3A_3871 = arith.constant 19 : i32
      %get3A_3872 = arith.index_cast %get3A_3871 : i32 to index
      %get3A_3873 = arith.constant 0 : index
      %get3A_3874 = tpu.vector_load %arg9[%get3A_3872, %get3A_3873] {strides = array<i32>} : memref<100x32xf32, #tpu.memory_space<vmem>>, vector<1x16xf32>,
      %get3A_3875 = vector.shape_cast %get3A_3874 : vector<1x16xf32> to vector<16xf32>
      %get3A_3876 = arith.constant 20 : i32
      %get3A_3877 = arith.index_cast %get3A_3876 : i32 to index
      %get3A_3878 = arith.constant 0 : index
      %get3A_3879 = tpu.vector_load %arg9[%get3A_3877, %get3A_3878] {strides = array<i32>} : memref<100x32xf32, #tpu.memory_space<vmem>>, vector<1x16xf32>,
      %get3A_3880 = vector.shape_cast %get3A_3879 : vector<1x16xf32> to vector<16xf32>
      %get3A_3881 = arith.constant 21 : i32
      %get3A_3882 = arith.index_cast %get3A_3881 : i32 to index
      %get3A_3883 = arith.constant 0 : index
      %get3A_3884 = tpu.vector_load %arg9[%get3A_3882, %get3A_3883] {strides = array<i32>} : memref<100x32xf32, #tpu.memory_space<vmem>>, vector<1x16xf32>,
      %get3A_3885 = vector.shape_cast %get3A_3884 : vector<1x16xf32> to vector<16xf32>
      %get3A_3886 = arith.constant 22 : i32
      %get3A_3887 = arith.index_cast %get3A_3886 : i32 to index
      %get3A_3888 = arith.constant 0 : index
      %get3A_3889 = tpu.vector_load %arg9[%get3A_3887, %get3A_3888] {strides = array<i32>} : memref<100x32xf32, #tpu.memory_space<vmem>>, vector<1x16xf32>,
      %get3A_3890 = vector.shape_cast %get3A_3889 : vector<1x16xf32> to vector<16xf32>
      %get3A_3891 = arith.constant 23 : i32
      %get3A_3892 = arith.index_cast %get3A_3891 : i32 to index
      %get3A_3893 = arith.constant 0 : index
      %get3A_3894 = tpu.vector_load %arg9[%get3A_3892, %get3A_3893] {strides = array<i32>} : memref<100x32xf32, #tpu.memory_space<vmem>>, vector<1x16xf32>,
      %get3A_3895 = vector.shape_cast %get3A_3894 : vector<1x16xf32> to vector<16xf32>
      %get3A_3896 = arith.constant 24 : i32
      %get3A_3897 = arith.index_cast %get3A_3896 : i32 to index
      %get3A_3898 = arith.constant 0 : index
      %get3A_3899 = tpu.vector_load %arg9[%get3A_3897, %get3A_3898] {strides = array<i32>} : memref<100x32xf32, #tpu.memory_space<vmem>>, vector<1x16xf32>,
      %get3A_3900 = vector.shape_cast %get3A_3899 : vector<1x16xf32> to vector<16xf32>
      %get3A_3901 = arith.constant 25 : i32
      %get3A_3902 = arith.index_cast %get3A_3901 : i32 to index
      %get3A_3903 = arith.constant 0 : index
      %get3A_3904 = tpu.vector_load %arg9[%get3A_3902, %get3A_3903] {strides = array<i32>} : memref<100x32xf32, #tpu.memory_space<vmem>>, vector<1x16xf32>,
      %get3A_3905 = vector.shape_cast %get3A_3904 : vector<1x16xf32> to vector<16xf32>
      %get3A_3906 = arith.constant 26 : i32
      %get3A_3907 = arith.index_cast %get3A_3906 : i32 to index
      %get3A_3908 = arith.constant 0 : index
      %get3A_3909 = tpu.vector_load %arg9[%get3A_3907, %get3A_3908] {strides = array<i32>} : memref<100x32xf32, #tpu.memory_space<vmem>>, vector<1x16xf32>,
      %get3A_3910 = vector.shape_cast %get3A_3909 : vector<1x16xf32> to vector<16xf32>
      %get3A_3911 = arith.constant 27 : i32
      %get3A_3912 = arith.index_cast %get3A_3911 : i32 to index
      %get3A_3913 = arith.constant 0 : index
      %get3A_3914 = tpu.vector_load %arg9[%get3A_3912, %get3A_3913] {strides = array<i32>} : memref<100x32xf32, #tpu.memory_space<vmem>>, vector<1x16xf32>,
      %get3A_3915 = vector.shape_cast %get3A_3914 : vector<1x16xf32> to vector<16xf32>
      %get3A_3916 = arith.constant 28 : i32
      %get3A_3917 = arith.index_cast %get3A_3916 : i32 to index
      %get3A_3918 = arith.constant 0 : index
      %get3A_3919 = tpu.vector_load %arg9[%get3A_3917, %get3A_3918] {strides = array<i32>} : memref<100x32xf32, #tpu.memory_space<vmem>>, vector<1x16xf32>,
      %get3A_3920 = vector.shape_cast %get3A_3919 : vector<1x16xf32> to vector<16xf32>
      %get3A_3921 = arith.constant 29 : i32
      %get3A_3922 = arith.index_cast %get3A_3921 : i32 to index
      %get3A_3923 = arith.constant 0 : index
      %get3A_3924 = tpu.vector_load %arg9[%get3A_3922, %get3A_3923] {strides = array<i32>} : memref<100x32xf32, #tpu.memory_space<vmem>>, vector<1x16xf32>,
      %get3A_3925 = vector.shape_cast %get3A_3924 : vector<1x16xf32> to vector<16xf32>
      %get3A_3926 = arith.constant 30 : i32
      %get3A_3927 = arith.index_cast %get3A_3926 : i32 to index
      %get3A_3928 = arith.constant 0 : index
      %get3A_3929 = tpu.vector_load %arg9[%get3A_3927, %get3A_3928] {strides = array<i32>} : memref<100x32xf32, #tpu.memory_space<vmem>>, vector<1x16xf32>,
      %get3A_3930 = vector.shape_cast %get3A_3929 : vector<1x16xf32> to vector<16xf32>
      %get3A_3931 = arith.constant 31 : i32
      %get3A_3932 = arith.index_cast %get3A_3931 : i32 to index
      %get3A_3933 = arith.constant 0 : index
      %get3A_3934 = tpu.vector_load %arg9[%get3A_3932, %get3A_3933] {strides = array<i32>} : memref<100x32xf32, #tpu.memory_space<vmem>>, vector<1x16xf32>,
      %get3A_3935 = vector.shape_cast %get3A_3934 : vector<1x16xf32> to vector<16xf32>
      %get3A_3936 = arith.constant 32 : i32
      %get3A_3937 = arith.index_cast %get3A_3936 : i32 to index
      %get3A_3938 = arith.constant 0 : index
      %get3A_3939 = tpu.vector_load %arg9[%get3A_3937, %get3A_3938] {strides = array<i32>} : memref<100x32xf32, #tpu.memory_space<vmem>>, vector<1x16xf32>,
      %get3A_3940 = vector.shape_cast %get3A_3939 : vector<1x16xf32> to vector<16xf32>
      %get3A_3941 = arith.constant 33 : i32
      %get3A_3942 = arith.index_cast %get3A_3941 : i32 to index
      %get3A_3943 = arith.constant 0 : index
      %get3A_3944 = tpu.vector_load %arg9[%get3A_3942, %get3A_3943] {strides = array<i32>} : memref<100x32xf32, #tpu.memory_space<vmem>>, vector<1x16xf32>,
      %get3A_3945 = vector.shape_cast %get3A_3944 : vector<1x16xf32> to vector<16xf32>
      %get3A_3946 = arith.constant 34 : i32
      %get3A_3947 = arith.index_cast %get3A_3946 : i32 to index
      %get3A_3948 = arith.constant 0 : index
      %get3A_3949 = tpu.vector_load %arg9[%get3A_3947, %get3A_3948] {strides = array<i32>} : memref<100x32xf32, #tpu.memory_space<vmem>>, vector<1x16xf32>,
      %get3A_3950 = vector.shape_cast %get3A_3949 : vector<1x16xf32> to vector<16xf32>
      %get3A_3951 = arith.constant 35 : i32
      %get3A_3952 = arith.index_cast %get3A_3951 : i32 to index
      %get3A_3953 = arith.constant 0 : index
      %get3A_3954 = tpu.vector_load %arg9[%get3A_3952, %get3A_3953] {strides = array<i32>} : memref<100x32xf32, #tpu.memory_space<vmem>>, vector<1x16xf32>,
      %get3A_3955 = vector.shape_cast %get3A_3954 : vector<1x16xf32> to vector<16xf32>
      %get3A_3956 = arith.constant 36 : i32
      %get3A_3957 = arith.index_cast %get3A_3956 : i32 to index
      %get3A_3958 = arith.constant 0 : index
      %get3A_3959 = tpu.vector_load %arg9[%get3A_3957, %get3A_3958] {strides = array<i32>} : memref<100x32xf32, #tpu.memory_space<vmem>>, vector<1x16xf32>,
      %get3A_3960 = vector.shape_cast %get3A_3959 : vector<1x16xf32> to vector<16xf32>
      %get3A_3961 = arith.constant 37 : i32
      %get3A_3962 = arith.index_cast %get3A_3961 : i32 to index
      %get3A_3963 = arith.constant 0 : index
      %get3A_3964 = tpu.vector_load %arg9[%get3A_3962, %get3A_3963] {strides = array<i32>} : memref<100x32xf32, #tpu.memory_space<vmem>>, vector<1x16xf32>,
      %get3A_3965 = vector.shape_cast %get3A_3964 : vector<1x16xf32> to vector<16xf32>
      %get3A_3966 = arith.constant 38 : i32
      %get3A_3967 = arith.index_cast %get3A_3966 : i32 to index
      %get3A_3968 = arith.constant 0 : index
      %get3A_3969 = tpu.vector_load %arg9[%get3A_3967, %get3A_3968] {strides = array<i32>} : memref<100x32xf32, #tpu.memory_space<vmem>>, vector<1x16xf32>,
      %get3A_3970 = vector.shape_cast %get3A_3969 : vector<1x16xf32> to vector<16xf32>
      %get3A_3971 = arith.constant 39 : i32
      %get3A_3972 = arith.index_cast %get3A_3971 : i32 to index
      %get3A_3973 = arith.constant 0 : index
      %get3A_3974 = tpu.vector_load %arg9[%get3A_3972, %get3A_3973] {strides = array<i32>} : memref<100x32xf32, #tpu.memory_space<vmem>>, vector<1x16xf32>,
      %get3A_3975 = vector.shape_cast %get3A_3974 : vector<1x16xf32> to vector<16xf32>
      %get3A_3976 = arith.constant 40 : i32
      %get3A_3977 = arith.index_cast %get3A_3976 : i32 to index
      %get3A_3978 = arith.constant 0 : index
      %get3A_3979 = tpu.vector_load %arg9[%get3A_3977, %get3A_3978] {strides = array<i32>} : memref<100x32xf32, #tpu.memory_space<vmem>>, vector<1x16xf32>,
      %get3A_3980 = vector.shape_cast %get3A_3979 : vector<1x16xf32> to vector<16xf32>
      %get3A_3981 = arith.constant 41 : i32
      %get3A_3982 = arith.index_cast %get3A_3981 : i32 to index
      %get3A_3983 = arith.constant 0 : index
      %get3A_3984 = tpu.vector_load %arg9[%get3A_3982, %get3A_3983] {strides = array<i32>} : memref<100x32xf32, #tpu.memory_space<vmem>>, vector<1x16xf32>,
      %get3A_3985 = vector.shape_cast %get3A_3984 : vector<1x16xf32> to vector<16xf32>
      %get3A_3986 = arith.constant 42 : i32
      %get3A_3987 = arith.index_cast %get3A_3986 : i32 to index
      %get3A_3988 = arith.constant 0 : index
      %get3A_3989 = tpu.vector_load %arg9[%get3A_3987, %get3A_3988] {strides = array<i32>} : memref<100x32xf32, #tpu.memory_space<vmem>>, vector<1x16xf32>,
      %get3A_3990 = vector.shape_cast %get3A_3989 : vector<1x16xf32> to vector<16xf32>
      %get3A_3991 = arith.constant 43 : i32
      %get3A_3992 = arith.index_cast %get3A_3991 : i32 to index
      %get3A_3993 = arith.constant 0 : index
      %get3A_3994 = tpu.vector_load %arg9[%get3A_3992, %get3A_3993] {strides = array<i32>} : memref<100x32xf32, #tpu.memory_space<vmem>>, vector<1x16xf32>,
      %get3A_3995 = vector.shape_cast %get3A_3994 : vector<1x16xf32> to vector<16xf32>
      %get3A_3996 = arith.constant 44 : i32
      %get3A_3997 = arith.index_cast %get3A_3996 : i32 to index
      %get3A_3998 = arith.constant 0 : index
      %get3A_3999 = tpu.vector_load %arg9[%get3A_3997, %get3A_3998] {strides = array<i32>} : memref<100x32xf32, #tpu.memory_space<vmem>>, vector<1x16xf32>,
      %get3A_4000 = vector.shape_cast %get3A_3999 : vector<1x16xf32> to vector<16xf32>
      %get3A_4001 = arith.constant 45 : i32
      %get3A_4002 = arith.index_cast %get3A_4001 : i32 to index
      %get3A_4003 = arith.constant 0 : index
      %get3A_4004 = tpu.vector_load %arg9[%get3A_4002, %get3A_4003] {strides = array<i32>} : memref<100x32xf32, #tpu.memory_space<vmem>>, vector<1x16xf32>,
      %get3A_4005 = vector.shape_cast %get3A_4004 : vector<1x16xf32> to vector<16xf32>
      %get3A_4006 = arith.constant 46 : i32
      %get3A_4007 = arith.index_cast %get3A_4006 : i32 to index
      %get3A_4008 = arith.constant 0 : index
      %get3A_4009 = tpu.vector_load %arg9[%get3A_4007, %get3A_4008] {strides = array<i32>} : memref<100x32xf32, #tpu.memory_space<vmem>>, vector<1x16xf32>,
      %get3A_4010 = vector.shape_cast %get3A_4009 : vector<1x16xf32> to vector<16xf32>
      %get3A_4011 = arith.constant 47 : i32
      %get3A_4012 = arith.index_cast %get3A_4011 : i32 to index
      %get3A_4013 = arith.constant 0 : index
      %get3A_4014 = tpu.vector_load %arg9[%get3A_4012, %get3A_4013] {strides = array<i32>} : memref<100x32xf32, #tpu.memory_space<vmem>>, vector<1x16xf32>,
      %get3A_4015 = vector.shape_cast %get3A_4014 : vector<1x16xf32> to vector<16xf32>
      %get3A_4016 = arith.constant 48 : i32
      %get3A_4017 = arith.index_cast %get3A_4016 : i32 to index
      %get3A_4018 = arith.constant 0 : index
      %get3A_4019 = tpu.vector_load %arg9[%get3A_4017, %get3A_4018] {strides = array<i32>} : memref<100x32xf32, #tpu.memory_space<vmem>>, vector<1x16xf32>,
      %get3A_4020 = vector.shape_cast %get3A_4019 : vector<1x16xf32> to vector<16xf32>
      %get3A_4021 = arith.constant 49 : i32
      %get3A_4022 = arith.index_cast %get3A_4021 : i32 to index
      %get3A_4023 = arith.constant 0 : index
      %get3A_4024 = tpu.vector_load %arg9[%get3A_4022, %get3A_4023] {strides = array<i32>} : memref<100x32xf32, #tpu.memory_space<vmem>>, vector<1x16xf32>,
      %get3A_4025 = vector.shape_cast %get3A_4024 : vector<1x16xf32> to vector<16xf32>
      %add3A_4026 = arith.addf %get3A_3780, %get3A_3785 : vector<16xf32>
      %add3A_4027 = arith.addf %get3A_3790, %get3A_3795 : vector<16xf32>
      %add3A_4028 = arith.addf %get3A_3800, %get3A_3805 : vector<16xf32>
      %add3A_4029 = arith.addf %get3A_3810, %get3A_3815 : vector<16xf32>
      %add3A_4030 = arith.addf %get3A_3820, %get3A_3825 : vector<16xf32>
      %add3A_4031 = arith.addf %get3A_3830, %get3A_3835 : vector<16xf32>
      %add3A_4032 = arith.addf %get3A_3840, %get3A_3845 : vector<16xf32>
      %add3A_4033 = arith.addf %get3A_3850, %get3A_3855 : vector<16xf32>
      %add3A_4034 = arith.addf %get3A_3860, %get3A_3865 : vector<16xf32>
      %add3A_4035 = arith.addf %get3A_3870, %get3A_3875 : vector<16xf32>
      %add3A_4036 = arith.addf %get3A_3880, %get3A_3885 : vector<16xf32>
      %add3A_4037 = arith.addf %get3A_3890, %get3A_3895 : vector<16xf32>
      %add3A_4038 = arith.addf %get3A_3900, %get3A_3905 : vector<16xf32>
      %add3A_4039 = arith.addf %get3A_3910, %get3A_3915 : vector<16xf32>
      %add3A_4040 = arith.addf %get3A_3920, %get3A_3925 : vector<16xf32>
      %add3A_4041 = arith.addf %get3A_3930, %get3A_3935 : vector<16xf32>
      %add3A_4042 = arith.addf %get3A_3940, %get3A_3945 : vector<16xf32>
      %add3A_4043 = arith.addf %get3A_3950, %get3A_3955 : vector<16xf32>
      %add3A_4044 = arith.addf %get3A_3960, %get3A_3965 : vector<16xf32>
      %add3A_4045 = arith.addf %get3A_3970, %get3A_3975 : vector<16xf32>
      %add3A_4046 = arith.addf %get3A_3980, %get3A_3985 : vector<16xf32>
      %add3A_4047 = arith.addf %get3A_3990, %get3A_3995 : vector<16xf32>
      %add3A_4048 = arith.addf %get3A_4000, %get3A_4005 : vector<16xf32>
      %add3A_4049 = arith.addf %get3A_4010, %get3A_4015 : vector<16xf32>
      %add3A_4050 = arith.addf %get3A_4020, %get3A_4025 : vector<16xf32>
      %add3A_4051 = arith.addf %add3A_4026, %add3A_4027 : vector<16xf32>
      %add3A_4052 = arith.addf %add3A_4028, %add3A_4029 : vector<16xf32>
      %add3A_4053 = arith.addf %add3A_4030, %add3A_4031 : vector<16xf32>
      %add3A_4054 = arith.addf %add3A_4032, %add3A_4033 : vector<16xf32>
      %add3A_4055 = arith.addf %add3A_4034, %add3A_4035 : vector<16xf32>
      %add3A_4056 = arith.addf %add3A_4036, %add3A_4037 : vector<16xf32>
      %add3A_4057 = arith.addf %add3A_4038, %add3A_4039 : vector<16xf32>
      %add3A_4058 = arith.addf %add3A_4040, %add3A_4041 : vector<16xf32>
      %add3A_4059 = arith.addf %add3A_4042, %add3A_4043 : vector<16xf32>
      %add3A_4060 = arith.addf %add3A_4044, %add3A_4045 : vector<16xf32>
      %add3A_4061 = arith.addf %add3A_4046, %add3A_4047 : vector<16xf32>
      %add3A_4062 = arith.addf %add3A_4048, %add3A_4049 : vector<16xf32>
      %add3A_4063 = arith.addf %add3A_4051, %add3A_4052 : vector<16xf32>
      %add3A_4064 = arith.addf %add3A_4053, %add3A_4054 : vector<16xf32>
      %add3A_4065 = arith.addf %add3A_4055, %add3A_4056 : vector<16xf32>
      %add3A_4066 = arith.addf %add3A_4057, %add3A_4058 : vector<16xf32>
      %add3A_4067 = arith.addf %add3A_4059, %add3A_4060 : vector<16xf32>
      %add3A_4068 = arith.addf %add3A_4061, %add3A_4062 : vector<16xf32>
      %add3A_4069 = arith.addf %add3A_4063, %add3A_4064 : vector<16xf32>
      %add3A_4070 = arith.addf %add3A_4065, %add3A_4066 : vector<16xf32>
      %add3A_4071 = arith.addf %add3A_4067, %add3A_4068 : vector<16xf32>
      %add3A_4072 = arith.addf %add3A_4069, %add3A_4070 : vector<16xf32>
      %add3A_4073 = arith.addf %add3A_4071, %add3A_4050 : vector<16xf32>
      %add3A_4074 = arith.addf %add3A_4072, %add3A_4073 : vector<16xf32>
      %swap3A_4075 = arith.index_cast %add3A_3775 : i32 to index
      %swap3A_4076 = arith.constant 0 : index
      %swap3A_4077 = tpu.vector_load %arg10[%swap3A_4075, %swap3A_4076] {strides = array<i32>} : memref<512x32xf32, #tpu.memory_space<vmem>>, vector<1x16xf32>,
      %swap3A_4078 = vector.shape_cast %swap3A_4077 : vector<1x16xf32> to vector<16xf32>
      %swap3A_4079 = vector.shape_cast %add3A_4074 : vector<16xf32> to vector<1x16xf32>
      tpu.vector_store %arg10[%swap3A_4075, %swap3A_4076], %swap3A_4079 {strides = array<i32>} : memref<512x32xf32, #tpu.memory_space<vmem>>, vector<1x16xf32>,
      %get3A_4080 = arith.constant 0 : i32
      %get3A_4081 = arith.index_cast %get3A_4080 : i32 to index
      %get3A_4082 = arith.constant 16 : index
      %get3A_4083 = tpu.vector_load %arg9[%get3A_4081, %get3A_4082] {strides = array<i32>} : memref<100x32xf32, #tpu.memory_space<vmem>>, vector<1x16xf32>,
      %get3A_4084 = vector.shape_cast %get3A_4083 : vector<1x16xf32> to vector<16xf32>
      %get3A_4085 = arith.constant 1 : i32
      %get3A_4086 = arith.index_cast %get3A_4085 : i32 to index
      %get3A_4087 = arith.constant 16 : index
      %get3A_4088 = tpu.vector_load %arg9[%get3A_4086, %get3A_4087] {strides = array<i32>} : memref<100x32xf32, #tpu.memory_space<vmem>>, vector<1x16xf32>,
      %get3A_4089 = vector.shape_cast %get3A_4088 : vector<1x16xf32> to vector<16xf32>
      %get3A_4090 = arith.constant 2 : i32
      %get3A_4091 = arith.index_cast %get3A_4090 : i32 to index
      %get3A_4092 = arith.constant 16 : index
      %get3A_4093 = tpu.vector_load %arg9[%get3A_4091, %get3A_4092] {strides = array<i32>} : memref<100x32xf32, #tpu.memory_space<vmem>>, vector<1x16xf32>,
      %get3A_4094 = vector.shape_cast %get3A_4093 : vector<1x16xf32> to vector<16xf32>
      %get3A_4095 = arith.constant 3 : i32
      %get3A_4096 = arith.index_cast %get3A_4095 : i32 to index
      %get3A_4097 = arith.constant 16 : index
      %get3A_4098 = tpu.vector_load %arg9[%get3A_4096, %get3A_4097] {strides = array<i32>} : memref<100x32xf32, #tpu.memory_space<vmem>>, vector<1x16xf32>,
      %get3A_4099 = vector.shape_cast %get3A_4098 : vector<1x16xf32> to vector<16xf32>
      %get3A_4100 = arith.constant 4 : i32
      %get3A_4101 = arith.index_cast %get3A_4100 : i32 to index
      %get3A_4102 = arith.constant 16 : index
      %get3A_4103 = tpu.vector_load %arg9[%get3A_4101, %get3A_4102] {strides = array<i32>} : memref<100x32xf32, #tpu.memory_space<vmem>>, vector<1x16xf32>,
      %get3A_4104 = vector.shape_cast %get3A_4103 : vector<1x16xf32> to vector<16xf32>
      %get3A_4105 = arith.constant 5 : i32
      %get3A_4106 = arith.index_cast %get3A_4105 : i32 to index
      %get3A_4107 = arith.constant 16 : index
      %get3A_4108 = tpu.vector_load %arg9[%get3A_4106, %get3A_4107] {strides = array<i32>} : memref<100x32xf32, #tpu.memory_space<vmem>>, vector<1x16xf32>,
      %get3A_4109 = vector.shape_cast %get3A_4108 : vector<1x16xf32> to vector<16xf32>
      %get3A_4110 = arith.constant 6 : i32
      %get3A_4111 = arith.index_cast %get3A_4110 : i32 to index
      %get3A_4112 = arith.constant 16 : index
      %get3A_4113 = tpu.vector_load %arg9[%get3A_4111, %get3A_4112] {strides = array<i32>} : memref<100x32xf32, #tpu.memory_space<vmem>>, vector<1x16xf32>,
      %get3A_4114 = vector.shape_cast %get3A_4113 : vector<1x16xf32> to vector<16xf32>
      %get3A_4115 = arith.constant 7 : i32
      %get3A_4116 = arith.index_cast %get3A_4115 : i32 to index
      %get3A_4117 = arith.constant 16 : index
      %get3A_4118 = tpu.vector_load %arg9[%get3A_4116, %get3A_4117] {strides = array<i32>} : memref<100x32xf32, #tpu.memory_space<vmem>>, vector<1x16xf32>,
      %get3A_4119 = vector.shape_cast %get3A_4118 : vector<1x16xf32> to vector<16xf32>
      %get3A_4120 = arith.constant 8 : i32
      %get3A_4121 = arith.index_cast %get3A_4120 : i32 to index
      %get3A_4122 = arith.constant 16 : index
      %get3A_4123 = tpu.vector_load %arg9[%get3A_4121, %get3A_4122] {strides = array<i32>} : memref<100x32xf32, #tpu.memory_space<vmem>>, vector<1x16xf32>,
      %get3A_4124 = vector.shape_cast %get3A_4123 : vector<1x16xf32> to vector<16xf32>
      %get3A_4125 = arith.constant 9 : i32
      %get3A_4126 = arith.index_cast %get3A_4125 : i32 to index
      %get3A_4127 = arith.constant 16 : index
      %get3A_4128 = tpu.vector_load %arg9[%get3A_4126, %get3A_4127] {strides = array<i32>} : memref<100x32xf32, #tpu.memory_space<vmem>>, vector<1x16xf32>,
      %get3A_4129 = vector.shape_cast %get3A_4128 : vector<1x16xf32> to vector<16xf32>
      %get3A_4130 = arith.constant 10 : i32
      %get3A_4131 = arith.index_cast %get3A_4130 : i32 to index
      %get3A_4132 = arith.constant 16 : index
      %get3A_4133 = tpu.vector_load %arg9[%get3A_4131, %get3A_4132] {strides = array<i32>} : memref<100x32xf32, #tpu.memory_space<vmem>>, vector<1x16xf32>,
      %get3A_4134 = vector.shape_cast %get3A_4133 : vector<1x16xf32> to vector<16xf32>
      %get3A_4135 = arith.constant 11 : i32
      %get3A_4136 = arith.index_cast %get3A_4135 : i32 to index
      %get3A_4137 = arith.constant 16 : index
      %get3A_4138 = tpu.vector_load %arg9[%get3A_4136, %get3A_4137] {strides = array<i32>} : memref<100x32xf32, #tpu.memory_space<vmem>>, vector<1x16xf32>,
      %get3A_4139 = vector.shape_cast %get3A_4138 : vector<1x16xf32> to vector<16xf32>
      %get3A_4140 = arith.constant 12 : i32
      %get3A_4141 = arith.index_cast %get3A_4140 : i32 to index
      %get3A_4142 = arith.constant 16 : index
      %get3A_4143 = tpu.vector_load %arg9[%get3A_4141, %get3A_4142] {strides = array<i32>} : memref<100x32xf32, #tpu.memory_space<vmem>>, vector<1x16xf32>,
      %get3A_4144 = vector.shape_cast %get3A_4143 : vector<1x16xf32> to vector<16xf32>
      %get3A_4145 = arith.constant 13 : i32
      %get3A_4146 = arith.index_cast %get3A_4145 : i32 to index
      %get3A_4147 = arith.constant 16 : index
      %get3A_4148 = tpu.vector_load %arg9[%get3A_4146, %get3A_4147] {strides = array<i32>} : memref<100x32xf32, #tpu.memory_space<vmem>>, vector<1x16xf32>,
      %get3A_4149 = vector.shape_cast %get3A_4148 : vector<1x16xf32> to vector<16xf32>
      %get3A_4150 = arith.constant 14 : i32
      %get3A_4151 = arith.index_cast %get3A_4150 : i32 to index
      %get3A_4152 = arith.constant 16 : index
      %get3A_4153 = tpu.vector_load %arg9[%get3A_4151, %get3A_4152] {strides = array<i32>} : memref<100x32xf32, #tpu.memory_space<vmem>>, vector<1x16xf32>,
      %get3A_4154 = vector.shape_cast %get3A_4153 : vector<1x16xf32> to vector<16xf32>
      %get3A_4155 = arith.constant 15 : i32
      %get3A_4156 = arith.index_cast %get3A_4155 : i32 to index
      %get3A_4157 = arith.constant 16 : index
      %get3A_4158 = tpu.vector_load %arg9[%get3A_4156, %get3A_4157] {strides = array<i32>} : memref<100x32xf32, #tpu.memory_space<vmem>>, vector<1x16xf32>,
      %get3A_4159 = vector.shape_cast %get3A_4158 : vector<1x16xf32> to vector<16xf32>
      %get3A_4160 = arith.constant 16 : i32
      %get3A_4161 = arith.index_cast %get3A_4160 : i32 to index
      %get3A_4162 = arith.constant 16 : index
      %get3A_4163 = tpu.vector_load %arg9[%get3A_4161, %get3A_4162] {strides = array<i32>} : memref<100x32xf32, #tpu.memory_space<vmem>>, vector<1x16xf32>,
      %get3A_4164 = vector.shape_cast %get3A_4163 : vector<1x16xf32> to vector<16xf32>
      %get3A_4165 = arith.constant 17 : i32
      %get3A_4166 = arith.index_cast %get3A_4165 : i32 to index
      %get3A_4167 = arith.constant 16 : index
      %get3A_4168 = tpu.vector_load %arg9[%get3A_4166, %get3A_4167] {strides = array<i32>} : memref<100x32xf32, #tpu.memory_space<vmem>>, vector<1x16xf32>,
      %get3A_4169 = vector.shape_cast %get3A_4168 : vector<1x16xf32> to vector<16xf32>
      %get3A_4170 = arith.constant 18 : i32
      %get3A_4171 = arith.index_cast %get3A_4170 : i32 to index
      %get3A_4172 = arith.constant 16 : index
      %get3A_4173 = tpu.vector_load %arg9[%get3A_4171, %get3A_4172] {strides = array<i32>} : memref<100x32xf32, #tpu.memory_space<vmem>>, vector<1x16xf32>,
      %get3A_4174 = vector.shape_cast %get3A_4173 : vector<1x16xf32> to vector<16xf32>
      %get3A_4175 = arith.constant 19 : i32
      %get3A_4176 = arith.index_cast %get3A_4175 : i32 to index
      %get3A_4177 = arith.constant 16 : index
      %get3A_4178 = tpu.vector_load %arg9[%get3A_4176, %get3A_4177] {strides = array<i32>} : memref<100x32xf32, #tpu.memory_space<vmem>>, vector<1x16xf32>,
      %get3A_4179 = vector.shape_cast %get3A_4178 : vector<1x16xf32> to vector<16xf32>
      %get3A_4180 = arith.constant 20 : i32
      %get3A_4181 = arith.index_cast %get3A_4180 : i32 to index
      %get3A_4182 = arith.constant 16 : index
      %get3A_4183 = tpu.vector_load %arg9[%get3A_4181, %get3A_4182] {strides = array<i32>} : memref<100x32xf32, #tpu.memory_space<vmem>>, vector<1x16xf32>,
      %get3A_4184 = vector.shape_cast %get3A_4183 : vector<1x16xf32> to vector<16xf32>
      %get3A_4185 = arith.constant 21 : i32
      %get3A_4186 = arith.index_cast %get3A_4185 : i32 to index
      %get3A_4187 = arith.constant 16 : index
      %get3A_4188 = tpu.vector_load %arg9[%get3A_4186, %get3A_4187] {strides = array<i32>} : memref<100x32xf32, #tpu.memory_space<vmem>>, vector<1x16xf32>,
      %get3A_4189 = vector.shape_cast %get3A_4188 : vector<1x16xf32> to vector<16xf32>
      %get3A_4190 = arith.constant 22 : i32
      %get3A_4191 = arith.index_cast %get3A_4190 : i32 to index
      %get3A_4192 = arith.constant 16 : index
      %get3A_4193 = tpu.vector_load %arg9[%get3A_4191, %get3A_4192] {strides = array<i32>} : memref<100x32xf32, #tpu.memory_space<vmem>>, vector<1x16xf32>,
      %get3A_4194 = vector.shape_cast %get3A_4193 : vector<1x16xf32> to vector<16xf32>
      %get3A_4195 = arith.constant 23 : i32
      %get3A_4196 = arith.index_cast %get3A_4195 : i32 to index
      %get3A_4197 = arith.constant 16 : index
      %get3A_4198 = tpu.vector_load %arg9[%get3A_4196, %get3A_4197] {strides = array<i32>} : memref<100x32xf32, #tpu.memory_space<vmem>>, vector<1x16xf32>,
      %get3A_4199 = vector.shape_cast %get3A_4198 : vector<1x16xf32> to vector<16xf32>
      %get3A_4200 = arith.constant 24 : i32
      %get3A_4201 = arith.index_cast %get3A_4200 : i32 to index
      %get3A_4202 = arith.constant 16 : index
      %get3A_4203 = tpu.vector_load %arg9[%get3A_4201, %get3A_4202] {strides = array<i32>} : memref<100x32xf32, #tpu.memory_space<vmem>>, vector<1x16xf32>,
      %get3A_4204 = vector.shape_cast %get3A_4203 : vector<1x16xf32> to vector<16xf32>
      %get3A_4205 = arith.constant 25 : i32
      %get3A_4206 = arith.index_cast %get3A_4205 : i32 to index
      %get3A_4207 = arith.constant 16 : index
      %get3A_4208 = tpu.vector_load %arg9[%get3A_4206, %get3A_4207] {strides = array<i32>} : memref<100x32xf32, #tpu.memory_space<vmem>>, vector<1x16xf32>,
      %get3A_4209 = vector.shape_cast %get3A_4208 : vector<1x16xf32> to vector<16xf32>
      %get3A_4210 = arith.constant 26 : i32
      %get3A_4211 = arith.index_cast %get3A_4210 : i32 to index
      %get3A_4212 = arith.constant 16 : index
      %get3A_4213 = tpu.vector_load %arg9[%get3A_4211, %get3A_4212] {strides = array<i32>} : memref<100x32xf32, #tpu.memory_space<vmem>>, vector<1x16xf32>,
      %get3A_4214 = vector.shape_cast %get3A_4213 : vector<1x16xf32> to vector<16xf32>
      %get3A_4215 = arith.constant 27 : i32
      %get3A_4216 = arith.index_cast %get3A_4215 : i32 to index
      %get3A_4217 = arith.constant 16 : index
      %get3A_4218 = tpu.vector_load %arg9[%get3A_4216, %get3A_4217] {strides = array<i32>} : memref<100x32xf32, #tpu.memory_space<vmem>>, vector<1x16xf32>,
      %get3A_4219 = vector.shape_cast %get3A_4218 : vector<1x16xf32> to vector<16xf32>
      %get3A_4220 = arith.constant 28 : i32
      %get3A_4221 = arith.index_cast %get3A_4220 : i32 to index
      %get3A_4222 = arith.constant 16 : index
      %get3A_4223 = tpu.vector_load %arg9[%get3A_4221, %get3A_4222] {strides = array<i32>} : memref<100x32xf32, #tpu.memory_space<vmem>>, vector<1x16xf32>,
      %get3A_4224 = vector.shape_cast %get3A_4223 : vector<1x16xf32> to vector<16xf32>
      %get3A_4225 = arith.constant 29 : i32
      %get3A_4226 = arith.index_cast %get3A_4225 : i32 to index
      %get3A_4227 = arith.constant 16 : index
      %get3A_4228 = tpu.vector_load %arg9[%get3A_4226, %get3A_4227] {strides = array<i32>} : memref<100x32xf32, #tpu.memory_space<vmem>>, vector<1x16xf32>,
      %get3A_4229 = vector.shape_cast %get3A_4228 : vector<1x16xf32> to vector<16xf32>
      %get3A_4230 = arith.constant 30 : i32
      %get3A_4231 = arith.index_cast %get3A_4230 : i32 to index
      %get3A_4232 = arith.constant 16 : index
      %get3A_4233 = tpu.vector_load %arg9[%get3A_4231, %get3A_4232] {strides = array<i32>} : memref<100x32xf32, #tpu.memory_space<vmem>>, vector<1x16xf32>,
      %get3A_4234 = vector.shape_cast %get3A_4233 : vector<1x16xf32> to vector<16xf32>
      %get3A_4235 = arith.constant 31 : i32
      %get3A_4236 = arith.index_cast %get3A_4235 : i32 to index
      %get3A_4237 = arith.constant 16 : index
      %get3A_4238 = tpu.vector_load %arg9[%get3A_4236, %get3A_4237] {strides = array<i32>} : memref<100x32xf32, #tpu.memory_space<vmem>>, vector<1x16xf32>,
      %get3A_4239 = vector.shape_cast %get3A_4238 : vector<1x16xf32> to vector<16xf32>
      %get3A_4240 = arith.constant 32 : i32
      %get3A_4241 = arith.index_cast %get3A_4240 : i32 to index
      %get3A_4242 = arith.constant 16 : index
      %get3A_4243 = tpu.vector_load %arg9[%get3A_4241, %get3A_4242] {strides = array<i32>} : memref<100x32xf32, #tpu.memory_space<vmem>>, vector<1x16xf32>,
      %get3A_4244 = vector.shape_cast %get3A_4243 : vector<1x16xf32> to vector<16xf32>
      %get3A_4245 = arith.constant 33 : i32
      %get3A_4246 = arith.index_cast %get3A_4245 : i32 to index
      %get3A_4247 = arith.constant 16 : index
      %get3A_4248 = tpu.vector_load %arg9[%get3A_4246, %get3A_4247] {strides = array<i32>} : memref<100x32xf32, #tpu.memory_space<vmem>>, vector<1x16xf32>,
      %get3A_4249 = vector.shape_cast %get3A_4248 : vector<1x16xf32> to vector<16xf32>
      %get3A_4250 = arith.constant 34 : i32
      %get3A_4251 = arith.index_cast %get3A_4250 : i32 to index
      %get3A_4252 = arith.constant 16 : index
      %get3A_4253 = tpu.vector_load %arg9[%get3A_4251, %get3A_4252] {strides = array<i32>} : memref<100x32xf32, #tpu.memory_space<vmem>>, vector<1x16xf32>,
      %get3A_4254 = vector.shape_cast %get3A_4253 : vector<1x16xf32> to vector<16xf32>
      %get3A_4255 = arith.constant 35 : i32
      %get3A_4256 = arith.index_cast %get3A_4255 : i32 to index
      %get3A_4257 = arith.constant 16 : index
      %get3A_4258 = tpu.vector_load %arg9[%get3A_4256, %get3A_4257] {strides = array<i32>} : memref<100x32xf32, #tpu.memory_space<vmem>>, vector<1x16xf32>,
      %get3A_4259 = vector.shape_cast %get3A_4258 : vector<1x16xf32> to vector<16xf32>
      %get3A_4260 = arith.constant 36 : i32
      %get3A_4261 = arith.index_cast %get3A_4260 : i32 to index
      %get3A_4262 = arith.constant 16 : index
      %get3A_4263 = tpu.vector_load %arg9[%get3A_4261, %get3A_4262] {strides = array<i32>} : memref<100x32xf32, #tpu.memory_space<vmem>>, vector<1x16xf32>,
      %get3A_4264 = vector.shape_cast %get3A_4263 : vector<1x16xf32> to vector<16xf32>
      %get3A_4265 = arith.constant 37 : i32
      %get3A_4266 = arith.index_cast %get3A_4265 : i32 to index
      %get3A_4267 = arith.constant 16 : index
      %get3A_4268 = tpu.vector_load %arg9[%get3A_4266, %get3A_4267] {strides = array<i32>} : memref<100x32xf32, #tpu.memory_space<vmem>>, vector<1x16xf32>,
      %get3A_4269 = vector.shape_cast %get3A_4268 : vector<1x16xf32> to vector<16xf32>
      %get3A_4270 = arith.constant 38 : i32
      %get3A_4271 = arith.index_cast %get3A_4270 : i32 to index
      %get3A_4272 = arith.constant 16 : index
      %get3A_4273 = tpu.vector_load %arg9[%get3A_4271, %get3A_4272] {strides = array<i32>} : memref<100x32xf32, #tpu.memory_space<vmem>>, vector<1x16xf32>,
      %get3A_4274 = vector.shape_cast %get3A_4273 : vector<1x16xf32> to vector<16xf32>
      %get3A_4275 = arith.constant 39 : i32
      %get3A_4276 = arith.index_cast %get3A_4275 : i32 to index
      %get3A_4277 = arith.constant 16 : index
      %get3A_4278 = tpu.vector_load %arg9[%get3A_4276, %get3A_4277] {strides = array<i32>} : memref<100x32xf32, #tpu.memory_space<vmem>>, vector<1x16xf32>,
      %get3A_4279 = vector.shape_cast %get3A_4278 : vector<1x16xf32> to vector<16xf32>
      %get3A_4280 = arith.constant 40 : i32
      %get3A_4281 = arith.index_cast %get3A_4280 : i32 to index
      %get3A_4282 = arith.constant 16 : index
      %get3A_4283 = tpu.vector_load %arg9[%get3A_4281, %get3A_4282] {strides = array<i32>} : memref<100x32xf32, #tpu.memory_space<vmem>>, vector<1x16xf32>,
      %get3A_4284 = vector.shape_cast %get3A_4283 : vector<1x16xf32> to vector<16xf32>
      %get3A_4285 = arith.constant 41 : i32
      %get3A_4286 = arith.index_cast %get3A_4285 : i32 to index
      %get3A_4287 = arith.constant 16 : index
      %get3A_4288 = tpu.vector_load %arg9[%get3A_4286, %get3A_4287] {strides = array<i32>} : memref<100x32xf32, #tpu.memory_space<vmem>>, vector<1x16xf32>,
      %get3A_4289 = vector.shape_cast %get3A_4288 : vector<1x16xf32> to vector<16xf32>
      %get3A_4290 = arith.constant 42 : i32
      %get3A_4291 = arith.index_cast %get3A_4290 : i32 to index
      %get3A_4292 = arith.constant 16 : index
      %get3A_4293 = tpu.vector_load %arg9[%get3A_4291, %get3A_4292] {strides = array<i32>} : memref<100x32xf32, #tpu.memory_space<vmem>>, vector<1x16xf32>,
      %get3A_4294 = vector.shape_cast %get3A_4293 : vector<1x16xf32> to vector<16xf32>
      %get3A_4295 = arith.constant 43 : i32
      %get3A_4296 = arith.index_cast %get3A_4295 : i32 to index
      %get3A_4297 = arith.constant 16 : index
      %get3A_4298 = tpu.vector_load %arg9[%get3A_4296, %get3A_4297] {strides = array<i32>} : memref<100x32xf32, #tpu.memory_space<vmem>>, vector<1x16xf32>,
      %get3A_4299 = vector.shape_cast %get3A_4298 : vector<1x16xf32> to vector<16xf32>
      %get3A_4300 = arith.constant 44 : i32
      %get3A_4301 = arith.index_cast %get3A_4300 : i32 to index
      %get3A_4302 = arith.constant 16 : index
      %get3A_4303 = tpu.vector_load %arg9[%get3A_4301, %get3A_4302] {strides = array<i32>} : memref<100x32xf32, #tpu.memory_space<vmem>>, vector<1x16xf32>,
      %get3A_4304 = vector.shape_cast %get3A_4303 : vector<1x16xf32> to vector<16xf32>
      %get3A_4305 = arith.constant 45 : i32
      %get3A_4306 = arith.index_cast %get3A_4305 : i32 to index
      %get3A_4307 = arith.constant 16 : index
      %get3A_4308 = tpu.vector_load %arg9[%get3A_4306, %get3A_4307] {strides = array<i32>} : memref<100x32xf32, #tpu.memory_space<vmem>>, vector<1x16xf32>,
      %get3A_4309 = vector.shape_cast %get3A_4308 : vector<1x16xf32> to vector<16xf32>
      %get3A_4310 = arith.constant 46 : i32
      %get3A_4311 = arith.index_cast %get3A_4310 : i32 to index
      %get3A_4312 = arith.constant 16 : index
      %get3A_4313 = tpu.vector_load %arg9[%get3A_4311, %get3A_4312] {strides = array<i32>} : memref<100x32xf32, #tpu.memory_space<vmem>>, vector<1x16xf32>,
      %get3A_4314 = vector.shape_cast %get3A_4313 : vector<1x16xf32> to vector<16xf32>
      %get3A_4315 = arith.constant 47 : i32
      %get3A_4316 = arith.index_cast %get3A_4315 : i32 to index
      %get3A_4317 = arith.constant 16 : index
      %get3A_4318 = tpu.vector_load %arg9[%get3A_4316, %get3A_4317] {strides = array<i32>} : memref<100x32xf32, #tpu.memory_space<vmem>>, vector<1x16xf32>,
      %get3A_4319 = vector.shape_cast %get3A_4318 : vector<1x16xf32> to vector<16xf32>
      %get3A_4320 = arith.constant 48 : i32
      %get3A_4321 = arith.index_cast %get3A_4320 : i32 to index
      %get3A_4322 = arith.constant 16 : index
      %get3A_4323 = tpu.vector_load %arg9[%get3A_4321, %get3A_4322] {strides = array<i32>} : memref<100x32xf32, #tpu.memory_space<vmem>>, vector<1x16xf32>,
      %get3A_4324 = vector.shape_cast %get3A_4323 : vector<1x16xf32> to vector<16xf32>
      %get3A_4325 = arith.constant 49 : i32
      %get3A_4326 = arith.index_cast %get3A_4325 : i32 to index
      %get3A_4327 = arith.constant 16 : index
      %get3A_4328 = tpu.vector_load %arg9[%get3A_4326, %get3A_4327] {strides = array<i32>} : memref<100x32xf32, #tpu.memory_space<vmem>>, vector<1x16xf32>,
      %get3A_4329 = vector.shape_cast %get3A_4328 : vector<1x16xf32> to vector<16xf32>
      %add3A_4330 = arith.addf %get3A_4084, %get3A_4089 : vector<16xf32>
      %add3A_4331 = arith.addf %get3A_4094, %get3A_4099 : vector<16xf32>
      %add3A_4332 = arith.addf %get3A_4104, %get3A_4109 : vector<16xf32>
      %add3A_4333 = arith.addf %get3A_4114, %get3A_4119 : vector<16xf32>
      %add3A_4334 = arith.addf %get3A_4124, %get3A_4129 : vector<16xf32>
      %add3A_4335 = arith.addf %get3A_4134, %get3A_4139 : vector<16xf32>
      %add3A_4336 = arith.addf %get3A_4144, %get3A_4149 : vector<16xf32>
      %add3A_4337 = arith.addf %get3A_4154, %get3A_4159 : vector<16xf32>
      %add3A_4338 = arith.addf %get3A_4164, %get3A_4169 : vector<16xf32>
      %add3A_4339 = arith.addf %get3A_4174, %get3A_4179 : vector<16xf32>
      %add3A_4340 = arith.addf %get3A_4184, %get3A_4189 : vector<16xf32>
      %add3A_4341 = arith.addf %get3A_4194, %get3A_4199 : vector<16xf32>
      %add3A_4342 = arith.addf %get3A_4204, %get3A_4209 : vector<16xf32>
      %add3A_4343 = arith.addf %get3A_4214, %get3A_4219 : vector<16xf32>
      %add3A_4344 = arith.addf %get3A_4224, %get3A_4229 : vector<16xf32>
      %add3A_4345 = arith.addf %get3A_4234, %get3A_4239 : vector<16xf32>
      %add3A_4346 = arith.addf %get3A_4244, %get3A_4249 : vector<16xf32>
      %add3A_4347 = arith.addf %get3A_4254, %get3A_4259 : vector<16xf32>
      %add3A_4348 = arith.addf %get3A_4264, %get3A_4269 : vector<16xf32>
      %add3A_4349 = arith.addf %get3A_4274, %get3A_4279 : vector<16xf32>
      %add3A_4350 = arith.addf %get3A_4284, %get3A_4289 : vector<16xf32>
      %add3A_4351 = arith.addf %get3A_4294, %get3A_4299 : vector<16xf32>
      %add3A_4352 = arith.addf %get3A_4304, %get3A_4309 : vector<16xf32>
      %add3A_4353 = arith.addf %get3A_4314, %get3A_4319 : vector<16xf32>
      %add3A_4354 = arith.addf %get3A_4324, %get3A_4329 : vector<16xf32>
      %add3A_4355 = arith.addf %add3A_4330, %add3A_4331 : vector<16xf32>
      %add3A_4356 = arith.addf %add3A_4332, %add3A_4333 : vector<16xf32>
      %add3A_4357 = arith.addf %add3A_4334, %add3A_4335 : vector<16xf32>
      %add3A_4358 = arith.addf %add3A_4336, %add3A_4337 : vector<16xf32>
      %add3A_4359 = arith.addf %add3A_4338, %add3A_4339 : vector<16xf32>
      %add3A_4360 = arith.addf %add3A_4340, %add3A_4341 : vector<16xf32>
      %add3A_4361 = arith.addf %add3A_4342, %add3A_4343 : vector<16xf32>
      %add3A_4362 = arith.addf %add3A_4344, %add3A_4345 : vector<16xf32>
      %add3A_4363 = arith.addf %add3A_4346, %add3A_4347 : vector<16xf32>
      %add3A_4364 = arith.addf %add3A_4348, %add3A_4349 : vector<16xf32>
      %add3A_4365 = arith.addf %add3A_4350, %add3A_4351 : vector<16xf32>
      %add3A_4366 = arith.addf %add3A_4352, %add3A_4353 : vector<16xf32>
      %add3A_4367 = arith.addf %add3A_4355, %add3A_4356 : vector<16xf32>
      %add3A_4368 = arith.addf %add3A_4357, %add3A_4358 : vector<16xf32>
      %add3A_4369 = arith.addf %add3A_4359, %add3A_4360 : vector<16xf32>
      %add3A_4370 = arith.addf %add3A_4361, %add3A_4362 : vector<16xf32>
      %add3A_4371 = arith.addf %add3A_4363, %add3A_4364 : vector<16xf32>
      %add3A_4372 = arith.addf %add3A_4365, %add3A_4366 : vector<16xf32>
      %add3A_4373 = arith.addf %add3A_4367, %add3A_4368 : vector<16xf32>
      %add3A_4374 = arith.addf %add3A_4369, %add3A_4370 : vector<16xf32>
      %add3A_4375 = arith.addf %add3A_4371, %add3A_4372 : vector<16xf32>
      %add3A_4376 = arith.addf %add3A_4373, %add3A_4374 : vector<16xf32>
      %add3A_4377 = arith.addf %add3A_4375, %add3A_4354 : vector<16xf32>
      %add3A_4378 = arith.addf %add3A_4376, %add3A_4377 : vector<16xf32>
      %swap3A_4379 = arith.index_cast %add3A_3775 : i32 to index
      %swap3A_4380 = arith.constant 16 : index
      %swap3A_4381 = tpu.vector_load %arg10[%swap3A_4379, %swap3A_4380] {strides = array<i32>} : memref<512x32xf32, #tpu.memory_space<vmem>>, vector<1x16xf32>,
      %swap3A_4382 = vector.shape_cast %swap3A_4381 : vector<1x16xf32> to vector<16xf32>
      %swap3A_4383 = vector.shape_cast %add3A_4378 : vector<16xf32> to vector<1x16xf32>
      tpu.vector_store %arg10[%swap3A_4379, %swap3A_4380], %swap3A_4383 {strides = array<i32>} : memref<512x32xf32, #tpu.memory_space<vmem>>, vector<1x16xf32>,
      %mul3A_4384 = arith.constant 2 : i32
      %mul3A_4385 = arith.muli %add3A_3771, %mul3A_4384 : i32
      %add3A_4386 = arith.constant 1 : i32
      %add3A_4387 = arith.addi %mul3A_4385, %add3A_4386 : i32
      %get3A_4388 = arith.constant 50 : i32
      %get3A_4389 = arith.index_cast %get3A_4388 : i32 to index
      %get3A_4390 = arith.constant 0 : index
      %get3A_4391 = tpu.vector_load %arg9[%get3A_4389, %get3A_4390] {strides = array<i32>} : memref<100x32xf32, #tpu.memory_space<vmem>>, vector<1x16xf32>,
      %get3A_4392 = vector.shape_cast %get3A_4391 : vector<1x16xf32> to vector<16xf32>
      %get3A_4393 = arith.constant 51 : i32
      %get3A_4394 = arith.index_cast %get3A_4393 : i32 to index
      %get3A_4395 = arith.constant 0 : index
      %get3A_4396 = tpu.vector_load %arg9[%get3A_4394, %get3A_4395] {strides = array<i32>} : memref<100x32xf32, #tpu.memory_space<vmem>>, vector<1x16xf32>,
      %get3A_4397 = vector.shape_cast %get3A_4396 : vector<1x16xf32> to vector<16xf32>
      %get3A_4398 = arith.constant 52 : i32
      %get3A_4399 = arith.index_cast %get3A_4398 : i32 to index
      %get3A_4400 = arith.constant 0 : index
      %get3A_4401 = tpu.vector_load %arg9[%get3A_4399, %get3A_4400] {strides = array<i32>} : memref<100x32xf32, #tpu.memory_space<vmem>>, vector<1x16xf32>,
      %get3A_4402 = vector.shape_cast %get3A_4401 : vector<1x16xf32> to vector<16xf32>
      %get3A_4403 = arith.constant 53 : i32
      %get3A_4404 = arith.index_cast %get3A_4403 : i32 to index
      %get3A_4405 = arith.constant 0 : index
      %get3A_4406 = tpu.vector_load %arg9[%get3A_4404, %get3A_4405] {strides = array<i32>} : memref<100x32xf32, #tpu.memory_space<vmem>>, vector<1x16xf32>,
      %get3A_4407 = vector.shape_cast %get3A_4406 : vector<1x16xf32> to vector<16xf32>
      %get3A_4408 = arith.constant 54 : i32
      %get3A_4409 = arith.index_cast %get3A_4408 : i32 to index
      %get3A_4410 = arith.constant 0 : index
      %get3A_4411 = tpu.vector_load %arg9[%get3A_4409, %get3A_4410] {strides = array<i32>} : memref<100x32xf32, #tpu.memory_space<vmem>>, vector<1x16xf32>,
      %get3A_4412 = vector.shape_cast %get3A_4411 : vector<1x16xf32> to vector<16xf32>
      %get3A_4413 = arith.constant 55 : i32
      %get3A_4414 = arith.index_cast %get3A_4413 : i32 to index
      %get3A_4415 = arith.constant 0 : index
      %get3A_4416 = tpu.vector_load %arg9[%get3A_4414, %get3A_4415] {strides = array<i32>} : memref<100x32xf32, #tpu.memory_space<vmem>>, vector<1x16xf32>,
      %get3A_4417 = vector.shape_cast %get3A_4416 : vector<1x16xf32> to vector<16xf32>
      %get3A_4418 = arith.constant 56 : i32
      %get3A_4419 = arith.index_cast %get3A_4418 : i32 to index
      %get3A_4420 = arith.constant 0 : index
      %get3A_4421 = tpu.vector_load %arg9[%get3A_4419, %get3A_4420] {strides = array<i32>} : memref<100x32xf32, #tpu.memory_space<vmem>>, vector<1x16xf32>,
      %get3A_4422 = vector.shape_cast %get3A_4421 : vector<1x16xf32> to vector<16xf32>
      %get3A_4423 = arith.constant 57 : i32
      %get3A_4424 = arith.index_cast %get3A_4423 : i32 to index
      %get3A_4425 = arith.constant 0 : index
      %get3A_4426 = tpu.vector_load %arg9[%get3A_4424, %get3A_4425] {strides = array<i32>} : memref<100x32xf32, #tpu.memory_space<vmem>>, vector<1x16xf32>,
      %get3A_4427 = vector.shape_cast %get3A_4426 : vector<1x16xf32> to vector<16xf32>
      %get3A_4428 = arith.constant 58 : i32
      %get3A_4429 = arith.index_cast %get3A_4428 : i32 to index
      %get3A_4430 = arith.constant 0 : index
      %get3A_4431 = tpu.vector_load %arg9[%get3A_4429, %get3A_4430] {strides = array<i32>} : memref<100x32xf32, #tpu.memory_space<vmem>>, vector<1x16xf32>,
      %get3A_4432 = vector.shape_cast %get3A_4431 : vector<1x16xf32> to vector<16xf32>
      %get3A_4433 = arith.constant 59 : i32
      %get3A_4434 = arith.index_cast %get3A_4433 : i32 to index
      %get3A_4435 = arith.constant 0 : index
      %get3A_4436 = tpu.vector_load %arg9[%get3A_4434, %get3A_4435] {strides = array<i32>} : memref<100x32xf32, #tpu.memory_space<vmem>>, vector<1x16xf32>,
      %get3A_4437 = vector.shape_cast %get3A_4436 : vector<1x16xf32> to vector<16xf32>
      %get3A_4438 = arith.constant 60 : i32
      %get3A_4439 = arith.index_cast %get3A_4438 : i32 to index
      %get3A_4440 = arith.constant 0 : index
      %get3A_4441 = tpu.vector_load %arg9[%get3A_4439, %get3A_4440] {strides = array<i32>} : memref<100x32xf32, #tpu.memory_space<vmem>>, vector<1x16xf32>,
      %get3A_4442 = vector.shape_cast %get3A_4441 : vector<1x16xf32> to vector<16xf32>
      %get3A_4443 = arith.constant 61 : i32
      %get3A_4444 = arith.index_cast %get3A_4443 : i32 to index
      %get3A_4445 = arith.constant 0 : index
      %get3A_4446 = tpu.vector_load %arg9[%get3A_4444, %get3A_4445] {strides = array<i32>} : memref<100x32xf32, #tpu.memory_space<vmem>>, vector<1x16xf32>,
      %get3A_4447 = vector.shape_cast %get3A_4446 : vector<1x16xf32> to vector<16xf32>
      %get3A_4448 = arith.constant 62 : i32
      %get3A_4449 = arith.index_cast %get3A_4448 : i32 to index
      %get3A_4450 = arith.constant 0 : index
      %get3A_4451 = tpu.vector_load %arg9[%get3A_4449, %get3A_4450] {strides = array<i32>} : memref<100x32xf32, #tpu.memory_space<vmem>>, vector<1x16xf32>,
      %get3A_4452 = vector.shape_cast %get3A_4451 : vector<1x16xf32> to vector<16xf32>
      %get3A_4453 = arith.constant 63 : i32
      %get3A_4454 = arith.index_cast %get3A_4453 : i32 to index
      %get3A_4455 = arith.constant 0 : index
      %get3A_4456 = tpu.vector_load %arg9[%get3A_4454, %get3A_4455] {strides = array<i32>} : memref<100x32xf32, #tpu.memory_space<vmem>>, vector<1x16xf32>,
      %get3A_4457 = vector.shape_cast %get3A_4456 : vector<1x16xf32> to vector<16xf32>
      %get3A_4458 = arith.constant 64 : i32
      %get3A_4459 = arith.index_cast %get3A_4458 : i32 to index
      %get3A_4460 = arith.constant 0 : index
      %get3A_4461 = tpu.vector_load %arg9[%get3A_4459, %get3A_4460] {strides = array<i32>} : memref<100x32xf32, #tpu.memory_space<vmem>>, vector<1x16xf32>,
      %get3A_4462 = vector.shape_cast %get3A_4461 : vector<1x16xf32> to vector<16xf32>
      %get3A_4463 = arith.constant 65 : i32
      %get3A_4464 = arith.index_cast %get3A_4463 : i32 to index
      %get3A_4465 = arith.constant 0 : index
      %get3A_4466 = tpu.vector_load %arg9[%get3A_4464, %get3A_4465] {strides = array<i32>} : memref<100x32xf32, #tpu.memory_space<vmem>>, vector<1x16xf32>,
      %get3A_4467 = vector.shape_cast %get3A_4466 : vector<1x16xf32> to vector<16xf32>
      %get3A_4468 = arith.constant 66 : i32
      %get3A_4469 = arith.index_cast %get3A_4468 : i32 to index
      %get3A_4470 = arith.constant 0 : index
      %get3A_4471 = tpu.vector_load %arg9[%get3A_4469, %get3A_4470] {strides = array<i32>} : memref<100x32xf32, #tpu.memory_space<vmem>>, vector<1x16xf32>,
      %get3A_4472 = vector.shape_cast %get3A_4471 : vector<1x16xf32> to vector<16xf32>
      %get3A_4473 = arith.constant 67 : i32
      %get3A_4474 = arith.index_cast %get3A_4473 : i32 to index
      %get3A_4475 = arith.constant 0 : index
      %get3A_4476 = tpu.vector_load %arg9[%get3A_4474, %get3A_4475] {strides = array<i32>} : memref<100x32xf32, #tpu.memory_space<vmem>>, vector<1x16xf32>,
      %get3A_4477 = vector.shape_cast %get3A_4476 : vector<1x16xf32> to vector<16xf32>
      %get3A_4478 = arith.constant 68 : i32
      %get3A_4479 = arith.index_cast %get3A_4478 : i32 to index
      %get3A_4480 = arith.constant 0 : index
      %get3A_4481 = tpu.vector_load %arg9[%get3A_4479, %get3A_4480] {strides = array<i32>} : memref<100x32xf32, #tpu.memory_space<vmem>>, vector<1x16xf32>,
      %get3A_4482 = vector.shape_cast %get3A_4481 : vector<1x16xf32> to vector<16xf32>
      %get3A_4483 = arith.constant 69 : i32
      %get3A_4484 = arith.index_cast %get3A_4483 : i32 to index
      %get3A_4485 = arith.constant 0 : index
      %get3A_4486 = tpu.vector_load %arg9[%get3A_4484, %get3A_4485] {strides = array<i32>} : memref<100x32xf32, #tpu.memory_space<vmem>>, vector<1x16xf32>,
      %get3A_4487 = vector.shape_cast %get3A_4486 : vector<1x16xf32> to vector<16xf32>
      %get3A_4488 = arith.constant 70 : i32
      %get3A_4489 = arith.index_cast %get3A_4488 : i32 to index
      %get3A_4490 = arith.constant 0 : index
      %get3A_4491 = tpu.vector_load %arg9[%get3A_4489, %get3A_4490] {strides = array<i32>} : memref<100x32xf32, #tpu.memory_space<vmem>>, vector<1x16xf32>,
      %get3A_4492 = vector.shape_cast %get3A_4491 : vector<1x16xf32> to vector<16xf32>
      %get3A_4493 = arith.constant 71 : i32
      %get3A_4494 = arith.index_cast %get3A_4493 : i32 to index
      %get3A_4495 = arith.constant 0 : index
      %get3A_4496 = tpu.vector_load %arg9[%get3A_4494, %get3A_4495] {strides = array<i32>} : memref<100x32xf32, #tpu.memory_space<vmem>>, vector<1x16xf32>,
      %get3A_4497 = vector.shape_cast %get3A_4496 : vector<1x16xf32> to vector<16xf32>
      %get3A_4498 = arith.constant 72 : i32
      %get3A_4499 = arith.index_cast %get3A_4498 : i32 to index
      %get3A_4500 = arith.constant 0 : index
      %get3A_4501 = tpu.vector_load %arg9[%get3A_4499, %get3A_4500] {strides = array<i32>} : memref<100x32xf32, #tpu.memory_space<vmem>>, vector<1x16xf32>,
      %get3A_4502 = vector.shape_cast %get3A_4501 : vector<1x16xf32> to vector<16xf32>
      %get3A_4503 = arith.constant 73 : i32
      %get3A_4504 = arith.index_cast %get3A_4503 : i32 to index
      %get3A_4505 = arith.constant 0 : index
      %get3A_4506 = tpu.vector_load %arg9[%get3A_4504, %get3A_4505] {strides = array<i32>} : memref<100x32xf32, #tpu.memory_space<vmem>>, vector<1x16xf32>,
      %get3A_4507 = vector.shape_cast %get3A_4506 : vector<1x16xf32> to vector<16xf32>
      %get3A_4508 = arith.constant 74 : i32
      %get3A_4509 = arith.index_cast %get3A_4508 : i32 to index
      %get3A_4510 = arith.constant 0 : index
      %get3A_4511 = tpu.vector_load %arg9[%get3A_4509, %get3A_4510] {strides = array<i32>} : memref<100x32xf32, #tpu.memory_space<vmem>>, vector<1x16xf32>,
      %get3A_4512 = vector.shape_cast %get3A_4511 : vector<1x16xf32> to vector<16xf32>
      %get3A_4513 = arith.constant 75 : i32
      %get3A_4514 = arith.index_cast %get3A_4513 : i32 to index
      %get3A_4515 = arith.constant 0 : index
      %get3A_4516 = tpu.vector_load %arg9[%get3A_4514, %get3A_4515] {strides = array<i32>} : memref<100x32xf32, #tpu.memory_space<vmem>>, vector<1x16xf32>,
      %get3A_4517 = vector.shape_cast %get3A_4516 : vector<1x16xf32> to vector<16xf32>
      %get3A_4518 = arith.constant 76 : i32
      %get3A_4519 = arith.index_cast %get3A_4518 : i32 to index
      %get3A_4520 = arith.constant 0 : index
      %get3A_4521 = tpu.vector_load %arg9[%get3A_4519, %get3A_4520] {strides = array<i32>} : memref<100x32xf32, #tpu.memory_space<vmem>>, vector<1x16xf32>,
      %get3A_4522 = vector.shape_cast %get3A_4521 : vector<1x16xf32> to vector<16xf32>
      %get3A_4523 = arith.constant 77 : i32
      %get3A_4524 = arith.index_cast %get3A_4523 : i32 to index
      %get3A_4525 = arith.constant 0 : index
      %get3A_4526 = tpu.vector_load %arg9[%get3A_4524, %get3A_4525] {strides = array<i32>} : memref<100x32xf32, #tpu.memory_space<vmem>>, vector<1x16xf32>,
      %get3A_4527 = vector.shape_cast %get3A_4526 : vector<1x16xf32> to vector<16xf32>
      %get3A_4528 = arith.constant 78 : i32
      %get3A_4529 = arith.index_cast %get3A_4528 : i32 to index
      %get3A_4530 = arith.constant 0 : index
      %get3A_4531 = tpu.vector_load %arg9[%get3A_4529, %get3A_4530] {strides = array<i32>} : memref<100x32xf32, #tpu.memory_space<vmem>>, vector<1x16xf32>,
      %get3A_4532 = vector.shape_cast %get3A_4531 : vector<1x16xf32> to vector<16xf32>
      %get3A_4533 = arith.constant 79 : i32
      %get3A_4534 = arith.index_cast %get3A_4533 : i32 to index
      %get3A_4535 = arith.constant 0 : index
      %get3A_4536 = tpu.vector_load %arg9[%get3A_4534, %get3A_4535] {strides = array<i32>} : memref<100x32xf32, #tpu.memory_space<vmem>>, vector<1x16xf32>,
      %get3A_4537 = vector.shape_cast %get3A_4536 : vector<1x16xf32> to vector<16xf32>
      %get3A_4538 = arith.constant 80 : i32
      %get3A_4539 = arith.index_cast %get3A_4538 : i32 to index
      %get3A_4540 = arith.constant 0 : index
      %get3A_4541 = tpu.vector_load %arg9[%get3A_4539, %get3A_4540] {strides = array<i32>} : memref<100x32xf32, #tpu.memory_space<vmem>>, vector<1x16xf32>,
      %get3A_4542 = vector.shape_cast %get3A_4541 : vector<1x16xf32> to vector<16xf32>
      %get3A_4543 = arith.constant 81 : i32
      %get3A_4544 = arith.index_cast %get3A_4543 : i32 to index
      %get3A_4545 = arith.constant 0 : index
      %get3A_4546 = tpu.vector_load %arg9[%get3A_4544, %get3A_4545] {strides = array<i32>} : memref<100x32xf32, #tpu.memory_space<vmem>>, vector<1x16xf32>,
      %get3A_4547 = vector.shape_cast %get3A_4546 : vector<1x16xf32> to vector<16xf32>
      %get3A_4548 = arith.constant 82 : i32
      %get3A_4549 = arith.index_cast %get3A_4548 : i32 to index
      %get3A_4550 = arith.constant 0 : index
      %get3A_4551 = tpu.vector_load %arg9[%get3A_4549, %get3A_4550] {strides = array<i32>} : memref<100x32xf32, #tpu.memory_space<vmem>>, vector<1x16xf32>,
      %get3A_4552 = vector.shape_cast %get3A_4551 : vector<1x16xf32> to vector<16xf32>
      %get3A_4553 = arith.constant 83 : i32
      %get3A_4554 = arith.index_cast %get3A_4553 : i32 to index
      %get3A_4555 = arith.constant 0 : index
      %get3A_4556 = tpu.vector_load %arg9[%get3A_4554, %get3A_4555] {strides = array<i32>} : memref<100x32xf32, #tpu.memory_space<vmem>>, vector<1x16xf32>,
      %get3A_4557 = vector.shape_cast %get3A_4556 : vector<1x16xf32> to vector<16xf32>
      %get3A_4558 = arith.constant 84 : i32
      %get3A_4559 = arith.index_cast %get3A_4558 : i32 to index
      %get3A_4560 = arith.constant 0 : index
      %get3A_4561 = tpu.vector_load %arg9[%get3A_4559, %get3A_4560] {strides = array<i32>} : memref<100x32xf32, #tpu.memory_space<vmem>>, vector<1x16xf32>,
      %get3A_4562 = vector.shape_cast %get3A_4561 : vector<1x16xf32> to vector<16xf32>
      %get3A_4563 = arith.constant 85 : i32
      %get3A_4564 = arith.index_cast %get3A_4563 : i32 to index
      %get3A_4565 = arith.constant 0 : index
      %get3A_4566 = tpu.vector_load %arg9[%get3A_4564, %get3A_4565] {strides = array<i32>} : memref<100x32xf32, #tpu.memory_space<vmem>>, vector<1x16xf32>,
      %get3A_4567 = vector.shape_cast %get3A_4566 : vector<1x16xf32> to vector<16xf32>
      %get3A_4568 = arith.constant 86 : i32
      %get3A_4569 = arith.index_cast %get3A_4568 : i32 to index
      %get3A_4570 = arith.constant 0 : index
      %get3A_4571 = tpu.vector_load %arg9[%get3A_4569, %get3A_4570] {strides = array<i32>} : memref<100x32xf32, #tpu.memory_space<vmem>>, vector<1x16xf32>,
      %get3A_4572 = vector.shape_cast %get3A_4571 : vector<1x16xf32> to vector<16xf32>
      %get3A_4573 = arith.constant 87 : i32
      %get3A_4574 = arith.index_cast %get3A_4573 : i32 to index
      %get3A_4575 = arith.constant 0 : index
      %get3A_4576 = tpu.vector_load %arg9[%get3A_4574, %get3A_4575] {strides = array<i32>} : memref<100x32xf32, #tpu.memory_space<vmem>>, vector<1x16xf32>,
      %get3A_4577 = vector.shape_cast %get3A_4576 : vector<1x16xf32> to vector<16xf32>
      %get3A_4578 = arith.constant 88 : i32
      %get3A_4579 = arith.index_cast %get3A_4578 : i32 to index
      %get3A_4580 = arith.constant 0 : index
      %get3A_4581 = tpu.vector_load %arg9[%get3A_4579, %get3A_4580] {strides = array<i32>} : memref<100x32xf32, #tpu.memory_space<vmem>>, vector<1x16xf32>,
      %get3A_4582 = vector.shape_cast %get3A_4581 : vector<1x16xf32> to vector<16xf32>
      %get3A_4583 = arith.constant 89 : i32
      %get3A_4584 = arith.index_cast %get3A_4583 : i32 to index
      %get3A_4585 = arith.constant 0 : index
      %get3A_4586 = tpu.vector_load %arg9[%get3A_4584, %get3A_4585] {strides = array<i32>} : memref<100x32xf32, #tpu.memory_space<vmem>>, vector<1x16xf32>,
      %get3A_4587 = vector.shape_cast %get3A_4586 : vector<1x16xf32> to vector<16xf32>
      %get3A_4588 = arith.constant 90 : i32
      %get3A_4589 = arith.index_cast %get3A_4588 : i32 to index
      %get3A_4590 = arith.constant 0 : index
      %get3A_4591 = tpu.vector_load %arg9[%get3A_4589, %get3A_4590] {strides = array<i32>} : memref<100x32xf32, #tpu.memory_space<vmem>>, vector<1x16xf32>,
      %get3A_4592 = vector.shape_cast %get3A_4591 : vector<1x16xf32> to vector<16xf32>
      %get3A_4593 = arith.constant 91 : i32
      %get3A_4594 = arith.index_cast %get3A_4593 : i32 to index
      %get3A_4595 = arith.constant 0 : index
      %get3A_4596 = tpu.vector_load %arg9[%get3A_4594, %get3A_4595] {strides = array<i32>} : memref<100x32xf32, #tpu.memory_space<vmem>>, vector<1x16xf32>,
      %get3A_4597 = vector.shape_cast %get3A_4596 : vector<1x16xf32> to vector<16xf32>
      %get3A_4598 = arith.constant 92 : i32
      %get3A_4599 = arith.index_cast %get3A_4598 : i32 to index
      %get3A_4600 = arith.constant 0 : index
      %get3A_4601 = tpu.vector_load %arg9[%get3A_4599, %get3A_4600] {strides = array<i32>} : memref<100x32xf32, #tpu.memory_space<vmem>>, vector<1x16xf32>,
      %get3A_4602 = vector.shape_cast %get3A_4601 : vector<1x16xf32> to vector<16xf32>
      %get3A_4603 = arith.constant 93 : i32
      %get3A_4604 = arith.index_cast %get3A_4603 : i32 to index
      %get3A_4605 = arith.constant 0 : index
      %get3A_4606 = tpu.vector_load %arg9[%get3A_4604, %get3A_4605] {strides = array<i32>} : memref<100x32xf32, #tpu.memory_space<vmem>>, vector<1x16xf32>,
      %get3A_4607 = vector.shape_cast %get3A_4606 : vector<1x16xf32> to vector<16xf32>
      %get3A_4608 = arith.constant 94 : i32
      %get3A_4609 = arith.index_cast %get3A_4608 : i32 to index
      %get3A_4610 = arith.constant 0 : index
      %get3A_4611 = tpu.vector_load %arg9[%get3A_4609, %get3A_4610] {strides = array<i32>} : memref<100x32xf32, #tpu.memory_space<vmem>>, vector<1x16xf32>,
      %get3A_4612 = vector.shape_cast %get3A_4611 : vector<1x16xf32> to vector<16xf32>
      %get3A_4613 = arith.constant 95 : i32
      %get3A_4614 = arith.index_cast %get3A_4613 : i32 to index
      %get3A_4615 = arith.constant 0 : index
      %get3A_4616 = tpu.vector_load %arg9[%get3A_4614, %get3A_4615] {strides = array<i32>} : memref<100x32xf32, #tpu.memory_space<vmem>>, vector<1x16xf32>,
      %get3A_4617 = vector.shape_cast %get3A_4616 : vector<1x16xf32> to vector<16xf32>
      %get3A_4618 = arith.constant 96 : i32
      %get3A_4619 = arith.index_cast %get3A_4618 : i32 to index
      %get3A_4620 = arith.constant 0 : index
      %get3A_4621 = tpu.vector_load %arg9[%get3A_4619, %get3A_4620] {strides = array<i32>} : memref<100x32xf32, #tpu.memory_space<vmem>>, vector<1x16xf32>,
      %get3A_4622 = vector.shape_cast %get3A_4621 : vector<1x16xf32> to vector<16xf32>
      %get3A_4623 = arith.constant 97 : i32
      %get3A_4624 = arith.index_cast %get3A_4623 : i32 to index
      %get3A_4625 = arith.constant 0 : index
      %get3A_4626 = tpu.vector_load %arg9[%get3A_4624, %get3A_4625] {strides = array<i32>} : memref<100x32xf32, #tpu.memory_space<vmem>>, vector<1x16xf32>,
      %get3A_4627 = vector.shape_cast %get3A_4626 : vector<1x16xf32> to vector<16xf32>
      %get3A_4628 = arith.constant 98 : i32
      %get3A_4629 = arith.index_cast %get3A_4628 : i32 to index
      %get3A_4630 = arith.constant 0 : index
      %get3A_4631 = tpu.vector_load %arg9[%get3A_4629, %get3A_4630] {strides = array<i32>} : memref<100x32xf32, #tpu.memory_space<vmem>>, vector<1x16xf32>,
      %get3A_4632 = vector.shape_cast %get3A_4631 : vector<1x16xf32> to vector<16xf32>
      %get3A_4633 = arith.constant 99 : i32
      %get3A_4634 = arith.index_cast %get3A_4633 : i32 to index
      %get3A_4635 = arith.constant 0 : index
      %get3A_4636 = tpu.vector_load %arg9[%get3A_4634, %get3A_4635] {strides = array<i32>} : memref<100x32xf32, #tpu.memory_space<vmem>>, vector<1x16xf32>,
      %get3A_4637 = vector.shape_cast %get3A_4636 : vector<1x16xf32> to vector<16xf32>
      %add3A_4638 = arith.addf %get3A_4392, %get3A_4397 : vector<16xf32>
      %add3A_4639 = arith.addf %get3A_4402, %get3A_4407 : vector<16xf32>
      %add3A_4640 = arith.addf %get3A_4412, %get3A_4417 : vector<16xf32>
      %add3A_4641 = arith.addf %get3A_4422, %get3A_4427 : vector<16xf32>
      %add3A_4642 = arith.addf %get3A_4432, %get3A_4437 : vector<16xf32>
      %add3A_4643 = arith.addf %get3A_4442, %get3A_4447 : vector<16xf32>
      %add3A_4644 = arith.addf %get3A_4452, %get3A_4457 : vector<16xf32>
      %add3A_4645 = arith.addf %get3A_4462, %get3A_4467 : vector<16xf32>
      %add3A_4646 = arith.addf %get3A_4472, %get3A_4477 : vector<16xf32>
      %add3A_4647 = arith.addf %get3A_4482, %get3A_4487 : vector<16xf32>
      %add3A_4648 = arith.addf %get3A_4492, %get3A_4497 : vector<16xf32>
      %add3A_4649 = arith.addf %get3A_4502, %get3A_4507 : vector<16xf32>
      %add3A_4650 = arith.addf %get3A_4512, %get3A_4517 : vector<16xf32>
      %add3A_4651 = arith.addf %get3A_4522, %get3A_4527 : vector<16xf32>
      %add3A_4652 = arith.addf %get3A_4532, %get3A_4537 : vector<16xf32>
      %add3A_4653 = arith.addf %get3A_4542, %get3A_4547 : vector<16xf32>
      %add3A_4654 = arith.addf %get3A_4552, %get3A_4557 : vector<16xf32>
      %add3A_4655 = arith.addf %get3A_4562, %get3A_4567 : vector<16xf32>
      %add3A_4656 = arith.addf %get3A_4572, %get3A_4577 : vector<16xf32>
      %add3A_4657 = arith.addf %get3A_4582, %get3A_4587 : vector<16xf32>
      %add3A_4658 = arith.addf %get3A_4592, %get3A_4597 : vector<16xf32>
      %add3A_4659 = arith.addf %get3A_4602, %get3A_4607 : vector<16xf32>
      %add3A_4660 = arith.addf %get3A_4612, %get3A_4617 : vector<16xf32>
      %add3A_4661 = arith.addf %get3A_4622, %get3A_4627 : vector<16xf32>
      %add3A_4662 = arith.addf %get3A_4632, %get3A_4637 : vector<16xf32>
      %add3A_4663 = arith.addf %add3A_4638, %add3A_4639 : vector<16xf32>
      %add3A_4664 = arith.addf %add3A_4640, %add3A_4641 : vector<16xf32>
      %add3A_4665 = arith.addf %add3A_4642, %add3A_4643 : vector<16xf32>
      %add3A_4666 = arith.addf %add3A_4644, %add3A_4645 : vector<16xf32>
      %add3A_4667 = arith.addf %add3A_4646, %add3A_4647 : vector<16xf32>
      %add3A_4668 = arith.addf %add3A_4648, %add3A_4649 : vector<16xf32>
      %add3A_4669 = arith.addf %add3A_4650, %add3A_4651 : vector<16xf32>
      %add3A_4670 = arith.addf %add3A_4652, %add3A_4653 : vector<16xf32>
      %add3A_4671 = arith.addf %add3A_4654, %add3A_4655 : vector<16xf32>
      %add3A_4672 = arith.addf %add3A_4656, %add3A_4657 : vector<16xf32>
      %add3A_4673 = arith.addf %add3A_4658, %add3A_4659 : vector<16xf32>
      %add3A_4674 = arith.addf %add3A_4660, %add3A_4661 : vector<16xf32>
      %add3A_4675 = arith.addf %add3A_4663, %add3A_4664 : vector<16xf32>
      %add3A_4676 = arith.addf %add3A_4665, %add3A_4666 : vector<16xf32>
      %add3A_4677 = arith.addf %add3A_4667, %add3A_4668 : vector<16xf32>
      %add3A_4678 = arith.addf %add3A_4669, %add3A_4670 : vector<16xf32>
      %add3A_4679 = arith.addf %add3A_4671, %add3A_4672 : vector<16xf32>
      %add3A_4680 = arith.addf %add3A_4673, %add3A_4674 : vector<16xf32>
      %add3A_4681 = arith.addf %add3A_4675, %add3A_4676 : vector<16xf32>
      %add3A_4682 = arith.addf %add3A_4677, %add3A_4678 : vector<16xf32>
      %add3A_4683 = arith.addf %add3A_4679, %add3A_4680 : vector<16xf32>
      %add3A_4684 = arith.addf %add3A_4681, %add3A_4682 : vector<16xf32>
      %add3A_4685 = arith.addf %add3A_4683, %add3A_4662 : vector<16xf32>
      %add3A_4686 = arith.addf %add3A_4684, %add3A_4685 : vector<16xf32>
      %swap3A_4687 = arith.index_cast %add3A_4387 : i32 to index
      %swap3A_4688 = arith.constant 0 : index
      %swap3A_4689 = tpu.vector_load %arg10[%swap3A_4687, %swap3A_4688] {strides = array<i32>} : memref<512x32xf32, #tpu.memory_space<vmem>>, vector<1x16xf32>,
      %swap3A_4690 = vector.shape_cast %swap3A_4689 : vector<1x16xf32> to vector<16xf32>
      %swap3A_4691 = vector.shape_cast %add3A_4686 : vector<16xf32> to vector<1x16xf32>
      tpu.vector_store %arg10[%swap3A_4687, %swap3A_4688], %swap3A_4691 {strides = array<i32>} : memref<512x32xf32, #tpu.memory_space<vmem>>, vector<1x16xf32>,
      %get3A_4692 = arith.constant 50 : i32
      %get3A_4693 = arith.index_cast %get3A_4692 : i32 to index
      %get3A_4694 = arith.constant 16 : index
      %get3A_4695 = tpu.vector_load %arg9[%get3A_4693, %get3A_4694] {strides = array<i32>} : memref<100x32xf32, #tpu.memory_space<vmem>>, vector<1x16xf32>,
      %get3A_4696 = vector.shape_cast %get3A_4695 : vector<1x16xf32> to vector<16xf32>
      %get3A_4697 = arith.constant 51 : i32
      %get3A_4698 = arith.index_cast %get3A_4697 : i32 to index
      %get3A_4699 = arith.constant 16 : index
      %get3A_4700 = tpu.vector_load %arg9[%get3A_4698, %get3A_4699] {strides = array<i32>} : memref<100x32xf32, #tpu.memory_space<vmem>>, vector<1x16xf32>,
      %get3A_4701 = vector.shape_cast %get3A_4700 : vector<1x16xf32> to vector<16xf32>
      %get3A_4702 = arith.constant 52 : i32
      %get3A_4703 = arith.index_cast %get3A_4702 : i32 to index
      %get3A_4704 = arith.constant 16 : index
      %get3A_4705 = tpu.vector_load %arg9[%get3A_4703, %get3A_4704] {strides = array<i32>} : memref<100x32xf32, #tpu.memory_space<vmem>>, vector<1x16xf32>,
      %get3A_4706 = vector.shape_cast %get3A_4705 : vector<1x16xf32> to vector<16xf32>
      %get3A_4707 = arith.constant 53 : i32
      %get3A_4708 = arith.index_cast %get3A_4707 : i32 to index
      %get3A_4709 = arith.constant 16 : index
      %get3A_4710 = tpu.vector_load %arg9[%get3A_4708, %get3A_4709] {strides = array<i32>} : memref<100x32xf32, #tpu.memory_space<vmem>>, vector<1x16xf32>,
      %get3A_4711 = vector.shape_cast %get3A_4710 : vector<1x16xf32> to vector<16xf32>
      %get3A_4712 = arith.constant 54 : i32
      %get3A_4713 = arith.index_cast %get3A_4712 : i32 to index
      %get3A_4714 = arith.constant 16 : index
      %get3A_4715 = tpu.vector_load %arg9[%get3A_4713, %get3A_4714] {strides = array<i32>} : memref<100x32xf32, #tpu.memory_space<vmem>>, vector<1x16xf32>,
      %get3A_4716 = vector.shape_cast %get3A_4715 : vector<1x16xf32> to vector<16xf32>
      %get3A_4717 = arith.constant 55 : i32
      %get3A_4718 = arith.index_cast %get3A_4717 : i32 to index
      %get3A_4719 = arith.constant 16 : index
      %get3A_4720 = tpu.vector_load %arg9[%get3A_4718, %get3A_4719] {strides = array<i32>} : memref<100x32xf32, #tpu.memory_space<vmem>>, vector<1x16xf32>,
      %get3A_4721 = vector.shape_cast %get3A_4720 : vector<1x16xf32> to vector<16xf32>
      %get3A_4722 = arith.constant 56 : i32
      %get3A_4723 = arith.index_cast %get3A_4722 : i32 to index
      %get3A_4724 = arith.constant 16 : index
      %get3A_4725 = tpu.vector_load %arg9[%get3A_4723, %get3A_4724] {strides = array<i32>} : memref<100x32xf32, #tpu.memory_space<vmem>>, vector<1x16xf32>,
      %get3A_4726 = vector.shape_cast %get3A_4725 : vector<1x16xf32> to vector<16xf32>
      %get3A_4727 = arith.constant 57 : i32
      %get3A_4728 = arith.index_cast %get3A_4727 : i32 to index
      %get3A_4729 = arith.constant 16 : index
      %get3A_4730 = tpu.vector_load %arg9[%get3A_4728, %get3A_4729] {strides = array<i32>} : memref<100x32xf32, #tpu.memory_space<vmem>>, vector<1x16xf32>,
      %get3A_4731 = vector.shape_cast %get3A_4730 : vector<1x16xf32> to vector<16xf32>
      %get3A_4732 = arith.constant 58 : i32
      %get3A_4733 = arith.index_cast %get3A_4732 : i32 to index
      %get3A_4734 = arith.constant 16 : index
      %get3A_4735 = tpu.vector_load %arg9[%get3A_4733, %get3A_4734] {strides = array<i32>} : memref<100x32xf32, #tpu.memory_space<vmem>>, vector<1x16xf32>,
      %get3A_4736 = vector.shape_cast %get3A_4735 : vector<1x16xf32> to vector<16xf32>
      %get3A_4737 = arith.constant 59 : i32
      %get3A_4738 = arith.index_cast %get3A_4737 : i32 to index
      %get3A_4739 = arith.constant 16 : index
      %get3A_4740 = tpu.vector_load %arg9[%get3A_4738, %get3A_4739] {strides = array<i32>} : memref<100x32xf32, #tpu.memory_space<vmem>>, vector<1x16xf32>,
      %get3A_4741 = vector.shape_cast %get3A_4740 : vector<1x16xf32> to vector<16xf32>
      %get3A_4742 = arith.constant 60 : i32
      %get3A_4743 = arith.index_cast %get3A_4742 : i32 to index
      %get3A_4744 = arith.constant 16 : index
      %get3A_4745 = tpu.vector_load %arg9[%get3A_4743, %get3A_4744] {strides = array<i32>} : memref<100x32xf32, #tpu.memory_space<vmem>>, vector<1x16xf32>,
      %get3A_4746 = vector.shape_cast %get3A_4745 : vector<1x16xf32> to vector<16xf32>
      %get3A_4747 = arith.constant 61 : i32
      %get3A_4748 = arith.index_cast %get3A_4747 : i32 to index
      %get3A_4749 = arith.constant 16 : index
      %get3A_4750 = tpu.vector_load %arg9[%get3A_4748, %get3A_4749] {strides = array<i32>} : memref<100x32xf32, #tpu.memory_space<vmem>>, vector<1x16xf32>,
      %get3A_4751 = vector.shape_cast %get3A_4750 : vector<1x16xf32> to vector<16xf32>
      %get3A_4752 = arith.constant 62 : i32
      %get3A_4753 = arith.index_cast %get3A_4752 : i32 to index
      %get3A_4754 = arith.constant 16 : index
      %get3A_4755 = tpu.vector_load %arg9[%get3A_4753, %get3A_4754] {strides = array<i32>} : memref<100x32xf32, #tpu.memory_space<vmem>>, vector<1x16xf32>,
      %get3A_4756 = vector.shape_cast %get3A_4755 : vector<1x16xf32> to vector<16xf32>
      %get3A_4757 = arith.constant 63 : i32
      %get3A_4758 = arith.index_cast %get3A_4757 : i32 to index
      %get3A_4759 = arith.constant 16 : index
      %get3A_4760 = tpu.vector_load %arg9[%get3A_4758, %get3A_4759] {strides = array<i32>} : memref<100x32xf32, #tpu.memory_space<vmem>>, vector<1x16xf32>,
      %get3A_4761 = vector.shape_cast %get3A_4760 : vector<1x16xf32> to vector<16xf32>
      %get3A_4762 = arith.constant 64 : i32
      %get3A_4763 = arith.index_cast %get3A_4762 : i32 to index
      %get3A_4764 = arith.constant 16 : index
      %get3A_4765 = tpu.vector_load %arg9[%get3A_4763, %get3A_4764] {strides = array<i32>} : memref<100x32xf32, #tpu.memory_space<vmem>>, vector<1x16xf32>,
      %get3A_4766 = vector.shape_cast %get3A_4765 : vector<1x16xf32> to vector<16xf32>
      %get3A_4767 = arith.constant 65 : i32
      %get3A_4768 = arith.index_cast %get3A_4767 : i32 to index
      %get3A_4769 = arith.constant 16 : index
      %get3A_4770 = tpu.vector_load %arg9[%get3A_4768, %get3A_4769] {strides = array<i32>} : memref<100x32xf32, #tpu.memory_space<vmem>>, vector<1x16xf32>,
      %get3A_4771 = vector.shape_cast %get3A_4770 : vector<1x16xf32> to vector<16xf32>
      %get3A_4772 = arith.constant 66 : i32
      %get3A_4773 = arith.index_cast %get3A_4772 : i32 to index
      %get3A_4774 = arith.constant 16 : index
      %get3A_4775 = tpu.vector_load %arg9[%get3A_4773, %get3A_4774] {strides = array<i32>} : memref<100x32xf32, #tpu.memory_space<vmem>>, vector<1x16xf32>,
      %get3A_4776 = vector.shape_cast %get3A_4775 : vector<1x16xf32> to vector<16xf32>
      %get3A_4777 = arith.constant 67 : i32
      %get3A_4778 = arith.index_cast %get3A_4777 : i32 to index
      %get3A_4779 = arith.constant 16 : index
      %get3A_4780 = tpu.vector_load %arg9[%get3A_4778, %get3A_4779] {strides = array<i32>} : memref<100x32xf32, #tpu.memory_space<vmem>>, vector<1x16xf32>,
      %get3A_4781 = vector.shape_cast %get3A_4780 : vector<1x16xf32> to vector<16xf32>
      %get3A_4782 = arith.constant 68 : i32
      %get3A_4783 = arith.index_cast %get3A_4782 : i32 to index
      %get3A_4784 = arith.constant 16 : index
      %get3A_4785 = tpu.vector_load %arg9[%get3A_4783, %get3A_4784] {strides = array<i32>} : memref<100x32xf32, #tpu.memory_space<vmem>>, vector<1x16xf32>,
      %get3A_4786 = vector.shape_cast %get3A_4785 : vector<1x16xf32> to vector<16xf32>
      %get3A_4787 = arith.constant 69 : i32
      %get3A_4788 = arith.index_cast %get3A_4787 : i32 to index
      %get3A_4789 = arith.constant 16 : index
      %get3A_4790 = tpu.vector_load %arg9[%get3A_4788, %get3A_4789] {strides = array<i32>} : memref<100x32xf32, #tpu.memory_space<vmem>>, vector<1x16xf32>,
      %get3A_4791 = vector.shape_cast %get3A_4790 : vector<1x16xf32> to vector<16xf32>
      %get3A_4792 = arith.constant 70 : i32
      %get3A_4793 = arith.index_cast %get3A_4792 : i32 to index
      %get3A_4794 = arith.constant 16 : index
      %get3A_4795 = tpu.vector_load %arg9[%get3A_4793, %get3A_4794] {strides = array<i32>} : memref<100x32xf32, #tpu.memory_space<vmem>>, vector<1x16xf32>,
      %get3A_4796 = vector.shape_cast %get3A_4795 : vector<1x16xf32> to vector<16xf32>
      %get3A_4797 = arith.constant 71 : i32
      %get3A_4798 = arith.index_cast %get3A_4797 : i32 to index
      %get3A_4799 = arith.constant 16 : index
      %get3A_4800 = tpu.vector_load %arg9[%get3A_4798, %get3A_4799] {strides = array<i32>} : memref<100x32xf32, #tpu.memory_space<vmem>>, vector<1x16xf32>,
      %get3A_4801 = vector.shape_cast %get3A_4800 : vector<1x16xf32> to vector<16xf32>
      %get3A_4802 = arith.constant 72 : i32
      %get3A_4803 = arith.index_cast %get3A_4802 : i32 to index
      %get3A_4804 = arith.constant 16 : index
      %get3A_4805 = tpu.vector_load %arg9[%get3A_4803, %get3A_4804] {strides = array<i32>} : memref<100x32xf32, #tpu.memory_space<vmem>>, vector<1x16xf32>,
      %get3A_4806 = vector.shape_cast %get3A_4805 : vector<1x16xf32> to vector<16xf32>
      %get3A_4807 = arith.constant 73 : i32
      %get3A_4808 = arith.index_cast %get3A_4807 : i32 to index
      %get3A_4809 = arith.constant 16 : index
      %get3A_4810 = tpu.vector_load %arg9[%get3A_4808, %get3A_4809] {strides = array<i32>} : memref<100x32xf32, #tpu.memory_space<vmem>>, vector<1x16xf32>,
      %get3A_4811 = vector.shape_cast %get3A_4810 : vector<1x16xf32> to vector<16xf32>
      %get3A_4812 = arith.constant 74 : i32
      %get3A_4813 = arith.index_cast %get3A_4812 : i32 to index
      %get3A_4814 = arith.constant 16 : index
      %get3A_4815 = tpu.vector_load %arg9[%get3A_4813, %get3A_4814] {strides = array<i32>} : memref<100x32xf32, #tpu.memory_space<vmem>>, vector<1x16xf32>,
      %get3A_4816 = vector.shape_cast %get3A_4815 : vector<1x16xf32> to vector<16xf32>
      %get3A_4817 = arith.constant 75 : i32
      %get3A_4818 = arith.index_cast %get3A_4817 : i32 to index
      %get3A_4819 = arith.constant 16 : index
      %get3A_4820 = tpu.vector_load %arg9[%get3A_4818, %get3A_4819] {strides = array<i32>} : memref<100x32xf32, #tpu.memory_space<vmem>>, vector<1x16xf32>,
      %get3A_4821 = vector.shape_cast %get3A_4820 : vector<1x16xf32> to vector<16xf32>
      %get3A_4822 = arith.constant 76 : i32
      %get3A_4823 = arith.index_cast %get3A_4822 : i32 to index
      %get3A_4824 = arith.constant 16 : index
      %get3A_4825 = tpu.vector_load %arg9[%get3A_4823, %get3A_4824] {strides = array<i32>} : memref<100x32xf32, #tpu.memory_space<vmem>>, vector<1x16xf32>,
      %get3A_4826 = vector.shape_cast %get3A_4825 : vector<1x16xf32> to vector<16xf32>
      %get3A_4827 = arith.constant 77 : i32
      %get3A_4828 = arith.index_cast %get3A_4827 : i32 to index
      %get3A_4829 = arith.constant 16 : index
      %get3A_4830 = tpu.vector_load %arg9[%get3A_4828, %get3A_4829] {strides = array<i32>} : memref<100x32xf32, #tpu.memory_space<vmem>>, vector<1x16xf32>,
      %get3A_4831 = vector.shape_cast %get3A_4830 : vector<1x16xf32> to vector<16xf32>
      %get3A_4832 = arith.constant 78 : i32
      %get3A_4833 = arith.index_cast %get3A_4832 : i32 to index
      %get3A_4834 = arith.constant 16 : index
      %get3A_4835 = tpu.vector_load %arg9[%get3A_4833, %get3A_4834] {strides = array<i32>} : memref<100x32xf32, #tpu.memory_space<vmem>>, vector<1x16xf32>,
      %get3A_4836 = vector.shape_cast %get3A_4835 : vector<1x16xf32> to vector<16xf32>
      %get3A_4837 = arith.constant 79 : i32
      %get3A_4838 = arith.index_cast %get3A_4837 : i32 to index
      %get3A_4839 = arith.constant 16 : index
      %get3A_4840 = tpu.vector_load %arg9[%get3A_4838, %get3A_4839] {strides = array<i32>} : memref<100x32xf32, #tpu.memory_space<vmem>>, vector<1x16xf32>,
      %get3A_4841 = vector.shape_cast %get3A_4840 : vector<1x16xf32> to vector<16xf32>
      %get3A_4842 = arith.constant 80 : i32
      %get3A_4843 = arith.index_cast %get3A_4842 : i32 to index
      %get3A_4844 = arith.constant 16 : index
      %get3A_4845 = tpu.vector_load %arg9[%get3A_4843, %get3A_4844] {strides = array<i32>} : memref<100x32xf32, #tpu.memory_space<vmem>>, vector<1x16xf32>,
      %get3A_4846 = vector.shape_cast %get3A_4845 : vector<1x16xf32> to vector<16xf32>
      %get3A_4847 = arith.constant 81 : i32
      %get3A_4848 = arith.index_cast %get3A_4847 : i32 to index
      %get3A_4849 = arith.constant 16 : index
      %get3A_4850 = tpu.vector_load %arg9[%get3A_4848, %get3A_4849] {strides = array<i32>} : memref<100x32xf32, #tpu.memory_space<vmem>>, vector<1x16xf32>,
      %get3A_4851 = vector.shape_cast %get3A_4850 : vector<1x16xf32> to vector<16xf32>
      %get3A_4852 = arith.constant 82 : i32
      %get3A_4853 = arith.index_cast %get3A_4852 : i32 to index
      %get3A_4854 = arith.constant 16 : index
      %get3A_4855 = tpu.vector_load %arg9[%get3A_4853, %get3A_4854] {strides = array<i32>} : memref<100x32xf32, #tpu.memory_space<vmem>>, vector<1x16xf32>,
      %get3A_4856 = vector.shape_cast %get3A_4855 : vector<1x16xf32> to vector<16xf32>
      %get3A_4857 = arith.constant 83 : i32
      %get3A_4858 = arith.index_cast %get3A_4857 : i32 to index
      %get3A_4859 = arith.constant 16 : index
      %get3A_4860 = tpu.vector_load %arg9[%get3A_4858, %get3A_4859] {strides = array<i32>} : memref<100x32xf32, #tpu.memory_space<vmem>>, vector<1x16xf32>,
      %get3A_4861 = vector.shape_cast %get3A_4860 : vector<1x16xf32> to vector<16xf32>
      %get3A_4862 = arith.constant 84 : i32
      %get3A_4863 = arith.index_cast %get3A_4862 : i32 to index
      %get3A_4864 = arith.constant 16 : index
      %get3A_4865 = tpu.vector_load %arg9[%get3A_4863, %get3A_4864] {strides = array<i32>} : memref<100x32xf32, #tpu.memory_space<vmem>>, vector<1x16xf32>,
      %get3A_4866 = vector.shape_cast %get3A_4865 : vector<1x16xf32> to vector<16xf32>
      %get3A_4867 = arith.constant 85 : i32
      %get3A_4868 = arith.index_cast %get3A_4867 : i32 to index
      %get3A_4869 = arith.constant 16 : index
      %get3A_4870 = tpu.vector_load %arg9[%get3A_4868, %get3A_4869] {strides = array<i32>} : memref<100x32xf32, #tpu.memory_space<vmem>>, vector<1x16xf32>,
      %get3A_4871 = vector.shape_cast %get3A_4870 : vector<1x16xf32> to vector<16xf32>
      %get3A_4872 = arith.constant 86 : i32
      %get3A_4873 = arith.index_cast %get3A_4872 : i32 to index
      %get3A_4874 = arith.constant 16 : index
      %get3A_4875 = tpu.vector_load %arg9[%get3A_4873, %get3A_4874] {strides = array<i32>} : memref<100x32xf32, #tpu.memory_space<vmem>>, vector<1x16xf32>,
      %get3A_4876 = vector.shape_cast %get3A_4875 : vector<1x16xf32> to vector<16xf32>
      %get3A_4877 = arith.constant 87 : i32
      %get3A_4878 = arith.index_cast %get3A_4877 : i32 to index
      %get3A_4879 = arith.constant 16 : index
      %get3A_4880 = tpu.vector_load %arg9[%get3A_4878, %get3A_4879] {strides = array<i32>} : memref<100x32xf32, #tpu.memory_space<vmem>>, vector<1x16xf32>,
      %get3A_4881 = vector.shape_cast %get3A_4880 : vector<1x16xf32> to vector<16xf32>
      %get3A_4882 = arith.constant 88 : i32
      %get3A_4883 = arith.index_cast %get3A_4882 : i32 to index
      %get3A_4884 = arith.constant 16 : index
      %get3A_4885 = tpu.vector_load %arg9[%get3A_4883, %get3A_4884] {strides = array<i32>} : memref<100x32xf32, #tpu.memory_space<vmem>>, vector<1x16xf32>,
      %get3A_4886 = vector.shape_cast %get3A_4885 : vector<1x16xf32> to vector<16xf32>
      %get3A_4887 = arith.constant 89 : i32
      %get3A_4888 = arith.index_cast %get3A_4887 : i32 to index
      %get3A_4889 = arith.constant 16 : index
      %get3A_4890 = tpu.vector_load %arg9[%get3A_4888, %get3A_4889] {strides = array<i32>} : memref<100x32xf32, #tpu.memory_space<vmem>>, vector<1x16xf32>,
      %get3A_4891 = vector.shape_cast %get3A_4890 : vector<1x16xf32> to vector<16xf32>
      %get3A_4892 = arith.constant 90 : i32
      %get3A_4893 = arith.index_cast %get3A_4892 : i32 to index
      %get3A_4894 = arith.constant 16 : index
      %get3A_4895 = tpu.vector_load %arg9[%get3A_4893, %get3A_4894] {strides = array<i32>} : memref<100x32xf32, #tpu.memory_space<vmem>>, vector<1x16xf32>,
      %get3A_4896 = vector.shape_cast %get3A_4895 : vector<1x16xf32> to vector<16xf32>
      %get3A_4897 = arith.constant 91 : i32
      %get3A_4898 = arith.index_cast %get3A_4897 : i32 to index
      %get3A_4899 = arith.constant 16 : index
      %get3A_4900 = tpu.vector_load %arg9[%get3A_4898, %get3A_4899] {strides = array<i32>} : memref<100x32xf32, #tpu.memory_space<vmem>>, vector<1x16xf32>,
      %get3A_4901 = vector.shape_cast %get3A_4900 : vector<1x16xf32> to vector<16xf32>
      %get3A_4902 = arith.constant 92 : i32
      %get3A_4903 = arith.index_cast %get3A_4902 : i32 to index
      %get3A_4904 = arith.constant 16 : index
      %get3A_4905 = tpu.vector_load %arg9[%get3A_4903, %get3A_4904] {strides = array<i32>} : memref<100x32xf32, #tpu.memory_space<vmem>>, vector<1x16xf32>,
      %get3A_4906 = vector.shape_cast %get3A_4905 : vector<1x16xf32> to vector<16xf32>
      %get3A_4907 = arith.constant 93 : i32
      %get3A_4908 = arith.index_cast %get3A_4907 : i32 to index
      %get3A_4909 = arith.constant 16 : index
      %get3A_4910 = tpu.vector_load %arg9[%get3A_4908, %get3A_4909] {strides = array<i32>} : memref<100x32xf32, #tpu.memory_space<vmem>>, vector<1x16xf32>,
      %get3A_4911 = vector.shape_cast %get3A_4910 : vector<1x16xf32> to vector<16xf32>
      %get3A_4912 = arith.constant 94 : i32
      %get3A_4913 = arith.index_cast %get3A_4912 : i32 to index
      %get3A_4914 = arith.constant 16 : index
      %get3A_4915 = tpu.vector_load %arg9[%get3A_4913, %get3A_4914] {strides = array<i32>} : memref<100x32xf32, #tpu.memory_space<vmem>>, vector<1x16xf32>,
      %get3A_4916 = vector.shape_cast %get3A_4915 : vector<1x16xf32> to vector<16xf32>
      %get3A_4917 = arith.constant 95 : i32
      %get3A_4918 = arith.index_cast %get3A_4917 : i32 to index
      %get3A_4919 = arith.constant 16 : index
      %get3A_4920 = tpu.vector_load %arg9[%get3A_4918, %get3A_4919] {strides = array<i32>} : memref<100x32xf32, #tpu.memory_space<vmem>>, vector<1x16xf32>,
      %get3A_4921 = vector.shape_cast %get3A_4920 : vector<1x16xf32> to vector<16xf32>
      %get3A_4922 = arith.constant 96 : i32
      %get3A_4923 = arith.index_cast %get3A_4922 : i32 to index
      %get3A_4924 = arith.constant 16 : index
      %get3A_4925 = tpu.vector_load %arg9[%get3A_4923, %get3A_4924] {strides = array<i32>} : memref<100x32xf32, #tpu.memory_space<vmem>>, vector<1x16xf32>,
      %get3A_4926 = vector.shape_cast %get3A_4925 : vector<1x16xf32> to vector<16xf32>
      %get3A_4927 = arith.constant 97 : i32
      %get3A_4928 = arith.index_cast %get3A_4927 : i32 to index
      %get3A_4929 = arith.constant 16 : index
      %get3A_4930 = tpu.vector_load %arg9[%get3A_4928, %get3A_4929] {strides = array<i32>} : memref<100x32xf32, #tpu.memory_space<vmem>>, vector<1x16xf32>,
      %get3A_4931 = vector.shape_cast %get3A_4930 : vector<1x16xf32> to vector<16xf32>
      %get3A_4932 = arith.constant 98 : i32
      %get3A_4933 = arith.index_cast %get3A_4932 : i32 to index
      %get3A_4934 = arith.constant 16 : index
      %get3A_4935 = tpu.vector_load %arg9[%get3A_4933, %get3A_4934] {strides = array<i32>} : memref<100x32xf32, #tpu.memory_space<vmem>>, vector<1x16xf32>,
      %get3A_4936 = vector.shape_cast %get3A_4935 : vector<1x16xf32> to vector<16xf32>
      %get3A_4937 = arith.constant 99 : i32
      %get3A_4938 = arith.index_cast %get3A_4937 : i32 to index
      %get3A_4939 = arith.constant 16 : index
      %get3A_4940 = tpu.vector_load %arg9[%get3A_4938, %get3A_4939] {strides = array<i32>} : memref<100x32xf32, #tpu.memory_space<vmem>>, vector<1x16xf32>,
      %get3A_4941 = vector.shape_cast %get3A_4940 : vector<1x16xf32> to vector<16xf32>
      %add3A_4942 = arith.addf %get3A_4696, %get3A_4701 : vector<16xf32>
      %add3A_4943 = arith.addf %get3A_4706, %get3A_4711 : vector<16xf32>
      %add3A_4944 = arith.addf %get3A_4716, %get3A_4721 : vector<16xf32>
      %add3A_4945 = arith.addf %get3A_4726, %get3A_4731 : vector<16xf32>
      %add3A_4946 = arith.addf %get3A_4736, %get3A_4741 : vector<16xf32>
      %add3A_4947 = arith.addf %get3A_4746, %get3A_4751 : vector<16xf32>
      %add3A_4948 = arith.addf %get3A_4756, %get3A_4761 : vector<16xf32>
      %add3A_4949 = arith.addf %get3A_4766, %get3A_4771 : vector<16xf32>
      %add3A_4950 = arith.addf %get3A_4776, %get3A_4781 : vector<16xf32>
      %add3A_4951 = arith.addf %get3A_4786, %get3A_4791 : vector<16xf32>
      %add3A_4952 = arith.addf %get3A_4796, %get3A_4801 : vector<16xf32>
      %add3A_4953 = arith.addf %get3A_4806, %get3A_4811 : vector<16xf32>
      %add3A_4954 = arith.addf %get3A_4816, %get3A_4821 : vector<16xf32>
      %add3A_4955 = arith.addf %get3A_4826, %get3A_4831 : vector<16xf32>
      %add3A_4956 = arith.addf %get3A_4836, %get3A_4841 : vector<16xf32>
      %add3A_4957 = arith.addf %get3A_4846, %get3A_4851 : vector<16xf32>
      %add3A_4958 = arith.addf %get3A_4856, %get3A_4861 : vector<16xf32>
      %add3A_4959 = arith.addf %get3A_4866, %get3A_4871 : vector<16xf32>
      %add3A_4960 = arith.addf %get3A_4876, %get3A_4881 : vector<16xf32>
      %add3A_4961 = arith.addf %get3A_4886, %get3A_4891 : vector<16xf32>
      %add3A_4962 = arith.addf %get3A_4896, %get3A_4901 : vector<16xf32>
      %add3A_4963 = arith.addf %get3A_4906, %get3A_4911 : vector<16xf32>
      %add3A_4964 = arith.addf %get3A_4916, %get3A_4921 : vector<16xf32>
      %add3A_4965 = arith.addf %get3A_4926, %get3A_4931 : vector<16xf32>
      %add3A_4966 = arith.addf %get3A_4936, %get3A_4941 : vector<16xf32>
      %add3A_4967 = arith.addf %add3A_4942, %add3A_4943 : vector<16xf32>
      %add3A_4968 = arith.addf %add3A_4944, %add3A_4945 : vector<16xf32>
      %add3A_4969 = arith.addf %add3A_4946, %add3A_4947 : vector<16xf32>
      %add3A_4970 = arith.addf %add3A_4948, %add3A_4949 : vector<16xf32>
      %add3A_4971 = arith.addf %add3A_4950, %add3A_4951 : vector<16xf32>
      %add3A_4972 = arith.addf %add3A_4952, %add3A_4953 : vector<16xf32>
      %add3A_4973 = arith.addf %add3A_4954, %add3A_4955 : vector<16xf32>
      %add3A_4974 = arith.addf %add3A_4956, %add3A_4957 : vector<16xf32>
      %add3A_4975 = arith.addf %add3A_4958, %add3A_4959 : vector<16xf32>
      %add3A_4976 = arith.addf %add3A_4960, %add3A_4961 : vector<16xf32>
      %add3A_4977 = arith.addf %add3A_4962, %add3A_4963 : vector<16xf32>
      %add3A_4978 = arith.addf %add3A_4964, %add3A_4965 : vector<16xf32>
      %add3A_4979 = arith.addf %add3A_4967, %add3A_4968 : vector<16xf32>
      %add3A_4980 = arith.addf %add3A_4969, %add3A_4970 : vector<16xf32>
      %add3A_4981 = arith.addf %add3A_4971, %add3A_4972 : vector<16xf32>
      %add3A_4982 = arith.addf %add3A_4973, %add3A_4974 : vector<16xf32>
      %add3A_4983 = arith.addf %add3A_4975, %add3A_4976 : vector<16xf32>
      %add3A_4984 = arith.addf %add3A_4977, %add3A_4978 : vector<16xf32>
      %add3A_4985 = arith.addf %add3A_4979, %add3A_4980 : vector<16xf32>
      %add3A_4986 = arith.addf %add3A_4981, %add3A_4982 : vector<16xf32>
      %add3A_4987 = arith.addf %add3A_4983, %add3A_4984 : vector<16xf32>
      %add3A_4988 = arith.addf %add3A_4985, %add3A_4986 : vector<16xf32>
      %add3A_4989 = arith.addf %add3A_4987, %add3A_4966 : vector<16xf32>
      %add3A_4990 = arith.addf %add3A_4988, %add3A_4989 : vector<16xf32>
      %swap3A_4991 = arith.index_cast %add3A_4387 : i32 to index
      %swap3A_4992 = arith.constant 16 : index
      %swap3A_4993 = tpu.vector_load %arg10[%swap3A_4991, %swap3A_4992] {strides = array<i32>} : memref<512x32xf32, #tpu.memory_space<vmem>>, vector<1x16xf32>,
      %swap3A_4994 = vector.shape_cast %swap3A_4993 : vector<1x16xf32> to vector<16xf32>
      %swap3A_4995 = vector.shape_cast %add3A_4990 : vector<16xf32> to vector<1x16xf32>
      tpu.vector_store %arg10[%swap3A_4991, %swap3A_4992], %swap3A_4995 {strides = array<i32>} : memref<512x32xf32, #tpu.memory_space<vmem>>, vector<1x16xf32>,
      %add3A_4996 = arith.constant 3 : i32
      %add3A_4997 = arith.addi %add3A_38, %add3A_4996 : i32
      %add3A_4998 = arith.constant 4 : i32
      %add3A_4999 = arith.addi %add3A_4997, %add3A_4998 : i32
      %lt3A_5000 = arith.constant 256 : i32
      %lt3A_5001 = arith.cmpi slt, %add3A_4999, %lt3A_5000 : i32
      %convert_element_type3A_5002 = arith.extui %lt3A_5001 : i1 to i32
      %cond3A_5003 = arith.constant 0 : i32
      %cond3A_5004 = arith.cmpi ne, %convert_element_type3A_5002, %cond3A_5003 : i32
      scf.if %cond3A_5004 {
        %add3A_5005 = arith.constant 3 : i32
        %add3A_5006 = arith.addi %add3A_38, %add3A_5005 : i32
        %add3A_5007 = arith.constant 4 : i32
        %add3A_5008 = arith.addi %add3A_5006, %add3A_5007 : i32
        %dma_start3A_5009 = arith.constant 0 : i32
        %dma_start3A_5010 = tpu.memref_slice %arg5[%add3A_5008, %dma_start3A_5009] : memref<256x100xi32, #tpu.memory_space<vmem>> -> memref<1x100xi32, #tpu.memory_space<vmem>>
        %dma_start3A_5011 = tpu.memref_squeeze %dma_start3A_5010 : memref<1x100xi32, #tpu.memory_space<vmem>> -> memref<100xi32, #tpu.memory_space<vmem>>
        %dma_start3A_5012 = arith.constant 0 : i32
        %dma_start3A_5013 = arith.constant 0 : i32
        %dma_start3A_5014 = tpu.memref_slice %arg3[%dma_start3A_5012, %dma_start3A_5013] : memref<1015808x32xf32, #tpu.memory_space<hbm>> -> memref<1015808x32xf32, #tpu.memory_space<hbm>>
        tpu.enqueue_indirect_dma source(%dma_start3A_5014 : memref<1015808x32xf32, #tpu.memory_space<hbm>>) target(%arg9 : memref<100x32xf32, #tpu.memory_space<vmem>>) offsets(%dma_start3A_5011 : memref<100xi32, #tpu.memory_space<vmem>>) semaphore(%arg14 : memref<!tpu.dma_semaphore, #tpu.memory_space<semaphore_mem>>)
      } else {
      }
    }
    %scan3A_31 = arith.constant 64 : i32
    %mul3A_32 = arith.constant 512 : i32
    %mul3A_33 = arith.muli %add3A, %mul3A_32 : i32
    "tpu.region"() ({
      %run_scoped3A = tpu.sem_alloc : memref<!tpu.dma_semaphore, #tpu.memory_space<semaphore_mem>>
      %dma_start3A_34 = arith.constant 0 : i32
      %dma_start3A_35 = tpu.memref_slice %arg4[%mul3A_33, %dma_start3A_34] : memref<16384x32xf32, #tpu.memory_space<hbm>> -> memref<512x32xf32, #tpu.memory_space<hbm>>
      %dma_start3A_36 = arith.constant 0 : i32
      %dma_start3A_37 = tpu.memref_slice %arg4[%mul3A_33, %dma_start3A_36] : memref<16384x32xf32, #tpu.memory_space<hbm>> -> memref<512x32xf32, #tpu.memory_space<hbm>>
      tpu.enqueue_dma source(%arg10 : memref<512x32xf32, #tpu.memory_space<vmem>>) target(%dma_start3A_37 : memref<512x32xf32, #tpu.memory_space<hbm>>) target_semaphore(%run_scoped3A : memref<!tpu.dma_semaphore, #tpu.memory_space<semaphore_mem>>)
      %dma_wait3A = arith.constant 0 : i32
      %dma_wait3A_38 = tpu.memref_slice %arg4[%mul3A_33, %dma_wait3A] : memref<16384x32xf32, #tpu.memory_space<hbm>> -> memref<512x32xf32, #tpu.memory_space<hbm>>
      %dma_wait3A_39 = arith.constant 0 : i32
      %dma_wait3A_40 = tpu.memref_slice %arg4[%mul3A_33, %dma_wait3A_39] : memref<16384x32xf32, #tpu.memory_space<hbm>> -> memref<512x32xf32, #tpu.memory_space<hbm>>
      tpu.wait_dma2 semaphore(%run_scoped3A : memref<!tpu.dma_semaphore, #tpu.memory_space<semaphore_mem>>) src(%arg10 : memref<512x32xf32, #tpu.memory_space<vmem>>) dst(%dma_wait3A_40 : memref<512x32xf32, #tpu.memory_space<hbm>>)
      tpu.yield
    }) : () -> ()
    return
  }
}

module attributes {stable_mosaic.version = 14 : i64} {
  func.func @_tp_body(%arg0: i32, %arg1: memref<32x4096xf32, #tpu.memory_space<vmem>>, %arg2: memref<32x4096xf32, #tpu.memory_space<vmem>>, %arg3: memref<32x4096xf32, #tpu.memory_space<vmem>>, %arg4: memref<32x4096xf32, #tpu.memory_space<vmem>>, %arg5: memref<32x512xf32, #tpu.memory_space<vmem>>, %arg6: memref<32x512xf32, #tpu.memory_space<vmem>>, %arg7: memref<4096x128xf32, #tpu.memory_space<vmem>>) attributes {dimension_semantics = [#tpu.dimension_semantics<arbitrary>], iteration_bounds = array<i64: 62>, scalar_prefetch = 0 : i64, scratch_operands = 0 : i64, tpu.core_type = #tpu.core_type<tc>, window_params = [{transform_indices = @transform_0, window_bounds = array<i64: 32, 4096>}, {transform_indices = @transform_1, window_bounds = array<i64: 32, 4096>}, {transform_indices = @transform_2, window_bounds = array<i64: 32, 4096>}, {transform_indices = @transform_3, window_bounds = array<i64: 32, 4096>}, {transform_indices = @transform_4, window_bounds = array<i64: 32, 512>}, {transform_indices = @transform_5, window_bounds = array<i64: 32, 512>}, {transform_indices = @transform_6, window_bounds = array<i64: 4096, 128>}]} {
    %lt3A = arith.constant 61 : i32
    %lt3A_0 = arith.cmpi slt, %arg0, %lt3A : i32
    %convert_element_type3A = arith.extui %lt3A_0 : i1 to i32
    %cond3A = arith.constant 0 : i32
    %cond3A_1 = arith.cmpi ne, %convert_element_type3A, %cond3A : i32
    scf.if %cond3A_1 {
      %get3A = arith.constant 0 : index
      %get3A_6 = arith.constant 0 : index
      %get3A_7 = vector.load %arg1[%get3A, %get3A_6] : memref<32x4096xf32, #tpu.memory_space<vmem>>, vector<32x4096xf32>
      %transpose3A = tpu.transpose %get3A_7, [1, 0] : vector<32x4096xf32> -> vector<4096x32xf32>
      %get3A_8 = arith.constant 0 : index
      %get3A_9 = arith.constant 0 : index
      %get3A_10 = vector.load %arg2[%get3A_8, %get3A_9] : memref<32x4096xf32, #tpu.memory_space<vmem>>, vector<32x4096xf32>
      %transpose3A_11 = tpu.transpose %get3A_10, [1, 0] : vector<32x4096xf32> -> vector<4096x32xf32>
      %get3A_12 = arith.constant 0 : index
      %get3A_13 = arith.constant 0 : index
      %get3A_14 = vector.load %arg3[%get3A_12, %get3A_13] : memref<32x4096xf32, #tpu.memory_space<vmem>>, vector<32x4096xf32>
      %transpose3A_15 = tpu.transpose %get3A_14, [1, 0] : vector<32x4096xf32> -> vector<4096x32xf32>
      %get3A_16 = arith.constant 0 : index
      %get3A_17 = arith.constant 0 : index
      %get3A_18 = vector.load %arg4[%get3A_16, %get3A_17] : memref<32x4096xf32, #tpu.memory_space<vmem>>, vector<32x4096xf32>
      %transpose3A_19 = tpu.transpose %get3A_18, [1, 0] : vector<32x4096xf32> -> vector<4096x32xf32>
      %concatenate3A = tpu.concatenate %transpose3A, %transpose3A_11, %transpose3A_15, %transpose3A_19 in 1 : vector<4096x32xf32>, vector<4096x32xf32>, vector<4096x32xf32>, vector<4096x32xf32> -> vector<4096x128xf32>
      %swap3A = arith.constant 0 : index
      %swap3A_20 = arith.constant 0 : index
      %swap3A_21 = vector.load %arg7[%swap3A, %swap3A_20] : memref<4096x128xf32, #tpu.memory_space<vmem>>, vector<4096x128xf32>
      tpu.vector_store %arg7[%swap3A, %swap3A_20], %concatenate3A {strides = array<i32>} : memref<4096x128xf32, #tpu.memory_space<vmem>>, vector<4096x128xf32>,
    } else {
    }
    %eq3A = arith.constant 61 : i32
    %eq3A_2 = arith.cmpi eq, %arg0, %eq3A : i32
    %convert_element_type3A_3 = arith.extui %eq3A_2 : i1 to i32
    %cond3A_4 = arith.constant 0 : i32
    %cond3A_5 = arith.cmpi ne, %convert_element_type3A_3, %cond3A_4 : i32
    scf.if %cond3A_5 {
      %get3A = arith.constant 0 : index
      %get3A_6 = arith.constant 0 : index
      %get3A_7 = vector.load %arg5[%get3A, %get3A_6] : memref<32x512xf32, #tpu.memory_space<vmem>>, vector<32x512xf32>
      %transpose3A = tpu.transpose %get3A_7, [1, 0] : vector<32x512xf32> -> vector<512x32xf32>
      %get3A_8 = arith.constant 0 : index
      %get3A_9 = arith.constant 0 : index
      %get3A_10 = vector.load %arg6[%get3A_8, %get3A_9] : memref<32x512xf32, #tpu.memory_space<vmem>>, vector<32x512xf32>
      %transpose3A_11 = tpu.transpose %get3A_10, [1, 0] : vector<32x512xf32> -> vector<512x32xf32>
      %broadcast_in_dim3A = arith.constant 0.000000e+00 : f32
      %broadcast_in_dim3A_12 = vector.broadcast %broadcast_in_dim3A : f32 to vector<512x64xf32>
      %concatenate3A = tpu.concatenate %transpose3A, %transpose3A_11, %broadcast_in_dim3A_12 in 1 : vector<512x32xf32>, vector<512x32xf32>, vector<512x64xf32> -> vector<512x128xf32>
      %broadcast_in_dim3A_13 = arith.constant 0.000000e+00 : f32
      %broadcast_in_dim3A_14 = vector.broadcast %broadcast_in_dim3A_13 : f32 to vector<3584x128xf32>
      %concatenate3A_15 = tpu.concatenate %concatenate3A, %broadcast_in_dim3A_14 in 0 : vector<512x128xf32>, vector<3584x128xf32> -> vector<4096x128xf32>
      %swap3A = arith.constant 0 : index
      %swap3A_16 = arith.constant 0 : index
      %swap3A_17 = vector.load %arg7[%swap3A, %swap3A_16] : memref<4096x128xf32, #tpu.memory_space<vmem>>, vector<4096x128xf32>
      tpu.vector_store %arg7[%swap3A, %swap3A_16], %concatenate3A_15 {strides = array<i32>} : memref<4096x128xf32, #tpu.memory_space<vmem>>, vector<4096x128xf32>,
    } else {
    }
    return
  }
  func.func @transform_0(%arg0: i32) -> (i32, i32) {
    %mul3A = arith.constant 4 : i32
    %mul3A_0 = arith.muli %mul3A, %arg0 : i32
    %add3A = arith.constant 0 : i32
    %add3A_1 = arith.addi %mul3A_0, %add3A : i32
    %min3A = arith.constant 243 : i32
    %min3A_2 = arith.minsi %add3A_1, %min3A : i32
    %c0_i32 = arith.constant 0 : i32
    %c0_i32_3 = arith.constant 0 : i32
    return %c0_i32, %min3A_2 : i32, i32
  }
  func.func @transform_1(%arg0: i32) -> (i32, i32) {
    %mul3A = arith.constant 4 : i32
    %mul3A_0 = arith.muli %mul3A, %arg0 : i32
    %add3A = arith.constant 1 : i32
    %add3A_1 = arith.addi %mul3A_0, %add3A : i32
    %min3A = arith.constant 243 : i32
    %min3A_2 = arith.minsi %add3A_1, %min3A : i32
    %c0_i32 = arith.constant 0 : i32
    %c0_i32_3 = arith.constant 0 : i32
    return %c0_i32, %min3A_2 : i32, i32
  }
  func.func @transform_2(%arg0: i32) -> (i32, i32) {
    %mul3A = arith.constant 4 : i32
    %mul3A_0 = arith.muli %mul3A, %arg0 : i32
    %add3A = arith.constant 2 : i32
    %add3A_1 = arith.addi %mul3A_0, %add3A : i32
    %min3A = arith.constant 243 : i32
    %min3A_2 = arith.minsi %add3A_1, %min3A : i32
    %c0_i32 = arith.constant 0 : i32
    %c0_i32_3 = arith.constant 0 : i32
    return %c0_i32, %min3A_2 : i32, i32
  }
  func.func @transform_3(%arg0: i32) -> (i32, i32) {
    %mul3A = arith.constant 4 : i32
    %mul3A_0 = arith.muli %mul3A, %arg0 : i32
    %add3A = arith.constant 3 : i32
    %add3A_1 = arith.addi %mul3A_0, %add3A : i32
    %min3A = arith.constant 243 : i32
    %min3A_2 = arith.minsi %add3A_1, %min3A : i32
    %c0_i32 = arith.constant 0 : i32
    %c0_i32_3 = arith.constant 0 : i32
    return %c0_i32, %min3A_2 : i32, i32
  }
  func.func @transform_4(%arg0: i32) -> (i32, i32) {
    %c0_i32 = arith.constant 0 : i32
    %c1952_i32 = arith.constant 1952 : i32
    %c0_i32_0 = arith.constant 0 : i32
    return %c0_i32, %c1952_i32 : i32, i32
  }
  func.func @transform_5(%arg0: i32) -> (i32, i32) {
    %c0_i32 = arith.constant 0 : i32
    %c1953_i32 = arith.constant 1953 : i32
    %c0_i32_0 = arith.constant 0 : i32
    return %c0_i32, %c1953_i32 : i32, i32
  }
  func.func @transform_6(%arg0: i32) -> (i32, i32) {
    %c0_i32 = arith.constant 0 : i32
    %c0_i32_0 = arith.constant 0 : i32
    return %arg0, %c0_i32 : i32, i32
  }
}

module attributes {stable_mosaic.version = 14 : i64} {
  func.func @_mm_body(%arg0: i32, %arg1: memref<1000x32xf32, #tpu.memory_space<vmem>>, %arg2: memref<512x32xf32, #tpu.memory_space<vmem>>, %arg3: memref<1000x1xf32, #tpu.memory_space<vmem>>, %arg4: memref<1000x512xf32, #tpu.memory_space<vmem>>) attributes {dimension_semantics = [#tpu.dimension_semantics<arbitrary>], iteration_bounds = array<i64: 32>, scalar_prefetch = 0 : i64, scratch_operands = 0 : i64, tpu.core_type = #tpu.core_type<tc>, window_params = [{pipeline_mode = #tpu.pipeline_mode<synchronous>, transform_indices = @transform_0, window_bounds = array<i64: 1000, 32>}, {transform_indices = @transform_1, window_bounds = array<i64: 512, 32>}, {pipeline_mode = #tpu.pipeline_mode<synchronous>, transform_indices = @transform_2, window_bounds = array<i64: 1000, 1>}, {transform_indices = @transform_3, window_bounds = array<i64: 1000, 512>}]} {
    %get3A = arith.constant 0 : index
    %get3A_0 = arith.constant 0 : index
    %get3A_1 = vector.load %arg1[%get3A, %get3A_0] : memref<1000x32xf32, #tpu.memory_space<vmem>>, vector<1000x32xf32>
    %get3A_2 = arith.constant 0 : index
    %get3A_3 = arith.constant 0 : index
    %get3A_4 = vector.load %arg2[%get3A_2, %get3A_3] : memref<512x32xf32, #tpu.memory_space<vmem>>, vector<512x32xf32>
    %dot_general3A = arith.constant dense<0.000000e+00> : vector<1000x512xf32>
    %dot_general3A_5 = tpu.matmul %get3A_1, %get3A_4, %dot_general3A {dimension_numbers = #tpu.dot_dimension_numbers<[1], [1], [0], [0], [0, 0, 1, 0], [], []>, transpose_lhs_hint = false} : vector<1000x32xf32>, vector<512x32xf32>, vector<1000x512xf32> -> vector<1000x512xf32>
    %get3A_6 = arith.constant 0 : index
    %get3A_7 = arith.constant 0 : index
    %get3A_8 = vector.load %arg3[%get3A_6, %get3A_7] : memref<1000x1xf32, #tpu.memory_space<vmem>>, vector<1000x1xf32>
    %add3A = vector.broadcast %get3A_8 : vector<1000x1xf32> to vector<1000x512xf32>
    %add3A_9 = arith.addf %dot_general3A_5, %add3A : vector<1000x512xf32>
    %swap3A = arith.constant 0 : index
    %swap3A_10 = arith.constant 0 : index
    %swap3A_11 = vector.load %arg4[%swap3A, %swap3A_10] : memref<1000x512xf32, #tpu.memory_space<vmem>>, vector<1000x512xf32>
    tpu.vector_store %arg4[%swap3A, %swap3A_10], %add3A_9 {strides = array<i32>} : memref<1000x512xf32, #tpu.memory_space<vmem>>, vector<1000x512xf32>,
    return
  }
  func.func @transform_0(%arg0: i32) -> (i32, i32) {
    %c0_i32 = arith.constant 0 : i32
    %c0_i32_0 = arith.constant 0 : i32
    %c0_i32_1 = arith.constant 0 : i32
    return %c0_i32, %c0_i32_0 : i32, i32
  }
  func.func @transform_1(%arg0: i32) -> (i32, i32) {
    %c0_i32 = arith.constant 0 : i32
    %c0_i32_0 = arith.constant 0 : i32
    return %arg0, %c0_i32 : i32, i32
  }
  func.func @transform_2(%arg0: i32) -> (i32, i32) {
    %c0_i32 = arith.constant 0 : i32
    %c0_i32_0 = arith.constant 0 : i32
    %c0_i32_1 = arith.constant 0 : i32
    return %c0_i32, %c0_i32_0 : i32, i32
  }
  func.func @transform_3(%arg0: i32) -> (i32, i32) {
    %c0_i32 = arith.constant 0 : i32
    %c0_i32_0 = arith.constant 0 : i32
    return %c0_i32, %arg0 : i32, i32
  }
}

</mosaic_0001>

<sc_bundles>
// kernel: kernel.5.cloned.1.call-start
scs
__scs_entry_jumppad:
0x0: {  	(pc) =	sbr.rel $0x88, $3  }
0x1: {  	(tag) =	ssettag $0x0;
	lr =	simm.s32 $0x1  }
0x2: {  	[smem:$0x3F9D] =	sst lr;
	_ =	strace $0xD0000000  }
0x3: {  	_ = 	snop  }
0x4: {  	_ = 	snop  }
0x5: {  	_ = 	snop  }
0x6: {  	_ = 	snop  }
0x7: {  	_ = 	snop  }
__scs_overlays_trampoline_lowered:
0x8: {  	[smem:$0x3FAC] =	sst s0  }
0x9: {  	[smem:$0x3FAD] =	sst s1  }
0xa: {  	[smem:$0x3FAE] =	sst s2  }
0xb: {  	[smem:$0x3FAF] =	sst s3  }
0xc: {  	[smem:$0x3FB0] =	sst s4  }
0xd: {  	[smem:$0x3FB1] =	sst s5  }
0xe: {  	[smem:$0x3FB2] =	sst s6  }
0xf: {  	[smem:$0x3FB3] =	sst s7  }
0x10: {  	[smem:$0x3FB4] =	sst s8  }
0x11: {  	[smem:$0x3FB5] =	sst s9;
	s0 =	simm.s32 @!p0 $0x0  }
0x12: {  	s1 =	sld [smem:$0x3F9B];
	s0 =	simm.s32 @p0 $0x1  }
0x13: {  	[smem:$0x3FB6] =	sst s0;
	s0 =	simm.s32 @!p1 $0x0  }
0x14: {  	s2 =	sld [smem:$0x3F9A];
	s0 =	simm.s32 @p1 $0x1  }
0x15: {  	[smem:$0x3FB7] =	sst s0;
	s0 =	simm.s32 @!p2 $0x0  }
0x16: {  	s3 =	sld [smem:$0x3FDB];
	s0 =	simm.s32 @p2 $0x1  }
0x17: {  	s4 =	simm.s32 $0x1BF5;
	[smem:$0x3FB9] =	sst s0  }
0x18: {  	s0 =	sld [smem:$0x3F9C];
	_ =	swait.ge [sflag:s4], $0x0  }
0x19: {  	s7 =	sld [smem:$0x3F9D]  }
0x1a: {  	s8 =	sadd.s32 $0xFFFFE003, lr  }
0x1b: {  	s9 =	sadd.s32 $0xFFFFFEF7, lr;
	s5 =	simm.s32 $0xFFFFFFFF;
	p2 =	slt.u32 s8, $0xFFFFF086  }
0x1c: {  	p1 =	slt.u32 s9, $0xF7A;
	s5 =	simm.s32 @!p2 $0x0  }
0x1d: {  	s5 =	simm.s32 @p1 $0x1;
	p0 =	seq.s32 s7, s2  }
0x1e: {  	s7 =	smul.u32 @!p0 $0xF7A, s2;
	p2 =	seq.s32 @!p0 s5, $0x0  }
0x1f: {  	s9 =	smul.u32 $0xF7A, s1;
	s8 =	simm.s32 @!p0 $0x1BF5;
	p2 =	por !p2, p0  }
0x20: {  	[sflag:s8] =	ssyncset.s32 @!p0 $0xFFFFF086;
	s6 =	sadd.s32 @!p0 s3, s7;
	s7 =	simm.s32 @!p0 $0x108  }
0x21: {  	s3 =	sadd.s32 s3, s9;
	s6 =	sadd.s32 @!p0 $0x88, s6;
	s7 =	simm.s32 @p2 $0x1082  }
0x22: {  	[simem:s7], [sflag:s8] =	dma.local @!p0 [hbm:s6], $0xF7A  }
0x23: {  	s9 =	sor.u32 $0xD0000000, s2;
	s6 =	simm.s32 $0x108;
	_ =	swait.ge @!p0 [sflag:s8], $0x0  }
0x24: {  	s3 =	sadd.s32 $0x88, s3;
	s6 =	simm.s32 @!p1 $0x1082;
	[sflag:s4] =	ssyncset.s32 $0xFFFFF086  }
0x25: {  	[simem:s6], [sflag:s4] =	dma.local [hbm:s3], $0xF7A  }
0x26: {  	[smem:$0x3F9D] =	sst s1;
	(tag) =	ssettag s2;
	_ =	strace s9  }
0x27: {  	s1 =	sld [smem:$0x3FAD]  }
0x28: {  	s2 =	sld [smem:$0x3FAE]  }
0x29: {  	s4 =	sld [smem:$0x3FB0]  }
0x2a: {  	p0 =	seq.s32 s5, $0x0;
	s5 =	sld [smem:$0x3FB1]  }
0x2b: {  	s6 =	sld [smem:$0x3FB2]  }
0x2c: {  	s7 =	sld [smem:$0x3FB3]  }
0x2d: {  	s3 =	simm.s32 $0x108;
	s8 =	sld [smem:$0x3FB4]  }
0x2e: {  	s3 =	simm.s32 @!p0 $0x1082;
	s9 =	sld [smem:$0x3FB5]  }
0x2f: {  	lr =	sadd.s32 s0, s3;
	s0 =	sld [smem:$0x3FAC]  }
0x30: {  	s3 =	sld [smem:$0x3FAF]  }
0x31: {  	[smem:$0x3FB8] =	sst s10  }
0x32: {  	s10 =	sld [smem:$0x3FB6];
	_ =	sdelay $0x3  }
0x33: {  	p0 =	seq.s32 s10, $0x1;
	s10 =	sld [smem:$0x3FB8];
	_ =	sdelay $0x3  }
0x34: {  	[smem:$0x3FB8] =	sst s10  }
0x35: {  	s10 =	sld [smem:$0x3FB7];
	_ =	sdelay $0x3  }
0x36: {  	p1 =	seq.s32 s10, $0x1;
	s10 =	sld [smem:$0x3FB8];
	_ =	sdelay $0x3  }
0x37: {  	[smem:$0x3FB8] =	sst s10  }
0x38: {  	s10 =	sld [smem:$0x3FB9]  }
0x39: {  	_ = 	snop;
	(pc) =	sbr.ind lr, $3  }
0x3a: {  	_ = 	snop  }
0x3b: {  	_ = 	snop  }
0x3c: {  	p2 =	seq.s32 s10, $0x1;
	s10 =	sld [smem:$0x3FB8]  }
0x3d: {  	_ =	shalt  }
0x3e: {  	_ =	shalt  }
0x3f: {  	_ =	shalt  }
0x40: {  	_ =	shalt  }
0x41: {  	_ =	shalt  }
0x42: {  	_ =	shalt  }
0x43: {  	_ =	shalt  }
0x44: {  	_ =	shalt  }
0x45: {  	_ =	shalt  }
0x46: {  	_ =	shalt  }
0x47: {  	_ =	shalt  }
0x48: {  	_ =	shalt  }
0x49: {  	_ =	shalt  }
0x4a: {  	_ =	shalt  }
0x4b: {  	_ =	shalt  }
0x4c: {  	_ =	shalt  }
0x4d: {  	_ =	shalt  }
0x4e: {  	_ =	shalt  }
0x4f: {  	_ =	shalt  }
0x50: {  	_ =	shalt  }
0x51: {  	_ =	shalt  }
0x52: {  	_ =	shalt  }
0x53: {  	_ =	shalt  }
0x54: {  	_ =	shalt  }
0x55: {  	_ =	shalt  }
0x56: {  	_ =	shalt  }
0x57: {  	_ =	shalt  }
0x58: {  	_ =	shalt  }
0x59: {  	_ =	shalt  }
0x5a: {  	_ =	shalt  }
0x5b: {  	_ =	shalt  }
0x5c: {  	_ =	shalt  }
0x5d: {  	_ =	shalt  }
0x5e: {  	_ =	shalt  }
0x5f: {  	_ =	shalt  }
0x60: {  	_ =	shalt  }
0x61: {  	_ =	shalt  }
0x62: {  	_ =	shalt  }
0x63: {  	_ =	shalt  }
0x64: {  	_ =	shalt  }
0x65: {  	_ =	shalt  }
0x66: {  	_ =	shalt  }
0x67: {  	_ =	shalt  }
0x68: {  	_ =	shalt  }
0x69: {  	_ =	shalt  }
0x6a: {  	_ =	shalt  }
0x6b: {  	_ =	shalt  }
0x6c: {  	_ =	shalt  }
0x6d: {  	_ =	shalt  }
0x6e: {  	_ =	shalt  }
0x6f: {  	_ =	shalt  }
0x70: {  	_ =	shalt  }
0x71: {  	_ =	shalt  }
0x72: {  	_ =	shalt  }
0x73: {  	_ =	shalt  }
0x74: {  	_ =	shalt  }
0x75: {  	_ =	shalt  }
0x76: {  	_ =	shalt  }
0x77: {  	_ =	shalt  }
0x78: {  	_ =	shalt  }
0x79: {  	_ =	shalt  }
0x7a: {  	_ =	shalt  }
0x7b: {  	_ =	shalt  }
0x7c: {  	_ =	shalt  }
0x7d: {  	_ =	shalt  }
0x7e: {  	_ =	shalt  }
0x7f: {  	_ =	shalt  }
0x80: {  	_ =	shalt  }
0x81: {  	_ =	shalt  }
0x82: {  	_ =	shalt  }
0x83: {  	_ =	shalt  }
0x84: {  	_ =	shalt  }
0x85: {  	_ =	shalt  }
0x86: {  	_ =	shalt  }
0x87: {  	_ =	shalt  }
.Lfunc_end0:
.L_simem_size_0:
called_computation_lowered:
.L_overlay_start_0:
0x88: {  	s2 =	sld [smem:$0x3FD9]  }
0x89: {  	s3 =	sld [smem:$0x3FFE];
	_ =	sdelay $0x1  }
0x8a: {  	s1 =	srdreg.scid  }
0x8b: {  	s0 =	sand.u32 $0x1, s1  }
0x8c: {  	s17 =	sshll.u32 s0, $0xA;
	s2 =	sadd.s32 s3, s2  }
0x8d: {  	s2 =	sadd.s32 s2, s17  }
0x8e: {  	[smem:$0x3FC4] =	sst s2  }
0x8f: {  	_ = 	snop  }
0x90: {  	s2 =	sld [smem:$0x3FD0];
	(tm) =	ssettm $0x1  }
0x91: {  	s18 =	sld [smem:$0x3FFB];
	_ =	sdelay $0x3  }
0x92: {  	_ =	strace s18  }
0x93: {  	s3 =	sld [smem:$0x3FFC];
	_ =	sdelay $0x3  }
0x94: {  	_ =	strace s3  }
0x95: {  	s3 =	sld [smem:$0x3FFD];
	_ =	sdelay $0x3  }
0x96: {  	_ =	strace s3  }
0x97: {  	_ =	strace $0x8FFFFFFF  }
0x98: {  	s19 =	sld [smem:$0x3FDB];
	_ =	sdelay $0x1  }
0x99: {  	s4 =	simm.s32 $_scs_section_size  }
0x9a: {  	s5 =	simm.s32 $_size__tile_overlayer_lowered;
	s6 =	simm.s32 $_tile_overlayer_lowered  }
0x9b: {  	s22 =	simm.s32 $0x1BFF;
	s21 =	sshll.u32 s6, $0x1;
	s3 =	sadd.s32 s4, s19  }
0x9c: {  	s7 =	simm.s32 $0x0;
	s20 =	sshll.u32 s5, $0x1;
	s5 =	sadd.s32 s21, s3  }
0x9d: {  	[timem:s7], [sflag:s22] =	dma.local [hbm:s5], s20  }
0x9e: {  	_ =	swait.ge [sflag:s22], s20  }
0x9f: {  	s4 =	ssub.s32 $0x0, s20;
	[sflag:s22] =	ssyncset.done $0x0  }
0xa0: {  	[sflag:s22] =	ssyncadd.s32 s4;
	_ =	sdelay $0x1  }
0xa1: {  	s23 =	simm.s32 $0x1B8B  }
0xa2: {  	_ =	swait.ge [sflag:s23], $0x1  }
0xa3: {  	[sflag:s23] =	ssyncset.done $0x0  }
0xa4: {  	s25 =	simm.s32 $0x1B8E;
	s24 =	sld [smem:$0x3FFE];
	[sflag:s23] =	ssyncadd.s32 $0xFFFFFFFF  }
0xa5: {  	s26 =	simm.s32 $execute0_lowered;
	[smem:$0x3FD2] =	sst s25  }
0xa6: {  	s5 =	sshll.u32 s26, $0x1;
	_ =	strace $0x80000046;
	[dreg:$0x1] =	wrdreg $0xFFFFFFFF  }
0xa7: {  	s28 =	simm.s32 $_size_execute0_lowered;
	s3 =	sadd.s32 s3, s5;
	[dreg:$0x0] =	wrdreg $0x0  }
0xa8: {  	s5 =	sshll.u32 s28, $0x1;
	[dreg:$0x2] =	wrdreg s3  }
0xa9: {  	[dreg:$0x3] =	wrdreg s5  }
0xaa: {  	[dreg:$0x4] =	wrdreg $0xC0  }
0xab: {  	_ =	task [dreg:s7], $0x5FFFF  }
0xac: {  	[dreg:$0x1] =	wrdreg $0xFFFFFFFF  }
0xad: {  	[dreg:$0x0] =	wrdreg $0x60  }
0xae: {  	[dreg:$0x2] =	wrdreg s2  }
0xaf: {  	[dreg:$0x3] =	wrdreg s24  }
0xb0: {  	[dreg:$0x4] =	wrdreg $0x9  }
0xb1: {  	_ =	task.clear_ibuf [dreg:s7], $0x5FFFF;
	_ =	strace $0x90000046  }
0xb2: {  	s29 =	simm.s32 $0x9;
	_ =	strace $0x80000048  }
0xb3: {  	_ =	swait.ge [sflag:s29], $0x1  }
0xb4: {  	[sflag:s29] =	ssyncadd.s32 $0xFFFFFFFF  }
0xb5: {  	_ =	strace $0x90000048  }
0xb6: {  	_ =	sfence  }
0xb7: {  	s30 =	sld [smem:$0x0];
	_ =	sdelay $0x2  }
0xb8: {  	s31 =	sshll.u32 s1, $0xD;
	s1 =	sshrl.u32 s1, $0x2  }
0xb9: {  	s3 =	sand.u32 $0x4000, s31;
	s1 =	sadd.s32 s1, s30  }
0xba: {  	s0 =	sor.u32 s3, s0;
	s1 =	sshll.u32 s1, $0x11  }
0xbb: {  	s0 =	sor.u32 s1, s0  }
0xbc: {  	s0 =	sadd.s32 $0x8F2B, s0  }
0xbd: {  	[sflag:s0] =	ssyncadd.remote.s32 $0x1  }
0xbe: {  	_ =	sfence.sel $0xFFFF  }
0xbf: {  	[dreg:$0x0] =	wrdreg $0xFFFFFFFF;
	(pc) =	sbr.abs _section_cstart, $3  }
0xc0: {  	[dreg:$0x1] =	wrdreg $0xFFFFFFFF  }
0xc1: {  	_ =	task.clear_ibuf [dreg:s7], $0x2FFFF;
	_ =	strace $0x9FFFFFFF  }
0xc2: {  	(tm) =	ssettm $0x7FFFFFFF  }
0xc3: {  	_ =	shalt  }
tec
execute0_lowered:
.L_overlay_start_1:
0x0: {  	(tag) =	ssettag $0x1  }
0x1: {  	s4 =	rddreg [dreg:$0x0]  }
0x2: {  	s5 =	rddreg [dreg:$0x1]  }
0x3: {  	s1 =	srdreg.scid;
	s0 =	rddreg [dreg:$0x2]  }
0x4: {  	s2 =	simm.s32 $0x0;
	s10 =	simm.s32 $0x68;
	s11 =	simm.s32 $0x7480  }
0x5: {  	s12 =	simm.s32 $0xD0;
	s13 =	simm.s32 $0x8100;
	s14 =	simm.s32 $0x138  }
0x6: {  	s15 =	simm.s32 $0x8D80;
	s16 =	simm.s32 $0x1;
	s17 =	simm.s32 $0x2  }
0x7: {  	s18 =	simm.s32 $0x3;
	s19 =	simm.s32 $0x4;
	s20 =	simm.s32 $0x9A00  }
0x8: {  	s21 =	simm.s32 $0x0;
	s3 =	sand.u32 $0x1, s1;
	[smem:$0x7FF] =	sst s2  }
0x9: {  	s1 =	stileid.u32;
	s6 =	sshll.u32 s3, $0x4;
	_ =	strace $0x80000047  }
.Ltmp0:
0xa: {  	s7 =	ssub.s32 $0x2, s3;
	s6 =	sor.u32 s1, s6;
	(pc) =	sbr.rel .LBB2_1-.Ltmp0, $4  }
0xb: {  	s9 =	sshrl.u32 s7, $0x1;
	s8 =	sshll.u32 s6, $0xB;
	s6 =	smul.u32 $0xD00, s6  }
0xc: {  	s3 =	sadd.s32 $0x800, s5;
	s7 =	ssub.s32 s7, s9;
	s9 =	simm.s32 $0x6800  }
0xd: {  	s5 =	sadd.s32 s8, s5;
	s8 =	simm.s32 $0x64;
	s4 =	sadd.s32 s4, s6  }
0xe: {  	s5 =	sadd.s32 $0x3E0800, s5;
	s6 =	smax.u32 s7, $0x1;
	s7 =	simm.s32 $0x5  }
.LBB2_4:
0xf: {  	s21 =	sadd.s32 $0x1, s21  }
0x10: {  	p0 =	sne.s32 s21, s6  }
.Ltmp1:
0x11: {  	_ = 	snop;
	(pc) =	sbr.rel @!p0 .LBB2_5-.Ltmp1, $4  }
0x12: {  	[hbm4b:s5+s2] =	stream.linear.scatter [tilespmem:s20], [sflag:$0x5], $0x4000, $0x38;
	[tilespmem:$0xDA00] =	vst v63  }
0x13: {  	_ =	swait.ge [sflag:s7], $0x4000  }
0x14: {  	[sflag:s7] =	ssyncset.done $0x0  }
0x15: {  	[sflag:s7] =	ssyncadd.s32 $0xFFFFC000  }
.LBB2_1:
0x16: {  	[tilespmem:s2], [sflag:$0x5] =	stream.linear.gather [hbm4b:s4+s2], $0x6800, $0x38;
	[tilespmem:$0xDA00] =	vst v63  }
0x17: {  	_ =	swait.ge [sflag:s7], $0x6800  }
0x18: {  	[sflag:s7] =	ssyncset.done $0x0  }
0x19: {  	[sflag:s7] =	ssyncadd.s32 $0xFFFF9800  }
0x1a: {  	[tilespmem:s9], [sflag:$0x1] =	stream.indirect.gather [hbm4b:s3+s8], $0x20, s2, s8, $0xb8;
	[tilespmem:$0xDA00] =	vst v63  }
0x1b: {  	_ = 	snop  }
0x1c: {  	[tilespmem:s11], [sflag:$0x2] =	stream.indirect.gather [hbm4b:s3+s8], $0x20, s10, s8, $0xb8;
	[tilespmem:$0xDA00] =	vst v63  }
0x1d: {  	_ = 	snop  }
0x1e: {  	[tilespmem:s13], [sflag:$0x3] =	stream.indirect.gather [hbm4b:s3+s8], $0x20, s12, s8, $0xb8;
	[tilespmem:$0xDA00] =	vst v63  }
0x1f: {  	s22 =	simm.s32 $0xFFFE6680;
	s23 =	simm.s32 $0x9A80  }
0x20: {  	[tilespmem:s15], [sflag:$0x4] =	stream.indirect.gather [hbm4b:s3+s8], $0x20, s14, s8, $0xb8;
	[tilespmem:$0xDA00] =	vst v63  }
.LBB2_2:
0x21: {  	_ =	swait.ge [sflag:s16], $0xC80  }
0x22: {  	[sflag:s16] =	ssyncset.done $0x0  }
0x23: {  	[sflag:s16] =	ssyncadd.s32 $0xFFFFF380  }
0x24: {  	v0 =	vld [tilespmem:$0x6800]  }
0x25: {  	v1 =	vld [tilespmem:$0x6820]  }
0x26: {  	v2 =	vld [tilespmem:$0x6840]  }
0x27: {  	v3 =	vld [tilespmem:$0x6860]  }
0x28: {  	v4 =	vld [tilespmem:$0x6880]  }
0x29: {  	v5 =	vld [tilespmem:$0x68A0]  }
0x2a: {  	v6 =	vld [tilespmem:$0x68C0]  }
0x2b: {  	v7 =	vld [tilespmem:$0x68E0]  }
0x2c: {  	v8 =	vld [tilespmem:$0x6900]  }
0x2d: {  	v9 =	vld [tilespmem:$0x6920]  }
0x2e: {  	v10 =	vld [tilespmem:$0x6940]  }
0x2f: {  	v11 =	vld [tilespmem:$0x6960]  }
0x30: {  	v12 =	vld [tilespmem:$0x6980]  }
0x31: {  	v13 =	vld [tilespmem:$0x69A0]  }
0x32: {  	v14 =	vld [tilespmem:$0x69C0]  }
0x33: {  	v15 =	vld [tilespmem:$0x69E0]  }
0x34: {  	v16 =	vld [tilespmem:$0x6A00]  }
0x35: {  	v17 =	vld [tilespmem:$0x6A20]  }
0x36: {  	v18 =	vld [tilespmem:$0x6A40]  }
0x37: {  	v19 =	vld [tilespmem:$0x6A60]  }
0x38: {  	v20 =	vld [tilespmem:$0x6A80]  }
0x39: {  	v21 =	vld [tilespmem:$0x6AA0]  }
0x3a: {  	v22 =	vld [tilespmem:$0x6AC0]  }
0x3b: {  	v23 =	vld [tilespmem:$0x6AE0]  }
0x3c: {  	v24 =	vld [tilespmem:$0x6B00]  }
0x3d: {  	v25 =	vld [tilespmem:$0x6B20]  }
0x3e: {  	v26 =	vld [tilespmem:$0x6B40]  }
0x3f: {  	v27 =	vld [tilespmem:$0x6B60]  }
0x40: {  	v28 =	vld [tilespmem:$0x6B80]  }
0x41: {  	v29 =	vld [tilespmem:$0x6BA0]  }
0x42: {  	v30 =	vld [tilespmem:$0x6BC0]  }
0x43: {  	v31 =	vld [tilespmem:$0x6BE0]  }
0x44: {  	v32 =	vld [tilespmem:$0x6C00]  }
0x45: {  	v33 =	vld [tilespmem:$0x6C20]  }
0x46: {  	v34 =	vld [tilespmem:$0x6C40]  }
0x47: {  	v35 =	vld [tilespmem:$0x6C60]  }
0x48: {  	v36 =	vld [tilespmem:$0x6C80]  }
0x49: {  	v37 =	vld [tilespmem:$0x6CA0]  }
0x4a: {  	v38 =	vld [tilespmem:$0x6CC0];
	v0 =	vadd.f32 v1, v0;
	v1 =	vadd.f32 v3, v2  }
0x4b: {  	v39 =	vld [tilespmem:$0x6CE0];
	v3 =	vadd.f32 v5, v4;
	v4 =	vadd.f32 v7, v6  }
0x4c: {  	v40 =	vld [tilespmem:$0x6D00];
	v42 =	vadd.f32 v9, v8;
	v43 =	vadd.f32 v11, v10  }
0x4d: {  	v41 =	vld [tilespmem:$0x6D20];
	v45 =	vadd.f32 v13, v12;
	v46 =	vadd.f32 v15, v14  }
0x4e: {  	v50 =	vld [tilespmem:$0x6DC0];
	v48 =	vadd.f32 v17, v16;
	v49 =	vadd.f32 v19, v18  }
0x4f: {  	v53 =	vld [tilespmem:$0x6DE0];
	v51 =	vadd.f32 v21, v20;
	v52 =	vadd.f32 v23, v22  }
0x50: {  	v54 =	vadd.f32 v25, v24;
	v55 =	vadd.f32 v27, v26  }
0x51: {  	v56 =	vadd.f32 v29, v28;
	v57 =	vadd.f32 v31, v30  }
0x52: {  	v63 =	vld [tilespmem:$0x6D60];
	v58 =	vadd.f32 v33, v32;
	v59 =	vadd.f32 v35, v34  }
0x53: {  	v44 =	vld [tilespmem:$0x6D80];
	v60 =	vadd.f32 v37, v36;
	v61 =	vadd.f32 v39, v38  }
0x54: {  	v47 =	vld [tilespmem:$0x6DA0];
	v62 =	vadd.f32 v41, v40;
	v17 =	vadd.f32 v53, v50  }
0x55: {  	v2 =	vld [tilespmem:$0x6D40];
	v0 =	vadd.f32 v1, v0;
	v27 =	vadd.f32 v4, v3  }
0x56: {  	v28 =	vadd.f32 v43, v42;
	v29 =	vadd.f32 v46, v45  }
0x57: {  	v30 =	vadd.f32 v49, v48;
	v31 =	vadd.f32 v52, v51  }
0x58: {  	v33 =	vadd.f32 v55, v54;
	v34 =	vadd.f32 v57, v56  }
0x59: {  	v32 =	vld [tilespmem:$0x6E00];
	v36 =	vadd.f32 v59, v58;
	v37 =	vadd.f32 v61, v60  }
0x5a: {  	v35 =	vld [tilespmem:$0x6E20];
	v2 =	vadd.f32 v63, v2;
	v63 =	vadd.f32 v47, v44  }
0x5b: {  	v0 =	vadd.f32 v27, v0;
	v38 =	vadd.f32 v29, v28  }
0x5c: {  	v2 =	vadd.f32 v2, v62;
	v5 =	vadd.f32 v17, v63  }
0x5d: {  	v39 =	vadd.f32 v31, v30;
	v40 =	vadd.f32 v34, v33  }
0x5e: {  	v41 =	vadd.f32 v37, v36;
	v2 =	vadd.f32 v5, v2  }
0x5f: {  	v42 =	vadd.f32 v35, v32;
	v0 =	vadd.f32 v38, v0  }
0x60: {  	v43 =	vadd.f32 v40, v39;
	v2 =	vadd.f32 v2, v41;
	_ =	sdelay $0x1  }
0x61: {  	v0 =	vadd.f32 v43, v0;
	v44 =	vadd.f32 v2, v42;
	_ =	sdelay $0x1  }
0x62: {  	v0 =	vadd.f32 v44, v0;
	_ =	sdelay $0x1  }
0x63: {  	[tilespmem:s23+$0xFFFFFF80] =	vst v0  }
0x64: {  	v0 =	vld [tilespmem:$0x6810]  }
0x65: {  	v1 =	vld [tilespmem:$0x6830]  }
0x66: {  	v45 =	vld [tilespmem:$0x6850]  }
0x67: {  	v46 =	vld [tilespmem:$0x6870]  }
0x68: {  	v4 =	vld [tilespmem:$0x6890]  }
0x69: {  	v47 =	vld [tilespmem:$0x68B0]  }
0x6a: {  	v48 =	vld [tilespmem:$0x68D0]  }
0x6b: {  	v49 =	vld [tilespmem:$0x68F0]  }
0x6c: {  	v8 =	vld [tilespmem:$0x6910]  }
0x6d: {  	v50 =	vld [tilespmem:$0x6930]  }
0x6e: {  	v51 =	vld [tilespmem:$0x6950]  }
0x6f: {  	v52 =	vld [tilespmem:$0x6970]  }
0x70: {  	v12 =	vld [tilespmem:$0x6990]  }
0x71: {  	v53 =	vld [tilespmem:$0x69B0]  }
0x72: {  	v54 =	vld [tilespmem:$0x69D0]  }
0x73: {  	v55 =	vld [tilespmem:$0x69F0]  }
0x74: {  	v16 =	vld [tilespmem:$0x6A10]  }
0x75: {  	v56 =	vld [tilespmem:$0x6A30]  }
0x76: {  	v57 =	vld [tilespmem:$0x6A50]  }
0x77: {  	v58 =	vld [tilespmem:$0x6A70]  }
0x78: {  	v20 =	vld [tilespmem:$0x6A90]  }
0x79: {  	v59 =	vld [tilespmem:$0x6AB0]  }
0x7a: {  	v60 =	vld [tilespmem:$0x6AD0]  }
0x7b: {  	v61 =	vld [tilespmem:$0x6AF0]  }
0x7c: {  	v24 =	vld [tilespmem:$0x6B10]  }
0x7d: {  	v62 =	vld [tilespmem:$0x6B30]  }
0x7e: {  	v26 =	vld [tilespmem:$0x6B50]  }
0x7f: {  	v63 =	vld [tilespmem:$0x6B70]  }
0x80: {  	v28 =	vld [tilespmem:$0x6B90]  }
0x81: {  	v29 =	vld [tilespmem:$0x6BB0]  }
0x82: {  	v30 =	vld [tilespmem:$0x6BD0]  }
0x83: {  	v31 =	vld [tilespmem:$0x6BF0]  }
0x84: {  	v32 =	vld [tilespmem:$0x6C10]  }
0x85: {  	v33 =	vld [tilespmem:$0x6C30]  }
0x86: {  	v34 =	vld [tilespmem:$0x6C50]  }
0x87: {  	v35 =	vld [tilespmem:$0x6C70]  }
0x88: {  	v36 =	vld [tilespmem:$0x6C90]  }
0x89: {  	v37 =	vld [tilespmem:$0x6CB0]  }
0x8a: {  	v38 =	vld [tilespmem:$0x6CD0];
	v0 =	vadd.f32 v1, v0;
	v45 =	vadd.f32 v46, v45  }
0x8b: {  	v39 =	vld [tilespmem:$0x6CF0];
	v47 =	vadd.f32 v47, v4;
	v48 =	vadd.f32 v49, v48  }
0x8c: {  	v40 =	vld [tilespmem:$0x6D10];
	v50 =	vadd.f32 v50, v8;
	v51 =	vadd.f32 v52, v51  }
0x8d: {  	v44 =	vld [tilespmem:$0x6D30];
	v53 =	vadd.f32 v53, v12;
	v54 =	vadd.f32 v55, v54  }
0x8e: {  	v46 =	vld [tilespmem:$0x6D50];
	v56 =	vadd.f32 v56, v16;
	v57 =	vadd.f32 v58, v57  }
0x8f: {  	v49 =	vld [tilespmem:$0x6D70];
	v59 =	vadd.f32 v59, v20;
	v60 =	vadd.f32 v61, v60  }
0x90: {  	v52 =	vld [tilespmem:$0x6D90];
	v62 =	vadd.f32 v62, v24;
	v63 =	vadd.f32 v63, v26  }
0x91: {  	v55 =	vld [tilespmem:$0x6DB0];
	v29 =	vadd.f32 v29, v28;
	v31 =	vadd.f32 v31, v30  }
0x92: {  	v58 =	vld [tilespmem:$0x6DD0];
	v33 =	vadd.f32 v33, v32;
	v35 =	vadd.f32 v35, v34  }
0x93: {  	v61 =	vld [tilespmem:$0x6DF0];
	v37 =	vadd.f32 v37, v36;
	v39 =	vadd.f32 v39, v38  }
0x94: {  	v42 =	vadd.f32 v44, v40;
	v0 =	vadd.f32 v45, v0  }
0x95: {  	v45 =	vadd.f32 v48, v47;
	v47 =	vadd.f32 v54, v53  }
0x96: {  	v48 =	vadd.f32 v57, v56;
	v54 =	vadd.f32 v35, v33  }
0x97: {  	v0 =	vadd.f32 v45, v0;
	v2 =	vadd.f32 v49, v46  }
0x98: {  	v43 =	vadd.f32 v55, v52;
	v44 =	vadd.f32 v61, v58  }
0x99: {  	v46 =	vadd.f32 v51, v50;
	v49 =	vadd.f32 v60, v59  }
0x9a: {  	v53 =	vld [tilespmem:$0x6E30];
	v51 =	vadd.f32 v63, v62;
	v52 =	vadd.f32 v31, v29  }
0x9b: {  	v50 =	vld [tilespmem:$0x6E10];
	v55 =	vadd.f32 v39, v37;
	v2 =	vadd.f32 v2, v42  }
0x9c: {  	v5 =	vadd.f32 v44, v43;
	v56 =	vadd.f32 v47, v46  }
0x9d: {  	v57 =	vadd.f32 v49, v48;
	v58 =	vadd.f32 v52, v51  }
0x9e: {  	v59 =	vadd.f32 v55, v54;
	v2 =	vadd.f32 v5, v2  }
0x9f: {  	v0 =	vadd.f32 v56, v0;
	v61 =	vadd.f32 v58, v57  }
0xa0: {  	v60 =	vadd.f32 v53, v50;
	v2 =	vadd.f32 v2, v59;
	_ =	sdelay $0x1  }
0xa1: {  	v0 =	vadd.f32 v61, v0;
	v62 =	vadd.f32 v2, v60;
	_ =	sdelay $0x1  }
0xa2: {  	v0 =	vadd.f32 v62, v0;
	_ =	sdelay $0x1  }
0xa3: {  	[tilespmem:s23+$0xFFFFFF90] =	vst v0  }
0xa4: {  	v0 =	vld [tilespmem:$0x6E40]  }
0xa5: {  	v1 =	vld [tilespmem:$0x6E60]  }
0xa6: {  	v2 =	vld [tilespmem:$0x6E80]  }
0xa7: {  	v3 =	vld [tilespmem:$0x6EA0]  }
0xa8: {  	v4 =	vld [tilespmem:$0x6EC0]  }
0xa9: {  	v5 =	vld [tilespmem:$0x6EE0]  }
0xaa: {  	v6 =	vld [tilespmem:$0x6F00]  }
0xab: {  	v63 =	vld [tilespmem:$0x6F20]  }
0xac: {  	v8 =	vld [tilespmem:$0x6F40]  }
0xad: {  	v9 =	vld [tilespmem:$0x6F60]  }
0xae: {  	v10 =	vld [tilespmem:$0x6F80]  }
0xaf: {  	v44 =	vld [tilespmem:$0x6FA0]  }
0xb0: {  	v12 =	vld [tilespmem:$0x6FC0]  }
0xb1: {  	v45 =	vld [tilespmem:$0x6FE0]  }
0xb2: {  	v46 =	vld [tilespmem:$0x7000]  }
0xb3: {  	v47 =	vld [tilespmem:$0x7020]  }
0xb4: {  	v16 =	vld [tilespmem:$0x7040]  }
0xb5: {  	v48 =	vld [tilespmem:$0x7060]  }
0xb6: {  	v49 =	vld [tilespmem:$0x7080]  }
0xb7: {  	v50 =	vld [tilespmem:$0x70A0]  }
0xb8: {  	v20 =	vld [tilespmem:$0x70C0]  }
0xb9: {  	v51 =	vld [tilespmem:$0x70E0]  }
0xba: {  	v52 =	vld [tilespmem:$0x7100]  }
0xbb: {  	v53 =	vld [tilespmem:$0x7120]  }
0xbc: {  	v24 =	vld [tilespmem:$0x7140]  }
0xbd: {  	v54 =	vld [tilespmem:$0x7160]  }
0xbe: {  	v26 =	vld [tilespmem:$0x7180]  }
0xbf: {  	v55 =	vld [tilespmem:$0x71A0]  }
0xc0: {  	v28 =	vld [tilespmem:$0x71C0]  }
0xc1: {  	v56 =	vld [tilespmem:$0x71E0]  }
0xc2: {  	v30 =	vld [tilespmem:$0x7200]  }
0xc3: {  	v57 =	vld [tilespmem:$0x7220]  }
0xc4: {  	v32 =	vld [tilespmem:$0x7240]  }
0xc5: {  	v58 =	vld [tilespmem:$0x7260]  }
0xc6: {  	v34 =	vld [tilespmem:$0x7280]  }
0xc7: {  	v59 =	vld [tilespmem:$0x72A0]  }
0xc8: {  	v36 =	vld [tilespmem:$0x72C0];
	v0 =	vadd.f32 v1, v0;
	v1 =	vadd.f32 v3, v2  }
0xc9: {  	v60 =	vld [tilespmem:$0x72E0];
	v3 =	vadd.f32 v5, v4;
	v4 =	vadd.f32 v63, v6  }
0xca: {  	v38 =	vld [tilespmem:$0x7300];
	v42 =	vadd.f32 v9, v8;
	v43 =	vadd.f32 v44, v10  }
0xcb: {  	v61 =	vld [tilespmem:$0x7320];
	v45 =	vadd.f32 v45, v12;
	v46 =	vadd.f32 v47, v46  }
0xcc: {  	v40 =	vld [tilespmem:$0x7340];
	v48 =	vadd.f32 v48, v16;
	v49 =	vadd.f32 v50, v49  }
0xcd: {  	v62 =	vld [tilespmem:$0x7360];
	v51 =	vadd.f32 v51, v20;
	v52 =	vadd.f32 v53, v52  }
0xce: {  	v2 =	vld [tilespmem:$0x7380];
	v54 =	vadd.f32 v54, v24;
	v55 =	vadd.f32 v55, v26  }
0xcf: {  	v63 =	vld [tilespmem:$0x73A0];
	v56 =	vadd.f32 v56, v28;
	v57 =	vadd.f32 v57, v30  }
0xd0: {  	v44 =	vld [tilespmem:$0x73C0];
	v58 =	vadd.f32 v58, v32;
	v59 =	vadd.f32 v59, v34  }
0xd1: {  	v47 =	vld [tilespmem:$0x73E0];
	v60 =	vadd.f32 v60, v36;
	v61 =	vadd.f32 v61, v38  }
0xd2: {  	v50 =	vld [tilespmem:$0x7400];
	v62 =	vadd.f32 v62, v40;
	v0 =	vadd.f32 v1, v0  }
0xd3: {  	v53 =	vld [tilespmem:$0x7420];
	v27 =	vadd.f32 v4, v3;
	v28 =	vadd.f32 v43, v42  }
0xd4: {  	v29 =	vadd.f32 v46, v45;
	v30 =	vadd.f32 v49, v48  }
0xd5: {  	v31 =	vadd.f32 v52, v51;
	v33 =	vadd.f32 v55, v54  }
0xd6: {  	v34 =	vadd.f32 v57, v56;
	v36 =	vadd.f32 v59, v58  }
0xd7: {  	v35 =	vld [tilespmem:$0x7460];
	v37 =	vadd.f32 v61, v60;
	v2 =	vadd.f32 v63, v2  }
0xd8: {  	v32 =	vld [tilespmem:$0x7440];
	v63 =	vadd.f32 v47, v44;
	v17 =	vadd.f32 v53, v50  }
0xd9: {  	v0 =	vadd.f32 v27, v0;
	v38 =	vadd.f32 v29, v28  }
0xda: {  	v2 =	vadd.f32 v2, v62;
	v5 =	vadd.f32 v17, v63  }
0xdb: {  	v39 =	vadd.f32 v31, v30;
	v40 =	vadd.f32 v34, v33  }
0xdc: {  	v41 =	vadd.f32 v37, v36;
	v2 =	vadd.f32 v5, v2  }
0xdd: {  	v42 =	vadd.f32 v35, v32;
	v0 =	vadd.f32 v38, v0  }
0xde: {  	v43 =	vadd.f32 v40, v39;
	v2 =	vadd.f32 v2, v41;
	_ =	sdelay $0x1  }
0xdf: {  	v0 =	vadd.f32 v43, v0;
	v44 =	vadd.f32 v2, v42;
	_ =	sdelay $0x1  }
0xe0: {  	v0 =	vadd.f32 v44, v0;
	_ =	sdelay $0x1  }
0xe1: {  	[tilespmem:s23+$0xFFFFFFA0] =	vst v0  }
0xe2: {  	v0 =	vld [tilespmem:$0x6E50]  }
0xe3: {  	v1 =	vld [tilespmem:$0x6E70]  }
0xe4: {  	v45 =	vld [tilespmem:$0x6E90]  }
0xe5: {  	v46 =	vld [tilespmem:$0x6EB0]  }
0xe6: {  	v4 =	vld [tilespmem:$0x6ED0]  }
0xe7: {  	v47 =	vld [tilespmem:$0x6EF0]  }
0xe8: {  	v48 =	vld [tilespmem:$0x6F10]  }
0xe9: {  	v49 =	vld [tilespmem:$0x6F30]  }
0xea: {  	v8 =	vld [tilespmem:$0x6F50]  }
0xeb: {  	v50 =	vld [tilespmem:$0x6F70]  }
0xec: {  	v51 =	vld [tilespmem:$0x6F90]  }
0xed: {  	v52 =	vld [tilespmem:$0x6FB0]  }
0xee: {  	v12 =	vld [tilespmem:$0x6FD0]  }
0xef: {  	v53 =	vld [tilespmem:$0x6FF0]  }
0xf0: {  	v54 =	vld [tilespmem:$0x7010]  }
0xf1: {  	v55 =	vld [tilespmem:$0x7030]  }
0xf2: {  	v16 =	vld [tilespmem:$0x7050]  }
0xf3: {  	v56 =	vld [tilespmem:$0x7070]  }
0xf4: {  	v57 =	vld [tilespmem:$0x7090]  }
0xf5: {  	v58 =	vld [tilespmem:$0x70B0]  }
0xf6: {  	v20 =	vld [tilespmem:$0x70D0]  }
0xf7: {  	v59 =	vld [tilespmem:$0x70F0]  }
0xf8: {  	v60 =	vld [tilespmem:$0x7110]  }
0xf9: {  	v61 =	vld [tilespmem:$0x7130]  }
0xfa: {  	v24 =	vld [tilespmem:$0x7150]  }
0xfb: {  	v62 =	vld [tilespmem:$0x7170]  }
0xfc: {  	v26 =	vld [tilespmem:$0x7190]  }
0xfd: {  	v63 =	vld [tilespmem:$0x71B0]  }
0xfe: {  	v28 =	vld [tilespmem:$0x71D0]  }
0xff: {  	v29 =	vld [tilespmem:$0x71F0]  }
0x100: {  	v30 =	vld [tilespmem:$0x7210]  }
0x101: {  	v31 =	vld [tilespmem:$0x7230]  }
0x102: {  	v32 =	vld [tilespmem:$0x7250]  }
0x103: {  	v33 =	vld [tilespmem:$0x7270]  }
0x104: {  	v34 =	vld [tilespmem:$0x7290]  }
0x105: {  	v35 =	vld [tilespmem:$0x72B0]  }
0x106: {  	v36 =	vld [tilespmem:$0x72D0]  }
0x107: {  	v37 =	vld [tilespmem:$0x72F0]  }
0x108: {  	v38 =	vld [tilespmem:$0x7310];
	v0 =	vadd.f32 v1, v0;
	v45 =	vadd.f32 v46, v45  }
0x109: {  	v39 =	vld [tilespmem:$0x7330];
	v47 =	vadd.f32 v47, v4;
	v48 =	vadd.f32 v49, v48  }
0x10a: {  	v40 =	vld [tilespmem:$0x7350];
	v50 =	vadd.f32 v50, v8;
	v51 =	vadd.f32 v52, v51  }
0x10b: {  	v44 =	vld [tilespmem:$0x7370];
	v53 =	vadd.f32 v53, v12;
	v54 =	vadd.f32 v55, v54  }
0x10c: {  	v46 =	vld [tilespmem:$0x7390];
	v56 =	vadd.f32 v56, v16;
	v57 =	vadd.f32 v58, v57  }
0x10d: {  	v49 =	vld [tilespmem:$0x73B0];
	v59 =	vadd.f32 v59, v20;
	v60 =	vadd.f32 v61, v60  }
0x10e: {  	v52 =	vld [tilespmem:$0x73D0];
	v62 =	vadd.f32 v62, v24;
	v63 =	vadd.f32 v63, v26  }
0x10f: {  	v55 =	vld [tilespmem:$0x73F0];
	v29 =	vadd.f32 v29, v28;
	v31 =	vadd.f32 v31, v30  }
0x110: {  	v58 =	vld [tilespmem:$0x7410];
	v33 =	vadd.f32 v33, v32;
	v35 =	vadd.f32 v35, v34  }
0x111: {  	v61 =	vld [tilespmem:$0x7430];
	v37 =	vadd.f32 v37, v36;
	v39 =	vadd.f32 v39, v38  }
0x112: {  	v42 =	vadd.f32 v44, v40;
	v0 =	vadd.f32 v45, v0  }
0x113: {  	v45 =	vadd.f32 v48, v47;
	v47 =	vadd.f32 v54, v53  }
0x114: {  	v48 =	vadd.f32 v57, v56;
	v54 =	vadd.f32 v35, v33  }
0x115: {  	v0 =	vadd.f32 v45, v0;
	v2 =	vadd.f32 v49, v46  }
0x116: {  	v43 =	vadd.f32 v55, v52;
	v44 =	vadd.f32 v61, v58  }
0x117: {  	v46 =	vadd.f32 v51, v50;
	v49 =	vadd.f32 v60, v59  }
0x118: {  	v53 =	vld [tilespmem:$0x7470];
	v51 =	vadd.f32 v63, v62;
	v52 =	vadd.f32 v31, v29  }
0x119: {  	v50 =	vld [tilespmem:$0x7450];
	v55 =	vadd.f32 v39, v37;
	v2 =	vadd.f32 v2, v42  }
0x11a: {  	v5 =	vadd.f32 v44, v43;
	v56 =	vadd.f32 v47, v46  }
0x11b: {  	v57 =	vadd.f32 v49, v48;
	v58 =	vadd.f32 v52, v51  }
0x11c: {  	v59 =	vadd.f32 v55, v54;
	v2 =	vadd.f32 v5, v2  }
0x11d: {  	v0 =	vadd.f32 v56, v0;
	v61 =	vadd.f32 v58, v57  }
0x11e: {  	v60 =	vadd.f32 v53, v50;
	v2 =	vadd.f32 v2, v59;
	_ =	sdelay $0x1  }
0x11f: {  	v0 =	vadd.f32 v61, v0;
	v62 =	vadd.f32 v2, v60;
	_ =	sdelay $0x1  }
0x120: {  	p0 =	seq.s32 s22, $0x0;
	v0 =	vadd.f32 v62, v0  }
0x121: {  	s24 =	sshra.s32 @!p0 s22, $0x2  }
0x122: {  	s25 =	simm.s32 @!p0 $0x64;
	s28 =	simm.s32 @!p0 $0x6800;
	s26 =	sadd.s32 @!p0 $0x6800, s24;
	[tilespmem:s23+$0xFFFFFFB0] =	vst v0  }
0x123: {  	[tilespmem:s28], [sflag:$0x1] =	stream.indirect.gather @!p0 [hbm4b:s3+s25], $0x20, s26, s25, $0xb8;
	[tilespmem:$0xDA00] =	vst v63  }
0x124: {  	_ =	swait.ge [sflag:s17], $0xC80  }
0x125: {  	[sflag:s17] =	ssyncset.done $0x0  }
0x126: {  	[sflag:s17] =	ssyncadd.s32 $0xFFFFF380  }
0x127: {  	v0 =	vld [tilespmem:$0x7480]  }
0x128: {  	v1 =	vld [tilespmem:$0x74A0]  }
0x129: {  	v2 =	vld [tilespmem:$0x74C0]  }
0x12a: {  	v3 =	vld [tilespmem:$0x74E0]  }
0x12b: {  	v4 =	vld [tilespmem:$0x7500]  }
0x12c: {  	v5 =	vld [tilespmem:$0x7520]  }
0x12d: {  	v6 =	vld [tilespmem:$0x7540]  }
0x12e: {  	v63 =	vld [tilespmem:$0x7560]  }
0x12f: {  	v8 =	vld [tilespmem:$0x7580]  }
0x130: {  	v9 =	vld [tilespmem:$0x75A0]  }
0x131: {  	v10 =	vld [tilespmem:$0x75C0]  }
0x132: {  	v44 =	vld [tilespmem:$0x75E0]  }
0x133: {  	v12 =	vld [tilespmem:$0x7600]  }
0x134: {  	v45 =	vld [tilespmem:$0x7620]  }
0x135: {  	v46 =	vld [tilespmem:$0x7640]  }
0x136: {  	v47 =	vld [tilespmem:$0x7660]  }
0x137: {  	v16 =	vld [tilespmem:$0x7680]  }
0x138: {  	v48 =	vld [tilespmem:$0x76A0]  }
0x139: {  	v49 =	vld [tilespmem:$0x76C0]  }
0x13a: {  	v50 =	vld [tilespmem:$0x76E0]  }
0x13b: {  	v20 =	vld [tilespmem:$0x7700]  }
0x13c: {  	v51 =	vld [tilespmem:$0x7720]  }
0x13d: {  	v52 =	vld [tilespmem:$0x7740]  }
0x13e: {  	v53 =	vld [tilespmem:$0x7760]  }
0x13f: {  	v24 =	vld [tilespmem:$0x7780]  }
0x140: {  	v54 =	vld [tilespmem:$0x77A0]  }
0x141: {  	v26 =	vld [tilespmem:$0x77C0]  }
0x142: {  	v55 =	vld [tilespmem:$0x77E0]  }
0x143: {  	v28 =	vld [tilespmem:$0x7800]  }
0x144: {  	v56 =	vld [tilespmem:$0x7820]  }
0x145: {  	v30 =	vld [tilespmem:$0x7840]  }
0x146: {  	v57 =	vld [tilespmem:$0x7860]  }
0x147: {  	v32 =	vld [tilespmem:$0x7880]  }
0x148: {  	v58 =	vld [tilespmem:$0x78A0]  }
0x149: {  	v34 =	vld [tilespmem:$0x78C0]  }
0x14a: {  	v59 =	vld [tilespmem:$0x78E0]  }
0x14b: {  	v36 =	vld [tilespmem:$0x7900];
	v0 =	vadd.f32 v1, v0;
	v1 =	vadd.f32 v3, v2  }
0x14c: {  	v60 =	vld [tilespmem:$0x7920];
	v3 =	vadd.f32 v5, v4;
	v4 =	vadd.f32 v63, v6  }
0x14d: {  	v38 =	vld [tilespmem:$0x7940];
	v42 =	vadd.f32 v9, v8;
	v43 =	vadd.f32 v44, v10  }
0x14e: {  	v61 =	vld [tilespmem:$0x7960];
	v45 =	vadd.f32 v45, v12;
	v46 =	vadd.f32 v47, v46  }
0x14f: {  	v40 =	vld [tilespmem:$0x7980];
	v48 =	vadd.f32 v48, v16;
	v49 =	vadd.f32 v50, v49  }
0x150: {  	v62 =	vld [tilespmem:$0x79A0];
	v51 =	vadd.f32 v51, v20;
	v52 =	vadd.f32 v53, v52  }
0x151: {  	v2 =	vld [tilespmem:$0x79C0];
	v54 =	vadd.f32 v54, v24;
	v55 =	vadd.f32 v55, v26  }
0x152: {  	v63 =	vld [tilespmem:$0x79E0];
	v56 =	vadd.f32 v56, v28;
	v57 =	vadd.f32 v57, v30  }
0x153: {  	v44 =	vld [tilespmem:$0x7A00];
	v58 =	vadd.f32 v58, v32;
	v59 =	vadd.f32 v59, v34  }
0x154: {  	v47 =	vld [tilespmem:$0x7A20];
	v60 =	vadd.f32 v60, v36;
	v61 =	vadd.f32 v61, v38  }
0x155: {  	v50 =	vld [tilespmem:$0x7A40];
	v62 =	vadd.f32 v62, v40;
	v0 =	vadd.f32 v1, v0  }
0x156: {  	v53 =	vld [tilespmem:$0x7A60];
	v27 =	vadd.f32 v4, v3;
	v28 =	vadd.f32 v43, v42  }
0x157: {  	v29 =	vadd.f32 v46, v45;
	v30 =	vadd.f32 v49, v48  }
0x158: {  	v31 =	vadd.f32 v52, v51;
	v33 =	vadd.f32 v55, v54  }
0x159: {  	v34 =	vadd.f32 v57, v56;
	v36 =	vadd.f32 v59, v58  }
0x15a: {  	v35 =	vld [tilespmem:$0x7AA0];
	v37 =	vadd.f32 v61, v60;
	v2 =	vadd.f32 v63, v2  }
0x15b: {  	v32 =	vld [tilespmem:$0x7A80];
	v63 =	vadd.f32 v47, v44;
	v17 =	vadd.f32 v53, v50  }
0x15c: {  	v0 =	vadd.f32 v27, v0;
	v38 =	vadd.f32 v29, v28  }
0x15d: {  	v2 =	vadd.f32 v2, v62;
	v5 =	vadd.f32 v17, v63  }
0x15e: {  	v39 =	vadd.f32 v31, v30;
	v40 =	vadd.f32 v34, v33  }
0x15f: {  	v41 =	vadd.f32 v37, v36;
	v2 =	vadd.f32 v5, v2  }
0x160: {  	v42 =	vadd.f32 v35, v32;
	v0 =	vadd.f32 v38, v0  }
0x161: {  	v43 =	vadd.f32 v40, v39;
	v2 =	vadd.f32 v2, v41;
	_ =	sdelay $0x1  }
0x162: {  	v0 =	vadd.f32 v43, v0;
	v44 =	vadd.f32 v2, v42;
	_ =	sdelay $0x1  }
0x163: {  	v0 =	vadd.f32 v44, v0;
	_ =	sdelay $0x1  }
0x164: {  	[tilespmem:s23+$0xFFFFFFC0] =	vst v0  }
0x165: {  	v0 =	vld [tilespmem:$0x7490]  }
0x166: {  	v1 =	vld [tilespmem:$0x74B0]  }
0x167: {  	v45 =	vld [tilespmem:$0x74D0]  }
0x168: {  	v46 =	vld [tilespmem:$0x74F0]  }
0x169: {  	v4 =	vld [tilespmem:$0x7510]  }
0x16a: {  	v47 =	vld [tilespmem:$0x7530]  }
0x16b: {  	v48 =	vld [tilespmem:$0x7550]  }
0x16c: {  	v49 =	vld [tilespmem:$0x7570]  }
0x16d: {  	v8 =	vld [tilespmem:$0x7590]  }
0x16e: {  	v50 =	vld [tilespmem:$0x75B0]  }
0x16f: {  	v51 =	vld [tilespmem:$0x75D0]  }
0x170: {  	v52 =	vld [tilespmem:$0x75F0]  }
0x171: {  	v12 =	vld [tilespmem:$0x7610]  }
0x172: {  	v53 =	vld [tilespmem:$0x7630]  }
0x173: {  	v54 =	vld [tilespmem:$0x7650]  }
0x174: {  	v55 =	vld [tilespmem:$0x7670]  }
0x175: {  	v16 =	vld [tilespmem:$0x7690]  }
0x176: {  	v56 =	vld [tilespmem:$0x76B0]  }
0x177: {  	v57 =	vld [tilespmem:$0x76D0]  }
0x178: {  	v58 =	vld [tilespmem:$0x76F0]  }
0x179: {  	v20 =	vld [tilespmem:$0x7710]  }
0x17a: {  	v59 =	vld [tilespmem:$0x7730]  }
0x17b: {  	v60 =	vld [tilespmem:$0x7750]  }
0x17c: {  	v61 =	vld [tilespmem:$0x7770]  }
0x17d: {  	v24 =	vld [tilespmem:$0x7790]  }
0x17e: {  	v62 =	vld [tilespmem:$0x77B0]  }
0x17f: {  	v26 =	vld [tilespmem:$0x77D0]  }
0x180: {  	v63 =	vld [tilespmem:$0x77F0]  }
0x181: {  	v28 =	vld [tilespmem:$0x7810]  }
0x182: {  	v29 =	vld [tilespmem:$0x7830]  }
0x183: {  	v30 =	vld [tilespmem:$0x7850]  }
0x184: {  	v31 =	vld [tilespmem:$0x7870]  }
0x185: {  	v32 =	vld [tilespmem:$0x7890]  }
0x186: {  	v33 =	vld [tilespmem:$0x78B0]  }
0x187: {  	v34 =	vld [tilespmem:$0x78D0]  }
0x188: {  	v35 =	vld [tilespmem:$0x78F0]  }
0x189: {  	v36 =	vld [tilespmem:$0x7910]  }
0x18a: {  	v37 =	vld [tilespmem:$0x7930]  }
0x18b: {  	v38 =	vld [tilespmem:$0x7950];
	v0 =	vadd.f32 v1, v0;
	v45 =	vadd.f32 v46, v45  }
0x18c: {  	v39 =	vld [tilespmem:$0x7970];
	v47 =	vadd.f32 v47, v4;
	v48 =	vadd.f32 v49, v48  }
0x18d: {  	v40 =	vld [tilespmem:$0x7990];
	v50 =	vadd.f32 v50, v8;
	v51 =	vadd.f32 v52, v51  }
0x18e: {  	v44 =	vld [tilespmem:$0x79B0];
	v53 =	vadd.f32 v53, v12;
	v54 =	vadd.f32 v55, v54  }
0x18f: {  	v46 =	vld [tilespmem:$0x79D0];
	v56 =	vadd.f32 v56, v16;
	v57 =	vadd.f32 v58, v57  }
0x190: {  	v49 =	vld [tilespmem:$0x79F0];
	v59 =	vadd.f32 v59, v20;
	v60 =	vadd.f32 v61, v60  }
0x191: {  	v52 =	vld [tilespmem:$0x7A10];
	v62 =	vadd.f32 v62, v24;
	v63 =	vadd.f32 v63, v26  }
0x192: {  	v55 =	vld [tilespmem:$0x7A30];
	v29 =	vadd.f32 v29, v28;
	v31 =	vadd.f32 v31, v30  }
0x193: {  	v58 =	vld [tilespmem:$0x7A50];
	v33 =	vadd.f32 v33, v32;
	v35 =	vadd.f32 v35, v34  }
0x194: {  	v61 =	vld [tilespmem:$0x7A70];
	v37 =	vadd.f32 v37, v36;
	v39 =	vadd.f32 v39, v38  }
0x195: {  	v42 =	vadd.f32 v44, v40;
	v0 =	vadd.f32 v45, v0  }
0x196: {  	v45 =	vadd.f32 v48, v47;
	v47 =	vadd.f32 v54, v53  }
0x197: {  	v48 =	vadd.f32 v57, v56;
	v54 =	vadd.f32 v35, v33  }
0x198: {  	v0 =	vadd.f32 v45, v0;
	v2 =	vadd.f32 v49, v46  }
0x199: {  	v43 =	vadd.f32 v55, v52;
	v44 =	vadd.f32 v61, v58  }
0x19a: {  	v46 =	vadd.f32 v51, v50;
	v49 =	vadd.f32 v60, v59  }
0x19b: {  	v53 =	vld [tilespmem:$0x7AB0];
	v51 =	vadd.f32 v63, v62;
	v52 =	vadd.f32 v31, v29  }
0x19c: {  	v50 =	vld [tilespmem:$0x7A90];
	v55 =	vadd.f32 v39, v37;
	v2 =	vadd.f32 v2, v42  }
0x19d: {  	v5 =	vadd.f32 v44, v43;
	v56 =	vadd.f32 v47, v46  }
0x19e: {  	v57 =	vadd.f32 v49, v48;
	v58 =	vadd.f32 v52, v51  }
0x19f: {  	v59 =	vadd.f32 v55, v54;
	v2 =	vadd.f32 v5, v2  }
0x1a0: {  	v0 =	vadd.f32 v56, v0;
	v61 =	vadd.f32 v58, v57  }
0x1a1: {  	v60 =	vadd.f32 v53, v50;
	v2 =	vadd.f32 v2, v59;
	_ =	sdelay $0x1  }
0x1a2: {  	v0 =	vadd.f32 v61, v0;
	v62 =	vadd.f32 v2, v60;
	_ =	sdelay $0x1  }
0x1a3: {  	v0 =	vadd.f32 v62, v0;
	_ =	sdelay $0x1  }
0x1a4: {  	[tilespmem:s23+$0xFFFFFFD0] =	vst v0  }
0x1a5: {  	v0 =	vld [tilespmem:$0x7AC0]  }
0x1a6: {  	v1 =	vld [tilespmem:$0x7AE0]  }
0x1a7: {  	v2 =	vld [tilespmem:$0x7B00]  }
0x1a8: {  	v3 =	vld [tilespmem:$0x7B20]  }
0x1a9: {  	v4 =	vld [tilespmem:$0x7B40]  }
0x1aa: {  	v5 =	vld [tilespmem:$0x7B60]  }
0x1ab: {  	v6 =	vld [tilespmem:$0x7B80]  }
0x1ac: {  	v63 =	vld [tilespmem:$0x7BA0]  }
0x1ad: {  	v8 =	vld [tilespmem:$0x7BC0]  }
0x1ae: {  	v9 =	vld [tilespmem:$0x7BE0]  }
0x1af: {  	v10 =	vld [tilespmem:$0x7C00]  }
0x1b0: {  	v44 =	vld [tilespmem:$0x7C20]  }
0x1b1: {  	v12 =	vld [tilespmem:$0x7C40]  }
0x1b2: {  	v45 =	vld [tilespmem:$0x7C60]  }
0x1b3: {  	v46 =	vld [tilespmem:$0x7C80]  }
0x1b4: {  	v47 =	vld [tilespmem:$0x7CA0]  }
0x1b5: {  	v16 =	vld [tilespmem:$0x7CC0]  }
0x1b6: {  	v48 =	vld [tilespmem:$0x7CE0]  }
0x1b7: {  	v49 =	vld [tilespmem:$0x7D00]  }
0x1b8: {  	v50 =	vld [tilespmem:$0x7D20]  }
0x1b9: {  	v20 =	vld [tilespmem:$0x7D40]  }
0x1ba: {  	v51 =	vld [tilespmem:$0x7D60]  }
0x1bb: {  	v52 =	vld [tilespmem:$0x7D80]  }
0x1bc: {  	v53 =	vld [tilespmem:$0x7DA0]  }
0x1bd: {  	v24 =	vld [tilespmem:$0x7DC0]  }
0x1be: {  	v54 =	vld [tilespmem:$0x7DE0]  }
0x1bf: {  	v26 =	vld [tilespmem:$0x7E00]  }
0x1c0: {  	v55 =	vld [tilespmem:$0x7E20]  }
0x1c1: {  	v28 =	vld [tilespmem:$0x7E40]  }
0x1c2: {  	v56 =	vld [tilespmem:$0x7E60]  }
0x1c3: {  	v30 =	vld [tilespmem:$0x7E80]  }
0x1c4: {  	v57 =	vld [tilespmem:$0x7EA0]  }
0x1c5: {  	v32 =	vld [tilespmem:$0x7EC0]  }
0x1c6: {  	v58 =	vld [tilespmem:$0x7EE0]  }
0x1c7: {  	v34 =	vld [tilespmem:$0x7F00]  }
0x1c8: {  	v59 =	vld [tilespmem:$0x7F20]  }
0x1c9: {  	v36 =	vld [tilespmem:$0x7F40];
	v0 =	vadd.f32 v1, v0;
	v1 =	vadd.f32 v3, v2  }
0x1ca: {  	v60 =	vld [tilespmem:$0x7F60];
	v3 =	vadd.f32 v5, v4;
	v4 =	vadd.f32 v63, v6  }
0x1cb: {  	v38 =	vld [tilespmem:$0x7F80];
	v42 =	vadd.f32 v9, v8;
	v43 =	vadd.f32 v44, v10  }
0x1cc: {  	v61 =	vld [tilespmem:$0x7FA0];
	v45 =	vadd.f32 v45, v12;
	v46 =	vadd.f32 v47, v46  }
0x1cd: {  	v40 =	vld [tilespmem:$0x7FC0];
	v48 =	vadd.f32 v48, v16;
	v49 =	vadd.f32 v50, v49  }
0x1ce: {  	v62 =	vld [tilespmem:$0x7FE0];
	v51 =	vadd.f32 v51, v20;
	v52 =	vadd.f32 v53, v52  }
0x1cf: {  	v2 =	vld [tilespmem:$0x8000];
	v54 =	vadd.f32 v54, v24;
	v55 =	vadd.f32 v55, v26  }
0x1d0: {  	v63 =	vld [tilespmem:$0x8020];
	v56 =	vadd.f32 v56, v28;
	v57 =	vadd.f32 v57, v30  }
0x1d1: {  	v44 =	vld [tilespmem:$0x8040];
	v58 =	vadd.f32 v58, v32;
	v59 =	vadd.f32 v59, v34  }
0x1d2: {  	v47 =	vld [tilespmem:$0x8060];
	v60 =	vadd.f32 v60, v36;
	v61 =	vadd.f32 v61, v38  }
0x1d3: {  	v50 =	vld [tilespmem:$0x8080];
	v62 =	vadd.f32 v62, v40;
	v0 =	vadd.f32 v1, v0  }
0x1d4: {  	v53 =	vld [tilespmem:$0x80A0];
	v27 =	vadd.f32 v4, v3;
	v28 =	vadd.f32 v43, v42  }
0x1d5: {  	v29 =	vadd.f32 v46, v45;
	v30 =	vadd.f32 v49, v48  }
0x1d6: {  	v31 =	vadd.f32 v52, v51;
	v33 =	vadd.f32 v55, v54  }
0x1d7: {  	v34 =	vadd.f32 v57, v56;
	v36 =	vadd.f32 v59, v58  }
0x1d8: {  	v35 =	vld [tilespmem:$0x80E0];
	v37 =	vadd.f32 v61, v60;
	v2 =	vadd.f32 v63, v2  }
0x1d9: {  	v32 =	vld [tilespmem:$0x80C0];
	v63 =	vadd.f32 v47, v44;
	v17 =	vadd.f32 v53, v50  }
0x1da: {  	v0 =	vadd.f32 v27, v0;
	v38 =	vadd.f32 v29, v28  }
0x1db: {  	v2 =	vadd.f32 v2, v62;
	v5 =	vadd.f32 v17, v63  }
0x1dc: {  	v39 =	vadd.f32 v31, v30;
	v40 =	vadd.f32 v34, v33  }
0x1dd: {  	v41 =	vadd.f32 v37, v36;
	v2 =	vadd.f32 v5, v2  }
0x1de: {  	v42 =	vadd.f32 v35, v32;
	v0 =	vadd.f32 v38, v0  }
0x1df: {  	v43 =	vadd.f32 v40, v39;
	v2 =	vadd.f32 v2, v41;
	_ =	sdelay $0x1  }
0x1e0: {  	v0 =	vadd.f32 v43, v0;
	v44 =	vadd.f32 v2, v42;
	_ =	sdelay $0x1  }
0x1e1: {  	v0 =	vadd.f32 v44, v0;
	_ =	sdelay $0x1  }
0x1e2: {  	[tilespmem:s23+$0xFFFFFFE0] =	vst v0  }
0x1e3: {  	v0 =	vld [tilespmem:$0x7AD0]  }
0x1e4: {  	v1 =	vld [tilespmem:$0x7AF0]  }
0x1e5: {  	v45 =	vld [tilespmem:$0x7B10]  }
0x1e6: {  	v46 =	vld [tilespmem:$0x7B30]  }
0x1e7: {  	v4 =	vld [tilespmem:$0x7B50]  }
0x1e8: {  	v47 =	vld [tilespmem:$0x7B70]  }
0x1e9: {  	v48 =	vld [tilespmem:$0x7B90]  }
0x1ea: {  	v49 =	vld [tilespmem:$0x7BB0]  }
0x1eb: {  	v8 =	vld [tilespmem:$0x7BD0]  }
0x1ec: {  	v50 =	vld [tilespmem:$0x7BF0]  }
0x1ed: {  	v51 =	vld [tilespmem:$0x7C10]  }
0x1ee: {  	v52 =	vld [tilespmem:$0x7C30]  }
0x1ef: {  	v12 =	vld [tilespmem:$0x7C50]  }
0x1f0: {  	v53 =	vld [tilespmem:$0x7C70]  }
0x1f1: {  	v54 =	vld [tilespmem:$0x7C90]  }
0x1f2: {  	v55 =	vld [tilespmem:$0x7CB0]  }
0x1f3: {  	v16 =	vld [tilespmem:$0x7CD0]  }
0x1f4: {  	v56 =	vld [tilespmem:$0x7CF0]  }
0x1f5: {  	v57 =	vld [tilespmem:$0x7D10]  }
0x1f6: {  	v58 =	vld [tilespmem:$0x7D30]  }
0x1f7: {  	v20 =	vld [tilespmem:$0x7D50]  }
0x1f8: {  	v59 =	vld [tilespmem:$0x7D70]  }
0x1f9: {  	v60 =	vld [tilespmem:$0x7D90]  }
0x1fa: {  	v61 =	vld [tilespmem:$0x7DB0]  }
0x1fb: {  	v24 =	vld [tilespmem:$0x7DD0]  }
0x1fc: {  	v62 =	vld [tilespmem:$0x7DF0]  }
0x1fd: {  	v26 =	vld [tilespmem:$0x7E10]  }
0x1fe: {  	v63 =	vld [tilespmem:$0x7E30]  }
0x1ff: {  	v28 =	vld [tilespmem:$0x7E50]  }
0x200: {  	v29 =	vld [tilespmem:$0x7E70]  }
0x201: {  	v30 =	vld [tilespmem:$0x7E90]  }
0x202: {  	v31 =	vld [tilespmem:$0x7EB0]  }
0x203: {  	v32 =	vld [tilespmem:$0x7ED0]  }
0x204: {  	v33 =	vld [tilespmem:$0x7EF0]  }
0x205: {  	v34 =	vld [tilespmem:$0x7F10]  }
0x206: {  	v35 =	vld [tilespmem:$0x7F30]  }
0x207: {  	v36 =	vld [tilespmem:$0x7F50]  }
0x208: {  	v37 =	vld [tilespmem:$0x7F70]  }
0x209: {  	v38 =	vld [tilespmem:$0x7F90];
	v0 =	vadd.f32 v1, v0;
	v45 =	vadd.f32 v46, v45  }
0x20a: {  	v39 =	vld [tilespmem:$0x7FB0];
	v47 =	vadd.f32 v47, v4;
	v48 =	vadd.f32 v49, v48  }
0x20b: {  	v40 =	vld [tilespmem:$0x7FD0];
	v50 =	vadd.f32 v50, v8;
	v51 =	vadd.f32 v52, v51  }
0x20c: {  	v44 =	vld [tilespmem:$0x7FF0];
	v53 =	vadd.f32 v53, v12;
	v54 =	vadd.f32 v55, v54  }
0x20d: {  	v46 =	vld [tilespmem:$0x8010];
	v56 =	vadd.f32 v56, v16;
	v57 =	vadd.f32 v58, v57  }
0x20e: {  	v49 =	vld [tilespmem:$0x8030];
	v59 =	vadd.f32 v59, v20;
	v60 =	vadd.f32 v61, v60  }
0x20f: {  	v52 =	vld [tilespmem:$0x8050];
	v62 =	vadd.f32 v62, v24;
	v63 =	vadd.f32 v63, v26  }
0x210: {  	v55 =	vld [tilespmem:$0x8070];
	v29 =	vadd.f32 v29, v28;
	v31 =	vadd.f32 v31, v30  }
0x211: {  	v58 =	vld [tilespmem:$0x8090];
	v33 =	vadd.f32 v33, v32;
	v35 =	vadd.f32 v35, v34  }
0x212: {  	v61 =	vld [tilespmem:$0x80B0];
	v37 =	vadd.f32 v37, v36;
	v39 =	vadd.f32 v39, v38  }
0x213: {  	v42 =	vadd.f32 v44, v40;
	v0 =	vadd.f32 v45, v0  }
0x214: {  	v45 =	vadd.f32 v48, v47;
	v47 =	vadd.f32 v54, v53  }
0x215: {  	v48 =	vadd.f32 v57, v56;
	v54 =	vadd.f32 v35, v33  }
0x216: {  	v0 =	vadd.f32 v45, v0;
	v2 =	vadd.f32 v49, v46  }
0x217: {  	v43 =	vadd.f32 v55, v52;
	v44 =	vadd.f32 v61, v58  }
0x218: {  	v46 =	vadd.f32 v51, v50;
	v49 =	vadd.f32 v60, v59  }
0x219: {  	v53 =	vld [tilespmem:$0x80F0];
	v51 =	vadd.f32 v63, v62;
	v52 =	vadd.f32 v31, v29  }
0x21a: {  	v50 =	vld [tilespmem:$0x80D0];
	v55 =	vadd.f32 v39, v37;
	v2 =	vadd.f32 v2, v42  }
0x21b: {  	v5 =	vadd.f32 v44, v43;
	v56 =	vadd.f32 v47, v46  }
0x21c: {  	v57 =	vadd.f32 v49, v48;
	v58 =	vadd.f32 v52, v51  }
0x21d: {  	v59 =	vadd.f32 v55, v54;
	v2 =	vadd.f32 v5, v2  }
0x21e: {  	v0 =	vadd.f32 v56, v0;
	v61 =	vadd.f32 v58, v57  }
0x21f: {  	v60 =	vadd.f32 v53, v50;
	v2 =	vadd.f32 v2, v59;
	_ =	sdelay $0x1  }
0x220: {  	v0 =	vadd.f32 v61, v0;
	v62 =	vadd.f32 v2, v60;
	_ =	sdelay $0x1  }
0x221: {  	v0 =	vadd.f32 v62, v0;
	_ =	sdelay $0x1  }
0x222: {  	s26 =	sadd.s32 @!p0 $0x6868, s24;
	s28 =	simm.s32 @!p0 $0x7480;
	[tilespmem:s23+$0xFFFFFFF0] =	vst v0  }
0x223: {  	[tilespmem:s28], [sflag:$0x2] =	stream.indirect.gather @!p0 [hbm4b:s3+s25], $0x20, s26, s25, $0xb8;
	[tilespmem:$0xDA00] =	vst v63  }
0x224: {  	_ =	swait.ge [sflag:s18], $0xC80  }
0x225: {  	[sflag:s18] =	ssyncset.done $0x0  }
0x226: {  	[sflag:s18] =	ssyncadd.s32 $0xFFFFF380  }
0x227: {  	v0 =	vld [tilespmem:$0x8100]  }
0x228: {  	v1 =	vld [tilespmem:$0x8120]  }
0x229: {  	v2 =	vld [tilespmem:$0x8140]  }
0x22a: {  	v3 =	vld [tilespmem:$0x8160]  }
0x22b: {  	v4 =	vld [tilespmem:$0x8180]  }
0x22c: {  	v5 =	vld [tilespmem:$0x81A0]  }
0x22d: {  	v6 =	vld [tilespmem:$0x81C0]  }
0x22e: {  	v63 =	vld [tilespmem:$0x81E0]  }
0x22f: {  	v8 =	vld [tilespmem:$0x8200]  }
0x230: {  	v9 =	vld [tilespmem:$0x8220]  }
0x231: {  	v10 =	vld [tilespmem:$0x8240]  }
0x232: {  	v44 =	vld [tilespmem:$0x8260]  }
0x233: {  	v12 =	vld [tilespmem:$0x8280]  }
0x234: {  	v45 =	vld [tilespmem:$0x82A0]  }
0x235: {  	v46 =	vld [tilespmem:$0x82C0]  }
0x236: {  	v47 =	vld [tilespmem:$0x82E0]  }
0x237: {  	v16 =	vld [tilespmem:$0x8300]  }
0x238: {  	v48 =	vld [tilespmem:$0x8320]  }
0x239: {  	v49 =	vld [tilespmem:$0x8340]  }
0x23a: {  	v50 =	vld [tilespmem:$0x8360]  }
0x23b: {  	v20 =	vld [tilespmem:$0x8380]  }
0x23c: {  	v51 =	vld [tilespmem:$0x83A0]  }
0x23d: {  	v52 =	vld [tilespmem:$0x83C0]  }
0x23e: {  	v53 =	vld [tilespmem:$0x83E0]  }
0x23f: {  	v24 =	vld [tilespmem:$0x8400]  }
0x240: {  	v54 =	vld [tilespmem:$0x8420]  }
0x241: {  	v26 =	vld [tilespmem:$0x8440]  }
0x242: {  	v55 =	vld [tilespmem:$0x8460]  }
0x243: {  	v28 =	vld [tilespmem:$0x8480]  }
0x244: {  	v56 =	vld [tilespmem:$0x84A0]  }
0x245: {  	v30 =	vld [tilespmem:$0x84C0]  }
0x246: {  	v57 =	vld [tilespmem:$0x84E0]  }
0x247: {  	v32 =	vld [tilespmem:$0x8500]  }
0x248: {  	v58 =	vld [tilespmem:$0x8520]  }
0x249: {  	v34 =	vld [tilespmem:$0x8540]  }
0x24a: {  	v59 =	vld [tilespmem:$0x8560]  }
0x24b: {  	v36 =	vld [tilespmem:$0x8580];
	v0 =	vadd.f32 v1, v0;
	v1 =	vadd.f32 v3, v2  }
0x24c: {  	v60 =	vld [tilespmem:$0x85A0];
	v3 =	vadd.f32 v5, v4;
	v4 =	vadd.f32 v63, v6  }
0x24d: {  	v38 =	vld [tilespmem:$0x85C0];
	v42 =	vadd.f32 v9, v8;
	v43 =	vadd.f32 v44, v10  }
0x24e: {  	v61 =	vld [tilespmem:$0x85E0];
	v45 =	vadd.f32 v45, v12;
	v46 =	vadd.f32 v47, v46  }
0x24f: {  	v40 =	vld [tilespmem:$0x8600];
	v48 =	vadd.f32 v48, v16;
	v49 =	vadd.f32 v50, v49  }
0x250: {  	v62 =	vld [tilespmem:$0x8620];
	v51 =	vadd.f32 v51, v20;
	v52 =	vadd.f32 v53, v52  }
0x251: {  	v2 =	vld [tilespmem:$0x8640];
	v54 =	vadd.f32 v54, v24;
	v55 =	vadd.f32 v55, v26  }
0x252: {  	v63 =	vld [tilespmem:$0x8660];
	v56 =	vadd.f32 v56, v28;
	v57 =	vadd.f32 v57, v30  }
0x253: {  	v44 =	vld [tilespmem:$0x8680];
	v58 =	vadd.f32 v58, v32;
	v59 =	vadd.f32 v59, v34  }
0x254: {  	v47 =	vld [tilespmem:$0x86A0];
	v60 =	vadd.f32 v60, v36;
	v61 =	vadd.f32 v61, v38  }
0x255: {  	v50 =	vld [tilespmem:$0x86C0];
	v62 =	vadd.f32 v62, v40;
	v0 =	vadd.f32 v1, v0  }
0x256: {  	v53 =	vld [tilespmem:$0x86E0];
	v27 =	vadd.f32 v4, v3;
	v28 =	vadd.f32 v43, v42  }
0x257: {  	v29 =	vadd.f32 v46, v45;
	v30 =	vadd.f32 v49, v48  }
0x258: {  	v31 =	vadd.f32 v52, v51;
	v33 =	vadd.f32 v55, v54  }
0x259: {  	v34 =	vadd.f32 v57, v56;
	v36 =	vadd.f32 v59, v58  }
0x25a: {  	v35 =	vld [tilespmem:$0x8720];
	v37 =	vadd.f32 v61, v60;
	v2 =	vadd.f32 v63, v2  }
0x25b: {  	v32 =	vld [tilespmem:$0x8700];
	v63 =	vadd.f32 v47, v44;
	v17 =	vadd.f32 v53, v50  }
0x25c: {  	v0 =	vadd.f32 v27, v0;
	v38 =	vadd.f32 v29, v28  }
0x25d: {  	v2 =	vadd.f32 v2, v62;
	v5 =	vadd.f32 v17, v63  }
0x25e: {  	v39 =	vadd.f32 v31, v30;
	v40 =	vadd.f32 v34, v33  }
0x25f: {  	v41 =	vadd.f32 v37, v36;
	v2 =	vadd.f32 v5, v2  }
0x260: {  	v42 =	vadd.f32 v35, v32;
	v0 =	vadd.f32 v38, v0  }
0x261: {  	v43 =	vadd.f32 v40, v39;
	v2 =	vadd.f32 v2, v41;
	_ =	sdelay $0x1  }
0x262: {  	v0 =	vadd.f32 v43, v0;
	v44 =	vadd.f32 v2, v42;
	_ =	sdelay $0x1  }
0x263: {  	v0 =	vadd.f32 v44, v0;
	_ =	sdelay $0x1  }
0x264: {  	[tilespmem:s23+$0x0] =	vst v0  }
0x265: {  	v0 =	vld [tilespmem:$0x8110]  }
0x266: {  	v1 =	vld [tilespmem:$0x8130]  }
0x267: {  	v45 =	vld [tilespmem:$0x8150]  }
0x268: {  	v46 =	vld [tilespmem:$0x8170]  }
0x269: {  	v4 =	vld [tilespmem:$0x8190]  }
0x26a: {  	v47 =	vld [tilespmem:$0x81B0]  }
0x26b: {  	v48 =	vld [tilespmem:$0x81D0]  }
0x26c: {  	v49 =	vld [tilespmem:$0x81F0]  }
0x26d: {  	v8 =	vld [tilespmem:$0x8210]  }
0x26e: {  	v50 =	vld [tilespmem:$0x8230]  }
0x26f: {  	v51 =	vld [tilespmem:$0x8250]  }
0x270: {  	v52 =	vld [tilespmem:$0x8270]  }
0x271: {  	v12 =	vld [tilespmem:$0x8290]  }
0x272: {  	v53 =	vld [tilespmem:$0x82B0]  }
0x273: {  	v54 =	vld [tilespmem:$0x82D0]  }
0x274: {  	v55 =	vld [tilespmem:$0x82F0]  }
0x275: {  	v16 =	vld [tilespmem:$0x8310]  }
0x276: {  	v56 =	vld [tilespmem:$0x8330]  }
0x277: {  	v57 =	vld [tilespmem:$0x8350]  }
0x278: {  	v58 =	vld [tilespmem:$0x8370]  }
0x279: {  	v20 =	vld [tilespmem:$0x8390]  }
0x27a: {  	v59 =	vld [tilespmem:$0x83B0]  }
0x27b: {  	v60 =	vld [tilespmem:$0x83D0]  }
0x27c: {  	v61 =	vld [tilespmem:$0x83F0]  }
0x27d: {  	v24 =	vld [tilespmem:$0x8410]  }
0x27e: {  	v62 =	vld [tilespmem:$0x8430]  }
0x27f: {  	v26 =	vld [tilespmem:$0x8450]  }
0x280: {  	v63 =	vld [tilespmem:$0x8470]  }
0x281: {  	v28 =	vld [tilespmem:$0x8490]  }
0x282: {  	v29 =	vld [tilespmem:$0x84B0]  }
0x283: {  	v30 =	vld [tilespmem:$0x84D0]  }
0x284: {  	v31 =	vld [tilespmem:$0x84F0]  }
0x285: {  	v32 =	vld [tilespmem:$0x8510]  }
0x286: {  	v33 =	vld [tilespmem:$0x8530]  }
0x287: {  	v34 =	vld [tilespmem:$0x8550]  }
0x288: {  	v35 =	vld [tilespmem:$0x8570]  }
0x289: {  	v36 =	vld [tilespmem:$0x8590]  }
0x28a: {  	v37 =	vld [tilespmem:$0x85B0]  }
0x28b: {  	v38 =	vld [tilespmem:$0x85D0];
	v0 =	vadd.f32 v1, v0;
	v45 =	vadd.f32 v46, v45  }
0x28c: {  	v39 =	vld [tilespmem:$0x85F0];
	v47 =	vadd.f32 v47, v4;
	v48 =	vadd.f32 v49, v48  }
0x28d: {  	v40 =	vld [tilespmem:$0x8610];
	v50 =	vadd.f32 v50, v8;
	v51 =	vadd.f32 v52, v51  }
0x28e: {  	v44 =	vld [tilespmem:$0x8630];
	v53 =	vadd.f32 v53, v12;
	v54 =	vadd.f32 v55, v54  }
0x28f: {  	v46 =	vld [tilespmem:$0x8650];
	v56 =	vadd.f32 v56, v16;
	v57 =	vadd.f32 v58, v57  }
0x290: {  	v49 =	vld [tilespmem:$0x8670];
	v59 =	vadd.f32 v59, v20;
	v60 =	vadd.f32 v61, v60  }
0x291: {  	v52 =	vld [tilespmem:$0x8690];
	v62 =	vadd.f32 v62, v24;
	v63 =	vadd.f32 v63, v26  }
0x292: {  	v55 =	vld [tilespmem:$0x86B0];
	v29 =	vadd.f32 v29, v28;
	v31 =	vadd.f32 v31, v30  }
0x293: {  	v58 =	vld [tilespmem:$0x86D0];
	v33 =	vadd.f32 v33, v32;
	v35 =	vadd.f32 v35, v34  }
0x294: {  	v61 =	vld [tilespmem:$0x86F0];
	v37 =	vadd.f32 v37, v36;
	v39 =	vadd.f32 v39, v38  }
0x295: {  	v42 =	vadd.f32 v44, v40;
	v0 =	vadd.f32 v45, v0  }
0x296: {  	v45 =	vadd.f32 v48, v47;
	v47 =	vadd.f32 v54, v53  }
0x297: {  	v48 =	vadd.f32 v57, v56;
	v54 =	vadd.f32 v35, v33  }
0x298: {  	v0 =	vadd.f32 v45, v0;
	v2 =	vadd.f32 v49, v46  }
0x299: {  	v43 =	vadd.f32 v55, v52;
	v44 =	vadd.f32 v61, v58  }
0x29a: {  	v46 =	vadd.f32 v51, v50;
	v49 =	vadd.f32 v60, v59  }
0x29b: {  	v53 =	vld [tilespmem:$0x8730];
	v51 =	vadd.f32 v63, v62;
	v52 =	vadd.f32 v31, v29  }
0x29c: {  	v50 =	vld [tilespmem:$0x8710];
	v55 =	vadd.f32 v39, v37;
	v2 =	vadd.f32 v2, v42  }
0x29d: {  	v5 =	vadd.f32 v44, v43;
	v56 =	vadd.f32 v47, v46  }
0x29e: {  	v57 =	vadd.f32 v49, v48;
	v58 =	vadd.f32 v52, v51  }
0x29f: {  	v59 =	vadd.f32 v55, v54;
	v2 =	vadd.f32 v5, v2  }
0x2a0: {  	v0 =	vadd.f32 v56, v0;
	v61 =	vadd.f32 v58, v57  }
0x2a1: {  	v60 =	vadd.f32 v53, v50;
	v2 =	vadd.f32 v2, v59;
	_ =	sdelay $0x1  }
0x2a2: {  	v0 =	vadd.f32 v61, v0;
	v62 =	vadd.f32 v2, v60;
	_ =	sdelay $0x1  }
0x2a3: {  	v0 =	vadd.f32 v62, v0;
	_ =	sdelay $0x1  }
0x2a4: {  	[tilespmem:s23+$0x10] =	vst v0  }
0x2a5: {  	v0 =	vld [tilespmem:$0x8740]  }
0x2a6: {  	v1 =	vld [tilespmem:$0x8760]  }
0x2a7: {  	v2 =	vld [tilespmem:$0x8780]  }
0x2a8: {  	v3 =	vld [tilespmem:$0x87A0]  }
0x2a9: {  	v4 =	vld [tilespmem:$0x87C0]  }
0x2aa: {  	v5 =	vld [tilespmem:$0x87E0]  }
0x2ab: {  	v6 =	vld [tilespmem:$0x8800]  }
0x2ac: {  	v63 =	vld [tilespmem:$0x8820]  }
0x2ad: {  	v8 =	vld [tilespmem:$0x8840]  }
0x2ae: {  	v9 =	vld [tilespmem:$0x8860]  }
0x2af: {  	v10 =	vld [tilespmem:$0x8880]  }
0x2b0: {  	v44 =	vld [tilespmem:$0x88A0]  }
0x2b1: {  	v12 =	vld [tilespmem:$0x88C0]  }
0x2b2: {  	v45 =	vld [tilespmem:$0x88E0]  }
0x2b3: {  	v46 =	vld [tilespmem:$0x8900]  }
0x2b4: {  	v47 =	vld [tilespmem:$0x8920]  }
0x2b5: {  	v16 =	vld [tilespmem:$0x8940]  }
0x2b6: {  	v48 =	vld [tilespmem:$0x8960]  }
0x2b7: {  	v49 =	vld [tilespmem:$0x8980]  }
0x2b8: {  	v50 =	vld [tilespmem:$0x89A0]  }
0x2b9: {  	v20 =	vld [tilespmem:$0x89C0]  }
0x2ba: {  	v51 =	vld [tilespmem:$0x89E0]  }
0x2bb: {  	v52 =	vld [tilespmem:$0x8A00]  }
0x2bc: {  	v53 =	vld [tilespmem:$0x8A20]  }
0x2bd: {  	v24 =	vld [tilespmem:$0x8A40]  }
0x2be: {  	v54 =	vld [tilespmem:$0x8A60]  }
0x2bf: {  	v26 =	vld [tilespmem:$0x8A80]  }
0x2c0: {  	v55 =	vld [tilespmem:$0x8AA0]  }
0x2c1: {  	v28 =	vld [tilespmem:$0x8AC0]  }
0x2c2: {  	v56 =	vld [tilespmem:$0x8AE0]  }
0x2c3: {  	v30 =	vld [tilespmem:$0x8B00]  }
0x2c4: {  	v57 =	vld [tilespmem:$0x8B20]  }
0x2c5: {  	v32 =	vld [tilespmem:$0x8B40]  }
0x2c6: {  	v58 =	vld [tilespmem:$0x8B60]  }
0x2c7: {  	v34 =	vld [tilespmem:$0x8B80]  }
0x2c8: {  	v59 =	vld [tilespmem:$0x8BA0]  }
0x2c9: {  	v36 =	vld [tilespmem:$0x8BC0];
	v0 =	vadd.f32 v1, v0;
	v1 =	vadd.f32 v3, v2  }
0x2ca: {  	v60 =	vld [tilespmem:$0x8BE0];
	v3 =	vadd.f32 v5, v4;
	v4 =	vadd.f32 v63, v6  }
0x2cb: {  	v38 =	vld [tilespmem:$0x8C00];
	v42 =	vadd.f32 v9, v8;
	v43 =	vadd.f32 v44, v10  }
0x2cc: {  	v61 =	vld [tilespmem:$0x8C20];
	v45 =	vadd.f32 v45, v12;
	v46 =	vadd.f32 v47, v46  }
0x2cd: {  	v40 =	vld [tilespmem:$0x8C40];
	v48 =	vadd.f32 v48, v16;
	v49 =	vadd.f32 v50, v49  }
0x2ce: {  	v62 =	vld [tilespmem:$0x8C60];
	v51 =	vadd.f32 v51, v20;
	v52 =	vadd.f32 v53, v52  }
0x2cf: {  	v2 =	vld [tilespmem:$0x8C80];
	v54 =	vadd.f32 v54, v24;
	v55 =	vadd.f32 v55, v26  }
0x2d0: {  	v63 =	vld [tilespmem:$0x8CA0];
	v56 =	vadd.f32 v56, v28;
	v57 =	vadd.f32 v57, v30  }
0x2d1: {  	v44 =	vld [tilespmem:$0x8CC0];
	v58 =	vadd.f32 v58, v32;
	v59 =	vadd.f32 v59, v34  }
0x2d2: {  	v47 =	vld [tilespmem:$0x8CE0];
	v60 =	vadd.f32 v60, v36;
	v61 =	vadd.f32 v61, v38  }
0x2d3: {  	v50 =	vld [tilespmem:$0x8D00];
	v62 =	vadd.f32 v62, v40;
	v0 =	vadd.f32 v1, v0  }
0x2d4: {  	v53 =	vld [tilespmem:$0x8D20];
	v27 =	vadd.f32 v4, v3;
	v28 =	vadd.f32 v43, v42  }
0x2d5: {  	v29 =	vadd.f32 v46, v45;
	v30 =	vadd.f32 v49, v48  }
0x2d6: {  	v31 =	vadd.f32 v52, v51;
	v33 =	vadd.f32 v55, v54  }
0x2d7: {  	v34 =	vadd.f32 v57, v56;
	v36 =	vadd.f32 v59, v58  }
0x2d8: {  	v35 =	vld [tilespmem:$0x8D60];
	v37 =	vadd.f32 v61, v60;
	v2 =	vadd.f32 v63, v2  }
0x2d9: {  	v32 =	vld [tilespmem:$0x8D40];
	v63 =	vadd.f32 v47, v44;
	v17 =	vadd.f32 v53, v50  }
0x2da: {  	v0 =	vadd.f32 v27, v0;
	v38 =	vadd.f32 v29, v28  }
0x2db: {  	v2 =	vadd.f32 v2, v62;
	v5 =	vadd.f32 v17, v63  }
0x2dc: {  	v39 =	vadd.f32 v31, v30;
	v40 =	vadd.f32 v34, v33  }
0x2dd: {  	v41 =	vadd.f32 v37, v36;
	v2 =	vadd.f32 v5, v2  }
0x2de: {  	v42 =	vadd.f32 v35, v32;
	v0 =	vadd.f32 v38, v0  }
0x2df: {  	v43 =	vadd.f32 v40, v39;
	v2 =	vadd.f32 v2, v41;
	_ =	sdelay $0x1  }
0x2e0: {  	v0 =	vadd.f32 v43, v0;
	v44 =	vadd.f32 v2, v42;
	_ =	sdelay $0x1  }
0x2e1: {  	v0 =	vadd.f32 v44, v0;
	_ =	sdelay $0x1  }
0x2e2: {  	[tilespmem:s23+$0x20] =	vst v0  }
0x2e3: {  	v0 =	vld [tilespmem:$0x8750]  }
0x2e4: {  	v1 =	vld [tilespmem:$0x8770]  }
0x2e5: {  	v45 =	vld [tilespmem:$0x8790]  }
0x2e6: {  	v46 =	vld [tilespmem:$0x87B0]  }
0x2e7: {  	v4 =	vld [tilespmem:$0x87D0]  }
0x2e8: {  	v47 =	vld [tilespmem:$0x87F0]  }
0x2e9: {  	v48 =	vld [tilespmem:$0x8810]  }
0x2ea: {  	v49 =	vld [tilespmem:$0x8830]  }
0x2eb: {  	v8 =	vld [tilespmem:$0x8850]  }
0x2ec: {  	v50 =	vld [tilespmem:$0x8870]  }
0x2ed: {  	v51 =	vld [tilespmem:$0x8890]  }
0x2ee: {  	v52 =	vld [tilespmem:$0x88B0]  }
0x2ef: {  	v12 =	vld [tilespmem:$0x88D0]  }
0x2f0: {  	v53 =	vld [tilespmem:$0x88F0]  }
0x2f1: {  	v54 =	vld [tilespmem:$0x8910]  }
0x2f2: {  	v55 =	vld [tilespmem:$0x8930]  }
0x2f3: {  	v16 =	vld [tilespmem:$0x8950]  }
0x2f4: {  	v56 =	vld [tilespmem:$0x8970]  }
0x2f5: {  	v57 =	vld [tilespmem:$0x8990]  }
0x2f6: {  	v58 =	vld [tilespmem:$0x89B0]  }
0x2f7: {  	v20 =	vld [tilespmem:$0x89D0]  }
0x2f8: {  	v59 =	vld [tilespmem:$0x89F0]  }
0x2f9: {  	v60 =	vld [tilespmem:$0x8A10]  }
0x2fa: {  	v61 =	vld [tilespmem:$0x8A30]  }
0x2fb: {  	v24 =	vld [tilespmem:$0x8A50]  }
0x2fc: {  	v62 =	vld [tilespmem:$0x8A70]  }
0x2fd: {  	v26 =	vld [tilespmem:$0x8A90]  }
0x2fe: {  	v63 =	vld [tilespmem:$0x8AB0]  }
0x2ff: {  	v28 =	vld [tilespmem:$0x8AD0]  }
0x300: {  	v29 =	vld [tilespmem:$0x8AF0]  }
0x301: {  	v30 =	vld [tilespmem:$0x8B10]  }
0x302: {  	v31 =	vld [tilespmem:$0x8B30]  }
0x303: {  	v32 =	vld [tilespmem:$0x8B50]  }
0x304: {  	v33 =	vld [tilespmem:$0x8B70]  }
0x305: {  	v34 =	vld [tilespmem:$0x8B90]  }
0x306: {  	v35 =	vld [tilespmem:$0x8BB0]  }
0x307: {  	v36 =	vld [tilespmem:$0x8BD0]  }
0x308: {  	v37 =	vld [tilespmem:$0x8BF0]  }
0x309: {  	v38 =	vld [tilespmem:$0x8C10];
	v0 =	vadd.f32 v1, v0;
	v45 =	vadd.f32 v46, v45  }
0x30a: {  	v39 =	vld [tilespmem:$0x8C30];
	v47 =	vadd.f32 v47, v4;
	v48 =	vadd.f32 v49, v48  }
0x30b: {  	v40 =	vld [tilespmem:$0x8C50];
	v50 =	vadd.f32 v50, v8;
	v51 =	vadd.f32 v52, v51  }
0x30c: {  	v44 =	vld [tilespmem:$0x8C70];
	v53 =	vadd.f32 v53, v12;
	v54 =	vadd.f32 v55, v54  }
0x30d: {  	v46 =	vld [tilespmem:$0x8C90];
	v56 =	vadd.f32 v56, v16;
	v57 =	vadd.f32 v58, v57  }
0x30e: {  	v49 =	vld [tilespmem:$0x8CB0];
	v59 =	vadd.f32 v59, v20;
	v60 =	vadd.f32 v61, v60  }
0x30f: {  	v52 =	vld [tilespmem:$0x8CD0];
	v62 =	vadd.f32 v62, v24;
	v63 =	vadd.f32 v63, v26  }
0x310: {  	v55 =	vld [tilespmem:$0x8CF0];
	v29 =	vadd.f32 v29, v28;
	v31 =	vadd.f32 v31, v30  }
0x311: {  	v58 =	vld [tilespmem:$0x8D10];
	v33 =	vadd.f32 v33, v32;
	v35 =	vadd.f32 v35, v34  }
0x312: {  	v61 =	vld [tilespmem:$0x8D30];
	v37 =	vadd.f32 v37, v36;
	v39 =	vadd.f32 v39, v38  }
0x313: {  	v42 =	vadd.f32 v44, v40;
	v0 =	vadd.f32 v45, v0  }
0x314: {  	v45 =	vadd.f32 v48, v47;
	v47 =	vadd.f32 v54, v53  }
0x315: {  	v48 =	vadd.f32 v57, v56;
	v54 =	vadd.f32 v35, v33  }
0x316: {  	v0 =	vadd.f32 v45, v0;
	v2 =	vadd.f32 v49, v46  }
0x317: {  	v43 =	vadd.f32 v55, v52;
	v44 =	vadd.f32 v61, v58  }
0x318: {  	v46 =	vadd.f32 v51, v50;
	v49 =	vadd.f32 v60, v59  }
0x319: {  	v53 =	vld [tilespmem:$0x8D70];
	v51 =	vadd.f32 v63, v62;
	v52 =	vadd.f32 v31, v29  }
0x31a: {  	v50 =	vld [tilespmem:$0x8D50];
	v55 =	vadd.f32 v39, v37;
	v2 =	vadd.f32 v2, v42  }
0x31b: {  	v5 =	vadd.f32 v44, v43;
	v56 =	vadd.f32 v47, v46  }
0x31c: {  	v57 =	vadd.f32 v49, v48;
	v58 =	vadd.f32 v52, v51  }
0x31d: {  	v59 =	vadd.f32 v55, v54;
	v2 =	vadd.f32 v5, v2  }
0x31e: {  	v0 =	vadd.f32 v56, v0;
	v61 =	vadd.f32 v58, v57  }
0x31f: {  	v60 =	vadd.f32 v53, v50;
	v2 =	vadd.f32 v2, v59;
	_ =	sdelay $0x1  }
0x320: {  	v0 =	vadd.f32 v61, v0;
	v62 =	vadd.f32 v2, v60;
	_ =	sdelay $0x1  }
0x321: {  	v0 =	vadd.f32 v62, v0;
	_ =	sdelay $0x1  }
0x322: {  	s24 =	sadd.s32 @!p0 $0x68D0, s24;
	s26 =	simm.s32 @!p0 $0x8100;
	[tilespmem:s23+$0x30] =	vst v0  }
0x323: {  	[tilespmem:s26], [sflag:$0x3] =	stream.indirect.gather @!p0 [hbm4b:s3+s25], $0x20, s24, s25, $0xb8;
	[tilespmem:$0xDA00] =	vst v63  }
0x324: {  	_ =	swait.ge [sflag:s19], $0xC80  }
0x325: {  	[sflag:s19] =	ssyncset.done $0x0  }
0x326: {  	[sflag:s19] =	ssyncadd.s32 $0xFFFFF380  }
0x327: {  	v0 =	vld [tilespmem:$0x8D80]  }
0x328: {  	v1 =	vld [tilespmem:$0x8DA0]  }
0x329: {  	v2 =	vld [tilespmem:$0x8DC0]  }
0x32a: {  	v3 =	vld [tilespmem:$0x8DE0]  }
0x32b: {  	v4 =	vld [tilespmem:$0x8E00]  }
0x32c: {  	v5 =	vld [tilespmem:$0x8E20]  }
0x32d: {  	v6 =	vld [tilespmem:$0x8E40]  }
0x32e: {  	v63 =	vld [tilespmem:$0x8E60]  }
0x32f: {  	v8 =	vld [tilespmem:$0x8E80]  }
0x330: {  	v9 =	vld [tilespmem:$0x8EA0]  }
0x331: {  	v10 =	vld [tilespmem:$0x8EC0]  }
0x332: {  	v44 =	vld [tilespmem:$0x8EE0]  }
0x333: {  	v12 =	vld [tilespmem:$0x8F00]  }
0x334: {  	v45 =	vld [tilespmem:$0x8F20]  }
0x335: {  	v46 =	vld [tilespmem:$0x8F40]  }
0x336: {  	v47 =	vld [tilespmem:$0x8F60]  }
0x337: {  	v16 =	vld [tilespmem:$0x8F80]  }
0x338: {  	v48 =	vld [tilespmem:$0x8FA0]  }
0x339: {  	v49 =	vld [tilespmem:$0x8FC0]  }
0x33a: {  	v50 =	vld [tilespmem:$0x8FE0]  }
0x33b: {  	v20 =	vld [tilespmem:$0x9000]  }
0x33c: {  	v51 =	vld [tilespmem:$0x9020]  }
0x33d: {  	v52 =	vld [tilespmem:$0x9040]  }
0x33e: {  	v53 =	vld [tilespmem:$0x9060]  }
0x33f: {  	v24 =	vld [tilespmem:$0x9080]  }
0x340: {  	v54 =	vld [tilespmem:$0x90A0]  }
0x341: {  	v26 =	vld [tilespmem:$0x90C0]  }
0x342: {  	v55 =	vld [tilespmem:$0x90E0]  }
0x343: {  	v28 =	vld [tilespmem:$0x9100]  }
0x344: {  	v56 =	vld [tilespmem:$0x9120]  }
0x345: {  	v30 =	vld [tilespmem:$0x9140]  }
0x346: {  	v57 =	vld [tilespmem:$0x9160]  }
0x347: {  	v32 =	vld [tilespmem:$0x9180]  }
0x348: {  	v58 =	vld [tilespmem:$0x91A0]  }
0x349: {  	v34 =	vld [tilespmem:$0x91C0]  }
0x34a: {  	v59 =	vld [tilespmem:$0x91E0]  }
0x34b: {  	v36 =	vld [tilespmem:$0x9200];
	v0 =	vadd.f32 v1, v0;
	v1 =	vadd.f32 v3, v2  }
0x34c: {  	v60 =	vld [tilespmem:$0x9220];
	v3 =	vadd.f32 v5, v4;
	v4 =	vadd.f32 v63, v6  }
0x34d: {  	v38 =	vld [tilespmem:$0x9240];
	v42 =	vadd.f32 v9, v8;
	v43 =	vadd.f32 v44, v10  }
0x34e: {  	v61 =	vld [tilespmem:$0x9260];
	v45 =	vadd.f32 v45, v12;
	v46 =	vadd.f32 v47, v46  }
0x34f: {  	v40 =	vld [tilespmem:$0x9280];
	v48 =	vadd.f32 v48, v16;
	v49 =	vadd.f32 v50, v49  }
0x350: {  	v62 =	vld [tilespmem:$0x92A0];
	v51 =	vadd.f32 v51, v20;
	v52 =	vadd.f32 v53, v52  }
0x351: {  	v2 =	vld [tilespmem:$0x92C0];
	v54 =	vadd.f32 v54, v24;
	v55 =	vadd.f32 v55, v26  }
0x352: {  	v63 =	vld [tilespmem:$0x92E0];
	v56 =	vadd.f32 v56, v28;
	v57 =	vadd.f32 v57, v30  }
0x353: {  	v44 =	vld [tilespmem:$0x9300];
	v58 =	vadd.f32 v58, v32;
	v59 =	vadd.f32 v59, v34  }
0x354: {  	v47 =	vld [tilespmem:$0x9320];
	v60 =	vadd.f32 v60, v36;
	v61 =	vadd.f32 v61, v38  }
0x355: {  	v50 =	vld [tilespmem:$0x9340];
	v62 =	vadd.f32 v62, v40;
	v0 =	vadd.f32 v1, v0  }
0x356: {  	v53 =	vld [tilespmem:$0x9360];
	v27 =	vadd.f32 v4, v3;
	v28 =	vadd.f32 v43, v42  }
0x357: {  	v29 =	vadd.f32 v46, v45;
	v30 =	vadd.f32 v49, v48  }
0x358: {  	v31 =	vadd.f32 v52, v51;
	v33 =	vadd.f32 v55, v54  }
0x359: {  	v34 =	vadd.f32 v57, v56;
	v36 =	vadd.f32 v59, v58  }
0x35a: {  	v35 =	vld [tilespmem:$0x93A0];
	v37 =	vadd.f32 v61, v60;
	v2 =	vadd.f32 v63, v2  }
0x35b: {  	v32 =	vld [tilespmem:$0x9380];
	v63 =	vadd.f32 v47, v44;
	v17 =	vadd.f32 v53, v50  }
0x35c: {  	v0 =	vadd.f32 v27, v0;
	v38 =	vadd.f32 v29, v28  }
0x35d: {  	v2 =	vadd.f32 v2, v62;
	v5 =	vadd.f32 v17, v63  }
0x35e: {  	v39 =	vadd.f32 v31, v30;
	v40 =	vadd.f32 v34, v33  }
0x35f: {  	v41 =	vadd.f32 v37, v36;
	v2 =	vadd.f32 v5, v2  }
0x360: {  	v42 =	vadd.f32 v35, v32;
	v0 =	vadd.f32 v38, v0  }
0x361: {  	v43 =	vadd.f32 v40, v39;
	v2 =	vadd.f32 v2, v41;
	_ =	sdelay $0x1  }
0x362: {  	v0 =	vadd.f32 v43, v0;
	v44 =	vadd.f32 v2, v42;
	_ =	sdelay $0x1  }
0x363: {  	v0 =	vadd.f32 v44, v0;
	_ =	sdelay $0x1  }
0x364: {  	[tilespmem:s23+$0x40] =	vst v0  }
0x365: {  	v0 =	vld [tilespmem:$0x8D90]  }
0x366: {  	v1 =	vld [tilespmem:$0x8DB0]  }
0x367: {  	v45 =	vld [tilespmem:$0x8DD0]  }
0x368: {  	v46 =	vld [tilespmem:$0x8DF0]  }
0x369: {  	v4 =	vld [tilespmem:$0x8E10]  }
0x36a: {  	v47 =	vld [tilespmem:$0x8E30]  }
0x36b: {  	v48 =	vld [tilespmem:$0x8E50]  }
0x36c: {  	v49 =	vld [tilespmem:$0x8E70]  }
0x36d: {  	v8 =	vld [tilespmem:$0x8E90]  }
0x36e: {  	v50 =	vld [tilespmem:$0x8EB0]  }
0x36f: {  	v51 =	vld [tilespmem:$0x8ED0]  }
0x370: {  	v52 =	vld [tilespmem:$0x8EF0]  }
0x371: {  	v12 =	vld [tilespmem:$0x8F10]  }
0x372: {  	v53 =	vld [tilespmem:$0x8F30]  }
0x373: {  	v54 =	vld [tilespmem:$0x8F50]  }
0x374: {  	v55 =	vld [tilespmem:$0x8F70]  }
0x375: {  	v16 =	vld [tilespmem:$0x8F90]  }
0x376: {  	v56 =	vld [tilespmem:$0x8FB0]  }
0x377: {  	v57 =	vld [tilespmem:$0x8FD0]  }
0x378: {  	v58 =	vld [tilespmem:$0x8FF0]  }
0x379: {  	v20 =	vld [tilespmem:$0x9010]  }
0x37a: {  	v59 =	vld [tilespmem:$0x9030]  }
0x37b: {  	v60 =	vld [tilespmem:$0x9050]  }
0x37c: {  	v61 =	vld [tilespmem:$0x9070]  }
0x37d: {  	v24 =	vld [tilespmem:$0x9090]  }
0x37e: {  	v62 =	vld [tilespmem:$0x90B0]  }
0x37f: {  	v26 =	vld [tilespmem:$0x90D0]  }
0x380: {  	v63 =	vld [tilespmem:$0x90F0]  }
0x381: {  	v28 =	vld [tilespmem:$0x9110]  }
0x382: {  	v29 =	vld [tilespmem:$0x9130]  }
0x383: {  	v30 =	vld [tilespmem:$0x9150]  }
0x384: {  	v31 =	vld [tilespmem:$0x9170]  }
0x385: {  	v32 =	vld [tilespmem:$0x9190]  }
0x386: {  	v33 =	vld [tilespmem:$0x91B0]  }
0x387: {  	v34 =	vld [tilespmem:$0x91D0]  }
0x388: {  	v35 =	vld [tilespmem:$0x91F0]  }
0x389: {  	v36 =	vld [tilespmem:$0x9210]  }
0x38a: {  	v37 =	vld [tilespmem:$0x9230]  }
0x38b: {  	v38 =	vld [tilespmem:$0x9250];
	v0 =	vadd.f32 v1, v0;
	v45 =	vadd.f32 v46, v45  }
0x38c: {  	v39 =	vld [tilespmem:$0x9270];
	v47 =	vadd.f32 v47, v4;
	v48 =	vadd.f32 v49, v48  }
0x38d: {  	v40 =	vld [tilespmem:$0x9290];
	v50 =	vadd.f32 v50, v8;
	v51 =	vadd.f32 v52, v51  }
0x38e: {  	v44 =	vld [tilespmem:$0x92B0];
	v53 =	vadd.f32 v53, v12;
	v54 =	vadd.f32 v55, v54  }
0x38f: {  	v46 =	vld [tilespmem:$0x92D0];
	v56 =	vadd.f32 v56, v16;
	v57 =	vadd.f32 v58, v57  }
0x390: {  	v49 =	vld [tilespmem:$0x92F0];
	v59 =	vadd.f32 v59, v20;
	v60 =	vadd.f32 v61, v60  }
0x391: {  	v52 =	vld [tilespmem:$0x9310];
	v62 =	vadd.f32 v62, v24;
	v63 =	vadd.f32 v63, v26  }
0x392: {  	v55 =	vld [tilespmem:$0x9330];
	v29 =	vadd.f32 v29, v28;
	v31 =	vadd.f32 v31, v30  }
0x393: {  	v58 =	vld [tilespmem:$0x9350];
	v33 =	vadd.f32 v33, v32;
	v35 =	vadd.f32 v35, v34  }
0x394: {  	v61 =	vld [tilespmem:$0x9370];
	v37 =	vadd.f32 v37, v36;
	v39 =	vadd.f32 v39, v38  }
0x395: {  	v42 =	vadd.f32 v44, v40;
	v0 =	vadd.f32 v45, v0  }
0x396: {  	v45 =	vadd.f32 v48, v47;
	v47 =	vadd.f32 v54, v53  }
0x397: {  	v48 =	vadd.f32 v57, v56;
	v54 =	vadd.f32 v35, v33  }
0x398: {  	v0 =	vadd.f32 v45, v0;
	v2 =	vadd.f32 v49, v46  }
0x399: {  	v43 =	vadd.f32 v55, v52;
	v44 =	vadd.f32 v61, v58  }
0x39a: {  	v46 =	vadd.f32 v51, v50;
	v49 =	vadd.f32 v60, v59  }
0x39b: {  	v53 =	vld [tilespmem:$0x93B0];
	v51 =	vadd.f32 v63, v62;
	v52 =	vadd.f32 v31, v29  }
0x39c: {  	v50 =	vld [tilespmem:$0x9390];
	v55 =	vadd.f32 v39, v37;
	v2 =	vadd.f32 v2, v42  }
0x39d: {  	v5 =	vadd.f32 v44, v43;
	v56 =	vadd.f32 v47, v46  }
0x39e: {  	v57 =	vadd.f32 v49, v48;
	v58 =	vadd.f32 v52, v51  }
0x39f: {  	v59 =	vadd.f32 v55, v54;
	v2 =	vadd.f32 v5, v2  }
0x3a0: {  	v0 =	vadd.f32 v56, v0;
	v61 =	vadd.f32 v58, v57  }
0x3a1: {  	v60 =	vadd.f32 v53, v50;
	v2 =	vadd.f32 v2, v59;
	_ =	sdelay $0x1  }
0x3a2: {  	v0 =	vadd.f32 v61, v0;
	v62 =	vadd.f32 v2, v60;
	_ =	sdelay $0x1  }
0x3a3: {  	v0 =	vadd.f32 v62, v0;
	_ =	sdelay $0x1  }
0x3a4: {  	[tilespmem:s23+$0x50] =	vst v0  }
0x3a5: {  	v0 =	vld [tilespmem:$0x93C0]  }
0x3a6: {  	v1 =	vld [tilespmem:$0x93E0]  }
0x3a7: {  	v2 =	vld [tilespmem:$0x9400]  }
0x3a8: {  	v3 =	vld [tilespmem:$0x9420]  }
0x3a9: {  	v4 =	vld [tilespmem:$0x9440]  }
0x3aa: {  	v5 =	vld [tilespmem:$0x9460]  }
0x3ab: {  	v6 =	vld [tilespmem:$0x9480]  }
0x3ac: {  	v63 =	vld [tilespmem:$0x94A0]  }
0x3ad: {  	v8 =	vld [tilespmem:$0x94C0]  }
0x3ae: {  	v9 =	vld [tilespmem:$0x94E0]  }
0x3af: {  	v10 =	vld [tilespmem:$0x9500]  }
0x3b0: {  	v44 =	vld [tilespmem:$0x9520]  }
0x3b1: {  	v12 =	vld [tilespmem:$0x9540]  }
0x3b2: {  	v45 =	vld [tilespmem:$0x9560]  }
0x3b3: {  	v46 =	vld [tilespmem:$0x9580]  }
0x3b4: {  	v47 =	vld [tilespmem:$0x95A0]  }
0x3b5: {  	v16 =	vld [tilespmem:$0x95C0]  }
0x3b6: {  	v48 =	vld [tilespmem:$0x95E0]  }
0x3b7: {  	v49 =	vld [tilespmem:$0x9600]  }
0x3b8: {  	v50 =	vld [tilespmem:$0x9620]  }
0x3b9: {  	v20 =	vld [tilespmem:$0x9640]  }
0x3ba: {  	v51 =	vld [tilespmem:$0x9660]  }
0x3bb: {  	v52 =	vld [tilespmem:$0x9680]  }
0x3bc: {  	v53 =	vld [tilespmem:$0x96A0]  }
0x3bd: {  	v24 =	vld [tilespmem:$0x96C0]  }
0x3be: {  	v54 =	vld [tilespmem:$0x96E0]  }
0x3bf: {  	v26 =	vld [tilespmem:$0x9700]  }
0x3c0: {  	v55 =	vld [tilespmem:$0x9720]  }
0x3c1: {  	v28 =	vld [tilespmem:$0x9740]  }
0x3c2: {  	v56 =	vld [tilespmem:$0x9760]  }
0x3c3: {  	v30 =	vld [tilespmem:$0x9780]  }
0x3c4: {  	v57 =	vld [tilespmem:$0x97A0]  }
0x3c5: {  	v32 =	vld [tilespmem:$0x97C0]  }
0x3c6: {  	v58 =	vld [tilespmem:$0x97E0]  }
0x3c7: {  	v34 =	vld [tilespmem:$0x9800]  }
0x3c8: {  	v59 =	vld [tilespmem:$0x9820]  }
0x3c9: {  	v36 =	vld [tilespmem:$0x9840];
	v0 =	vadd.f32 v1, v0;
	v1 =	vadd.f32 v3, v2  }
0x3ca: {  	v60 =	vld [tilespmem:$0x9860];
	v3 =	vadd.f32 v5, v4;
	v4 =	vadd.f32 v63, v6  }
0x3cb: {  	v38 =	vld [tilespmem:$0x9880];
	v42 =	vadd.f32 v9, v8;
	v43 =	vadd.f32 v44, v10  }
0x3cc: {  	v61 =	vld [tilespmem:$0x98A0];
	v45 =	vadd.f32 v45, v12;
	v46 =	vadd.f32 v47, v46  }
0x3cd: {  	v40 =	vld [tilespmem:$0x98C0];
	v48 =	vadd.f32 v48, v16;
	v49 =	vadd.f32 v50, v49  }
0x3ce: {  	v62 =	vld [tilespmem:$0x98E0];
	v51 =	vadd.f32 v51, v20;
	v52 =	vadd.f32 v53, v52  }
0x3cf: {  	v2 =	vld [tilespmem:$0x9900];
	v54 =	vadd.f32 v54, v24;
	v55 =	vadd.f32 v55, v26  }
0x3d0: {  	v63 =	vld [tilespmem:$0x9920];
	v56 =	vadd.f32 v56, v28;
	v57 =	vadd.f32 v57, v30  }
0x3d1: {  	v44 =	vld [tilespmem:$0x9940];
	v58 =	vadd.f32 v58, v32;
	v59 =	vadd.f32 v59, v34  }
0x3d2: {  	v47 =	vld [tilespmem:$0x9960];
	v60 =	vadd.f32 v60, v36;
	v61 =	vadd.f32 v61, v38  }
0x3d3: {  	v50 =	vld [tilespmem:$0x9980];
	v62 =	vadd.f32 v62, v40;
	v0 =	vadd.f32 v1, v0  }
0x3d4: {  	v53 =	vld [tilespmem:$0x99A0];
	v28 =	vadd.f32 v4, v3;
	v29 =	vadd.f32 v43, v42  }
0x3d5: {  	v30 =	vadd.f32 v46, v45;
	v31 =	vadd.f32 v49, v48  }
0x3d6: {  	v32 =	vadd.f32 v52, v51;
	v34 =	vadd.f32 v55, v54  }
0x3d7: {  	v35 =	vadd.f32 v57, v56;
	v37 =	vadd.f32 v59, v58  }
0x3d8: {  	v33 =	vld [tilespmem:$0x99C0];
	v38 =	vadd.f32 v61, v60;
	v2 =	vadd.f32 v63, v2  }
0x3d9: {  	v36 =	vld [tilespmem:$0x99E0];
	v63 =	vadd.f32 v47, v44;
	v27 =	vadd.f32 v53, v50  }
0x3da: {  	v0 =	vadd.f32 v28, v0;
	v39 =	vadd.f32 v30, v29  }
0x3db: {  	v2 =	vadd.f32 v2, v62;
	v5 =	vadd.f32 v27, v63  }
0x3dc: {  	v40 =	vadd.f32 v32, v31;
	v41 =	vadd.f32 v35, v34  }
0x3dd: {  	v42 =	vadd.f32 v38, v37;
	v2 =	vadd.f32 v5, v2  }
0x3de: {  	v43 =	vadd.f32 v36, v33;
	v0 =	vadd.f32 v39, v0  }
0x3df: {  	v44 =	vadd.f32 v41, v40;
	v2 =	vadd.f32 v2, v42;
	_ =	sdelay $0x1  }
0x3e0: {  	v0 =	vadd.f32 v44, v0;
	v45 =	vadd.f32 v2, v43;
	_ =	sdelay $0x1  }
0x3e1: {  	v0 =	vadd.f32 v45, v0;
	_ =	sdelay $0x1  }
0x3e2: {  	[tilespmem:s23+$0x60] =	vst v0  }
0x3e3: {  	v0 =	vld [tilespmem:$0x93D0]  }
0x3e4: {  	v1 =	vld [tilespmem:$0x93F0]  }
0x3e5: {  	v2 =	vld [tilespmem:$0x9410]  }
0x3e6: {  	v46 =	vld [tilespmem:$0x9430]  }
0x3e7: {  	v4 =	vld [tilespmem:$0x9450]  }
0x3e8: {  	v47 =	vld [tilespmem:$0x9470]  }
0x3e9: {  	v48 =	vld [tilespmem:$0x9490]  }
0x3ea: {  	v49 =	vld [tilespmem:$0x94B0]  }
0x3eb: {  	v8 =	vld [tilespmem:$0x94D0]  }
0x3ec: {  	v50 =	vld [tilespmem:$0x94F0]  }
0x3ed: {  	v51 =	vld [tilespmem:$0x9510]  }
0x3ee: {  	v52 =	vld [tilespmem:$0x9530]  }
0x3ef: {  	v12 =	vld [tilespmem:$0x9550]  }
0x3f0: {  	v53 =	vld [tilespmem:$0x9570]  }
0x3f1: {  	v54 =	vld [tilespmem:$0x9590]  }
0x3f2: {  	v55 =	vld [tilespmem:$0x95B0]  }
0x3f3: {  	v16 =	vld [tilespmem:$0x95D0]  }
0x3f4: {  	v56 =	vld [tilespmem:$0x95F0]  }
0x3f5: {  	v57 =	vld [tilespmem:$0x9610]  }
0x3f6: {  	v58 =	vld [tilespmem:$0x9630]  }
0x3f7: {  	v20 =	vld [tilespmem:$0x9650]  }
0x3f8: {  	v59 =	vld [tilespmem:$0x9670]  }
0x3f9: {  	v60 =	vld [tilespmem:$0x9690]  }
0x3fa: {  	v61 =	vld [tilespmem:$0x96B0]  }
0x3fb: {  	v24 =	vld [tilespmem:$0x96D0]  }
0x3fc: {  	v62 =	vld [tilespmem:$0x96F0]  }
0x3fd: {  	v26 =	vld [tilespmem:$0x9710]  }
0x3fe: {  	v63 =	vld [tilespmem:$0x9730]  }
0x3ff: {  	v28 =	vld [tilespmem:$0x9750]  }
0x400: {  	v29 =	vld [tilespmem:$0x9770]  }
0x401: {  	v30 =	vld [tilespmem:$0x9790]  }
0x402: {  	v31 =	vld [tilespmem:$0x97B0]  }
0x403: {  	v32 =	vld [tilespmem:$0x97D0]  }
0x404: {  	v33 =	vld [tilespmem:$0x97F0]  }
0x405: {  	v34 =	vld [tilespmem:$0x9810]  }
0x406: {  	v35 =	vld [tilespmem:$0x9830]  }
0x407: {  	v36 =	vld [tilespmem:$0x9850]  }
0x408: {  	v37 =	vld [tilespmem:$0x9870]  }
0x409: {  	v38 =	vld [tilespmem:$0x9890]  }
0x40a: {  	v39 =	vld [tilespmem:$0x98B0]  }
0x40b: {  	v44 =	vld [tilespmem:$0x98D0];
	v0 =	vadd.f32 v1, v0;
	v1 =	vadd.f32 v46, v2  }
0x40c: {  	v45 =	vld [tilespmem:$0x98F0];
	v47 =	vadd.f32 v47, v4;
	v48 =	vadd.f32 v49, v48  }
0x40d: {  	v46 =	vld [tilespmem:$0x9910];
	v50 =	vadd.f32 v50, v8;
	v51 =	vadd.f32 v52, v51  }
0x40e: {  	v49 =	vld [tilespmem:$0x9930];
	v53 =	vadd.f32 v53, v12;
	v54 =	vadd.f32 v55, v54  }
0x40f: {  	v52 =	vld [tilespmem:$0x9950];
	v56 =	vadd.f32 v56, v16;
	v57 =	vadd.f32 v58, v57  }
0x410: {  	v55 =	vld [tilespmem:$0x9970];
	v59 =	vadd.f32 v59, v20;
	v60 =	vadd.f32 v61, v60  }
0x411: {  	v58 =	vld [tilespmem:$0x9990];
	v62 =	vadd.f32 v62, v24;
	v63 =	vadd.f32 v63, v26  }
0x412: {  	v61 =	vld [tilespmem:$0x99B0];
	v29 =	vadd.f32 v29, v28;
	v31 =	vadd.f32 v31, v30  }
0x413: {  	v33 =	vadd.f32 v33, v32;
	v35 =	vadd.f32 v35, v34  }
0x414: {  	v37 =	vadd.f32 v37, v36;
	v42 =	vadd.f32 v39, v38  }
0x415: {  	v43 =	vadd.f32 v45, v44;
	v0 =	vadd.f32 v1, v0  }
0x416: {  	v2 =	vadd.f32 v49, v46;
	v44 =	vadd.f32 v55, v52  }
0x417: {  	v45 =	vadd.f32 v61, v58;
	v46 =	vadd.f32 v48, v47  }
0x418: {  	v47 =	vadd.f32 v51, v50;
	v48 =	vadd.f32 v54, v53  }
0x419: {  	v49 =	vadd.f32 v57, v56;
	v50 =	vadd.f32 v60, v59  }
0x41a: {  	v52 =	vadd.f32 v63, v62;
	v53 =	vadd.f32 v31, v29  }
0x41b: {  	v51 =	vld [tilespmem:$0x99D0];
	v55 =	vadd.f32 v35, v33;
	v56 =	vadd.f32 v42, v37  }
0x41c: {  	v54 =	vld [tilespmem:$0x99F0];
	v2 =	vadd.f32 v2, v43;
	v5 =	vadd.f32 v45, v44  }
0x41d: {  	v0 =	vadd.f32 v46, v0;
	v57 =	vadd.f32 v48, v47  }
0x41e: {  	v58 =	vadd.f32 v50, v49;
	v59 =	vadd.f32 v53, v52  }
0x41f: {  	v60 =	vadd.f32 v56, v55;
	v2 =	vadd.f32 v5, v2  }
0x420: {  	v0 =	vadd.f32 v57, v0;
	v62 =	vadd.f32 v59, v58  }
0x421: {  	v61 =	vadd.f32 v54, v51;
	v2 =	vadd.f32 v2, v60;
	_ =	sdelay $0x1  }
.Ltmp2:
0x422: {  	v0 =	vadd.f32 v62, v0;
	v63 =	vadd.f32 v2, v61;
	(pc) =	sbr.rel @p0 .LBB2_4-.Ltmp2, $3  }
0x423: {  	_ = 	snop  }
0x424: {  	v0 =	vadd.f32 v63, v0;
	_ =	sdelay $0x1  }
0x425: {  	[tilespmem:s23+$0x70] =	vst v0  }
.Ltmp3:
0x426: {  	(pc) =	sbr.rel .LBB2_2-.Ltmp3, $4  }
0x427: {  	_ = 	snop  }
0x428: {  	s24 =	sshra.s32 s22, $0x2  }
0x429: {  	s22 =	sadd.s32 $0x680, s22;
	s23 =	sadd.s32 $0x100, s23;
	s24 =	sadd.s32 $0x6938, s24  }
0x42a: {  	[tilespmem:s15], [sflag:$0x4] =	stream.indirect.gather [hbm4b:s3+s8], $0x20, s24, s8, $0xb8;
	[tilespmem:$0xDA00] =	vst v63  }
.LBB2_5:
0x42b: {  	_ =	sfence.sel $0x180000  }
0x42c: {  	[bflag:$0x0] =	sbarrier.arrive $0xFFFF  }
0x42d: {  	p0 =	sne.s32 s1, $0x0;
	_ =	strace $0x90000047  }
0x42e: {  	s0 =	sadd.s32 @!p0 $0x100000, s0;
	[bflag:$0x2] =	sbarrier.arrive $0xFFFF  }
0x42f: {  	[sflag:s0] =	ssyncadd.tile.s32 @!p0 $0x1;
	_ =	shalt  }
.Lfunc_end2:
_tile_overlayer_lowered:
.L_overlay_start_2:
0x430: {  	(tag) =	ssettag $0x2  }
0x431: {  	s0 =	rddreg [dreg:$0x0];
	s2 =	stileid.u32  }
0x432: {  	s1 =	rddreg [dreg:$0x1];
	p0 =	sne.s32 s2, $0x0  }
0x433: {  	s3 =	rddreg [dreg:$0x2];
	[bflag:$0x3] =	sbarrier.arrive $0xFFFF;
	s2 =	simm.s32 @!p0 $0x1C05  }
0x434: {  	[timem:s3], [sflag:s2] =	dma.local @!p0 [hbm:s0], s1  }
0x435: {  	s0 =	simm.s32 @!p0 $0x5  }
0x436: {  	_ =	swait.ge @!p0 [sflag:s0], s1  }
0x437: {  	s1 =	ssub.s32 @!p0 $0x0, s1;
	[sflag:s0] =	ssyncset.done @!p0 $0x0  }
0x438: {  	[sflag:s0] =	ssyncadd.s32 @!p0 s1  }
0x439: {  	[bflag:$0x3] =	sbarrier.arrive $0xFFFF  }
0x43a: {  	_ =	shalt  }

</sc_bundles>
